<compile_context>
chip_gen: v7x
topology: tpu7x:2x2x1
jax: 0.10.2.dev20260603
libtpu: 0.0.44.dev20260713+nightly
codegen_flags: <defaults>
</compile_context>

<pallas_src>
import functools

import jax
import jax.numpy as jnp
from jax import lax
from jax.experimental import pallas as pl
from jax.experimental.pallas import tpu as pltpu
from jax.experimental.pallas import tpu_sc as plsc

N = 10000
E = 320000
NEG_SLOPE = 0.01

ROW_BLK = 2000

NC = 2
NS = 16
CHUNK = 128
NCH_C = 162
NCH_E = 81
E_PAD = NS * NCH_C * CHUNK
ROWS_PER_SUB = 632
N_ACC = NS * ROWS_PER_SUB
DST_PAD = N + 1


def _leaky(y):
    return jnp.where(y >= 0, y, NEG_SLOPE * y)


def _tc_layer_body(nh, na, agg_mode, h_and_agg_and_w, outs):
    refs = h_and_agg_and_w
    i = pl.program_id(0)
    h_parts = [refs[k][...] for k in range(nh)]
    agg_parts = [refs[nh + k][...] for k in range(na)]
    w_ref = refs[nh + na]
    b_ref = refs[nh + na + 1]
    eps_ref = refs[nh + na + 2]
    h = h_parts[0] if nh == 1 else jnp.concatenate(h_parts, axis=1)
    if na == 1:
        agg = agg_parts[0]
    elif agg_mode == "sum":
        agg = agg_parts[0] + agg_parts[1]
    else:
        agg = jnp.concatenate(agg_parts, axis=1)
    rst = eps_ref[0, 0] * h + agg
    y = _leaky(jnp.dot(rst, w_ref[...], preferred_element_type=jnp.float32)
               + b_ref[...])
    y0_ref, y1_ref, s_ref, m_ref = outs
    H2 = y.shape[1] // 2
    y0_ref[...] = y[:, :H2]
    y1_ref[...] = y[:, H2:]
    bsum = jnp.sum(y, axis=0, keepdims=True)
    bmax = jnp.max(y, axis=0, keepdims=True)

    @pl.when(i == 0)
    def _init():
        s_ref[...] = bsum
        m_ref[...] = bmax

    @pl.when(i > 0)
    def _acc():
        s_ref[...] += bsum
        m_ref[...] = jnp.maximum(m_ref[...], bmax)


def _tc_layer(h_parts, agg_parts, W, b, eps1, agg_mode="concat"):
    nh, na = len(h_parts), len(agg_parts)
    D = sum(p.shape[1] for p in h_parts)
    H = W.shape[1]
    grid = (N // ROW_BLK,)
    in_specs = (
        [pl.BlockSpec((ROW_BLK, p.shape[1]), lambda i: (i, 0)) for p in h_parts]
        + [pl.BlockSpec((ROW_BLK, p.shape[1]), lambda i: (i, 0)) for p in agg_parts]
        + [pl.BlockSpec((D, H), lambda i: (0, 0)),
           pl.BlockSpec((1, H), lambda i: (0, 0)),
           pl.BlockSpec((1, 1), lambda i: (0, 0), memory_space=pltpu.SMEM)]
    )
    out_specs = [
        pl.BlockSpec((ROW_BLK, H // 2), lambda i: (i, 0)),
        pl.BlockSpec((ROW_BLK, H // 2), lambda i: (i, 0)),
        pl.BlockSpec((1, H), lambda i: (0, 0)),
        pl.BlockSpec((1, H), lambda i: (0, 0)),
    ]
    out_shape = [
        jax.ShapeDtypeStruct((N, H // 2), jnp.float32),
        jax.ShapeDtypeStruct((N, H // 2), jnp.float32),
        jax.ShapeDtypeStruct((1, H), jnp.float32),
        jax.ShapeDtypeStruct((1, H), jnp.float32),
    ]

    def body(*refs):
        _tc_layer_body(nh, na, agg_mode, refs[:-4], refs[-4:])

    return pl.pallas_call(
        body,
        grid=grid,
        in_specs=in_specs,
        out_specs=out_specs,
        out_shape=out_shape,
    )(*h_parts, *agg_parts, W, b, eps1)


def _head_body(m_ref, w1_ref, b1_ref, w2_ref, b2_ref, o_ref):
    d1 = _leaky(jnp.dot(m_ref[...], w1_ref[...],
                        preferred_element_type=jnp.float32) + b1_ref[...])
    d2 = jnp.dot(d1, w2_ref[...], preferred_element_type=jnp.float32) + b2_ref[...]
    o_ref[...] = jax.nn.sigmoid(d2)


def _head(merged, Wd1, bd1, Wd2, bd2):
    return pl.pallas_call(
        _head_body,
        out_shape=jax.ShapeDtypeStruct((1, 2), jnp.float32),
    )(merged, Wd1, bd1[None, :], Wd2, bd2[None, :])


@functools.cache
def _make_sc_segsum(nrows, nch):
    mesh = plsc.VectorSubcoreMesh(core_axis_name="c", subcore_axis_name="s")

    @functools.partial(
        pl.kernel,
        out_type=jax.ShapeDtypeStruct((NC * N_ACC, 128), jnp.float32),
        mesh=mesh,
        scratch_types=[
            pltpu.VMEM((CHUNK,), jnp.int32),
            pltpu.VMEM((CHUNK,), jnp.int32),
            pltpu.VMEM((CHUNK,), jnp.int32),
            pltpu.VMEM((CHUNK,), jnp.int32),
            pltpu.VMEM((CHUNK,), jnp.int32),
            pltpu.VMEM((CHUNK,), jnp.int32),
            pltpu.VMEM((CHUNK, 128), jnp.float32),
            pltpu.VMEM((CHUNK, 128), jnp.float32),
            pltpu.VMEM((CHUNK, 128), jnp.float32),
            pltpu.VMEM_SHARED((N_ACC, 128), jnp.float32),
            pltpu.SemaphoreType.DMA,
            pltpu.SemaphoreType.DMA,
            pltpu.SemaphoreType.DMA,
            pltpu.SemaphoreType.DMA,
            pltpu.SemaphoreType.DMA,
            pltpu.SemaphoreType.DMA,
        ],
    )
    def segsum(src4, dst4, hstack, out, srcv0, srcv1, srcv2,
               dstv0, dstv1, dstv2, rows0, rows1, rows2, acc,
               semi0, semi1, semi2, semg0, semg1, semg2):
        c = lax.axis_index("c")
        s = lax.axis_index("s")
        srcv = (srcv0, srcv1, srcv2)
        dstv = (dstv0, dstv1, dstv2)
        rows = (rows0, rows1, rows2)
        semi = (semi0, semi1, semi2)
        semg = (semg0, semg1, semg2)
        zeros16 = jnp.zeros((16,), jnp.float32)

        def _idx_copy(jj, b):
            return (pltpu.make_async_copy(src4.at[c, s, jj], srcv[b], semi[b]),
                    pltpu.make_async_copy(dst4.at[c, s, jj], dstv[b], semi[b]))

        def _gather(b):
            return pltpu.make_async_copy(
                hstack.at[srcv[b]], rows[b], semg[b])

        def _zero_row(r, carry):
            for k0 in range(8):
                rows0[r, pl.ds(k0 * 16, 16)] = zeros16
            return carry

        lax.fori_loop(0, CHUNK, _zero_row, 0)

        base = s * ROWS_PER_SUB
        pieces = []
        off = 0
        while off < ROWS_PER_SUB:
            sz = min(CHUNK, ROWS_PER_SUB - off)
            pieces.append((off, sz))
            off += sz
        for off, sz in pieces:
            pltpu.sync_copy(rows0.at[pl.ds(0, sz)], acc.at[pl.ds(base + off, sz)])
        plsc.subcore_barrier()

        for bb in range(3):
            for cp in _idx_copy(bb, bb):
                cp.start()
        for cp in _idx_copy(0, 0):
            cp.wait()
        _gather(0).start()
        for cp in _idx_copy(1, 1):
            cp.wait()
        _gather(1).start()

        def _edge_trip(i, carry):
            for b in range(3):
                jj = 3 * i + b
                nb2 = (b + 2) % 3

                @pl.when(jj + 2 < nch)
                def _next_gather():
                    for cp in _idx_copy(jj + 2, nb2):
                        cp.wait()
                    _gather(nb2).start()

                _gather(b).wait()
                pltpu.sync_copy(rows[b], acc.at[dstv[b]], add=True)

                @pl.when(jj + 3 < nch)
                def _next_idx():
                    for cp in _idx_copy(jj + 3, b):
                        cp.start()
            return carry

        lax.fori_loop(0, nch // 3, _edge_trip, 0)
        plsc.subcore_barrier()

        obase = c * N_ACC + base
        for off, sz in pieces:
            pltpu.sync_copy(acc.at[pl.ds(base + off, sz)], rows0.at[pl.ds(0, sz)])
            pltpu.sync_copy(rows0.at[pl.ds(0, sz)], out.at[pl.ds(obase + off, sz)])

    return segsum


def _edge_prep(edge_index):
    src = edge_index[0]
    dst = edge_index[1]
    pad_iota = jnp.arange(E_PAD - E, dtype=jnp.int32)
    srcp = jnp.concatenate([src, pad_iota % N])
    dstp = jnp.concatenate([dst, N + pad_iota % (N_ACC - N)])
    src_r = srcp.reshape(NS, NCH_C, CHUNK)
    dst_r = dstp.reshape(NS, NCH_C, CHUNK)
    sd_c = (jnp.stack([src_r, src_r + N]), jnp.stack([dst_r, dst_r]))
    sd_e = (srcp.reshape(NC, NS, NCH_E, CHUNK),
            dstp.reshape(NC, NS, NCH_E, CHUNK))
    return sd_c, sd_e


def _segsum_parts(h_parts, sd_c, sd_e):
    if len(h_parts) == 1:
        out = _make_sc_segsum(N, NCH_E)(*sd_e, h_parts[0])
        return [out[:N], out[N_ACC:N_ACC + N]], "sum"
    hstack = jnp.concatenate(h_parts, axis=0)
    out = _make_sc_segsum(2 * N, NCH_C)(*sd_c, hstack)
    return [out[:N], out[N_ACC:N_ACC + N]], "concat"


def kernel(x, edge_index, Wg0, bg0, eps0, Wg1, bg1, eps1, Wg2, bg2, eps2,
           Wd1, bd1, Wd2, bd2):
    edges_c, edges_e = _edge_prep(edge_index)
    readouts = []
    h_parts = [x]
    for (W, b, eps) in ((Wg0, bg0, eps0), (Wg1, bg1, eps1), (Wg2, bg2, eps2)):
        agg_parts, agg_mode = _segsum_parts(h_parts, edges_c, edges_e)
        e1 = jnp.reshape(1.0 + eps, (1, 1))
        y0, y1, s, m = _tc_layer(h_parts, agg_parts, W, b[None, :], e1,
                                 agg_mode=agg_mode)
        readouts.extend([s, m])
        h_parts = [y0, y1]
    merged = jnp.concatenate(readouts, axis=1)
    return _head(merged, Wd1, bd1, Wd2, bd2)

# --- scband reference (transcript-rebuilt; emitter-appended) ---
"""Pipeline reference for scband-rebuild-error-classifier-7275674599566 (READ-ONLY COPY).

The authoritative reference and input builder live on the scoring server;
editing this copy changes nothing except your own understanding.
"""

import jax, jax.numpy as jnp
import numpy as np

N = 10000
E = 320000
D = 128
H = 256
NEG_SLOPE = 0.01

def setup_inputs(seed: int = 0):
    key = jax.random.key(seed)
    ks = jax.random.split(key, 20)
    x = jax.random.normal(ks[0], (N, D), dtype=jnp.float32)
    edge_index = jax.random.randint(ks[1], (2, E), 0, N, dtype=jnp.int32)
    # GIN-style layer params (WaveGIN approximated as GIN with linear apply fn + leaky_relu)
    Wg0 = jax.random.normal(ks[2], (D, H), dtype=jnp.float32) / np.sqrt(D)
    bg0 = jnp.zeros((H,), dtype=jnp.float32)
    eps0 = jnp.zeros((), dtype=jnp.float32)
    Wg1 = jax.random.normal(ks[3], (H, H), dtype=jnp.float32) / np.sqrt(H)
    bg1 = jnp.zeros((H,), dtype=jnp.float32)
    eps1 = jnp.zeros((), dtype=jnp.float32)
    Wg2 = jax.random.normal(ks[4], (H, H), dtype=jnp.float32) / np.sqrt(H)
    bg2 = jnp.zeros((H,), dtype=jnp.float32)
    eps2 = jnp.zeros((), dtype=jnp.float32)
    # dense head: pooling_type 'h' -> concat sum+max readouts from all 3 layers = 2*(256*3)=1536
    Wd1 = jax.random.normal(ks[5], (2 * 3 * H, 128), dtype=jnp.float32) / np.sqrt(2 * 3 * H)
    bd1 = jnp.zeros((128,), dtype=jnp.float32)
    Wd2 = jax.random.normal(ks[6], (128, 2), dtype=jnp.float32) / np.sqrt(128)
    bd2 = jnp.zeros((2,), dtype=jnp.float32)
    return {"x": x, "edge_index": edge_index,
            "Wg0": Wg0, "bg0": bg0, "eps0": eps0,
            "Wg1": Wg1, "bg1": bg1, "eps1": eps1,
            "Wg2": Wg2, "bg2": bg2, "eps2": eps2,
            "Wd1": Wd1, "bd1": bd1, "Wd2": Wd2, "bd2": bd2}

def _gin_layer(h, edge_index, W, b, eps):
    src = edge_index[0]
    dst = edge_index[1]
    # sum aggregation of neighbor messages (gather + scatter-add)
    agg = jax.ops.segment_sum(h[src], dst, num_segments=N)
    rst = (1.0 + eps) * h + agg
    return jax.nn.leaky_relu(rst @ W + b, negative_slope=NEG_SLOPE)

def _summax_readout(h):
    # SumMaxPooling: concat(sum-over-nodes, max-over-nodes), single graph -> [1, 2*dim]
    return jnp.concatenate([jnp.sum(h, axis=0), jnp.max(h, axis=0)])[None, :]

def reference(x, edge_index, Wg0, bg0, eps0, Wg1, bg1, eps1, Wg2, bg2, eps2, Wd1, bd1, Wd2, bd2):
    readouts = []
    h = x
    h = _gin_layer(h, edge_index, Wg0, bg0, eps0)
    readouts.append(_summax_readout(h))
    h = _gin_layer(h, edge_index, Wg1, bg1, eps1)
    readouts.append(_summax_readout(h))
    h = _gin_layer(h, edge_index, Wg2, bg2, eps2)
    readouts.append(_summax_readout(h))
    merged = jnp.concatenate(readouts, axis=1)  # [1, 1536]
    # dropout layers are identity at inference (deterministic reference)
    d1 = jax.nn.leaky_relu(merged @ Wd1 + bd1, negative_slope=NEG_SLOPE)
    d2 = d1 @ Wd2 + bd2
    out = jax.nn.sigmoid(d2)
    return out

if __name__ == "__main__":
    import jax
    _d = setup_inputs()
    print(jax.jit(kernel)(*tuple(_d.values())))

</pallas_src>

<mosaic_0001>
#map = affine_map<(d0, d1) -> (0, 0, 0, 0)>
#map1 = affine_map<(d0, d1) -> (0, 0)>
module attributes {stable_mosaic.version = 14 : i64} {
  func.func @segsum(%arg0: i32, %arg1: i32, %arg2: memref<2x16x81x128xi32, #tpu.memory_space<hbm>>, %arg3: memref<2x16x81x128xi32, #tpu.memory_space<hbm>>, %arg4: memref<10000x128xf32, #tpu.memory_space<hbm>>, %arg5: memref<20224x128xf32, #tpu.memory_space<hbm>>, %arg6: memref<128xi32, #tpu.memory_space<vmem>>, %arg7: memref<128xi32, #tpu.memory_space<vmem>>, %arg8: memref<128xi32, #tpu.memory_space<vmem>>, %arg9: memref<128xi32, #tpu.memory_space<vmem>>, %arg10: memref<128xi32, #tpu.memory_space<vmem>>, %arg11: memref<128xi32, #tpu.memory_space<vmem>>, %arg12: memref<128x128xf32, #tpu.memory_space<vmem>>, %arg13: memref<128x128xf32, #tpu.memory_space<vmem>>, %arg14: memref<128x128xf32, #tpu.memory_space<vmem>>, %arg15: memref<10112x128xf32, #tpu.memory_space<vmem_shared>>, %arg16: memref<!tpu.dma_semaphore, #tpu.memory_space<semaphore_mem>>, %arg17: memref<!tpu.dma_semaphore, #tpu.memory_space<semaphore_mem>>, %arg18: memref<!tpu.dma_semaphore, #tpu.memory_space<semaphore_mem>>, %arg19: memref<!tpu.dma_semaphore, #tpu.memory_space<semaphore_mem>>, %arg20: memref<!tpu.dma_semaphore, #tpu.memory_space<semaphore_mem>>, %arg21: memref<!tpu.dma_semaphore, #tpu.memory_space<semaphore_mem>>) attributes {dimension_semantics = [#tpu.dimension_semantics<core_parallel>, #tpu.dimension_semantics<subcore_parallel>], iteration_bounds = array<i64: 2, 16>, scalar_prefetch = 0 : i64, scratch_operands = 16 : i64, tpu.core_type = #tpu.core_type<sc_vector_subcore>, window_params = [{transform_indices = #map}, {transform_indices = #map}, {transform_indices = #map1}, {transform_indices = #map1}]} {
    %broadcast_in_dim3A = arith.constant 0.000000e+00 : f32
    %broadcast_in_dim3A_0 = vector.broadcast %broadcast_in_dim3A : f32 to vector<16xf32>
    %scan3A = arith.constant 0 : i32
    %scan3A_1 = arith.constant 0 : i32
    %scan3A_2 = arith.constant 128 : i32
    %scan3A_3 = arith.addi %scan3A_1, %scan3A_2 : i32
    %scan3A_4 = arith.constant 1 : i32
    scf.for %scan3A_120 = %scan3A_1 to %scan3A_3 step %scan3A_4  : i32 {
      %swap3A = arith.index_cast %scan3A_120 : i32 to index
      %swap3A_121 = arith.constant 0 : index
      %swap3A_122 = tpu.vector_load %arg12[%swap3A, %swap3A_121] {strides = array<i32>} : memref<128x128xf32, #tpu.memory_space<vmem>>, vector<1x16xf32>,
      %swap3A_123 = vector.shape_cast %swap3A_122 : vector<1x16xf32> to vector<16xf32>
      %swap3A_124 = vector.shape_cast %broadcast_in_dim3A_0 : vector<16xf32> to vector<1x16xf32>
      tpu.vector_store %arg12[%swap3A, %swap3A_121], %swap3A_124 {strides = array<i32>} : memref<128x128xf32, #tpu.memory_space<vmem>>, vector<1x16xf32>,
      %swap3A_125 = arith.index_cast %scan3A_120 : i32 to index
      %swap3A_126 = arith.constant 16 : index
      %swap3A_127 = tpu.vector_load %arg12[%swap3A_125, %swap3A_126] {strides = array<i32>} : memref<128x128xf32, #tpu.memory_space<vmem>>, vector<1x16xf32>,
      %swap3A_128 = vector.shape_cast %swap3A_127 : vector<1x16xf32> to vector<16xf32>
      %swap3A_129 = vector.shape_cast %broadcast_in_dim3A_0 : vector<16xf32> to vector<1x16xf32>
      tpu.vector_store %arg12[%swap3A_125, %swap3A_126], %swap3A_129 {strides = array<i32>} : memref<128x128xf32, #tpu.memory_space<vmem>>, vector<1x16xf32>,
      %swap3A_130 = arith.index_cast %scan3A_120 : i32 to index
      %swap3A_131 = arith.constant 32 : index
      %swap3A_132 = tpu.vector_load %arg12[%swap3A_130, %swap3A_131] {strides = array<i32>} : memref<128x128xf32, #tpu.memory_space<vmem>>, vector<1x16xf32>,
      %swap3A_133 = vector.shape_cast %swap3A_132 : vector<1x16xf32> to vector<16xf32>
      %swap3A_134 = vector.shape_cast %broadcast_in_dim3A_0 : vector<16xf32> to vector<1x16xf32>
      tpu.vector_store %arg12[%swap3A_130, %swap3A_131], %swap3A_134 {strides = array<i32>} : memref<128x128xf32, #tpu.memory_space<vmem>>, vector<1x16xf32>,
      %swap3A_135 = arith.index_cast %scan3A_120 : i32 to index
      %swap3A_136 = arith.constant 48 : index
      %swap3A_137 = tpu.vector_load %arg12[%swap3A_135, %swap3A_136] {strides = array<i32>} : memref<128x128xf32, #tpu.memory_space<vmem>>, vector<1x16xf32>,
      %swap3A_138 = vector.shape_cast %swap3A_137 : vector<1x16xf32> to vector<16xf32>
      %swap3A_139 = vector.shape_cast %broadcast_in_dim3A_0 : vector<16xf32> to vector<1x16xf32>
      tpu.vector_store %arg12[%swap3A_135, %swap3A_136], %swap3A_139 {strides = array<i32>} : memref<128x128xf32, #tpu.memory_space<vmem>>, vector<1x16xf32>,
      %swap3A_140 = arith.index_cast %scan3A_120 : i32 to index
      %swap3A_141 = arith.constant 64 : index
      %swap3A_142 = tpu.vector_load %arg12[%swap3A_140, %swap3A_141] {strides = array<i32>} : memref<128x128xf32, #tpu.memory_space<vmem>>, vector<1x16xf32>,
      %swap3A_143 = vector.shape_cast %swap3A_142 : vector<1x16xf32> to vector<16xf32>
      %swap3A_144 = vector.shape_cast %broadcast_in_dim3A_0 : vector<16xf32> to vector<1x16xf32>
      tpu.vector_store %arg12[%swap3A_140, %swap3A_141], %swap3A_144 {strides = array<i32>} : memref<128x128xf32, #tpu.memory_space<vmem>>, vector<1x16xf32>,
      %swap3A_145 = arith.index_cast %scan3A_120 : i32 to index
      %swap3A_146 = arith.constant 80 : index
      %swap3A_147 = tpu.vector_load %arg12[%swap3A_145, %swap3A_146] {strides = array<i32>} : memref<128x128xf32, #tpu.memory_space<vmem>>, vector<1x16xf32>,
      %swap3A_148 = vector.shape_cast %swap3A_147 : vector<1x16xf32> to vector<16xf32>
      %swap3A_149 = vector.shape_cast %broadcast_in_dim3A_0 : vector<16xf32> to vector<1x16xf32>
      tpu.vector_store %arg12[%swap3A_145, %swap3A_146], %swap3A_149 {strides = array<i32>} : memref<128x128xf32, #tpu.memory_space<vmem>>, vector<1x16xf32>,
      %swap3A_150 = arith.index_cast %scan3A_120 : i32 to index
      %swap3A_151 = arith.constant 96 : index
      %swap3A_152 = tpu.vector_load %arg12[%swap3A_150, %swap3A_151] {strides = array<i32>} : memref<128x128xf32, #tpu.memory_space<vmem>>, vector<1x16xf32>,
      %swap3A_153 = vector.shape_cast %swap3A_152 : vector<1x16xf32> to vector<16xf32>
      %swap3A_154 = vector.shape_cast %broadcast_in_dim3A_0 : vector<16xf32> to vector<1x16xf32>
      tpu.vector_store %arg12[%swap3A_150, %swap3A_151], %swap3A_154 {strides = array<i32>} : memref<128x128xf32, #tpu.memory_space<vmem>>, vector<1x16xf32>,
      %swap3A_155 = arith.index_cast %scan3A_120 : i32 to index
      %swap3A_156 = arith.constant 112 : index
      %swap3A_157 = tpu.vector_load %arg12[%swap3A_155, %swap3A_156] {strides = array<i32>} : memref<128x128xf32, #tpu.memory_space<vmem>>, vector<1x16xf32>,
      %swap3A_158 = vector.shape_cast %swap3A_157 : vector<1x16xf32> to vector<16xf32>
      %swap3A_159 = vector.shape_cast %broadcast_in_dim3A_0 : vector<16xf32> to vector<1x16xf32>
      tpu.vector_store %arg12[%swap3A_155, %swap3A_156], %swap3A_159 {strides = array<i32>} : memref<128x128xf32, #tpu.memory_space<vmem>>, vector<1x16xf32>,
    }
    %scan3A_5 = arith.constant 128 : i32
    %mul3A = arith.constant 632 : i32
    %mul3A_6 = arith.muli %arg1, %mul3A : i32
    %add3A = arith.constant 0 : i32
    %add3A_7 = arith.addi %mul3A_6, %add3A : i32
    "tpu.region"() ({
      %run_scoped3A = tpu.sem_alloc : memref<!tpu.dma_semaphore, #tpu.memory_space<semaphore_mem>>
      %dma_start3A_120 = arith.constant 0 : i32
      %dma_start3A_121 = arith.constant 0 : i32
      %dma_start3A_122 = tpu.memref_slice %arg12[%dma_start3A_120, %dma_start3A_121] : memref<128x128xf32, #tpu.memory_space<vmem>> -> memref<128x128xf32, #tpu.memory_space<vmem>>
      %dma_start3A_123 = arith.constant 0 : i32
      %dma_start3A_124 = tpu.memref_slice %arg15[%add3A_7, %dma_start3A_123] : memref<10112x128xf32, #tpu.memory_space<vmem_shared>> -> memref<128x128xf32, #tpu.memory_space<vmem_shared>>
      %dma_start3A_125 = arith.constant 0 : i32
      %dma_start3A_126 = tpu.memref_slice %arg15[%add3A_7, %dma_start3A_125] : memref<10112x128xf32, #tpu.memory_space<vmem_shared>> -> memref<128x128xf32, #tpu.memory_space<vmem_shared>>
      %dma_start3A_127 = arith.constant 0 : i32
      %dma_start3A_128 = arith.constant 0 : i32
      %dma_start3A_129 = tpu.memref_slice %arg12[%dma_start3A_127, %dma_start3A_128] : memref<128x128xf32, #tpu.memory_space<vmem>> -> memref<128x128xf32, #tpu.memory_space<vmem>>
      tpu.enqueue_dma source(%dma_start3A_129 : memref<128x128xf32, #tpu.memory_space<vmem>>) target(%dma_start3A_126 : memref<128x128xf32, #tpu.memory_space<vmem_shared>>) target_semaphore(%run_scoped3A : memref<!tpu.dma_semaphore, #tpu.memory_space<semaphore_mem>>)
      %dma_wait3A_130 = arith.constant 0 : i32
      %dma_wait3A_131 = arith.constant 0 : i32
      %dma_wait3A_132 = tpu.memref_slice %arg12[%dma_wait3A_130, %dma_wait3A_131] : memref<128x128xf32, #tpu.memory_space<vmem>> -> memref<128x128xf32, #tpu.memory_space<vmem>>
      %dma_wait3A_133 = arith.constant 0 : i32
      %dma_wait3A_134 = tpu.memref_slice %arg15[%add3A_7, %dma_wait3A_133] : memref<10112x128xf32, #tpu.memory_space<vmem_shared>> -> memref<128x128xf32, #tpu.memory_space<vmem_shared>>
      %dma_wait3A_135 = arith.constant 0 : i32
      %dma_wait3A_136 = tpu.memref_slice %arg15[%add3A_7, %dma_wait3A_135] : memref<10112x128xf32, #tpu.memory_space<vmem_shared>> -> memref<128x128xf32, #tpu.memory_space<vmem_shared>>
      %dma_wait3A_137 = arith.constant 0 : i32
      %dma_wait3A_138 = arith.constant 0 : i32
      %dma_wait3A_139 = tpu.memref_slice %arg12[%dma_wait3A_137, %dma_wait3A_138] : memref<128x128xf32, #tpu.memory_space<vmem>> -> memref<128x128xf32, #tpu.memory_space<vmem>>
      tpu.wait_dma2 semaphore(%run_scoped3A : memref<!tpu.dma_semaphore, #tpu.memory_space<semaphore_mem>>) src(%dma_wait3A_139 : memref<128x128xf32, #tpu.memory_space<vmem>>) dst(%dma_wait3A_136 : memref<128x128xf32, #tpu.memory_space<vmem_shared>>)
      tpu.yield
    }) : () -> ()
    %add3A_8 = arith.constant 128 : i32
    %add3A_9 = arith.addi %mul3A_6, %add3A_8 : i32
    "tpu.region"() ({
      %run_scoped3A = tpu.sem_alloc : memref<!tpu.dma_semaphore, #tpu.memory_space<semaphore_mem>>
      %dma_start3A_120 = arith.constant 0 : i32
      %dma_start3A_121 = arith.constant 0 : i32
      %dma_start3A_122 = tpu.memref_slice %arg12[%dma_start3A_120, %dma_start3A_121] : memref<128x128xf32, #tpu.memory_space<vmem>> -> memref<128x128xf32, #tpu.memory_space<vmem>>
      %dma_start3A_123 = arith.constant 0 : i32
      %dma_start3A_124 = tpu.memref_slice %arg15[%add3A_9, %dma_start3A_123] : memref<10112x128xf32, #tpu.memory_space<vmem_shared>> -> memref<128x128xf32, #tpu.memory_space<vmem_shared>>
      %dma_start3A_125 = arith.constant 0 : i32
      %dma_start3A_126 = tpu.memref_slice %arg15[%add3A_9, %dma_start3A_125] : memref<10112x128xf32, #tpu.memory_space<vmem_shared>> -> memref<128x128xf32, #tpu.memory_space<vmem_shared>>
      %dma_start3A_127 = arith.constant 0 : i32
      %dma_start3A_128 = arith.constant 0 : i32
      %dma_start3A_129 = tpu.memref_slice %arg12[%dma_start3A_127, %dma_start3A_128] : memref<128x128xf32, #tpu.memory_space<vmem>> -> memref<128x128xf32, #tpu.memory_space<vmem>>
      tpu.enqueue_dma source(%dma_start3A_129 : memref<128x128xf32, #tpu.memory_space<vmem>>) target(%dma_start3A_126 : memref<128x128xf32, #tpu.memory_space<vmem_shared>>) target_semaphore(%run_scoped3A : memref<!tpu.dma_semaphore, #tpu.memory_space<semaphore_mem>>)
      %dma_wait3A_130 = arith.constant 0 : i32
      %dma_wait3A_131 = arith.constant 0 : i32
      %dma_wait3A_132 = tpu.memref_slice %arg12[%dma_wait3A_130, %dma_wait3A_131] : memref<128x128xf32, #tpu.memory_space<vmem>> -> memref<128x128xf32, #tpu.memory_space<vmem>>
      %dma_wait3A_133 = arith.constant 0 : i32
      %dma_wait3A_134 = tpu.memref_slice %arg15[%add3A_9, %dma_wait3A_133] : memref<10112x128xf32, #tpu.memory_space<vmem_shared>> -> memref<128x128xf32, #tpu.memory_space<vmem_shared>>
      %dma_wait3A_135 = arith.constant 0 : i32
      %dma_wait3A_136 = tpu.memref_slice %arg15[%add3A_9, %dma_wait3A_135] : memref<10112x128xf32, #tpu.memory_space<vmem_shared>> -> memref<128x128xf32, #tpu.memory_space<vmem_shared>>
      %dma_wait3A_137 = arith.constant 0 : i32
      %dma_wait3A_138 = arith.constant 0 : i32
      %dma_wait3A_139 = tpu.memref_slice %arg12[%dma_wait3A_137, %dma_wait3A_138] : memref<128x128xf32, #tpu.memory_space<vmem>> -> memref<128x128xf32, #tpu.memory_space<vmem>>
      tpu.wait_dma2 semaphore(%run_scoped3A : memref<!tpu.dma_semaphore, #tpu.memory_space<semaphore_mem>>) src(%dma_wait3A_139 : memref<128x128xf32, #tpu.memory_space<vmem>>) dst(%dma_wait3A_136 : memref<128x128xf32, #tpu.memory_space<vmem_shared>>)
      tpu.yield
    }) : () -> ()
    %add3A_10 = arith.constant 256 : i32
    %add3A_11 = arith.addi %mul3A_6, %add3A_10 : i32
    "tpu.region"() ({
      %run_scoped3A = tpu.sem_alloc : memref<!tpu.dma_semaphore, #tpu.memory_space<semaphore_mem>>
      %dma_start3A_120 = arith.constant 0 : i32
      %dma_start3A_121 = arith.constant 0 : i32
      %dma_start3A_122 = tpu.memref_slice %arg12[%dma_start3A_120, %dma_start3A_121] : memref<128x128xf32, #tpu.memory_space<vmem>> -> memref<128x128xf32, #tpu.memory_space<vmem>>
      %dma_start3A_123 = arith.constant 0 : i32
      %dma_start3A_124 = tpu.memref_slice %arg15[%add3A_11, %dma_start3A_123] : memref<10112x128xf32, #tpu.memory_space<vmem_shared>> -> memref<128x128xf32, #tpu.memory_space<vmem_shared>>
      %dma_start3A_125 = arith.constant 0 : i32
      %dma_start3A_126 = tpu.memref_slice %arg15[%add3A_11, %dma_start3A_125] : memref<10112x128xf32, #tpu.memory_space<vmem_shared>> -> memref<128x128xf32, #tpu.memory_space<vmem_shared>>
      %dma_start3A_127 = arith.constant 0 : i32
      %dma_start3A_128 = arith.constant 0 : i32
      %dma_start3A_129 = tpu.memref_slice %arg12[%dma_start3A_127, %dma_start3A_128] : memref<128x128xf32, #tpu.memory_space<vmem>> -> memref<128x128xf32, #tpu.memory_space<vmem>>
      tpu.enqueue_dma source(%dma_start3A_129 : memref<128x128xf32, #tpu.memory_space<vmem>>) target(%dma_start3A_126 : memref<128x128xf32, #tpu.memory_space<vmem_shared>>) target_semaphore(%run_scoped3A : memref<!tpu.dma_semaphore, #tpu.memory_space<semaphore_mem>>)
      %dma_wait3A_130 = arith.constant 0 : i32
      %dma_wait3A_131 = arith.constant 0 : i32
      %dma_wait3A_132 = tpu.memref_slice %arg12[%dma_wait3A_130, %dma_wait3A_131] : memref<128x128xf32, #tpu.memory_space<vmem>> -> memref<128x128xf32, #tpu.memory_space<vmem>>
      %dma_wait3A_133 = arith.constant 0 : i32
      %dma_wait3A_134 = tpu.memref_slice %arg15[%add3A_11, %dma_wait3A_133] : memref<10112x128xf32, #tpu.memory_space<vmem_shared>> -> memref<128x128xf32, #tpu.memory_space<vmem_shared>>
      %dma_wait3A_135 = arith.constant 0 : i32
      %dma_wait3A_136 = tpu.memref_slice %arg15[%add3A_11, %dma_wait3A_135] : memref<10112x128xf32, #tpu.memory_space<vmem_shared>> -> memref<128x128xf32, #tpu.memory_space<vmem_shared>>
      %dma_wait3A_137 = arith.constant 0 : i32
      %dma_wait3A_138 = arith.constant 0 : i32
      %dma_wait3A_139 = tpu.memref_slice %arg12[%dma_wait3A_137, %dma_wait3A_138] : memref<128x128xf32, #tpu.memory_space<vmem>> -> memref<128x128xf32, #tpu.memory_space<vmem>>
      tpu.wait_dma2 semaphore(%run_scoped3A : memref<!tpu.dma_semaphore, #tpu.memory_space<semaphore_mem>>) src(%dma_wait3A_139 : memref<128x128xf32, #tpu.memory_space<vmem>>) dst(%dma_wait3A_136 : memref<128x128xf32, #tpu.memory_space<vmem_shared>>)
      tpu.yield
    }) : () -> ()
    %add3A_12 = arith.constant 384 : i32
    %add3A_13 = arith.addi %mul3A_6, %add3A_12 : i32
    "tpu.region"() ({
      %run_scoped3A = tpu.sem_alloc : memref<!tpu.dma_semaphore, #tpu.memory_space<semaphore_mem>>
      %dma_start3A_120 = arith.constant 0 : i32
      %dma_start3A_121 = arith.constant 0 : i32
      %dma_start3A_122 = tpu.memref_slice %arg12[%dma_start3A_120, %dma_start3A_121] : memref<128x128xf32, #tpu.memory_space<vmem>> -> memref<128x128xf32, #tpu.memory_space<vmem>>
      %dma_start3A_123 = arith.constant 0 : i32
      %dma_start3A_124 = tpu.memref_slice %arg15[%add3A_13, %dma_start3A_123] : memref<10112x128xf32, #tpu.memory_space<vmem_shared>> -> memref<128x128xf32, #tpu.memory_space<vmem_shared>>
      %dma_start3A_125 = arith.constant 0 : i32
      %dma_start3A_126 = tpu.memref_slice %arg15[%add3A_13, %dma_start3A_125] : memref<10112x128xf32, #tpu.memory_space<vmem_shared>> -> memref<128x128xf32, #tpu.memory_space<vmem_shared>>
      %dma_start3A_127 = arith.constant 0 : i32
      %dma_start3A_128 = arith.constant 0 : i32
      %dma_start3A_129 = tpu.memref_slice %arg12[%dma_start3A_127, %dma_start3A_128] : memref<128x128xf32, #tpu.memory_space<vmem>> -> memref<128x128xf32, #tpu.memory_space<vmem>>
      tpu.enqueue_dma source(%dma_start3A_129 : memref<128x128xf32, #tpu.memory_space<vmem>>) target(%dma_start3A_126 : memref<128x128xf32, #tpu.memory_space<vmem_shared>>) target_semaphore(%run_scoped3A : memref<!tpu.dma_semaphore, #tpu.memory_space<semaphore_mem>>)
      %dma_wait3A_130 = arith.constant 0 : i32
      %dma_wait3A_131 = arith.constant 0 : i32
      %dma_wait3A_132 = tpu.memref_slice %arg12[%dma_wait3A_130, %dma_wait3A_131] : memref<128x128xf32, #tpu.memory_space<vmem>> -> memref<128x128xf32, #tpu.memory_space<vmem>>
      %dma_wait3A_133 = arith.constant 0 : i32
      %dma_wait3A_134 = tpu.memref_slice %arg15[%add3A_13, %dma_wait3A_133] : memref<10112x128xf32, #tpu.memory_space<vmem_shared>> -> memref<128x128xf32, #tpu.memory_space<vmem_shared>>
      %dma_wait3A_135 = arith.constant 0 : i32
      %dma_wait3A_136 = tpu.memref_slice %arg15[%add3A_13, %dma_wait3A_135] : memref<10112x128xf32, #tpu.memory_space<vmem_shared>> -> memref<128x128xf32, #tpu.memory_space<vmem_shared>>
      %dma_wait3A_137 = arith.constant 0 : i32
      %dma_wait3A_138 = arith.constant 0 : i32
      %dma_wait3A_139 = tpu.memref_slice %arg12[%dma_wait3A_137, %dma_wait3A_138] : memref<128x128xf32, #tpu.memory_space<vmem>> -> memref<128x128xf32, #tpu.memory_space<vmem>>
      tpu.wait_dma2 semaphore(%run_scoped3A : memref<!tpu.dma_semaphore, #tpu.memory_space<semaphore_mem>>) src(%dma_wait3A_139 : memref<128x128xf32, #tpu.memory_space<vmem>>) dst(%dma_wait3A_136 : memref<128x128xf32, #tpu.memory_space<vmem_shared>>)
      tpu.yield
    }) : () -> ()
    %add3A_14 = arith.constant 512 : i32
    %add3A_15 = arith.addi %mul3A_6, %add3A_14 : i32
    "tpu.region"() ({
      %run_scoped3A = tpu.sem_alloc : memref<!tpu.dma_semaphore, #tpu.memory_space<semaphore_mem>>
      %dma_start3A_120 = arith.constant 0 : i32
      %dma_start3A_121 = arith.constant 0 : i32
      %dma_start3A_122 = tpu.memref_slice %arg12[%dma_start3A_120, %dma_start3A_121] : memref<128x128xf32, #tpu.memory_space<vmem>> -> memref<120x128xf32, #tpu.memory_space<vmem>>
      %dma_start3A_123 = arith.constant 0 : i32
      %dma_start3A_124 = tpu.memref_slice %arg15[%add3A_15, %dma_start3A_123] : memref<10112x128xf32, #tpu.memory_space<vmem_shared>> -> memref<120x128xf32, #tpu.memory_space<vmem_shared>>
      %dma_start3A_125 = arith.constant 0 : i32
      %dma_start3A_126 = tpu.memref_slice %arg15[%add3A_15, %dma_start3A_125] : memref<10112x128xf32, #tpu.memory_space<vmem_shared>> -> memref<120x128xf32, #tpu.memory_space<vmem_shared>>
      %dma_start3A_127 = arith.constant 0 : i32
      %dma_start3A_128 = arith.constant 0 : i32
      %dma_start3A_129 = tpu.memref_slice %arg12[%dma_start3A_127, %dma_start3A_128] : memref<128x128xf32, #tpu.memory_space<vmem>> -> memref<120x128xf32, #tpu.memory_space<vmem>>
      tpu.enqueue_dma source(%dma_start3A_129 : memref<120x128xf32, #tpu.memory_space<vmem>>) target(%dma_start3A_126 : memref<120x128xf32, #tpu.memory_space<vmem_shared>>) target_semaphore(%run_scoped3A : memref<!tpu.dma_semaphore, #tpu.memory_space<semaphore_mem>>)
      %dma_wait3A_130 = arith.constant 0 : i32
      %dma_wait3A_131 = arith.constant 0 : i32
      %dma_wait3A_132 = tpu.memref_slice %arg12[%dma_wait3A_130, %dma_wait3A_131] : memref<128x128xf32, #tpu.memory_space<vmem>> -> memref<120x128xf32, #tpu.memory_space<vmem>>
      %dma_wait3A_133 = arith.constant 0 : i32
      %dma_wait3A_134 = tpu.memref_slice %arg15[%add3A_15, %dma_wait3A_133] : memref<10112x128xf32, #tpu.memory_space<vmem_shared>> -> memref<120x128xf32, #tpu.memory_space<vmem_shared>>
      %dma_wait3A_135 = arith.constant 0 : i32
      %dma_wait3A_136 = tpu.memref_slice %arg15[%add3A_15, %dma_wait3A_135] : memref<10112x128xf32, #tpu.memory_space<vmem_shared>> -> memref<120x128xf32, #tpu.memory_space<vmem_shared>>
      %dma_wait3A_137 = arith.constant 0 : i32
      %dma_wait3A_138 = arith.constant 0 : i32
      %dma_wait3A_139 = tpu.memref_slice %arg12[%dma_wait3A_137, %dma_wait3A_138] : memref<128x128xf32, #tpu.memory_space<vmem>> -> memref<120x128xf32, #tpu.memory_space<vmem>>
      tpu.wait_dma2 semaphore(%run_scoped3A : memref<!tpu.dma_semaphore, #tpu.memory_space<semaphore_mem>>) src(%dma_wait3A_139 : memref<120x128xf32, #tpu.memory_space<vmem>>) dst(%dma_wait3A_136 : memref<120x128xf32, #tpu.memory_space<vmem_shared>>)
      tpu.yield
    }) : () -> ()
    %barrier3A = arith.constant 0 : index
    tpu.barrier barrier_id(%barrier3A)
    %dma_start3A = arith.constant 0 : i32
    %dma_start3A_16 = arith.constant 0 : i32
    %dma_start3A_17 = tpu.memref_slice %arg2[%arg0, %arg1, %dma_start3A, %dma_start3A_16] : memref<2x16x81x128xi32, #tpu.memory_space<hbm>> -> memref<1x1x1x128xi32, #tpu.memory_space<hbm>>
    %dma_start3A_18 = tpu.memref_squeeze %dma_start3A_17 : memref<1x1x1x128xi32, #tpu.memory_space<hbm>> -> memref<128xi32, #tpu.memory_space<hbm>>
    %dma_start3A_19 = arith.constant 0 : i32
    %dma_start3A_20 = tpu.memref_slice %arg2[%arg0, %arg1, %dma_start3A, %dma_start3A_19] : memref<2x16x81x128xi32, #tpu.memory_space<hbm>> -> memref<1x1x1x128xi32, #tpu.memory_space<hbm>>
    %dma_start3A_21 = tpu.memref_squeeze %dma_start3A_20 : memref<1x1x1x128xi32, #tpu.memory_space<hbm>> -> memref<128xi32, #tpu.memory_space<hbm>>
    tpu.enqueue_dma source(%dma_start3A_21 : memref<128xi32, #tpu.memory_space<hbm>>) target(%arg6 : memref<128xi32, #tpu.memory_space<vmem>>) target_semaphore(%arg16 : memref<!tpu.dma_semaphore, #tpu.memory_space<semaphore_mem>>)
    %dma_start3A_22 = arith.constant 0 : i32
    %dma_start3A_23 = arith.constant 0 : i32
    %dma_start3A_24 = tpu.memref_slice %arg3[%arg0, %arg1, %dma_start3A_22, %dma_start3A_23] : memref<2x16x81x128xi32, #tpu.memory_space<hbm>> -> memref<1x1x1x128xi32, #tpu.memory_space<hbm>>
    %dma_start3A_25 = tpu.memref_squeeze %dma_start3A_24 : memref<1x1x1x128xi32, #tpu.memory_space<hbm>> -> memref<128xi32, #tpu.memory_space<hbm>>
    %dma_start3A_26 = arith.constant 0 : i32
    %dma_start3A_27 = tpu.memref_slice %arg3[%arg0, %arg1, %dma_start3A_22, %dma_start3A_26] : memref<2x16x81x128xi32, #tpu.memory_space<hbm>> -> memref<1x1x1x128xi32, #tpu.memory_space<hbm>>
    %dma_start3A_28 = tpu.memref_squeeze %dma_start3A_27 : memref<1x1x1x128xi32, #tpu.memory_space<hbm>> -> memref<128xi32, #tpu.memory_space<hbm>>
    tpu.enqueue_dma source(%dma_start3A_28 : memref<128xi32, #tpu.memory_space<hbm>>) target(%arg9 : memref<128xi32, #tpu.memory_space<vmem>>) target_semaphore(%arg16 : memref<!tpu.dma_semaphore, #tpu.memory_space<semaphore_mem>>)
    %dma_start3A_29 = arith.constant 1 : i32
    %dma_start3A_30 = arith.constant 0 : i32
    %dma_start3A_31 = tpu.memref_slice %arg2[%arg0, %arg1, %dma_start3A_29, %dma_start3A_30] : memref<2x16x81x128xi32, #tpu.memory_space<hbm>> -> memref<1x1x1x128xi32, #tpu.memory_space<hbm>>
    %dma_start3A_32 = tpu.memref_squeeze %dma_start3A_31 : memref<1x1x1x128xi32, #tpu.memory_space<hbm>> -> memref<128xi32, #tpu.memory_space<hbm>>
    %dma_start3A_33 = arith.constant 0 : i32
    %dma_start3A_34 = tpu.memref_slice %arg2[%arg0, %arg1, %dma_start3A_29, %dma_start3A_33] : memref<2x16x81x128xi32, #tpu.memory_space<hbm>> -> memref<1x1x1x128xi32, #tpu.memory_space<hbm>>
    %dma_start3A_35 = tpu.memref_squeeze %dma_start3A_34 : memref<1x1x1x128xi32, #tpu.memory_space<hbm>> -> memref<128xi32, #tpu.memory_space<hbm>>
    tpu.enqueue_dma source(%dma_start3A_35 : memref<128xi32, #tpu.memory_space<hbm>>) target(%arg7 : memref<128xi32, #tpu.memory_space<vmem>>) target_semaphore(%arg17 : memref<!tpu.dma_semaphore, #tpu.memory_space<semaphore_mem>>)
    %dma_start3A_36 = arith.constant 1 : i32
    %dma_start3A_37 = arith.constant 0 : i32
    %dma_start3A_38 = tpu.memref_slice %arg3[%arg0, %arg1, %dma_start3A_36, %dma_start3A_37] : memref<2x16x81x128xi32, #tpu.memory_space<hbm>> -> memref<1x1x1x128xi32, #tpu.memory_space<hbm>>
    %dma_start3A_39 = tpu.memref_squeeze %dma_start3A_38 : memref<1x1x1x128xi32, #tpu.memory_space<hbm>> -> memref<128xi32, #tpu.memory_space<hbm>>
    %dma_start3A_40 = arith.constant 0 : i32
    %dma_start3A_41 = tpu.memref_slice %arg3[%arg0, %arg1, %dma_start3A_36, %dma_start3A_40] : memref<2x16x81x128xi32, #tpu.memory_space<hbm>> -> memref<1x1x1x128xi32, #tpu.memory_space<hbm>>
    %dma_start3A_42 = tpu.memref_squeeze %dma_start3A_41 : memref<1x1x1x128xi32, #tpu.memory_space<hbm>> -> memref<128xi32, #tpu.memory_space<hbm>>
    tpu.enqueue_dma source(%dma_start3A_42 : memref<128xi32, #tpu.memory_space<hbm>>) target(%arg10 : memref<128xi32, #tpu.memory_space<vmem>>) target_semaphore(%arg17 : memref<!tpu.dma_semaphore, #tpu.memory_space<semaphore_mem>>)
    %dma_start3A_43 = arith.constant 2 : i32
    %dma_start3A_44 = arith.constant 0 : i32
    %dma_start3A_45 = tpu.memref_slice %arg2[%arg0, %arg1, %dma_start3A_43, %dma_start3A_44] : memref<2x16x81x128xi32, #tpu.memory_space<hbm>> -> memref<1x1x1x128xi32, #tpu.memory_space<hbm>>
    %dma_start3A_46 = tpu.memref_squeeze %dma_start3A_45 : memref<1x1x1x128xi32, #tpu.memory_space<hbm>> -> memref<128xi32, #tpu.memory_space<hbm>>
    %dma_start3A_47 = arith.constant 0 : i32
    %dma_start3A_48 = tpu.memref_slice %arg2[%arg0, %arg1, %dma_start3A_43, %dma_start3A_47] : memref<2x16x81x128xi32, #tpu.memory_space<hbm>> -> memref<1x1x1x128xi32, #tpu.memory_space<hbm>>
    %dma_start3A_49 = tpu.memref_squeeze %dma_start3A_48 : memref<1x1x1x128xi32, #tpu.memory_space<hbm>> -> memref<128xi32, #tpu.memory_space<hbm>>
    tpu.enqueue_dma source(%dma_start3A_49 : memref<128xi32, #tpu.memory_space<hbm>>) target(%arg8 : memref<128xi32, #tpu.memory_space<vmem>>) target_semaphore(%arg18 : memref<!tpu.dma_semaphore, #tpu.memory_space<semaphore_mem>>)
    %dma_start3A_50 = arith.constant 2 : i32
    %dma_start3A_51 = arith.constant 0 : i32
    %dma_start3A_52 = tpu.memref_slice %arg3[%arg0, %arg1, %dma_start3A_50, %dma_start3A_51] : memref<2x16x81x128xi32, #tpu.memory_space<hbm>> -> memref<1x1x1x128xi32, #tpu.memory_space<hbm>>
    %dma_start3A_53 = tpu.memref_squeeze %dma_start3A_52 : memref<1x1x1x128xi32, #tpu.memory_space<hbm>> -> memref<128xi32, #tpu.memory_space<hbm>>
    %dma_start3A_54 = arith.constant 0 : i32
    %dma_start3A_55 = tpu.memref_slice %arg3[%arg0, %arg1, %dma_start3A_50, %dma_start3A_54] : memref<2x16x81x128xi32, #tpu.memory_space<hbm>> -> memref<1x1x1x128xi32, #tpu.memory_space<hbm>>
    %dma_start3A_56 = tpu.memref_squeeze %dma_start3A_55 : memref<1x1x1x128xi32, #tpu.memory_space<hbm>> -> memref<128xi32, #tpu.memory_space<hbm>>
    tpu.enqueue_dma source(%dma_start3A_56 : memref<128xi32, #tpu.memory_space<hbm>>) target(%arg11 : memref<128xi32, #tpu.memory_space<vmem>>) target_semaphore(%arg18 : memref<!tpu.dma_semaphore, #tpu.memory_space<semaphore_mem>>)
    %dma_wait3A = arith.constant 0 : i32
    %dma_wait3A_57 = arith.constant 0 : i32
    %dma_wait3A_58 = tpu.memref_slice %arg2[%arg0, %arg1, %dma_wait3A, %dma_wait3A_57] : memref<2x16x81x128xi32, #tpu.memory_space<hbm>> -> memref<1x1x1x128xi32, #tpu.memory_space<hbm>>
    %dma_wait3A_59 = tpu.memref_squeeze %dma_wait3A_58 : memref<1x1x1x128xi32, #tpu.memory_space<hbm>> -> memref<128xi32, #tpu.memory_space<hbm>>
    %dma_wait3A_60 = arith.constant 0 : i32
    %dma_wait3A_61 = tpu.memref_slice %arg2[%arg0, %arg1, %dma_wait3A, %dma_wait3A_60] : memref<2x16x81x128xi32, #tpu.memory_space<hbm>> -> memref<1x1x1x128xi32, #tpu.memory_space<hbm>>
    %dma_wait3A_62 = tpu.memref_squeeze %dma_wait3A_61 : memref<1x1x1x128xi32, #tpu.memory_space<hbm>> -> memref<128xi32, #tpu.memory_space<hbm>>
    tpu.wait_dma2 semaphore(%arg16 : memref<!tpu.dma_semaphore, #tpu.memory_space<semaphore_mem>>) src(%dma_wait3A_62 : memref<128xi32, #tpu.memory_space<hbm>>) dst(%arg6 : memref<128xi32, #tpu.memory_space<vmem>>)
    %dma_wait3A_63 = arith.constant 0 : i32
    %dma_wait3A_64 = arith.constant 0 : i32
    %dma_wait3A_65 = tpu.memref_slice %arg3[%arg0, %arg1, %dma_wait3A_63, %dma_wait3A_64] : memref<2x16x81x128xi32, #tpu.memory_space<hbm>> -> memref<1x1x1x128xi32, #tpu.memory_space<hbm>>
    %dma_wait3A_66 = tpu.memref_squeeze %dma_wait3A_65 : memref<1x1x1x128xi32, #tpu.memory_space<hbm>> -> memref<128xi32, #tpu.memory_space<hbm>>
    %dma_wait3A_67 = arith.constant 0 : i32
    %dma_wait3A_68 = tpu.memref_slice %arg3[%arg0, %arg1, %dma_wait3A_63, %dma_wait3A_67] : memref<2x16x81x128xi32, #tpu.memory_space<hbm>> -> memref<1x1x1x128xi32, #tpu.memory_space<hbm>>
    %dma_wait3A_69 = tpu.memref_squeeze %dma_wait3A_68 : memref<1x1x1x128xi32, #tpu.memory_space<hbm>> -> memref<128xi32, #tpu.memory_space<hbm>>
    tpu.wait_dma2 semaphore(%arg16 : memref<!tpu.dma_semaphore, #tpu.memory_space<semaphore_mem>>) src(%dma_wait3A_69 : memref<128xi32, #tpu.memory_space<hbm>>) dst(%arg9 : memref<128xi32, #tpu.memory_space<vmem>>)
    %dma_start3A_70 = arith.constant 0 : i32
    %dma_start3A_71 = arith.constant 0 : i32
    %dma_start3A_72 = tpu.memref_slice %arg4[%dma_start3A_70, %dma_start3A_71] : memref<10000x128xf32, #tpu.memory_space<hbm>> -> memref<10000x128xf32, #tpu.memory_space<hbm>>
    tpu.enqueue_indirect_dma source(%dma_start3A_72 : memref<10000x128xf32, #tpu.memory_space<hbm>>) target(%arg12 : memref<128x128xf32, #tpu.memory_space<vmem>>) offsets(%arg6 : memref<128xi32, #tpu.memory_space<vmem>>) semaphore(%arg19 : memref<!tpu.dma_semaphore, #tpu.memory_space<semaphore_mem>>)
    %dma_wait3A_73 = arith.constant 1 : i32
    %dma_wait3A_74 = arith.constant 0 : i32
    %dma_wait3A_75 = tpu.memref_slice %arg2[%arg0, %arg1, %dma_wait3A_73, %dma_wait3A_74] : memref<2x16x81x128xi32, #tpu.memory_space<hbm>> -> memref<1x1x1x128xi32, #tpu.memory_space<hbm>>
    %dma_wait3A_76 = tpu.memref_squeeze %dma_wait3A_75 : memref<1x1x1x128xi32, #tpu.memory_space<hbm>> -> memref<128xi32, #tpu.memory_space<hbm>>
    %dma_wait3A_77 = arith.constant 0 : i32
    %dma_wait3A_78 = tpu.memref_slice %arg2[%arg0, %arg1, %dma_wait3A_73, %dma_wait3A_77] : memref<2x16x81x128xi32, #tpu.memory_space<hbm>> -> memref<1x1x1x128xi32, #tpu.memory_space<hbm>>
    %dma_wait3A_79 = tpu.memref_squeeze %dma_wait3A_78 : memref<1x1x1x128xi32, #tpu.memory_space<hbm>> -> memref<128xi32, #tpu.memory_space<hbm>>
    tpu.wait_dma2 semaphore(%arg17 : memref<!tpu.dma_semaphore, #tpu.memory_space<semaphore_mem>>) src(%dma_wait3A_79 : memref<128xi32, #tpu.memory_space<hbm>>) dst(%arg7 : memref<128xi32, #tpu.memory_space<vmem>>)
    %dma_wait3A_80 = arith.constant 1 : i32
    %dma_wait3A_81 = arith.constant 0 : i32
    %dma_wait3A_82 = tpu.memref_slice %arg3[%arg0, %arg1, %dma_wait3A_80, %dma_wait3A_81] : memref<2x16x81x128xi32, #tpu.memory_space<hbm>> -> memref<1x1x1x128xi32, #tpu.memory_space<hbm>>
    %dma_wait3A_83 = tpu.memref_squeeze %dma_wait3A_82 : memref<1x1x1x128xi32, #tpu.memory_space<hbm>> -> memref<128xi32, #tpu.memory_space<hbm>>
    %dma_wait3A_84 = arith.constant 0 : i32
    %dma_wait3A_85 = tpu.memref_slice %arg3[%arg0, %arg1, %dma_wait3A_80, %dma_wait3A_84] : memref<2x16x81x128xi32, #tpu.memory_space<hbm>> -> memref<1x1x1x128xi32, #tpu.memory_space<hbm>>
    %dma_wait3A_86 = tpu.memref_squeeze %dma_wait3A_85 : memref<1x1x1x128xi32, #tpu.memory_space<hbm>> -> memref<128xi32, #tpu.memory_space<hbm>>
    tpu.wait_dma2 semaphore(%arg17 : memref<!tpu.dma_semaphore, #tpu.memory_space<semaphore_mem>>) src(%dma_wait3A_86 : memref<128xi32, #tpu.memory_space<hbm>>) dst(%arg10 : memref<128xi32, #tpu.memory_space<vmem>>)
    %dma_start3A_87 = arith.constant 0 : i32
    %dma_start3A_88 = arith.constant 0 : i32
    %dma_start3A_89 = tpu.memref_slice %arg4[%dma_start3A_87, %dma_start3A_88] : memref<10000x128xf32, #tpu.memory_space<hbm>> -> memref<10000x128xf32, #tpu.memory_space<hbm>>
    tpu.enqueue_indirect_dma source(%dma_start3A_89 : memref<10000x128xf32, #tpu.memory_space<hbm>>) target(%arg13 : memref<128x128xf32, #tpu.memory_space<vmem>>) offsets(%arg7 : memref<128xi32, #tpu.memory_space<vmem>>) semaphore(%arg20 : memref<!tpu.dma_semaphore, #tpu.memory_space<semaphore_mem>>)
    %scan3A_90 = arith.constant 0 : i32
    %scan3A_91 = arith.constant 0 : i32
    %scan3A_92 = arith.constant 27 : i32
    %scan3A_93 = arith.addi %scan3A_91, %scan3A_92 : i32
    %scan3A_94 = arith.constant 1 : i32
    scf.for %scan3A_120 = %scan3A_91 to %scan3A_93 step %scan3A_94  : i32 {
      %mul3A_121 = arith.constant 3 : i32
      %mul3A_122 = arith.muli %mul3A_121, %scan3A_120 : i32
      %add3A_123 = arith.constant 0 : i32
      %add3A_124 = arith.addi %mul3A_122, %add3A_123 : i32
      %add3A_125 = arith.constant 2 : i32
      %add3A_126 = arith.addi %add3A_124, %add3A_125 : i32
      %lt3A = arith.constant 81 : i32
      %lt3A_127 = arith.cmpi slt, %add3A_126, %lt3A : i32
      %convert_element_type3A = arith.extui %lt3A_127 : i1 to i32
      %cond3A = arith.constant 0 : i32
      %cond3A_128 = arith.cmpi ne, %convert_element_type3A, %cond3A : i32
      scf.if %cond3A_128 {
        %add3A_181 = arith.constant 2 : i32
        %add3A_182 = arith.addi %add3A_124, %add3A_181 : i32
        %dma_wait3A_183 = arith.constant 0 : i32
        %dma_wait3A_184 = tpu.memref_slice %arg2[%arg0, %arg1, %add3A_182, %dma_wait3A_183] : memref<2x16x81x128xi32, #tpu.memory_space<hbm>> -> memref<1x1x1x128xi32, #tpu.memory_space<hbm>>
        %dma_wait3A_185 = tpu.memref_squeeze %dma_wait3A_184 : memref<1x1x1x128xi32, #tpu.memory_space<hbm>> -> memref<128xi32, #tpu.memory_space<hbm>>
        %dma_wait3A_186 = arith.constant 0 : i32
        %dma_wait3A_187 = tpu.memref_slice %arg2[%arg0, %arg1, %add3A_182, %dma_wait3A_186] : memref<2x16x81x128xi32, #tpu.memory_space<hbm>> -> memref<1x1x1x128xi32, #tpu.memory_space<hbm>>
        %dma_wait3A_188 = tpu.memref_squeeze %dma_wait3A_187 : memref<1x1x1x128xi32, #tpu.memory_space<hbm>> -> memref<128xi32, #tpu.memory_space<hbm>>
        tpu.wait_dma2 semaphore(%arg18 : memref<!tpu.dma_semaphore, #tpu.memory_space<semaphore_mem>>) src(%dma_wait3A_188 : memref<128xi32, #tpu.memory_space<hbm>>) dst(%arg8 : memref<128xi32, #tpu.memory_space<vmem>>)
        %dma_wait3A_189 = arith.constant 0 : i32
        %dma_wait3A_190 = tpu.memref_slice %arg3[%arg0, %arg1, %add3A_182, %dma_wait3A_189] : memref<2x16x81x128xi32, #tpu.memory_space<hbm>> -> memref<1x1x1x128xi32, #tpu.memory_space<hbm>>
        %dma_wait3A_191 = tpu.memref_squeeze %dma_wait3A_190 : memref<1x1x1x128xi32, #tpu.memory_space<hbm>> -> memref<128xi32, #tpu.memory_space<hbm>>
        %dma_wait3A_192 = arith.constant 0 : i32
        %dma_wait3A_193 = tpu.memref_slice %arg3[%arg0, %arg1, %add3A_182, %dma_wait3A_192] : memref<2x16x81x128xi32, #tpu.memory_space<hbm>> -> memref<1x1x1x128xi32, #tpu.memory_space<hbm>>
        %dma_wait3A_194 = tpu.memref_squeeze %dma_wait3A_193 : memref<1x1x1x128xi32, #tpu.memory_space<hbm>> -> memref<128xi32, #tpu.memory_space<hbm>>
        tpu.wait_dma2 semaphore(%arg18 : memref<!tpu.dma_semaphore, #tpu.memory_space<semaphore_mem>>) src(%dma_wait3A_194 : memref<128xi32, #tpu.memory_space<hbm>>) dst(%arg11 : memref<128xi32, #tpu.memory_space<vmem>>)
        %dma_start3A_195 = arith.constant 0 : i32
        %dma_start3A_196 = arith.constant 0 : i32
        %dma_start3A_197 = tpu.memref_slice %arg4[%dma_start3A_195, %dma_start3A_196] : memref<10000x128xf32, #tpu.memory_space<hbm>> -> memref<10000x128xf32, #tpu.memory_space<hbm>>
        tpu.enqueue_indirect_dma source(%dma_start3A_197 : memref<10000x128xf32, #tpu.memory_space<hbm>>) target(%arg14 : memref<128x128xf32, #tpu.memory_space<vmem>>) offsets(%arg8 : memref<128xi32, #tpu.memory_space<vmem>>) semaphore(%arg21 : memref<!tpu.dma_semaphore, #tpu.memory_space<semaphore_mem>>)
      } else {
      }
      %dma_wait3A_129 = arith.constant 0 : i32
      %dma_wait3A_130 = arith.constant 0 : i32
      %dma_wait3A_131 = tpu.memref_slice %arg4[%dma_wait3A_129, %dma_wait3A_130] : memref<10000x128xf32, #tpu.memory_space<hbm>> -> memref<10000x128xf32, #tpu.memory_space<hbm>>
      tpu.wait_indirect_dma semaphore(%arg19 : memref<!tpu.dma_semaphore, #tpu.memory_space<semaphore_mem>>) src(%dma_wait3A_131 : memref<10000x128xf32, #tpu.memory_space<hbm>>) dst(%arg12 : memref<128x128xf32, #tpu.memory_space<vmem>>)
      "tpu.region"() ({
        %run_scoped3A = tpu.sem_alloc : memref<!tpu.dma_semaphore, #tpu.memory_space<semaphore_mem>>
        %dma_start3A_181 = arith.constant 0 : i32
        %dma_start3A_182 = arith.constant 0 : i32
        %dma_start3A_183 = tpu.memref_slice %arg15[%dma_start3A_181, %dma_start3A_182] : memref<10112x128xf32, #tpu.memory_space<vmem_shared>> -> memref<10112x128xf32, #tpu.memory_space<vmem_shared>>
        tpu.enqueue_indirect_dma source(%arg12 : memref<128x128xf32, #tpu.memory_space<vmem>>) target(%dma_start3A_183 : memref<10112x128xf32, #tpu.memory_space<vmem_shared>>) offsets(%arg9 : memref<128xi32, #tpu.memory_space<vmem>>) semaphore(%run_scoped3A : memref<!tpu.dma_semaphore, #tpu.memory_space<semaphore_mem>>) {add = true}
        %dma_wait3A_184 = arith.constant 0 : i32
        %dma_wait3A_185 = arith.constant 0 : i32
        %dma_wait3A_186 = tpu.memref_slice %arg15[%dma_wait3A_184, %dma_wait3A_185] : memref<10112x128xf32, #tpu.memory_space<vmem_shared>> -> memref<10112x128xf32, #tpu.memory_space<vmem_shared>>
        tpu.wait_indirect_dma semaphore(%run_scoped3A : memref<!tpu.dma_semaphore, #tpu.memory_space<semaphore_mem>>) src(%arg12 : memref<128x128xf32, #tpu.memory_space<vmem>>) dst(%dma_wait3A_186 : memref<10112x128xf32, #tpu.memory_space<vmem_shared>>)
        tpu.yield
      }) : () -> ()
      %add3A_132 = arith.constant 3 : i32
      %add3A_133 = arith.addi %add3A_124, %add3A_132 : i32
      %lt3A_134 = arith.constant 81 : i32
      %lt3A_135 = arith.cmpi slt, %add3A_133, %lt3A_134 : i32
      %convert_element_type3A_136 = arith.extui %lt3A_135 : i1 to i32
      %cond3A_137 = arith.constant 0 : i32
      %cond3A_138 = arith.cmpi ne, %convert_element_type3A_136, %cond3A_137 : i32
      scf.if %cond3A_138 {
        %add3A_181 = arith.constant 3 : i32
        %add3A_182 = arith.addi %add3A_124, %add3A_181 : i32
        %dma_start3A_183 = arith.constant 0 : i32
        %dma_start3A_184 = tpu.memref_slice %arg2[%arg0, %arg1, %add3A_182, %dma_start3A_183] : memref<2x16x81x128xi32, #tpu.memory_space<hbm>> -> memref<1x1x1x128xi32, #tpu.memory_space<hbm>>
        %dma_start3A_185 = tpu.memref_squeeze %dma_start3A_184 : memref<1x1x1x128xi32, #tpu.memory_space<hbm>> -> memref<128xi32, #tpu.memory_space<hbm>>
        %dma_start3A_186 = arith.constant 0 : i32
        %dma_start3A_187 = tpu.memref_slice %arg2[%arg0, %arg1, %add3A_182, %dma_start3A_186] : memref<2x16x81x128xi32, #tpu.memory_space<hbm>> -> memref<1x1x1x128xi32, #tpu.memory_space<hbm>>
        %dma_start3A_188 = tpu.memref_squeeze %dma_start3A_187 : memref<1x1x1x128xi32, #tpu.memory_space<hbm>> -> memref<128xi32, #tpu.memory_space<hbm>>
        tpu.enqueue_dma source(%dma_start3A_188 : memref<128xi32, #tpu.memory_space<hbm>>) target(%arg6 : memref<128xi32, #tpu.memory_space<vmem>>) target_semaphore(%arg16 : memref<!tpu.dma_semaphore, #tpu.memory_space<semaphore_mem>>)
        %dma_start3A_189 = arith.constant 0 : i32
        %dma_start3A_190 = tpu.memref_slice %arg3[%arg0, %arg1, %add3A_182, %dma_start3A_189] : memref<2x16x81x128xi32, #tpu.memory_space<hbm>> -> memref<1x1x1x128xi32, #tpu.memory_space<hbm>>
        %dma_start3A_191 = tpu.memref_squeeze %dma_start3A_190 : memref<1x1x1x128xi32, #tpu.memory_space<hbm>> -> memref<128xi32, #tpu.memory_space<hbm>>
        %dma_start3A_192 = arith.constant 0 : i32
        %dma_start3A_193 = tpu.memref_slice %arg3[%arg0, %arg1, %add3A_182, %dma_start3A_192] : memref<2x16x81x128xi32, #tpu.memory_space<hbm>> -> memref<1x1x1x128xi32, #tpu.memory_space<hbm>>
        %dma_start3A_194 = tpu.memref_squeeze %dma_start3A_193 : memref<1x1x1x128xi32, #tpu.memory_space<hbm>> -> memref<128xi32, #tpu.memory_space<hbm>>
        tpu.enqueue_dma source(%dma_start3A_194 : memref<128xi32, #tpu.memory_space<hbm>>) target(%arg9 : memref<128xi32, #tpu.memory_space<vmem>>) target_semaphore(%arg16 : memref<!tpu.dma_semaphore, #tpu.memory_space<semaphore_mem>>)
      } else {
      }
      %mul3A_139 = arith.constant 3 : i32
      %mul3A_140 = arith.muli %mul3A_139, %scan3A_120 : i32
      %add3A_141 = arith.constant 1 : i32
      %add3A_142 = arith.addi %mul3A_140, %add3A_141 : i32
      %add3A_143 = arith.constant 2 : i32
      %add3A_144 = arith.addi %add3A_142, %add3A_143 : i32
      %lt3A_145 = arith.constant 81 : i32
      %lt3A_146 = arith.cmpi slt, %add3A_144, %lt3A_145 : i32
      %convert_element_type3A_147 = arith.extui %lt3A_146 : i1 to i32
      %cond3A_148 = arith.constant 0 : i32
      %cond3A_149 = arith.cmpi ne, %convert_element_type3A_147, %cond3A_148 : i32
      scf.if %cond3A_149 {
        %add3A_181 = arith.constant 2 : i32
        %add3A_182 = arith.addi %add3A_142, %add3A_181 : i32
        %dma_wait3A_183 = arith.constant 0 : i32
        %dma_wait3A_184 = tpu.memref_slice %arg2[%arg0, %arg1, %add3A_182, %dma_wait3A_183] : memref<2x16x81x128xi32, #tpu.memory_space<hbm>> -> memref<1x1x1x128xi32, #tpu.memory_space<hbm>>
        %dma_wait3A_185 = tpu.memref_squeeze %dma_wait3A_184 : memref<1x1x1x128xi32, #tpu.memory_space<hbm>> -> memref<128xi32, #tpu.memory_space<hbm>>
        %dma_wait3A_186 = arith.constant 0 : i32
        %dma_wait3A_187 = tpu.memref_slice %arg2[%arg0, %arg1, %add3A_182, %dma_wait3A_186] : memref<2x16x81x128xi32, #tpu.memory_space<hbm>> -> memref<1x1x1x128xi32, #tpu.memory_space<hbm>>
        %dma_wait3A_188 = tpu.memref_squeeze %dma_wait3A_187 : memref<1x1x1x128xi32, #tpu.memory_space<hbm>> -> memref<128xi32, #tpu.memory_space<hbm>>
        tpu.wait_dma2 semaphore(%arg16 : memref<!tpu.dma_semaphore, #tpu.memory_space<semaphore_mem>>) src(%dma_wait3A_188 : memref<128xi32, #tpu.memory_space<hbm>>) dst(%arg6 : memref<128xi32, #tpu.memory_space<vmem>>)
        %dma_wait3A_189 = arith.constant 0 : i32
        %dma_wait3A_190 = tpu.memref_slice %arg3[%arg0, %arg1, %add3A_182, %dma_wait3A_189] : memref<2x16x81x128xi32, #tpu.memory_space<hbm>> -> memref<1x1x1x128xi32, #tpu.memory_space<hbm>>
        %dma_wait3A_191 = tpu.memref_squeeze %dma_wait3A_190 : memref<1x1x1x128xi32, #tpu.memory_space<hbm>> -> memref<128xi32, #tpu.memory_space<hbm>>
        %dma_wait3A_192 = arith.constant 0 : i32
        %dma_wait3A_193 = tpu.memref_slice %arg3[%arg0, %arg1, %add3A_182, %dma_wait3A_192] : memref<2x16x81x128xi32, #tpu.memory_space<hbm>> -> memref<1x1x1x128xi32, #tpu.memory_space<hbm>>
        %dma_wait3A_194 = tpu.memref_squeeze %dma_wait3A_193 : memref<1x1x1x128xi32, #tpu.memory_space<hbm>> -> memref<128xi32, #tpu.memory_space<hbm>>
        tpu.wait_dma2 semaphore(%arg16 : memref<!tpu.dma_semaphore, #tpu.memory_space<semaphore_mem>>) src(%dma_wait3A_194 : memref<128xi32, #tpu.memory_space<hbm>>) dst(%arg9 : memref<128xi32, #tpu.memory_space<vmem>>)
        %dma_start3A_195 = arith.constant 0 : i32
        %dma_start3A_196 = arith.constant 0 : i32
        %dma_start3A_197 = tpu.memref_slice %arg4[%dma_start3A_195, %dma_start3A_196] : memref<10000x128xf32, #tpu.memory_space<hbm>> -> memref<10000x128xf32, #tpu.memory_space<hbm>>
        tpu.enqueue_indirect_dma source(%dma_start3A_197 : memref<10000x128xf32, #tpu.memory_space<hbm>>) target(%arg12 : memref<128x128xf32, #tpu.memory_space<vmem>>) offsets(%arg6 : memref<128xi32, #tpu.memory_space<vmem>>) semaphore(%arg19 : memref<!tpu.dma_semaphore, #tpu.memory_space<semaphore_mem>>)
      } else {
      }
      %dma_wait3A_150 = arith.constant 0 : i32
      %dma_wait3A_151 = arith.constant 0 : i32
      %dma_wait3A_152 = tpu.memref_slice %arg4[%dma_wait3A_150, %dma_wait3A_151] : memref<10000x128xf32, #tpu.memory_space<hbm>> -> memref<10000x128xf32, #tpu.memory_space<hbm>>
      tpu.wait_indirect_dma semaphore(%arg20 : memref<!tpu.dma_semaphore, #tpu.memory_space<semaphore_mem>>) src(%dma_wait3A_152 : memref<10000x128xf32, #tpu.memory_space<hbm>>) dst(%arg13 : memref<128x128xf32, #tpu.memory_space<vmem>>)
      "tpu.region"() ({
        %run_scoped3A = tpu.sem_alloc : memref<!tpu.dma_semaphore, #tpu.memory_space<semaphore_mem>>
        %dma_start3A_181 = arith.constant 0 : i32
        %dma_start3A_182 = arith.constant 0 : i32
        %dma_start3A_183 = tpu.memref_slice %arg15[%dma_start3A_181, %dma_start3A_182] : memref<10112x128xf32, #tpu.memory_space<vmem_shared>> -> memref<10112x128xf32, #tpu.memory_space<vmem_shared>>
        tpu.enqueue_indirect_dma source(%arg13 : memref<128x128xf32, #tpu.memory_space<vmem>>) target(%dma_start3A_183 : memref<10112x128xf32, #tpu.memory_space<vmem_shared>>) offsets(%arg10 : memref<128xi32, #tpu.memory_space<vmem>>) semaphore(%run_scoped3A : memref<!tpu.dma_semaphore, #tpu.memory_space<semaphore_mem>>) {add = true}
        %dma_wait3A_184 = arith.constant 0 : i32
        %dma_wait3A_185 = arith.constant 0 : i32
        %dma_wait3A_186 = tpu.memref_slice %arg15[%dma_wait3A_184, %dma_wait3A_185] : memref<10112x128xf32, #tpu.memory_space<vmem_shared>> -> memref<10112x128xf32, #tpu.memory_space<vmem_shared>>
        tpu.wait_indirect_dma semaphore(%run_scoped3A : memref<!tpu.dma_semaphore, #tpu.memory_space<semaphore_mem>>) src(%arg13 : memref<128x128xf32, #tpu.memory_space<vmem>>) dst(%dma_wait3A_186 : memref<10112x128xf32, #tpu.memory_space<vmem_shared>>)
        tpu.yield
      }) : () -> ()
      %add3A_153 = arith.constant 3 : i32
      %add3A_154 = arith.addi %add3A_142, %add3A_153 : i32
      %lt3A_155 = arith.constant 81 : i32
      %lt3A_156 = arith.cmpi slt, %add3A_154, %lt3A_155 : i32
      %convert_element_type3A_157 = arith.extui %lt3A_156 : i1 to i32
      %cond3A_158 = arith.constant 0 : i32
      %cond3A_159 = arith.cmpi ne, %convert_element_type3A_157, %cond3A_158 : i32
      scf.if %cond3A_159 {
        %add3A_181 = arith.constant 3 : i32
        %add3A_182 = arith.addi %add3A_142, %add3A_181 : i32
        %dma_start3A_183 = arith.constant 0 : i32
        %dma_start3A_184 = tpu.memref_slice %arg2[%arg0, %arg1, %add3A_182, %dma_start3A_183] : memref<2x16x81x128xi32, #tpu.memory_space<hbm>> -> memref<1x1x1x128xi32, #tpu.memory_space<hbm>>
        %dma_start3A_185 = tpu.memref_squeeze %dma_start3A_184 : memref<1x1x1x128xi32, #tpu.memory_space<hbm>> -> memref<128xi32, #tpu.memory_space<hbm>>
        %dma_start3A_186 = arith.constant 0 : i32
        %dma_start3A_187 = tpu.memref_slice %arg2[%arg0, %arg1, %add3A_182, %dma_start3A_186] : memref<2x16x81x128xi32, #tpu.memory_space<hbm>> -> memref<1x1x1x128xi32, #tpu.memory_space<hbm>>
        %dma_start3A_188 = tpu.memref_squeeze %dma_start3A_187 : memref<1x1x1x128xi32, #tpu.memory_space<hbm>> -> memref<128xi32, #tpu.memory_space<hbm>>
        tpu.enqueue_dma source(%dma_start3A_188 : memref<128xi32, #tpu.memory_space<hbm>>) target(%arg7 : memref<128xi32, #tpu.memory_space<vmem>>) target_semaphore(%arg17 : memref<!tpu.dma_semaphore, #tpu.memory_space<semaphore_mem>>)
        %dma_start3A_189 = arith.constant 0 : i32
        %dma_start3A_190 = tpu.memref_slice %arg3[%arg0, %arg1, %add3A_182, %dma_start3A_189] : memref<2x16x81x128xi32, #tpu.memory_space<hbm>> -> memref<1x1x1x128xi32, #tpu.memory_space<hbm>>
        %dma_start3A_191 = tpu.memref_squeeze %dma_start3A_190 : memref<1x1x1x128xi32, #tpu.memory_space<hbm>> -> memref<128xi32, #tpu.memory_space<hbm>>
        %dma_start3A_192 = arith.constant 0 : i32
        %dma_start3A_193 = tpu.memref_slice %arg3[%arg0, %arg1, %add3A_182, %dma_start3A_192] : memref<2x16x81x128xi32, #tpu.memory_space<hbm>> -> memref<1x1x1x128xi32, #tpu.memory_space<hbm>>
        %dma_start3A_194 = tpu.memref_squeeze %dma_start3A_193 : memref<1x1x1x128xi32, #tpu.memory_space<hbm>> -> memref<128xi32, #tpu.memory_space<hbm>>
        tpu.enqueue_dma source(%dma_start3A_194 : memref<128xi32, #tpu.memory_space<hbm>>) target(%arg10 : memref<128xi32, #tpu.memory_space<vmem>>) target_semaphore(%arg17 : memref<!tpu.dma_semaphore, #tpu.memory_space<semaphore_mem>>)
      } else {
      }
      %mul3A_160 = arith.constant 3 : i32
      %mul3A_161 = arith.muli %mul3A_160, %scan3A_120 : i32
      %add3A_162 = arith.constant 2 : i32
      %add3A_163 = arith.addi %mul3A_161, %add3A_162 : i32
      %add3A_164 = arith.constant 2 : i32
      %add3A_165 = arith.addi %add3A_163, %add3A_164 : i32
      %lt3A_166 = arith.constant 81 : i32
      %lt3A_167 = arith.cmpi slt, %add3A_165, %lt3A_166 : i32
      %convert_element_type3A_168 = arith.extui %lt3A_167 : i1 to i32
      %cond3A_169 = arith.constant 0 : i32
      %cond3A_170 = arith.cmpi ne, %convert_element_type3A_168, %cond3A_169 : i32
      scf.if %cond3A_170 {
        %add3A_181 = arith.constant 2 : i32
        %add3A_182 = arith.addi %add3A_163, %add3A_181 : i32
        %dma_wait3A_183 = arith.constant 0 : i32
        %dma_wait3A_184 = tpu.memref_slice %arg2[%arg0, %arg1, %add3A_182, %dma_wait3A_183] : memref<2x16x81x128xi32, #tpu.memory_space<hbm>> -> memref<1x1x1x128xi32, #tpu.memory_space<hbm>>
        %dma_wait3A_185 = tpu.memref_squeeze %dma_wait3A_184 : memref<1x1x1x128xi32, #tpu.memory_space<hbm>> -> memref<128xi32, #tpu.memory_space<hbm>>
        %dma_wait3A_186 = arith.constant 0 : i32
        %dma_wait3A_187 = tpu.memref_slice %arg2[%arg0, %arg1, %add3A_182, %dma_wait3A_186] : memref<2x16x81x128xi32, #tpu.memory_space<hbm>> -> memref<1x1x1x128xi32, #tpu.memory_space<hbm>>
        %dma_wait3A_188 = tpu.memref_squeeze %dma_wait3A_187 : memref<1x1x1x128xi32, #tpu.memory_space<hbm>> -> memref<128xi32, #tpu.memory_space<hbm>>
        tpu.wait_dma2 semaphore(%arg17 : memref<!tpu.dma_semaphore, #tpu.memory_space<semaphore_mem>>) src(%dma_wait3A_188 : memref<128xi32, #tpu.memory_space<hbm>>) dst(%arg7 : memref<128xi32, #tpu.memory_space<vmem>>)
        %dma_wait3A_189 = arith.constant 0 : i32
        %dma_wait3A_190 = tpu.memref_slice %arg3[%arg0, %arg1, %add3A_182, %dma_wait3A_189] : memref<2x16x81x128xi32, #tpu.memory_space<hbm>> -> memref<1x1x1x128xi32, #tpu.memory_space<hbm>>
        %dma_wait3A_191 = tpu.memref_squeeze %dma_wait3A_190 : memref<1x1x1x128xi32, #tpu.memory_space<hbm>> -> memref<128xi32, #tpu.memory_space<hbm>>
        %dma_wait3A_192 = arith.constant 0 : i32
        %dma_wait3A_193 = tpu.memref_slice %arg3[%arg0, %arg1, %add3A_182, %dma_wait3A_192] : memref<2x16x81x128xi32, #tpu.memory_space<hbm>> -> memref<1x1x1x128xi32, #tpu.memory_space<hbm>>
        %dma_wait3A_194 = tpu.memref_squeeze %dma_wait3A_193 : memref<1x1x1x128xi32, #tpu.memory_space<hbm>> -> memref<128xi32, #tpu.memory_space<hbm>>
        tpu.wait_dma2 semaphore(%arg17 : memref<!tpu.dma_semaphore, #tpu.memory_space<semaphore_mem>>) src(%dma_wait3A_194 : memref<128xi32, #tpu.memory_space<hbm>>) dst(%arg10 : memref<128xi32, #tpu.memory_space<vmem>>)
        %dma_start3A_195 = arith.constant 0 : i32
        %dma_start3A_196 = arith.constant 0 : i32
        %dma_start3A_197 = tpu.memref_slice %arg4[%dma_start3A_195, %dma_start3A_196] : memref<10000x128xf32, #tpu.memory_space<hbm>> -> memref<10000x128xf32, #tpu.memory_space<hbm>>
        tpu.enqueue_indirect_dma source(%dma_start3A_197 : memref<10000x128xf32, #tpu.memory_space<hbm>>) target(%arg13 : memref<128x128xf32, #tpu.memory_space<vmem>>) offsets(%arg7 : memref<128xi32, #tpu.memory_space<vmem>>) semaphore(%arg20 : memref<!tpu.dma_semaphore, #tpu.memory_space<semaphore_mem>>)
      } else {
      }
      %dma_wait3A_171 = arith.constant 0 : i32
      %dma_wait3A_172 = arith.constant 0 : i32
      %dma_wait3A_173 = tpu.memref_slice %arg4[%dma_wait3A_171, %dma_wait3A_172] : memref<10000x128xf32, #tpu.memory_space<hbm>> -> memref<10000x128xf32, #tpu.memory_space<hbm>>
      tpu.wait_indirect_dma semaphore(%arg21 : memref<!tpu.dma_semaphore, #tpu.memory_space<semaphore_mem>>) src(%dma_wait3A_173 : memref<10000x128xf32, #tpu.memory_space<hbm>>) dst(%arg14 : memref<128x128xf32, #tpu.memory_space<vmem>>)
      "tpu.region"() ({
        %run_scoped3A = tpu.sem_alloc : memref<!tpu.dma_semaphore, #tpu.memory_space<semaphore_mem>>
        %dma_start3A_181 = arith.constant 0 : i32
        %dma_start3A_182 = arith.constant 0 : i32
        %dma_start3A_183 = tpu.memref_slice %arg15[%dma_start3A_181, %dma_start3A_182] : memref<10112x128xf32, #tpu.memory_space<vmem_shared>> -> memref<10112x128xf32, #tpu.memory_space<vmem_shared>>
        tpu.enqueue_indirect_dma source(%arg14 : memref<128x128xf32, #tpu.memory_space<vmem>>) target(%dma_start3A_183 : memref<10112x128xf32, #tpu.memory_space<vmem_shared>>) offsets(%arg11 : memref<128xi32, #tpu.memory_space<vmem>>) semaphore(%run_scoped3A : memref<!tpu.dma_semaphore, #tpu.memory_space<semaphore_mem>>) {add = true}
        %dma_wait3A_184 = arith.constant 0 : i32
        %dma_wait3A_185 = arith.constant 0 : i32
        %dma_wait3A_186 = tpu.memref_slice %arg15[%dma_wait3A_184, %dma_wait3A_185] : memref<10112x128xf32, #tpu.memory_space<vmem_shared>> -> memref<10112x128xf32, #tpu.memory_space<vmem_shared>>
        tpu.wait_indirect_dma semaphore(%run_scoped3A : memref<!tpu.dma_semaphore, #tpu.memory_space<semaphore_mem>>) src(%arg14 : memref<128x128xf32, #tpu.memory_space<vmem>>) dst(%dma_wait3A_186 : memref<10112x128xf32, #tpu.memory_space<vmem_shared>>)
        tpu.yield
      }) : () -> ()
      %add3A_174 = arith.constant 3 : i32
      %add3A_175 = arith.addi %add3A_163, %add3A_174 : i32
      %lt3A_176 = arith.constant 81 : i32
      %lt3A_177 = arith.cmpi slt, %add3A_175, %lt3A_176 : i32
      %convert_element_type3A_178 = arith.extui %lt3A_177 : i1 to i32
      %cond3A_179 = arith.constant 0 : i32
      %cond3A_180 = arith.cmpi ne, %convert_element_type3A_178, %cond3A_179 : i32
      scf.if %cond3A_180 {
        %add3A_181 = arith.constant 3 : i32
        %add3A_182 = arith.addi %add3A_163, %add3A_181 : i32
        %dma_start3A_183 = arith.constant 0 : i32
        %dma_start3A_184 = tpu.memref_slice %arg2[%arg0, %arg1, %add3A_182, %dma_start3A_183] : memref<2x16x81x128xi32, #tpu.memory_space<hbm>> -> memref<1x1x1x128xi32, #tpu.memory_space<hbm>>
        %dma_start3A_185 = tpu.memref_squeeze %dma_start3A_184 : memref<1x1x1x128xi32, #tpu.memory_space<hbm>> -> memref<128xi32, #tpu.memory_space<hbm>>
        %dma_start3A_186 = arith.constant 0 : i32
        %dma_start3A_187 = tpu.memref_slice %arg2[%arg0, %arg1, %add3A_182, %dma_start3A_186] : memref<2x16x81x128xi32, #tpu.memory_space<hbm>> -> memref<1x1x1x128xi32, #tpu.memory_space<hbm>>
        %dma_start3A_188 = tpu.memref_squeeze %dma_start3A_187 : memref<1x1x1x128xi32, #tpu.memory_space<hbm>> -> memref<128xi32, #tpu.memory_space<hbm>>
        tpu.enqueue_dma source(%dma_start3A_188 : memref<128xi32, #tpu.memory_space<hbm>>) target(%arg8 : memref<128xi32, #tpu.memory_space<vmem>>) target_semaphore(%arg18 : memref<!tpu.dma_semaphore, #tpu.memory_space<semaphore_mem>>)
        %dma_start3A_189 = arith.constant 0 : i32
        %dma_start3A_190 = tpu.memref_slice %arg3[%arg0, %arg1, %add3A_182, %dma_start3A_189] : memref<2x16x81x128xi32, #tpu.memory_space<hbm>> -> memref<1x1x1x128xi32, #tpu.memory_space<hbm>>
        %dma_start3A_191 = tpu.memref_squeeze %dma_start3A_190 : memref<1x1x1x128xi32, #tpu.memory_space<hbm>> -> memref<128xi32, #tpu.memory_space<hbm>>
        %dma_start3A_192 = arith.constant 0 : i32
        %dma_start3A_193 = tpu.memref_slice %arg3[%arg0, %arg1, %add3A_182, %dma_start3A_192] : memref<2x16x81x128xi32, #tpu.memory_space<hbm>> -> memref<1x1x1x128xi32, #tpu.memory_space<hbm>>
        %dma_start3A_194 = tpu.memref_squeeze %dma_start3A_193 : memref<1x1x1x128xi32, #tpu.memory_space<hbm>> -> memref<128xi32, #tpu.memory_space<hbm>>
        tpu.enqueue_dma source(%dma_start3A_194 : memref<128xi32, #tpu.memory_space<hbm>>) target(%arg11 : memref<128xi32, #tpu.memory_space<vmem>>) target_semaphore(%arg18 : memref<!tpu.dma_semaphore, #tpu.memory_space<semaphore_mem>>)
      } else {
      }
    }
    %scan3A_95 = arith.constant 27 : i32
    %barrier3A_96 = arith.constant 0 : index
    tpu.barrier barrier_id(%barrier3A_96)
    %mul3A_97 = arith.constant 10112 : i32
    %mul3A_98 = arith.muli %arg0, %mul3A_97 : i32
    %add3A_99 = arith.addi %mul3A_98, %mul3A_6 : i32
    %add3A_100 = arith.constant 0 : i32
    %add3A_101 = arith.addi %mul3A_6, %add3A_100 : i32
    "tpu.region"() ({
      %run_scoped3A = tpu.sem_alloc : memref<!tpu.dma_semaphore, #tpu.memory_space<semaphore_mem>>
      %dma_start3A_120 = arith.constant 0 : i32
      %dma_start3A_121 = arith.constant 0 : i32
      %dma_start3A_122 = tpu.memref_slice %arg12[%dma_start3A_120, %dma_start3A_121] : memref<128x128xf32, #tpu.memory_space<vmem>> -> memref<128x128xf32, #tpu.memory_space<vmem>>
      %dma_start3A_123 = arith.constant 0 : i32
      %dma_start3A_124 = tpu.memref_slice %arg15[%add3A_101, %dma_start3A_123] : memref<10112x128xf32, #tpu.memory_space<vmem_shared>> -> memref<128x128xf32, #tpu.memory_space<vmem_shared>>
      %dma_start3A_125 = arith.constant 0 : i32
      %dma_start3A_126 = arith.constant 0 : i32
      %dma_start3A_127 = tpu.memref_slice %arg12[%dma_start3A_125, %dma_start3A_126] : memref<128x128xf32, #tpu.memory_space<vmem>> -> memref<128x128xf32, #tpu.memory_space<vmem>>
      %dma_start3A_128 = arith.constant 0 : i32
      %dma_start3A_129 = tpu.memref_slice %arg15[%add3A_101, %dma_start3A_128] : memref<10112x128xf32, #tpu.memory_space<vmem_shared>> -> memref<128x128xf32, #tpu.memory_space<vmem_shared>>
      tpu.enqueue_dma source(%dma_start3A_129 : memref<128x128xf32, #tpu.memory_space<vmem_shared>>) target(%dma_start3A_127 : memref<128x128xf32, #tpu.memory_space<vmem>>) target_semaphore(%run_scoped3A : memref<!tpu.dma_semaphore, #tpu.memory_space<semaphore_mem>>)
      %dma_wait3A_130 = arith.constant 0 : i32
      %dma_wait3A_131 = arith.constant 0 : i32
      %dma_wait3A_132 = tpu.memref_slice %arg12[%dma_wait3A_130, %dma_wait3A_131] : memref<128x128xf32, #tpu.memory_space<vmem>> -> memref<128x128xf32, #tpu.memory_space<vmem>>
      %dma_wait3A_133 = arith.constant 0 : i32
      %dma_wait3A_134 = tpu.memref_slice %arg15[%add3A_101, %dma_wait3A_133] : memref<10112x128xf32, #tpu.memory_space<vmem_shared>> -> memref<128x128xf32, #tpu.memory_space<vmem_shared>>
      %dma_wait3A_135 = arith.constant 0 : i32
      %dma_wait3A_136 = arith.constant 0 : i32
      %dma_wait3A_137 = tpu.memref_slice %arg12[%dma_wait3A_135, %dma_wait3A_136] : memref<128x128xf32, #tpu.memory_space<vmem>> -> memref<128x128xf32, #tpu.memory_space<vmem>>
      %dma_wait3A_138 = arith.constant 0 : i32
      %dma_wait3A_139 = tpu.memref_slice %arg15[%add3A_101, %dma_wait3A_138] : memref<10112x128xf32, #tpu.memory_space<vmem_shared>> -> memref<128x128xf32, #tpu.memory_space<vmem_shared>>
      tpu.wait_dma2 semaphore(%run_scoped3A : memref<!tpu.dma_semaphore, #tpu.memory_space<semaphore_mem>>) src(%dma_wait3A_139 : memref<128x128xf32, #tpu.memory_space<vmem_shared>>) dst(%dma_wait3A_137 : memref<128x128xf32, #tpu.memory_space<vmem>>)
      tpu.yield
    }) : () -> ()
    %add3A_102 = arith.constant 0 : i32
    %add3A_103 = arith.addi %add3A_99, %add3A_102 : i32
    "tpu.region"() ({
      %run_scoped3A = tpu.sem_alloc : memref<!tpu.dma_semaphore, #tpu.memory_space<semaphore_mem>>
      %dma_start3A_120 = arith.constant 0 : i32
      %dma_start3A_121 = arith.constant 0 : i32
      %dma_start3A_122 = tpu.memref_slice %arg12[%dma_start3A_120, %dma_start3A_121] : memref<128x128xf32, #tpu.memory_space<vmem>> -> memref<128x128xf32, #tpu.memory_space<vmem>>
      %dma_start3A_123 = arith.constant 0 : i32
      %dma_start3A_124 = tpu.memref_slice %arg5[%add3A_103, %dma_start3A_123] : memref<20224x128xf32, #tpu.memory_space<hbm>> -> memref<128x128xf32, #tpu.memory_space<hbm>>
      %dma_start3A_125 = arith.constant 0 : i32
      %dma_start3A_126 = tpu.memref_slice %arg5[%add3A_103, %dma_start3A_125] : memref<20224x128xf32, #tpu.memory_space<hbm>> -> memref<128x128xf32, #tpu.memory_space<hbm>>
      %dma_start3A_127 = arith.constant 0 : i32
      %dma_start3A_128 = arith.constant 0 : i32
      %dma_start3A_129 = tpu.memref_slice %arg12[%dma_start3A_127, %dma_start3A_128] : memref<128x128xf32, #tpu.memory_space<vmem>> -> memref<128x128xf32, #tpu.memory_space<vmem>>
      tpu.enqueue_dma source(%dma_start3A_129 : memref<128x128xf32, #tpu.memory_space<vmem>>) target(%dma_start3A_126 : memref<128x128xf32, #tpu.memory_space<hbm>>) target_semaphore(%run_scoped3A : memref<!tpu.dma_semaphore, #tpu.memory_space<semaphore_mem>>)
      %dma_wait3A_130 = arith.constant 0 : i32
      %dma_wait3A_131 = arith.constant 0 : i32
      %dma_wait3A_132 = tpu.memref_slice %arg12[%dma_wait3A_130, %dma_wait3A_131] : memref<128x128xf32, #tpu.memory_space<vmem>> -> memref<128x128xf32, #tpu.memory_space<vmem>>
      %dma_wait3A_133 = arith.constant 0 : i32
      %dma_wait3A_134 = tpu.memref_slice %arg5[%add3A_103, %dma_wait3A_133] : memref<20224x128xf32, #tpu.memory_space<hbm>> -> memref<128x128xf32, #tpu.memory_space<hbm>>
      %dma_wait3A_135 = arith.constant 0 : i32
      %dma_wait3A_136 = tpu.memref_slice %arg5[%add3A_103, %dma_wait3A_135] : memref<20224x128xf32, #tpu.memory_space<hbm>> -> memref<128x128xf32, #tpu.memory_space<hbm>>
      %dma_wait3A_137 = arith.constant 0 : i32
      %dma_wait3A_138 = arith.constant 0 : i32
      %dma_wait3A_139 = tpu.memref_slice %arg12[%dma_wait3A_137, %dma_wait3A_138] : memref<128x128xf32, #tpu.memory_space<vmem>> -> memref<128x128xf32, #tpu.memory_space<vmem>>
      tpu.wait_dma2 semaphore(%run_scoped3A : memref<!tpu.dma_semaphore, #tpu.memory_space<semaphore_mem>>) src(%dma_wait3A_139 : memref<128x128xf32, #tpu.memory_space<vmem>>) dst(%dma_wait3A_136 : memref<128x128xf32, #tpu.memory_space<hbm>>)
      tpu.yield
    }) : () -> ()
    %add3A_104 = arith.constant 128 : i32
    %add3A_105 = arith.addi %mul3A_6, %add3A_104 : i32
    "tpu.region"() ({
      %run_scoped3A = tpu.sem_alloc : memref<!tpu.dma_semaphore, #tpu.memory_space<semaphore_mem>>
      %dma_start3A_120 = arith.constant 0 : i32
      %dma_start3A_121 = arith.constant 0 : i32
      %dma_start3A_122 = tpu.memref_slice %arg12[%dma_start3A_120, %dma_start3A_121] : memref<128x128xf32, #tpu.memory_space<vmem>> -> memref<128x128xf32, #tpu.memory_space<vmem>>
      %dma_start3A_123 = arith.constant 0 : i32
      %dma_start3A_124 = tpu.memref_slice %arg15[%add3A_105, %dma_start3A_123] : memref<10112x128xf32, #tpu.memory_space<vmem_shared>> -> memref<128x128xf32, #tpu.memory_space<vmem_shared>>
      %dma_start3A_125 = arith.constant 0 : i32
      %dma_start3A_126 = arith.constant 0 : i32
      %dma_start3A_127 = tpu.memref_slice %arg12[%dma_start3A_125, %dma_start3A_126] : memref<128x128xf32, #tpu.memory_space<vmem>> -> memref<128x128xf32, #tpu.memory_space<vmem>>
      %dma_start3A_128 = arith.constant 0 : i32
      %dma_start3A_129 = tpu.memref_slice %arg15[%add3A_105, %dma_start3A_128] : memref<10112x128xf32, #tpu.memory_space<vmem_shared>> -> memref<128x128xf32, #tpu.memory_space<vmem_shared>>
      tpu.enqueue_dma source(%dma_start3A_129 : memref<128x128xf32, #tpu.memory_space<vmem_shared>>) target(%dma_start3A_127 : memref<128x128xf32, #tpu.memory_space<vmem>>) target_semaphore(%run_scoped3A : memref<!tpu.dma_semaphore, #tpu.memory_space<semaphore_mem>>)
      %dma_wait3A_130 = arith.constant 0 : i32
      %dma_wait3A_131 = arith.constant 0 : i32
      %dma_wait3A_132 = tpu.memref_slice %arg12[%dma_wait3A_130, %dma_wait3A_131] : memref<128x128xf32, #tpu.memory_space<vmem>> -> memref<128x128xf32, #tpu.memory_space<vmem>>
      %dma_wait3A_133 = arith.constant 0 : i32
      %dma_wait3A_134 = tpu.memref_slice %arg15[%add3A_105, %dma_wait3A_133] : memref<10112x128xf32, #tpu.memory_space<vmem_shared>> -> memref<128x128xf32, #tpu.memory_space<vmem_shared>>
      %dma_wait3A_135 = arith.constant 0 : i32
      %dma_wait3A_136 = arith.constant 0 : i32
      %dma_wait3A_137 = tpu.memref_slice %arg12[%dma_wait3A_135, %dma_wait3A_136] : memref<128x128xf32, #tpu.memory_space<vmem>> -> memref<128x128xf32, #tpu.memory_space<vmem>>
      %dma_wait3A_138 = arith.constant 0 : i32
      %dma_wait3A_139 = tpu.memref_slice %arg15[%add3A_105, %dma_wait3A_138] : memref<10112x128xf32, #tpu.memory_space<vmem_shared>> -> memref<128x128xf32, #tpu.memory_space<vmem_shared>>
      tpu.wait_dma2 semaphore(%run_scoped3A : memref<!tpu.dma_semaphore, #tpu.memory_space<semaphore_mem>>) src(%dma_wait3A_139 : memref<128x128xf32, #tpu.memory_space<vmem_shared>>) dst(%dma_wait3A_137 : memref<128x128xf32, #tpu.memory_space<vmem>>)
      tpu.yield
    }) : () -> ()
    %add3A_106 = arith.constant 128 : i32
    %add3A_107 = arith.addi %add3A_99, %add3A_106 : i32
    "tpu.region"() ({
      %run_scoped3A = tpu.sem_alloc : memref<!tpu.dma_semaphore, #tpu.memory_space<semaphore_mem>>
      %dma_start3A_120 = arith.constant 0 : i32
      %dma_start3A_121 = arith.constant 0 : i32
      %dma_start3A_122 = tpu.memref_slice %arg12[%dma_start3A_120, %dma_start3A_121] : memref<128x128xf32, #tpu.memory_space<vmem>> -> memref<128x128xf32, #tpu.memory_space<vmem>>
      %dma_start3A_123 = arith.constant 0 : i32
      %dma_start3A_124 = tpu.memref_slice %arg5[%add3A_107, %dma_start3A_123] : memref<20224x128xf32, #tpu.memory_space<hbm>> -> memref<128x128xf32, #tpu.memory_space<hbm>>
      %dma_start3A_125 = arith.constant 0 : i32
      %dma_start3A_126 = tpu.memref_slice %arg5[%add3A_107, %dma_start3A_125] : memref<20224x128xf32, #tpu.memory_space<hbm>> -> memref<128x128xf32, #tpu.memory_space<hbm>>
      %dma_start3A_127 = arith.constant 0 : i32
      %dma_start3A_128 = arith.constant 0 : i32
      %dma_start3A_129 = tpu.memref_slice %arg12[%dma_start3A_127, %dma_start3A_128] : memref<128x128xf32, #tpu.memory_space<vmem>> -> memref<128x128xf32, #tpu.memory_space<vmem>>
      tpu.enqueue_dma source(%dma_start3A_129 : memref<128x128xf32, #tpu.memory_space<vmem>>) target(%dma_start3A_126 : memref<128x128xf32, #tpu.memory_space<hbm>>) target_semaphore(%run_scoped3A : memref<!tpu.dma_semaphore, #tpu.memory_space<semaphore_mem>>)
      %dma_wait3A_130 = arith.constant 0 : i32
      %dma_wait3A_131 = arith.constant 0 : i32
      %dma_wait3A_132 = tpu.memref_slice %arg12[%dma_wait3A_130, %dma_wait3A_131] : memref<128x128xf32, #tpu.memory_space<vmem>> -> memref<128x128xf32, #tpu.memory_space<vmem>>
      %dma_wait3A_133 = arith.constant 0 : i32
      %dma_wait3A_134 = tpu.memref_slice %arg5[%add3A_107, %dma_wait3A_133] : memref<20224x128xf32, #tpu.memory_space<hbm>> -> memref<128x128xf32, #tpu.memory_space<hbm>>
      %dma_wait3A_135 = arith.constant 0 : i32
      %dma_wait3A_136 = tpu.memref_slice %arg5[%add3A_107, %dma_wait3A_135] : memref<20224x128xf32, #tpu.memory_space<hbm>> -> memref<128x128xf32, #tpu.memory_space<hbm>>
      %dma_wait3A_137 = arith.constant 0 : i32
      %dma_wait3A_138 = arith.constant 0 : i32
      %dma_wait3A_139 = tpu.memref_slice %arg12[%dma_wait3A_137, %dma_wait3A_138] : memref<128x128xf32, #tpu.memory_space<vmem>> -> memref<128x128xf32, #tpu.memory_space<vmem>>
      tpu.wait_dma2 semaphore(%run_scoped3A : memref<!tpu.dma_semaphore, #tpu.memory_space<semaphore_mem>>) src(%dma_wait3A_139 : memref<128x128xf32, #tpu.memory_space<vmem>>) dst(%dma_wait3A_136 : memref<128x128xf32, #tpu.memory_space<hbm>>)
      tpu.yield
    }) : () -> ()
    %add3A_108 = arith.constant 256 : i32
    %add3A_109 = arith.addi %mul3A_6, %add3A_108 : i32
    "tpu.region"() ({
      %run_scoped3A = tpu.sem_alloc : memref<!tpu.dma_semaphore, #tpu.memory_space<semaphore_mem>>
      %dma_start3A_120 = arith.constant 0 : i32
      %dma_start3A_121 = arith.constant 0 : i32
      %dma_start3A_122 = tpu.memref_slice %arg12[%dma_start3A_120, %dma_start3A_121] : memref<128x128xf32, #tpu.memory_space<vmem>> -> memref<128x128xf32, #tpu.memory_space<vmem>>
      %dma_start3A_123 = arith.constant 0 : i32
      %dma_start3A_124 = tpu.memref_slice %arg15[%add3A_109, %dma_start3A_123] : memref<10112x128xf32, #tpu.memory_space<vmem_shared>> -> memref<128x128xf32, #tpu.memory_space<vmem_shared>>
      %dma_start3A_125 = arith.constant 0 : i32
      %dma_start3A_126 = arith.constant 0 : i32
      %dma_start3A_127 = tpu.memref_slice %arg12[%dma_start3A_125, %dma_start3A_126] : memref<128x128xf32, #tpu.memory_space<vmem>> -> memref<128x128xf32, #tpu.memory_space<vmem>>
      %dma_start3A_128 = arith.constant 0 : i32
      %dma_start3A_129 = tpu.memref_slice %arg15[%add3A_109, %dma_start3A_128] : memref<10112x128xf32, #tpu.memory_space<vmem_shared>> -> memref<128x128xf32, #tpu.memory_space<vmem_shared>>
      tpu.enqueue_dma source(%dma_start3A_129 : memref<128x128xf32, #tpu.memory_space<vmem_shared>>) target(%dma_start3A_127 : memref<128x128xf32, #tpu.memory_space<vmem>>) target_semaphore(%run_scoped3A : memref<!tpu.dma_semaphore, #tpu.memory_space<semaphore_mem>>)
      %dma_wait3A_130 = arith.constant 0 : i32
      %dma_wait3A_131 = arith.constant 0 : i32
      %dma_wait3A_132 = tpu.memref_slice %arg12[%dma_wait3A_130, %dma_wait3A_131] : memref<128x128xf32, #tpu.memory_space<vmem>> -> memref<128x128xf32, #tpu.memory_space<vmem>>
      %dma_wait3A_133 = arith.constant 0 : i32
      %dma_wait3A_134 = tpu.memref_slice %arg15[%add3A_109, %dma_wait3A_133] : memref<10112x128xf32, #tpu.memory_space<vmem_shared>> -> memref<128x128xf32, #tpu.memory_space<vmem_shared>>
      %dma_wait3A_135 = arith.constant 0 : i32
      %dma_wait3A_136 = arith.constant 0 : i32
      %dma_wait3A_137 = tpu.memref_slice %arg12[%dma_wait3A_135, %dma_wait3A_136] : memref<128x128xf32, #tpu.memory_space<vmem>> -> memref<128x128xf32, #tpu.memory_space<vmem>>
      %dma_wait3A_138 = arith.constant 0 : i32
      %dma_wait3A_139 = tpu.memref_slice %arg15[%add3A_109, %dma_wait3A_138] : memref<10112x128xf32, #tpu.memory_space<vmem_shared>> -> memref<128x128xf32, #tpu.memory_space<vmem_shared>>
      tpu.wait_dma2 semaphore(%run_scoped3A : memref<!tpu.dma_semaphore, #tpu.memory_space<semaphore_mem>>) src(%dma_wait3A_139 : memref<128x128xf32, #tpu.memory_space<vmem_shared>>) dst(%dma_wait3A_137 : memref<128x128xf32, #tpu.memory_space<vmem>>)
      tpu.yield
    }) : () -> ()
    %add3A_110 = arith.constant 256 : i32
    %add3A_111 = arith.addi %add3A_99, %add3A_110 : i32
    "tpu.region"() ({
      %run_scoped3A = tpu.sem_alloc : memref<!tpu.dma_semaphore, #tpu.memory_space<semaphore_mem>>
      %dma_start3A_120 = arith.constant 0 : i32
      %dma_start3A_121 = arith.constant 0 : i32
      %dma_start3A_122 = tpu.memref_slice %arg12[%dma_start3A_120, %dma_start3A_121] : memref<128x128xf32, #tpu.memory_space<vmem>> -> memref<128x128xf32, #tpu.memory_space<vmem>>
      %dma_start3A_123 = arith.constant 0 : i32
      %dma_start3A_124 = tpu.memref_slice %arg5[%add3A_111, %dma_start3A_123] : memref<20224x128xf32, #tpu.memory_space<hbm>> -> memref<128x128xf32, #tpu.memory_space<hbm>>
      %dma_start3A_125 = arith.constant 0 : i32
      %dma_start3A_126 = tpu.memref_slice %arg5[%add3A_111, %dma_start3A_125] : memref<20224x128xf32, #tpu.memory_space<hbm>> -> memref<128x128xf32, #tpu.memory_space<hbm>>
      %dma_start3A_127 = arith.constant 0 : i32
      %dma_start3A_128 = arith.constant 0 : i32
      %dma_start3A_129 = tpu.memref_slice %arg12[%dma_start3A_127, %dma_start3A_128] : memref<128x128xf32, #tpu.memory_space<vmem>> -> memref<128x128xf32, #tpu.memory_space<vmem>>
      tpu.enqueue_dma source(%dma_start3A_129 : memref<128x128xf32, #tpu.memory_space<vmem>>) target(%dma_start3A_126 : memref<128x128xf32, #tpu.memory_space<hbm>>) target_semaphore(%run_scoped3A : memref<!tpu.dma_semaphore, #tpu.memory_space<semaphore_mem>>)
      %dma_wait3A_130 = arith.constant 0 : i32
      %dma_wait3A_131 = arith.constant 0 : i32
      %dma_wait3A_132 = tpu.memref_slice %arg12[%dma_wait3A_130, %dma_wait3A_131] : memref<128x128xf32, #tpu.memory_space<vmem>> -> memref<128x128xf32, #tpu.memory_space<vmem>>
      %dma_wait3A_133 = arith.constant 0 : i32
      %dma_wait3A_134 = tpu.memref_slice %arg5[%add3A_111, %dma_wait3A_133] : memref<20224x128xf32, #tpu.memory_space<hbm>> -> memref<128x128xf32, #tpu.memory_space<hbm>>
      %dma_wait3A_135 = arith.constant 0 : i32
      %dma_wait3A_136 = tpu.memref_slice %arg5[%add3A_111, %dma_wait3A_135] : memref<20224x128xf32, #tpu.memory_space<hbm>> -> memref<128x128xf32, #tpu.memory_space<hbm>>
      %dma_wait3A_137 = arith.constant 0 : i32
      %dma_wait3A_138 = arith.constant 0 : i32
      %dma_wait3A_139 = tpu.memref_slice %arg12[%dma_wait3A_137, %dma_wait3A_138] : memref<128x128xf32, #tpu.memory_space<vmem>> -> memref<128x128xf32, #tpu.memory_space<vmem>>
      tpu.wait_dma2 semaphore(%run_scoped3A : memref<!tpu.dma_semaphore, #tpu.memory_space<semaphore_mem>>) src(%dma_wait3A_139 : memref<128x128xf32, #tpu.memory_space<vmem>>) dst(%dma_wait3A_136 : memref<128x128xf32, #tpu.memory_space<hbm>>)
      tpu.yield
    }) : () -> ()
    %add3A_112 = arith.constant 384 : i32
    %add3A_113 = arith.addi %mul3A_6, %add3A_112 : i32
    "tpu.region"() ({
      %run_scoped3A = tpu.sem_alloc : memref<!tpu.dma_semaphore, #tpu.memory_space<semaphore_mem>>
      %dma_start3A_120 = arith.constant 0 : i32
      %dma_start3A_121 = arith.constant 0 : i32
      %dma_start3A_122 = tpu.memref_slice %arg12[%dma_start3A_120, %dma_start3A_121] : memref<128x128xf32, #tpu.memory_space<vmem>> -> memref<128x128xf32, #tpu.memory_space<vmem>>
      %dma_start3A_123 = arith.constant 0 : i32
      %dma_start3A_124 = tpu.memref_slice %arg15[%add3A_113, %dma_start3A_123] : memref<10112x128xf32, #tpu.memory_space<vmem_shared>> -> memref<128x128xf32, #tpu.memory_space<vmem_shared>>
      %dma_start3A_125 = arith.constant 0 : i32
      %dma_start3A_126 = arith.constant 0 : i32
      %dma_start3A_127 = tpu.memref_slice %arg12[%dma_start3A_125, %dma_start3A_126] : memref<128x128xf32, #tpu.memory_space<vmem>> -> memref<128x128xf32, #tpu.memory_space<vmem>>
      %dma_start3A_128 = arith.constant 0 : i32
      %dma_start3A_129 = tpu.memref_slice %arg15[%add3A_113, %dma_start3A_128] : memref<10112x128xf32, #tpu.memory_space<vmem_shared>> -> memref<128x128xf32, #tpu.memory_space<vmem_shared>>
      tpu.enqueue_dma source(%dma_start3A_129 : memref<128x128xf32, #tpu.memory_space<vmem_shared>>) target(%dma_start3A_127 : memref<128x128xf32, #tpu.memory_space<vmem>>) target_semaphore(%run_scoped3A : memref<!tpu.dma_semaphore, #tpu.memory_space<semaphore_mem>>)
      %dma_wait3A_130 = arith.constant 0 : i32
      %dma_wait3A_131 = arith.constant 0 : i32
      %dma_wait3A_132 = tpu.memref_slice %arg12[%dma_wait3A_130, %dma_wait3A_131] : memref<128x128xf32, #tpu.memory_space<vmem>> -> memref<128x128xf32, #tpu.memory_space<vmem>>
      %dma_wait3A_133 = arith.constant 0 : i32
      %dma_wait3A_134 = tpu.memref_slice %arg15[%add3A_113, %dma_wait3A_133] : memref<10112x128xf32, #tpu.memory_space<vmem_shared>> -> memref<128x128xf32, #tpu.memory_space<vmem_shared>>
      %dma_wait3A_135 = arith.constant 0 : i32
      %dma_wait3A_136 = arith.constant 0 : i32
      %dma_wait3A_137 = tpu.memref_slice %arg12[%dma_wait3A_135, %dma_wait3A_136] : memref<128x128xf32, #tpu.memory_space<vmem>> -> memref<128x128xf32, #tpu.memory_space<vmem>>
      %dma_wait3A_138 = arith.constant 0 : i32
      %dma_wait3A_139 = tpu.memref_slice %arg15[%add3A_113, %dma_wait3A_138] : memref<10112x128xf32, #tpu.memory_space<vmem_shared>> -> memref<128x128xf32, #tpu.memory_space<vmem_shared>>
      tpu.wait_dma2 semaphore(%run_scoped3A : memref<!tpu.dma_semaphore, #tpu.memory_space<semaphore_mem>>) src(%dma_wait3A_139 : memref<128x128xf32, #tpu.memory_space<vmem_shared>>) dst(%dma_wait3A_137 : memref<128x128xf32, #tpu.memory_space<vmem>>)
      tpu.yield
    }) : () -> ()
    %add3A_114 = arith.constant 384 : i32
    %add3A_115 = arith.addi %add3A_99, %add3A_114 : i32
    "tpu.region"() ({
      %run_scoped3A = tpu.sem_alloc : memref<!tpu.dma_semaphore, #tpu.memory_space<semaphore_mem>>
      %dma_start3A_120 = arith.constant 0 : i32
      %dma_start3A_121 = arith.constant 0 : i32
      %dma_start3A_122 = tpu.memref_slice %arg12[%dma_start3A_120, %dma_start3A_121] : memref<128x128xf32, #tpu.memory_space<vmem>> -> memref<128x128xf32, #tpu.memory_space<vmem>>
      %dma_start3A_123 = arith.constant 0 : i32
      %dma_start3A_124 = tpu.memref_slice %arg5[%add3A_115, %dma_start3A_123] : memref<20224x128xf32, #tpu.memory_space<hbm>> -> memref<128x128xf32, #tpu.memory_space<hbm>>
      %dma_start3A_125 = arith.constant 0 : i32
      %dma_start3A_126 = tpu.memref_slice %arg5[%add3A_115, %dma_start3A_125] : memref<20224x128xf32, #tpu.memory_space<hbm>> -> memref<128x128xf32, #tpu.memory_space<hbm>>
      %dma_start3A_127 = arith.constant 0 : i32
      %dma_start3A_128 = arith.constant 0 : i32
      %dma_start3A_129 = tpu.memref_slice %arg12[%dma_start3A_127, %dma_start3A_128] : memref<128x128xf32, #tpu.memory_space<vmem>> -> memref<128x128xf32, #tpu.memory_space<vmem>>
      tpu.enqueue_dma source(%dma_start3A_129 : memref<128x128xf32, #tpu.memory_space<vmem>>) target(%dma_start3A_126 : memref<128x128xf32, #tpu.memory_space<hbm>>) target_semaphore(%run_scoped3A : memref<!tpu.dma_semaphore, #tpu.memory_space<semaphore_mem>>)
      %dma_wait3A_130 = arith.constant 0 : i32
      %dma_wait3A_131 = arith.constant 0 : i32
      %dma_wait3A_132 = tpu.memref_slice %arg12[%dma_wait3A_130, %dma_wait3A_131] : memref<128x128xf32, #tpu.memory_space<vmem>> -> memref<128x128xf32, #tpu.memory_space<vmem>>
      %dma_wait3A_133 = arith.constant 0 : i32
      %dma_wait3A_134 = tpu.memref_slice %arg5[%add3A_115, %dma_wait3A_133] : memref<20224x128xf32, #tpu.memory_space<hbm>> -> memref<128x128xf32, #tpu.memory_space<hbm>>
      %dma_wait3A_135 = arith.constant 0 : i32
      %dma_wait3A_136 = tpu.memref_slice %arg5[%add3A_115, %dma_wait3A_135] : memref<20224x128xf32, #tpu.memory_space<hbm>> -> memref<128x128xf32, #tpu.memory_space<hbm>>
      %dma_wait3A_137 = arith.constant 0 : i32
      %dma_wait3A_138 = arith.constant 0 : i32
      %dma_wait3A_139 = tpu.memref_slice %arg12[%dma_wait3A_137, %dma_wait3A_138] : memref<128x128xf32, #tpu.memory_space<vmem>> -> memref<128x128xf32, #tpu.memory_space<vmem>>
      tpu.wait_dma2 semaphore(%run_scoped3A : memref<!tpu.dma_semaphore, #tpu.memory_space<semaphore_mem>>) src(%dma_wait3A_139 : memref<128x128xf32, #tpu.memory_space<vmem>>) dst(%dma_wait3A_136 : memref<128x128xf32, #tpu.memory_space<hbm>>)
      tpu.yield
    }) : () -> ()
    %add3A_116 = arith.constant 512 : i32
    %add3A_117 = arith.addi %mul3A_6, %add3A_116 : i32
    "tpu.region"() ({
      %run_scoped3A = tpu.sem_alloc : memref<!tpu.dma_semaphore, #tpu.memory_space<semaphore_mem>>
      %dma_start3A_120 = arith.constant 0 : i32
      %dma_start3A_121 = arith.constant 0 : i32
      %dma_start3A_122 = tpu.memref_slice %arg12[%dma_start3A_120, %dma_start3A_121] : memref<128x128xf32, #tpu.memory_space<vmem>> -> memref<120x128xf32, #tpu.memory_space<vmem>>
      %dma_start3A_123 = arith.constant 0 : i32
      %dma_start3A_124 = tpu.memref_slice %arg15[%add3A_117, %dma_start3A_123] : memref<10112x128xf32, #tpu.memory_space<vmem_shared>> -> memref<120x128xf32, #tpu.memory_space<vmem_shared>>
      %dma_start3A_125 = arith.constant 0 : i32
      %dma_start3A_126 = arith.constant 0 : i32
      %dma_start3A_127 = tpu.memref_slice %arg12[%dma_start3A_125, %dma_start3A_126] : memref<128x128xf32, #tpu.memory_space<vmem>> -> memref<120x128xf32, #tpu.memory_space<vmem>>
      %dma_start3A_128 = arith.constant 0 : i32
      %dma_start3A_129 = tpu.memref_slice %arg15[%add3A_117, %dma_start3A_128] : memref<10112x128xf32, #tpu.memory_space<vmem_shared>> -> memref<120x128xf32, #tpu.memory_space<vmem_shared>>
      tpu.enqueue_dma source(%dma_start3A_129 : memref<120x128xf32, #tpu.memory_space<vmem_shared>>) target(%dma_start3A_127 : memref<120x128xf32, #tpu.memory_space<vmem>>) target_semaphore(%run_scoped3A : memref<!tpu.dma_semaphore, #tpu.memory_space<semaphore_mem>>)
      %dma_wait3A_130 = arith.constant 0 : i32
      %dma_wait3A_131 = arith.constant 0 : i32
      %dma_wait3A_132 = tpu.memref_slice %arg12[%dma_wait3A_130, %dma_wait3A_131] : memref<128x128xf32, #tpu.memory_space<vmem>> -> memref<120x128xf32, #tpu.memory_space<vmem>>
      %dma_wait3A_133 = arith.constant 0 : i32
      %dma_wait3A_134 = tpu.memref_slice %arg15[%add3A_117, %dma_wait3A_133] : memref<10112x128xf32, #tpu.memory_space<vmem_shared>> -> memref<120x128xf32, #tpu.memory_space<vmem_shared>>
      %dma_wait3A_135 = arith.constant 0 : i32
      %dma_wait3A_136 = arith.constant 0 : i32
      %dma_wait3A_137 = tpu.memref_slice %arg12[%dma_wait3A_135, %dma_wait3A_136] : memref<128x128xf32, #tpu.memory_space<vmem>> -> memref<120x128xf32, #tpu.memory_space<vmem>>
      %dma_wait3A_138 = arith.constant 0 : i32
      %dma_wait3A_139 = tpu.memref_slice %arg15[%add3A_117, %dma_wait3A_138] : memref<10112x128xf32, #tpu.memory_space<vmem_shared>> -> memref<120x128xf32, #tpu.memory_space<vmem_shared>>
      tpu.wait_dma2 semaphore(%run_scoped3A : memref<!tpu.dma_semaphore, #tpu.memory_space<semaphore_mem>>) src(%dma_wait3A_139 : memref<120x128xf32, #tpu.memory_space<vmem_shared>>) dst(%dma_wait3A_137 : memref<120x128xf32, #tpu.memory_space<vmem>>)
      tpu.yield
    }) : () -> ()
    %add3A_118 = arith.constant 512 : i32
    %add3A_119 = arith.addi %add3A_99, %add3A_118 : i32
    "tpu.region"() ({
      %run_scoped3A = tpu.sem_alloc : memref<!tpu.dma_semaphore, #tpu.memory_space<semaphore_mem>>
      %dma_start3A_120 = arith.constant 0 : i32
      %dma_start3A_121 = arith.constant 0 : i32
      %dma_start3A_122 = tpu.memref_slice %arg12[%dma_start3A_120, %dma_start3A_121] : memref<128x128xf32, #tpu.memory_space<vmem>> -> memref<120x128xf32, #tpu.memory_space<vmem>>
      %dma_start3A_123 = arith.constant 0 : i32
      %dma_start3A_124 = tpu.memref_slice %arg5[%add3A_119, %dma_start3A_123] : memref<20224x128xf32, #tpu.memory_space<hbm>> -> memref<120x128xf32, #tpu.memory_space<hbm>>
      %dma_start3A_125 = arith.constant 0 : i32
      %dma_start3A_126 = tpu.memref_slice %arg5[%add3A_119, %dma_start3A_125] : memref<20224x128xf32, #tpu.memory_space<hbm>> -> memref<120x128xf32, #tpu.memory_space<hbm>>
      %dma_start3A_127 = arith.constant 0 : i32
      %dma_start3A_128 = arith.constant 0 : i32
      %dma_start3A_129 = tpu.memref_slice %arg12[%dma_start3A_127, %dma_start3A_128] : memref<128x128xf32, #tpu.memory_space<vmem>> -> memref<120x128xf32, #tpu.memory_space<vmem>>
      tpu.enqueue_dma source(%dma_start3A_129 : memref<120x128xf32, #tpu.memory_space<vmem>>) target(%dma_start3A_126 : memref<120x128xf32, #tpu.memory_space<hbm>>) target_semaphore(%run_scoped3A : memref<!tpu.dma_semaphore, #tpu.memory_space<semaphore_mem>>)
      %dma_wait3A_130 = arith.constant 0 : i32
      %dma_wait3A_131 = arith.constant 0 : i32
      %dma_wait3A_132 = tpu.memref_slice %arg12[%dma_wait3A_130, %dma_wait3A_131] : memref<128x128xf32, #tpu.memory_space<vmem>> -> memref<120x128xf32, #tpu.memory_space<vmem>>
      %dma_wait3A_133 = arith.constant 0 : i32
      %dma_wait3A_134 = tpu.memref_slice %arg5[%add3A_119, %dma_wait3A_133] : memref<20224x128xf32, #tpu.memory_space<hbm>> -> memref<120x128xf32, #tpu.memory_space<hbm>>
      %dma_wait3A_135 = arith.constant 0 : i32
      %dma_wait3A_136 = tpu.memref_slice %arg5[%add3A_119, %dma_wait3A_135] : memref<20224x128xf32, #tpu.memory_space<hbm>> -> memref<120x128xf32, #tpu.memory_space<hbm>>
      %dma_wait3A_137 = arith.constant 0 : i32
      %dma_wait3A_138 = arith.constant 0 : i32
      %dma_wait3A_139 = tpu.memref_slice %arg12[%dma_wait3A_137, %dma_wait3A_138] : memref<128x128xf32, #tpu.memory_space<vmem>> -> memref<120x128xf32, #tpu.memory_space<vmem>>
      tpu.wait_dma2 semaphore(%run_scoped3A : memref<!tpu.dma_semaphore, #tpu.memory_space<semaphore_mem>>) src(%dma_wait3A_139 : memref<120x128xf32, #tpu.memory_space<vmem>>) dst(%dma_wait3A_136 : memref<120x128xf32, #tpu.memory_space<hbm>>)
      tpu.yield
    }) : () -> ()
    return
  }
}

#map = affine_map<(d0, d1) -> (0, 0, 0, 0)>
#map1 = affine_map<(d0, d1) -> (0, 0)>
module attributes {stable_mosaic.version = 14 : i64} {
  func.func @segsum(%arg0: i32, %arg1: i32, %arg2: memref<2x16x162x128xi32, #tpu.memory_space<hbm>>, %arg3: memref<2x16x162x128xi32, #tpu.memory_space<hbm>>, %arg4: memref<20000x128xf32, #tpu.memory_space<hbm>>, %arg5: memref<20224x128xf32, #tpu.memory_space<hbm>>, %arg6: memref<128xi32, #tpu.memory_space<vmem>>, %arg7: memref<128xi32, #tpu.memory_space<vmem>>, %arg8: memref<128xi32, #tpu.memory_space<vmem>>, %arg9: memref<128xi32, #tpu.memory_space<vmem>>, %arg10: memref<128xi32, #tpu.memory_space<vmem>>, %arg11: memref<128xi32, #tpu.memory_space<vmem>>, %arg12: memref<128x128xf32, #tpu.memory_space<vmem>>, %arg13: memref<128x128xf32, #tpu.memory_space<vmem>>, %arg14: memref<128x128xf32, #tpu.memory_space<vmem>>, %arg15: memref<10112x128xf32, #tpu.memory_space<vmem_shared>>, %arg16: memref<!tpu.dma_semaphore, #tpu.memory_space<semaphore_mem>>, %arg17: memref<!tpu.dma_semaphore, #tpu.memory_space<semaphore_mem>>, %arg18: memref<!tpu.dma_semaphore, #tpu.memory_space<semaphore_mem>>, %arg19: memref<!tpu.dma_semaphore, #tpu.memory_space<semaphore_mem>>, %arg20: memref<!tpu.dma_semaphore, #tpu.memory_space<semaphore_mem>>, %arg21: memref<!tpu.dma_semaphore, #tpu.memory_space<semaphore_mem>>) attributes {dimension_semantics = [#tpu.dimension_semantics<core_parallel>, #tpu.dimension_semantics<subcore_parallel>], iteration_bounds = array<i64: 2, 16>, scalar_prefetch = 0 : i64, scratch_operands = 16 : i64, tpu.core_type = #tpu.core_type<sc_vector_subcore>, window_params = [{transform_indices = #map}, {transform_indices = #map}, {transform_indices = #map1}, {transform_indices = #map1}]} {
    %broadcast_in_dim3A = arith.constant 0.000000e+00 : f32
    %broadcast_in_dim3A_0 = vector.broadcast %broadcast_in_dim3A : f32 to vector<16xf32>
    %scan3A = arith.constant 0 : i32
    %scan3A_1 = arith.constant 0 : i32
    %scan3A_2 = arith.constant 128 : i32
    %scan3A_3 = arith.addi %scan3A_1, %scan3A_2 : i32
    %scan3A_4 = arith.constant 1 : i32
    scf.for %scan3A_120 = %scan3A_1 to %scan3A_3 step %scan3A_4  : i32 {
      %swap3A = arith.index_cast %scan3A_120 : i32 to index
      %swap3A_121 = arith.constant 0 : index
      %swap3A_122 = tpu.vector_load %arg12[%swap3A, %swap3A_121] {strides = array<i32>} : memref<128x128xf32, #tpu.memory_space<vmem>>, vector<1x16xf32>,
      %swap3A_123 = vector.shape_cast %swap3A_122 : vector<1x16xf32> to vector<16xf32>
      %swap3A_124 = vector.shape_cast %broadcast_in_dim3A_0 : vector<16xf32> to vector<1x16xf32>
      tpu.vector_store %arg12[%swap3A, %swap3A_121], %swap3A_124 {strides = array<i32>} : memref<128x128xf32, #tpu.memory_space<vmem>>, vector<1x16xf32>,
      %swap3A_125 = arith.index_cast %scan3A_120 : i32 to index
      %swap3A_126 = arith.constant 16 : index
      %swap3A_127 = tpu.vector_load %arg12[%swap3A_125, %swap3A_126] {strides = array<i32>} : memref<128x128xf32, #tpu.memory_space<vmem>>, vector<1x16xf32>,
      %swap3A_128 = vector.shape_cast %swap3A_127 : vector<1x16xf32> to vector<16xf32>
      %swap3A_129 = vector.shape_cast %broadcast_in_dim3A_0 : vector<16xf32> to vector<1x16xf32>
      tpu.vector_store %arg12[%swap3A_125, %swap3A_126], %swap3A_129 {strides = array<i32>} : memref<128x128xf32, #tpu.memory_space<vmem>>, vector<1x16xf32>,
      %swap3A_130 = arith.index_cast %scan3A_120 : i32 to index
      %swap3A_131 = arith.constant 32 : index
      %swap3A_132 = tpu.vector_load %arg12[%swap3A_130, %swap3A_131] {strides = array<i32>} : memref<128x128xf32, #tpu.memory_space<vmem>>, vector<1x16xf32>,
      %swap3A_133 = vector.shape_cast %swap3A_132 : vector<1x16xf32> to vector<16xf32>
      %swap3A_134 = vector.shape_cast %broadcast_in_dim3A_0 : vector<16xf32> to vector<1x16xf32>
      tpu.vector_store %arg12[%swap3A_130, %swap3A_131], %swap3A_134 {strides = array<i32>} : memref<128x128xf32, #tpu.memory_space<vmem>>, vector<1x16xf32>,
      %swap3A_135 = arith.index_cast %scan3A_120 : i32 to index
      %swap3A_136 = arith.constant 48 : index
      %swap3A_137 = tpu.vector_load %arg12[%swap3A_135, %swap3A_136] {strides = array<i32>} : memref<128x128xf32, #tpu.memory_space<vmem>>, vector<1x16xf32>,
      %swap3A_138 = vector.shape_cast %swap3A_137 : vector<1x16xf32> to vector<16xf32>
      %swap3A_139 = vector.shape_cast %broadcast_in_dim3A_0 : vector<16xf32> to vector<1x16xf32>
      tpu.vector_store %arg12[%swap3A_135, %swap3A_136], %swap3A_139 {strides = array<i32>} : memref<128x128xf32, #tpu.memory_space<vmem>>, vector<1x16xf32>,
      %swap3A_140 = arith.index_cast %scan3A_120 : i32 to index
      %swap3A_141 = arith.constant 64 : index
      %swap3A_142 = tpu.vector_load %arg12[%swap3A_140, %swap3A_141] {strides = array<i32>} : memref<128x128xf32, #tpu.memory_space<vmem>>, vector<1x16xf32>,
      %swap3A_143 = vector.shape_cast %swap3A_142 : vector<1x16xf32> to vector<16xf32>
      %swap3A_144 = vector.shape_cast %broadcast_in_dim3A_0 : vector<16xf32> to vector<1x16xf32>
      tpu.vector_store %arg12[%swap3A_140, %swap3A_141], %swap3A_144 {strides = array<i32>} : memref<128x128xf32, #tpu.memory_space<vmem>>, vector<1x16xf32>,
      %swap3A_145 = arith.index_cast %scan3A_120 : i32 to index
      %swap3A_146 = arith.constant 80 : index
      %swap3A_147 = tpu.vector_load %arg12[%swap3A_145, %swap3A_146] {strides = array<i32>} : memref<128x128xf32, #tpu.memory_space<vmem>>, vector<1x16xf32>,
      %swap3A_148 = vector.shape_cast %swap3A_147 : vector<1x16xf32> to vector<16xf32>
      %swap3A_149 = vector.shape_cast %broadcast_in_dim3A_0 : vector<16xf32> to vector<1x16xf32>
      tpu.vector_store %arg12[%swap3A_145, %swap3A_146], %swap3A_149 {strides = array<i32>} : memref<128x128xf32, #tpu.memory_space<vmem>>, vector<1x16xf32>,
      %swap3A_150 = arith.index_cast %scan3A_120 : i32 to index
      %swap3A_151 = arith.constant 96 : index
      %swap3A_152 = tpu.vector_load %arg12[%swap3A_150, %swap3A_151] {strides = array<i32>} : memref<128x128xf32, #tpu.memory_space<vmem>>, vector<1x16xf32>,
      %swap3A_153 = vector.shape_cast %swap3A_152 : vector<1x16xf32> to vector<16xf32>
      %swap3A_154 = vector.shape_cast %broadcast_in_dim3A_0 : vector<16xf32> to vector<1x16xf32>
      tpu.vector_store %arg12[%swap3A_150, %swap3A_151], %swap3A_154 {strides = array<i32>} : memref<128x128xf32, #tpu.memory_space<vmem>>, vector<1x16xf32>,
      %swap3A_155 = arith.index_cast %scan3A_120 : i32 to index
      %swap3A_156 = arith.constant 112 : index
      %swap3A_157 = tpu.vector_load %arg12[%swap3A_155, %swap3A_156] {strides = array<i32>} : memref<128x128xf32, #tpu.memory_space<vmem>>, vector<1x16xf32>,
      %swap3A_158 = vector.shape_cast %swap3A_157 : vector<1x16xf32> to vector<16xf32>
      %swap3A_159 = vector.shape_cast %broadcast_in_dim3A_0 : vector<16xf32> to vector<1x16xf32>
      tpu.vector_store %arg12[%swap3A_155, %swap3A_156], %swap3A_159 {strides = array<i32>} : memref<128x128xf32, #tpu.memory_space<vmem>>, vector<1x16xf32>,
    }
    %scan3A_5 = arith.constant 128 : i32
    %mul3A = arith.constant 632 : i32
    %mul3A_6 = arith.muli %arg1, %mul3A : i32
    %add3A = arith.constant 0 : i32
    %add3A_7 = arith.addi %mul3A_6, %add3A : i32
    "tpu.region"() ({
      %run_scoped3A = tpu.sem_alloc : memref<!tpu.dma_semaphore, #tpu.memory_space<semaphore_mem>>
      %dma_start3A_120 = arith.constant 0 : i32
      %dma_start3A_121 = arith.constant 0 : i32
      %dma_start3A_122 = tpu.memref_slice %arg12[%dma_start3A_120, %dma_start3A_121] : memref<128x128xf32, #tpu.memory_space<vmem>> -> memref<128x128xf32, #tpu.memory_space<vmem>>
      %dma_start3A_123 = arith.constant 0 : i32
      %dma_start3A_124 = tpu.memref_slice %arg15[%add3A_7, %dma_start3A_123] : memref<10112x128xf32, #tpu.memory_space<vmem_shared>> -> memref<128x128xf32, #tpu.memory_space<vmem_shared>>
      %dma_start3A_125 = arith.constant 0 : i32
      %dma_start3A_126 = tpu.memref_slice %arg15[%add3A_7, %dma_start3A_125] : memref<10112x128xf32, #tpu.memory_space<vmem_shared>> -> memref<128x128xf32, #tpu.memory_space<vmem_shared>>
      %dma_start3A_127 = arith.constant 0 : i32
      %dma_start3A_128 = arith.constant 0 : i32
      %dma_start3A_129 = tpu.memref_slice %arg12[%dma_start3A_127, %dma_start3A_128] : memref<128x128xf32, #tpu.memory_space<vmem>> -> memref<128x128xf32, #tpu.memory_space<vmem>>
      tpu.enqueue_dma source(%dma_start3A_129 : memref<128x128xf32, #tpu.memory_space<vmem>>) target(%dma_start3A_126 : memref<128x128xf32, #tpu.memory_space<vmem_shared>>) target_semaphore(%run_scoped3A : memref<!tpu.dma_semaphore, #tpu.memory_space<semaphore_mem>>)
      %dma_wait3A_130 = arith.constant 0 : i32
      %dma_wait3A_131 = arith.constant 0 : i32
      %dma_wait3A_132 = tpu.memref_slice %arg12[%dma_wait3A_130, %dma_wait3A_131] : memref<128x128xf32, #tpu.memory_space<vmem>> -> memref<128x128xf32, #tpu.memory_space<vmem>>
      %dma_wait3A_133 = arith.constant 0 : i32
      %dma_wait3A_134 = tpu.memref_slice %arg15[%add3A_7, %dma_wait3A_133] : memref<10112x128xf32, #tpu.memory_space<vmem_shared>> -> memref<128x128xf32, #tpu.memory_space<vmem_shared>>
      %dma_wait3A_135 = arith.constant 0 : i32
      %dma_wait3A_136 = tpu.memref_slice %arg15[%add3A_7, %dma_wait3A_135] : memref<10112x128xf32, #tpu.memory_space<vmem_shared>> -> memref<128x128xf32, #tpu.memory_space<vmem_shared>>
      %dma_wait3A_137 = arith.constant 0 : i32
      %dma_wait3A_138 = arith.constant 0 : i32
      %dma_wait3A_139 = tpu.memref_slice %arg12[%dma_wait3A_137, %dma_wait3A_138] : memref<128x128xf32, #tpu.memory_space<vmem>> -> memref<128x128xf32, #tpu.memory_space<vmem>>
      tpu.wait_dma2 semaphore(%run_scoped3A : memref<!tpu.dma_semaphore, #tpu.memory_space<semaphore_mem>>) src(%dma_wait3A_139 : memref<128x128xf32, #tpu.memory_space<vmem>>) dst(%dma_wait3A_136 : memref<128x128xf32, #tpu.memory_space<vmem_shared>>)
      tpu.yield
    }) : () -> ()
    %add3A_8 = arith.constant 128 : i32
    %add3A_9 = arith.addi %mul3A_6, %add3A_8 : i32
    "tpu.region"() ({
      %run_scoped3A = tpu.sem_alloc : memref<!tpu.dma_semaphore, #tpu.memory_space<semaphore_mem>>
      %dma_start3A_120 = arith.constant 0 : i32
      %dma_start3A_121 = arith.constant 0 : i32
      %dma_start3A_122 = tpu.memref_slice %arg12[%dma_start3A_120, %dma_start3A_121] : memref<128x128xf32, #tpu.memory_space<vmem>> -> memref<128x128xf32, #tpu.memory_space<vmem>>
      %dma_start3A_123 = arith.constant 0 : i32
      %dma_start3A_124 = tpu.memref_slice %arg15[%add3A_9, %dma_start3A_123] : memref<10112x128xf32, #tpu.memory_space<vmem_shared>> -> memref<128x128xf32, #tpu.memory_space<vmem_shared>>
      %dma_start3A_125 = arith.constant 0 : i32
      %dma_start3A_126 = tpu.memref_slice %arg15[%add3A_9, %dma_start3A_125] : memref<10112x128xf32, #tpu.memory_space<vmem_shared>> -> memref<128x128xf32, #tpu.memory_space<vmem_shared>>
      %dma_start3A_127 = arith.constant 0 : i32
      %dma_start3A_128 = arith.constant 0 : i32
      %dma_start3A_129 = tpu.memref_slice %arg12[%dma_start3A_127, %dma_start3A_128] : memref<128x128xf32, #tpu.memory_space<vmem>> -> memref<128x128xf32, #tpu.memory_space<vmem>>
      tpu.enqueue_dma source(%dma_start3A_129 : memref<128x128xf32, #tpu.memory_space<vmem>>) target(%dma_start3A_126 : memref<128x128xf32, #tpu.memory_space<vmem_shared>>) target_semaphore(%run_scoped3A : memref<!tpu.dma_semaphore, #tpu.memory_space<semaphore_mem>>)
      %dma_wait3A_130 = arith.constant 0 : i32
      %dma_wait3A_131 = arith.constant 0 : i32
      %dma_wait3A_132 = tpu.memref_slice %arg12[%dma_wait3A_130, %dma_wait3A_131] : memref<128x128xf32, #tpu.memory_space<vmem>> -> memref<128x128xf32, #tpu.memory_space<vmem>>
      %dma_wait3A_133 = arith.constant 0 : i32
      %dma_wait3A_134 = tpu.memref_slice %arg15[%add3A_9, %dma_wait3A_133] : memref<10112x128xf32, #tpu.memory_space<vmem_shared>> -> memref<128x128xf32, #tpu.memory_space<vmem_shared>>
      %dma_wait3A_135 = arith.constant 0 : i32
      %dma_wait3A_136 = tpu.memref_slice %arg15[%add3A_9, %dma_wait3A_135] : memref<10112x128xf32, #tpu.memory_space<vmem_shared>> -> memref<128x128xf32, #tpu.memory_space<vmem_shared>>
      %dma_wait3A_137 = arith.constant 0 : i32
      %dma_wait3A_138 = arith.constant 0 : i32
      %dma_wait3A_139 = tpu.memref_slice %arg12[%dma_wait3A_137, %dma_wait3A_138] : memref<128x128xf32, #tpu.memory_space<vmem>> -> memref<128x128xf32, #tpu.memory_space<vmem>>
      tpu.wait_dma2 semaphore(%run_scoped3A : memref<!tpu.dma_semaphore, #tpu.memory_space<semaphore_mem>>) src(%dma_wait3A_139 : memref<128x128xf32, #tpu.memory_space<vmem>>) dst(%dma_wait3A_136 : memref<128x128xf32, #tpu.memory_space<vmem_shared>>)
      tpu.yield
    }) : () -> ()
    %add3A_10 = arith.constant 256 : i32
    %add3A_11 = arith.addi %mul3A_6, %add3A_10 : i32
    "tpu.region"() ({
      %run_scoped3A = tpu.sem_alloc : memref<!tpu.dma_semaphore, #tpu.memory_space<semaphore_mem>>
      %dma_start3A_120 = arith.constant 0 : i32
      %dma_start3A_121 = arith.constant 0 : i32
      %dma_start3A_122 = tpu.memref_slice %arg12[%dma_start3A_120, %dma_start3A_121] : memref<128x128xf32, #tpu.memory_space<vmem>> -> memref<128x128xf32, #tpu.memory_space<vmem>>
      %dma_start3A_123 = arith.constant 0 : i32
      %dma_start3A_124 = tpu.memref_slice %arg15[%add3A_11, %dma_start3A_123] : memref<10112x128xf32, #tpu.memory_space<vmem_shared>> -> memref<128x128xf32, #tpu.memory_space<vmem_shared>>
      %dma_start3A_125 = arith.constant 0 : i32
      %dma_start3A_126 = tpu.memref_slice %arg15[%add3A_11, %dma_start3A_125] : memref<10112x128xf32, #tpu.memory_space<vmem_shared>> -> memref<128x128xf32, #tpu.memory_space<vmem_shared>>
      %dma_start3A_127 = arith.constant 0 : i32
      %dma_start3A_128 = arith.constant 0 : i32
      %dma_start3A_129 = tpu.memref_slice %arg12[%dma_start3A_127, %dma_start3A_128] : memref<128x128xf32, #tpu.memory_space<vmem>> -> memref<128x128xf32, #tpu.memory_space<vmem>>
      tpu.enqueue_dma source(%dma_start3A_129 : memref<128x128xf32, #tpu.memory_space<vmem>>) target(%dma_start3A_126 : memref<128x128xf32, #tpu.memory_space<vmem_shared>>) target_semaphore(%run_scoped3A : memref<!tpu.dma_semaphore, #tpu.memory_space<semaphore_mem>>)
      %dma_wait3A_130 = arith.constant 0 : i32
      %dma_wait3A_131 = arith.constant 0 : i32
      %dma_wait3A_132 = tpu.memref_slice %arg12[%dma_wait3A_130, %dma_wait3A_131] : memref<128x128xf32, #tpu.memory_space<vmem>> -> memref<128x128xf32, #tpu.memory_space<vmem>>
      %dma_wait3A_133 = arith.constant 0 : i32
      %dma_wait3A_134 = tpu.memref_slice %arg15[%add3A_11, %dma_wait3A_133] : memref<10112x128xf32, #tpu.memory_space<vmem_shared>> -> memref<128x128xf32, #tpu.memory_space<vmem_shared>>
      %dma_wait3A_135 = arith.constant 0 : i32
      %dma_wait3A_136 = tpu.memref_slice %arg15[%add3A_11, %dma_wait3A_135] : memref<10112x128xf32, #tpu.memory_space<vmem_shared>> -> memref<128x128xf32, #tpu.memory_space<vmem_shared>>
      %dma_wait3A_137 = arith.constant 0 : i32
      %dma_wait3A_138 = arith.constant 0 : i32
      %dma_wait3A_139 = tpu.memref_slice %arg12[%dma_wait3A_137, %dma_wait3A_138] : memref<128x128xf32, #tpu.memory_space<vmem>> -> memref<128x128xf32, #tpu.memory_space<vmem>>
      tpu.wait_dma2 semaphore(%run_scoped3A : memref<!tpu.dma_semaphore, #tpu.memory_space<semaphore_mem>>) src(%dma_wait3A_139 : memref<128x128xf32, #tpu.memory_space<vmem>>) dst(%dma_wait3A_136 : memref<128x128xf32, #tpu.memory_space<vmem_shared>>)
      tpu.yield
    }) : () -> ()
    %add3A_12 = arith.constant 384 : i32
    %add3A_13 = arith.addi %mul3A_6, %add3A_12 : i32
    "tpu.region"() ({
      %run_scoped3A = tpu.sem_alloc : memref<!tpu.dma_semaphore, #tpu.memory_space<semaphore_mem>>
      %dma_start3A_120 = arith.constant 0 : i32
      %dma_start3A_121 = arith.constant 0 : i32
      %dma_start3A_122 = tpu.memref_slice %arg12[%dma_start3A_120, %dma_start3A_121] : memref<128x128xf32, #tpu.memory_space<vmem>> -> memref<128x128xf32, #tpu.memory_space<vmem>>
      %dma_start3A_123 = arith.constant 0 : i32
      %dma_start3A_124 = tpu.memref_slice %arg15[%add3A_13, %dma_start3A_123] : memref<10112x128xf32, #tpu.memory_space<vmem_shared>> -> memref<128x128xf32, #tpu.memory_space<vmem_shared>>
      %dma_start3A_125 = arith.constant 0 : i32
      %dma_start3A_126 = tpu.memref_slice %arg15[%add3A_13, %dma_start3A_125] : memref<10112x128xf32, #tpu.memory_space<vmem_shared>> -> memref<128x128xf32, #tpu.memory_space<vmem_shared>>
      %dma_start3A_127 = arith.constant 0 : i32
      %dma_start3A_128 = arith.constant 0 : i32
      %dma_start3A_129 = tpu.memref_slice %arg12[%dma_start3A_127, %dma_start3A_128] : memref<128x128xf32, #tpu.memory_space<vmem>> -> memref<128x128xf32, #tpu.memory_space<vmem>>
      tpu.enqueue_dma source(%dma_start3A_129 : memref<128x128xf32, #tpu.memory_space<vmem>>) target(%dma_start3A_126 : memref<128x128xf32, #tpu.memory_space<vmem_shared>>) target_semaphore(%run_scoped3A : memref<!tpu.dma_semaphore, #tpu.memory_space<semaphore_mem>>)
      %dma_wait3A_130 = arith.constant 0 : i32
      %dma_wait3A_131 = arith.constant 0 : i32
      %dma_wait3A_132 = tpu.memref_slice %arg12[%dma_wait3A_130, %dma_wait3A_131] : memref<128x128xf32, #tpu.memory_space<vmem>> -> memref<128x128xf32, #tpu.memory_space<vmem>>
      %dma_wait3A_133 = arith.constant 0 : i32
      %dma_wait3A_134 = tpu.memref_slice %arg15[%add3A_13, %dma_wait3A_133] : memref<10112x128xf32, #tpu.memory_space<vmem_shared>> -> memref<128x128xf32, #tpu.memory_space<vmem_shared>>
      %dma_wait3A_135 = arith.constant 0 : i32
      %dma_wait3A_136 = tpu.memref_slice %arg15[%add3A_13, %dma_wait3A_135] : memref<10112x128xf32, #tpu.memory_space<vmem_shared>> -> memref<128x128xf32, #tpu.memory_space<vmem_shared>>
      %dma_wait3A_137 = arith.constant 0 : i32
      %dma_wait3A_138 = arith.constant 0 : i32
      %dma_wait3A_139 = tpu.memref_slice %arg12[%dma_wait3A_137, %dma_wait3A_138] : memref<128x128xf32, #tpu.memory_space<vmem>> -> memref<128x128xf32, #tpu.memory_space<vmem>>
      tpu.wait_dma2 semaphore(%run_scoped3A : memref<!tpu.dma_semaphore, #tpu.memory_space<semaphore_mem>>) src(%dma_wait3A_139 : memref<128x128xf32, #tpu.memory_space<vmem>>) dst(%dma_wait3A_136 : memref<128x128xf32, #tpu.memory_space<vmem_shared>>)
      tpu.yield
    }) : () -> ()
    %add3A_14 = arith.constant 512 : i32
    %add3A_15 = arith.addi %mul3A_6, %add3A_14 : i32
    "tpu.region"() ({
      %run_scoped3A = tpu.sem_alloc : memref<!tpu.dma_semaphore, #tpu.memory_space<semaphore_mem>>
      %dma_start3A_120 = arith.constant 0 : i32
      %dma_start3A_121 = arith.constant 0 : i32
      %dma_start3A_122 = tpu.memref_slice %arg12[%dma_start3A_120, %dma_start3A_121] : memref<128x128xf32, #tpu.memory_space<vmem>> -> memref<120x128xf32, #tpu.memory_space<vmem>>
      %dma_start3A_123 = arith.constant 0 : i32
      %dma_start3A_124 = tpu.memref_slice %arg15[%add3A_15, %dma_start3A_123] : memref<10112x128xf32, #tpu.memory_space<vmem_shared>> -> memref<120x128xf32, #tpu.memory_space<vmem_shared>>
      %dma_start3A_125 = arith.constant 0 : i32
      %dma_start3A_126 = tpu.memref_slice %arg15[%add3A_15, %dma_start3A_125] : memref<10112x128xf32, #tpu.memory_space<vmem_shared>> -> memref<120x128xf32, #tpu.memory_space<vmem_shared>>
      %dma_start3A_127 = arith.constant 0 : i32
      %dma_start3A_128 = arith.constant 0 : i32
      %dma_start3A_129 = tpu.memref_slice %arg12[%dma_start3A_127, %dma_start3A_128] : memref<128x128xf32, #tpu.memory_space<vmem>> -> memref<120x128xf32, #tpu.memory_space<vmem>>
      tpu.enqueue_dma source(%dma_start3A_129 : memref<120x128xf32, #tpu.memory_space<vmem>>) target(%dma_start3A_126 : memref<120x128xf32, #tpu.memory_space<vmem_shared>>) target_semaphore(%run_scoped3A : memref<!tpu.dma_semaphore, #tpu.memory_space<semaphore_mem>>)
      %dma_wait3A_130 = arith.constant 0 : i32
      %dma_wait3A_131 = arith.constant 0 : i32
      %dma_wait3A_132 = tpu.memref_slice %arg12[%dma_wait3A_130, %dma_wait3A_131] : memref<128x128xf32, #tpu.memory_space<vmem>> -> memref<120x128xf32, #tpu.memory_space<vmem>>
      %dma_wait3A_133 = arith.constant 0 : i32
      %dma_wait3A_134 = tpu.memref_slice %arg15[%add3A_15, %dma_wait3A_133] : memref<10112x128xf32, #tpu.memory_space<vmem_shared>> -> memref<120x128xf32, #tpu.memory_space<vmem_shared>>
      %dma_wait3A_135 = arith.constant 0 : i32
      %dma_wait3A_136 = tpu.memref_slice %arg15[%add3A_15, %dma_wait3A_135] : memref<10112x128xf32, #tpu.memory_space<vmem_shared>> -> memref<120x128xf32, #tpu.memory_space<vmem_shared>>
      %dma_wait3A_137 = arith.constant 0 : i32
      %dma_wait3A_138 = arith.constant 0 : i32
      %dma_wait3A_139 = tpu.memref_slice %arg12[%dma_wait3A_137, %dma_wait3A_138] : memref<128x128xf32, #tpu.memory_space<vmem>> -> memref<120x128xf32, #tpu.memory_space<vmem>>
      tpu.wait_dma2 semaphore(%run_scoped3A : memref<!tpu.dma_semaphore, #tpu.memory_space<semaphore_mem>>) src(%dma_wait3A_139 : memref<120x128xf32, #tpu.memory_space<vmem>>) dst(%dma_wait3A_136 : memref<120x128xf32, #tpu.memory_space<vmem_shared>>)
      tpu.yield
    }) : () -> ()
    %barrier3A = arith.constant 0 : index
    tpu.barrier barrier_id(%barrier3A)
    %dma_start3A = arith.constant 0 : i32
    %dma_start3A_16 = arith.constant 0 : i32
    %dma_start3A_17 = tpu.memref_slice %arg2[%arg0, %arg1, %dma_start3A, %dma_start3A_16] : memref<2x16x162x128xi32, #tpu.memory_space<hbm>> -> memref<1x1x1x128xi32, #tpu.memory_space<hbm>>
    %dma_start3A_18 = tpu.memref_squeeze %dma_start3A_17 : memref<1x1x1x128xi32, #tpu.memory_space<hbm>> -> memref<128xi32, #tpu.memory_space<hbm>>
    %dma_start3A_19 = arith.constant 0 : i32
    %dma_start3A_20 = tpu.memref_slice %arg2[%arg0, %arg1, %dma_start3A, %dma_start3A_19] : memref<2x16x162x128xi32, #tpu.memory_space<hbm>> -> memref<1x1x1x128xi32, #tpu.memory_space<hbm>>
    %dma_start3A_21 = tpu.memref_squeeze %dma_start3A_20 : memref<1x1x1x128xi32, #tpu.memory_space<hbm>> -> memref<128xi32, #tpu.memory_space<hbm>>
    tpu.enqueue_dma source(%dma_start3A_21 : memref<128xi32, #tpu.memory_space<hbm>>) target(%arg6 : memref<128xi32, #tpu.memory_space<vmem>>) target_semaphore(%arg16 : memref<!tpu.dma_semaphore, #tpu.memory_space<semaphore_mem>>)
    %dma_start3A_22 = arith.constant 0 : i32
    %dma_start3A_23 = arith.constant 0 : i32
    %dma_start3A_24 = tpu.memref_slice %arg3[%arg0, %arg1, %dma_start3A_22, %dma_start3A_23] : memref<2x16x162x128xi32, #tpu.memory_space<hbm>> -> memref<1x1x1x128xi32, #tpu.memory_space<hbm>>
    %dma_start3A_25 = tpu.memref_squeeze %dma_start3A_24 : memref<1x1x1x128xi32, #tpu.memory_space<hbm>> -> memref<128xi32, #tpu.memory_space<hbm>>
    %dma_start3A_26 = arith.constant 0 : i32
    %dma_start3A_27 = tpu.memref_slice %arg3[%arg0, %arg1, %dma_start3A_22, %dma_start3A_26] : memref<2x16x162x128xi32, #tpu.memory_space<hbm>> -> memref<1x1x1x128xi32, #tpu.memory_space<hbm>>
    %dma_start3A_28 = tpu.memref_squeeze %dma_start3A_27 : memref<1x1x1x128xi32, #tpu.memory_space<hbm>> -> memref<128xi32, #tpu.memory_space<hbm>>
    tpu.enqueue_dma source(%dma_start3A_28 : memref<128xi32, #tpu.memory_space<hbm>>) target(%arg9 : memref<128xi32, #tpu.memory_space<vmem>>) target_semaphore(%arg16 : memref<!tpu.dma_semaphore, #tpu.memory_space<semaphore_mem>>)
    %dma_start3A_29 = arith.constant 1 : i32
    %dma_start3A_30 = arith.constant 0 : i32
    %dma_start3A_31 = tpu.memref_slice %arg2[%arg0, %arg1, %dma_start3A_29, %dma_start3A_30] : memref<2x16x162x128xi32, #tpu.memory_space<hbm>> -> memref<1x1x1x128xi32, #tpu.memory_space<hbm>>
    %dma_start3A_32 = tpu.memref_squeeze %dma_start3A_31 : memref<1x1x1x128xi32, #tpu.memory_space<hbm>> -> memref<128xi32, #tpu.memory_space<hbm>>
    %dma_start3A_33 = arith.constant 0 : i32
    %dma_start3A_34 = tpu.memref_slice %arg2[%arg0, %arg1, %dma_start3A_29, %dma_start3A_33] : memref<2x16x162x128xi32, #tpu.memory_space<hbm>> -> memref<1x1x1x128xi32, #tpu.memory_space<hbm>>
    %dma_start3A_35 = tpu.memref_squeeze %dma_start3A_34 : memref<1x1x1x128xi32, #tpu.memory_space<hbm>> -> memref<128xi32, #tpu.memory_space<hbm>>
    tpu.enqueue_dma source(%dma_start3A_35 : memref<128xi32, #tpu.memory_space<hbm>>) target(%arg7 : memref<128xi32, #tpu.memory_space<vmem>>) target_semaphore(%arg17 : memref<!tpu.dma_semaphore, #tpu.memory_space<semaphore_mem>>)
    %dma_start3A_36 = arith.constant 1 : i32
    %dma_start3A_37 = arith.constant 0 : i32
    %dma_start3A_38 = tpu.memref_slice %arg3[%arg0, %arg1, %dma_start3A_36, %dma_start3A_37] : memref<2x16x162x128xi32, #tpu.memory_space<hbm>> -> memref<1x1x1x128xi32, #tpu.memory_space<hbm>>
    %dma_start3A_39 = tpu.memref_squeeze %dma_start3A_38 : memref<1x1x1x128xi32, #tpu.memory_space<hbm>> -> memref<128xi32, #tpu.memory_space<hbm>>
    %dma_start3A_40 = arith.constant 0 : i32
    %dma_start3A_41 = tpu.memref_slice %arg3[%arg0, %arg1, %dma_start3A_36, %dma_start3A_40] : memref<2x16x162x128xi32, #tpu.memory_space<hbm>> -> memref<1x1x1x128xi32, #tpu.memory_space<hbm>>
    %dma_start3A_42 = tpu.memref_squeeze %dma_start3A_41 : memref<1x1x1x128xi32, #tpu.memory_space<hbm>> -> memref<128xi32, #tpu.memory_space<hbm>>
    tpu.enqueue_dma source(%dma_start3A_42 : memref<128xi32, #tpu.memory_space<hbm>>) target(%arg10 : memref<128xi32, #tpu.memory_space<vmem>>) target_semaphore(%arg17 : memref<!tpu.dma_semaphore, #tpu.memory_space<semaphore_mem>>)
    %dma_start3A_43 = arith.constant 2 : i32
    %dma_start3A_44 = arith.constant 0 : i32
    %dma_start3A_45 = tpu.memref_slice %arg2[%arg0, %arg1, %dma_start3A_43, %dma_start3A_44] : memref<2x16x162x128xi32, #tpu.memory_space<hbm>> -> memref<1x1x1x128xi32, #tpu.memory_space<hbm>>
    %dma_start3A_46 = tpu.memref_squeeze %dma_start3A_45 : memref<1x1x1x128xi32, #tpu.memory_space<hbm>> -> memref<128xi32, #tpu.memory_space<hbm>>
    %dma_start3A_47 = arith.constant 0 : i32
    %dma_start3A_48 = tpu.memref_slice %arg2[%arg0, %arg1, %dma_start3A_43, %dma_start3A_47] : memref<2x16x162x128xi32, #tpu.memory_space<hbm>> -> memref<1x1x1x128xi32, #tpu.memory_space<hbm>>
    %dma_start3A_49 = tpu.memref_squeeze %dma_start3A_48 : memref<1x1x1x128xi32, #tpu.memory_space<hbm>> -> memref<128xi32, #tpu.memory_space<hbm>>
    tpu.enqueue_dma source(%dma_start3A_49 : memref<128xi32, #tpu.memory_space<hbm>>) target(%arg8 : memref<128xi32, #tpu.memory_space<vmem>>) target_semaphore(%arg18 : memref<!tpu.dma_semaphore, #tpu.memory_space<semaphore_mem>>)
    %dma_start3A_50 = arith.constant 2 : i32
    %dma_start3A_51 = arith.constant 0 : i32
    %dma_start3A_52 = tpu.memref_slice %arg3[%arg0, %arg1, %dma_start3A_50, %dma_start3A_51] : memref<2x16x162x128xi32, #tpu.memory_space<hbm>> -> memref<1x1x1x128xi32, #tpu.memory_space<hbm>>
    %dma_start3A_53 = tpu.memref_squeeze %dma_start3A_52 : memref<1x1x1x128xi32, #tpu.memory_space<hbm>> -> memref<128xi32, #tpu.memory_space<hbm>>
    %dma_start3A_54 = arith.constant 0 : i32
    %dma_start3A_55 = tpu.memref_slice %arg3[%arg0, %arg1, %dma_start3A_50, %dma_start3A_54] : memref<2x16x162x128xi32, #tpu.memory_space<hbm>> -> memref<1x1x1x128xi32, #tpu.memory_space<hbm>>
    %dma_start3A_56 = tpu.memref_squeeze %dma_start3A_55 : memref<1x1x1x128xi32, #tpu.memory_space<hbm>> -> memref<128xi32, #tpu.memory_space<hbm>>
    tpu.enqueue_dma source(%dma_start3A_56 : memref<128xi32, #tpu.memory_space<hbm>>) target(%arg11 : memref<128xi32, #tpu.memory_space<vmem>>) target_semaphore(%arg18 : memref<!tpu.dma_semaphore, #tpu.memory_space<semaphore_mem>>)
    %dma_wait3A = arith.constant 0 : i32
    %dma_wait3A_57 = arith.constant 0 : i32
    %dma_wait3A_58 = tpu.memref_slice %arg2[%arg0, %arg1, %dma_wait3A, %dma_wait3A_57] : memref<2x16x162x128xi32, #tpu.memory_space<hbm>> -> memref<1x1x1x128xi32, #tpu.memory_space<hbm>>
    %dma_wait3A_59 = tpu.memref_squeeze %dma_wait3A_58 : memref<1x1x1x128xi32, #tpu.memory_space<hbm>> -> memref<128xi32, #tpu.memory_space<hbm>>
    %dma_wait3A_60 = arith.constant 0 : i32
    %dma_wait3A_61 = tpu.memref_slice %arg2[%arg0, %arg1, %dma_wait3A, %dma_wait3A_60] : memref<2x16x162x128xi32, #tpu.memory_space<hbm>> -> memref<1x1x1x128xi32, #tpu.memory_space<hbm>>
    %dma_wait3A_62 = tpu.memref_squeeze %dma_wait3A_61 : memref<1x1x1x128xi32, #tpu.memory_space<hbm>> -> memref<128xi32, #tpu.memory_space<hbm>>
    tpu.wait_dma2 semaphore(%arg16 : memref<!tpu.dma_semaphore, #tpu.memory_space<semaphore_mem>>) src(%dma_wait3A_62 : memref<128xi32, #tpu.memory_space<hbm>>) dst(%arg6 : memref<128xi32, #tpu.memory_space<vmem>>)
    %dma_wait3A_63 = arith.constant 0 : i32
    %dma_wait3A_64 = arith.constant 0 : i32
    %dma_wait3A_65 = tpu.memref_slice %arg3[%arg0, %arg1, %dma_wait3A_63, %dma_wait3A_64] : memref<2x16x162x128xi32, #tpu.memory_space<hbm>> -> memref<1x1x1x128xi32, #tpu.memory_space<hbm>>
    %dma_wait3A_66 = tpu.memref_squeeze %dma_wait3A_65 : memref<1x1x1x128xi32, #tpu.memory_space<hbm>> -> memref<128xi32, #tpu.memory_space<hbm>>
    %dma_wait3A_67 = arith.constant 0 : i32
    %dma_wait3A_68 = tpu.memref_slice %arg3[%arg0, %arg1, %dma_wait3A_63, %dma_wait3A_67] : memref<2x16x162x128xi32, #tpu.memory_space<hbm>> -> memref<1x1x1x128xi32, #tpu.memory_space<hbm>>
    %dma_wait3A_69 = tpu.memref_squeeze %dma_wait3A_68 : memref<1x1x1x128xi32, #tpu.memory_space<hbm>> -> memref<128xi32, #tpu.memory_space<hbm>>
    tpu.wait_dma2 semaphore(%arg16 : memref<!tpu.dma_semaphore, #tpu.memory_space<semaphore_mem>>) src(%dma_wait3A_69 : memref<128xi32, #tpu.memory_space<hbm>>) dst(%arg9 : memref<128xi32, #tpu.memory_space<vmem>>)
    %dma_start3A_70 = arith.constant 0 : i32
    %dma_start3A_71 = arith.constant 0 : i32
    %dma_start3A_72 = tpu.memref_slice %arg4[%dma_start3A_70, %dma_start3A_71] : memref<20000x128xf32, #tpu.memory_space<hbm>> -> memref<20000x128xf32, #tpu.memory_space<hbm>>
    tpu.enqueue_indirect_dma source(%dma_start3A_72 : memref<20000x128xf32, #tpu.memory_space<hbm>>) target(%arg12 : memref<128x128xf32, #tpu.memory_space<vmem>>) offsets(%arg6 : memref<128xi32, #tpu.memory_space<vmem>>) semaphore(%arg19 : memref<!tpu.dma_semaphore, #tpu.memory_space<semaphore_mem>>)
    %dma_wait3A_73 = arith.constant 1 : i32
    %dma_wait3A_74 = arith.constant 0 : i32
    %dma_wait3A_75 = tpu.memref_slice %arg2[%arg0, %arg1, %dma_wait3A_73, %dma_wait3A_74] : memref<2x16x162x128xi32, #tpu.memory_space<hbm>> -> memref<1x1x1x128xi32, #tpu.memory_space<hbm>>
    %dma_wait3A_76 = tpu.memref_squeeze %dma_wait3A_75 : memref<1x1x1x128xi32, #tpu.memory_space<hbm>> -> memref<128xi32, #tpu.memory_space<hbm>>
    %dma_wait3A_77 = arith.constant 0 : i32
    %dma_wait3A_78 = tpu.memref_slice %arg2[%arg0, %arg1, %dma_wait3A_73, %dma_wait3A_77] : memref<2x16x162x128xi32, #tpu.memory_space<hbm>> -> memref<1x1x1x128xi32, #tpu.memory_space<hbm>>
    %dma_wait3A_79 = tpu.memref_squeeze %dma_wait3A_78 : memref<1x1x1x128xi32, #tpu.memory_space<hbm>> -> memref<128xi32, #tpu.memory_space<hbm>>
    tpu.wait_dma2 semaphore(%arg17 : memref<!tpu.dma_semaphore, #tpu.memory_space<semaphore_mem>>) src(%dma_wait3A_79 : memref<128xi32, #tpu.memory_space<hbm>>) dst(%arg7 : memref<128xi32, #tpu.memory_space<vmem>>)
    %dma_wait3A_80 = arith.constant 1 : i32
    %dma_wait3A_81 = arith.constant 0 : i32
    %dma_wait3A_82 = tpu.memref_slice %arg3[%arg0, %arg1, %dma_wait3A_80, %dma_wait3A_81] : memref<2x16x162x128xi32, #tpu.memory_space<hbm>> -> memref<1x1x1x128xi32, #tpu.memory_space<hbm>>
    %dma_wait3A_83 = tpu.memref_squeeze %dma_wait3A_82 : memref<1x1x1x128xi32, #tpu.memory_space<hbm>> -> memref<128xi32, #tpu.memory_space<hbm>>
    %dma_wait3A_84 = arith.constant 0 : i32
    %dma_wait3A_85 = tpu.memref_slice %arg3[%arg0, %arg1, %dma_wait3A_80, %dma_wait3A_84] : memref<2x16x162x128xi32, #tpu.memory_space<hbm>> -> memref<1x1x1x128xi32, #tpu.memory_space<hbm>>
    %dma_wait3A_86 = tpu.memref_squeeze %dma_wait3A_85 : memref<1x1x1x128xi32, #tpu.memory_space<hbm>> -> memref<128xi32, #tpu.memory_space<hbm>>
    tpu.wait_dma2 semaphore(%arg17 : memref<!tpu.dma_semaphore, #tpu.memory_space<semaphore_mem>>) src(%dma_wait3A_86 : memref<128xi32, #tpu.memory_space<hbm>>) dst(%arg10 : memref<128xi32, #tpu.memory_space<vmem>>)
    %dma_start3A_87 = arith.constant 0 : i32
    %dma_start3A_88 = arith.constant 0 : i32
    %dma_start3A_89 = tpu.memref_slice %arg4[%dma_start3A_87, %dma_start3A_88] : memref<20000x128xf32, #tpu.memory_space<hbm>> -> memref<20000x128xf32, #tpu.memory_space<hbm>>
    tpu.enqueue_indirect_dma source(%dma_start3A_89 : memref<20000x128xf32, #tpu.memory_space<hbm>>) target(%arg13 : memref<128x128xf32, #tpu.memory_space<vmem>>) offsets(%arg7 : memref<128xi32, #tpu.memory_space<vmem>>) semaphore(%arg20 : memref<!tpu.dma_semaphore, #tpu.memory_space<semaphore_mem>>)
    %scan3A_90 = arith.constant 0 : i32
    %scan3A_91 = arith.constant 0 : i32
    %scan3A_92 = arith.constant 54 : i32
    %scan3A_93 = arith.addi %scan3A_91, %scan3A_92 : i32
    %scan3A_94 = arith.constant 1 : i32
    scf.for %scan3A_120 = %scan3A_91 to %scan3A_93 step %scan3A_94  : i32 {
      %mul3A_121 = arith.constant 3 : i32
      %mul3A_122 = arith.muli %mul3A_121, %scan3A_120 : i32
      %add3A_123 = arith.constant 0 : i32
      %add3A_124 = arith.addi %mul3A_122, %add3A_123 : i32
      %add3A_125 = arith.constant 2 : i32
      %add3A_126 = arith.addi %add3A_124, %add3A_125 : i32
      %lt3A = arith.constant 162 : i32
      %lt3A_127 = arith.cmpi slt, %add3A_126, %lt3A : i32
      %convert_element_type3A = arith.extui %lt3A_127 : i1 to i32
      %cond3A = arith.constant 0 : i32
      %cond3A_128 = arith.cmpi ne, %convert_element_type3A, %cond3A : i32
      scf.if %cond3A_128 {
        %add3A_181 = arith.constant 2 : i32
        %add3A_182 = arith.addi %add3A_124, %add3A_181 : i32
        %dma_wait3A_183 = arith.constant 0 : i32
        %dma_wait3A_184 = tpu.memref_slice %arg2[%arg0, %arg1, %add3A_182, %dma_wait3A_183] : memref<2x16x162x128xi32, #tpu.memory_space<hbm>> -> memref<1x1x1x128xi32, #tpu.memory_space<hbm>>
        %dma_wait3A_185 = tpu.memref_squeeze %dma_wait3A_184 : memref<1x1x1x128xi32, #tpu.memory_space<hbm>> -> memref<128xi32, #tpu.memory_space<hbm>>
        %dma_wait3A_186 = arith.constant 0 : i32
        %dma_wait3A_187 = tpu.memref_slice %arg2[%arg0, %arg1, %add3A_182, %dma_wait3A_186] : memref<2x16x162x128xi32, #tpu.memory_space<hbm>> -> memref<1x1x1x128xi32, #tpu.memory_space<hbm>>
        %dma_wait3A_188 = tpu.memref_squeeze %dma_wait3A_187 : memref<1x1x1x128xi32, #tpu.memory_space<hbm>> -> memref<128xi32, #tpu.memory_space<hbm>>
        tpu.wait_dma2 semaphore(%arg18 : memref<!tpu.dma_semaphore, #tpu.memory_space<semaphore_mem>>) src(%dma_wait3A_188 : memref<128xi32, #tpu.memory_space<hbm>>) dst(%arg8 : memref<128xi32, #tpu.memory_space<vmem>>)
        %dma_wait3A_189 = arith.constant 0 : i32
        %dma_wait3A_190 = tpu.memref_slice %arg3[%arg0, %arg1, %add3A_182, %dma_wait3A_189] : memref<2x16x162x128xi32, #tpu.memory_space<hbm>> -> memref<1x1x1x128xi32, #tpu.memory_space<hbm>>
        %dma_wait3A_191 = tpu.memref_squeeze %dma_wait3A_190 : memref<1x1x1x128xi32, #tpu.memory_space<hbm>> -> memref<128xi32, #tpu.memory_space<hbm>>
        %dma_wait3A_192 = arith.constant 0 : i32
        %dma_wait3A_193 = tpu.memref_slice %arg3[%arg0, %arg1, %add3A_182, %dma_wait3A_192] : memref<2x16x162x128xi32, #tpu.memory_space<hbm>> -> memref<1x1x1x128xi32, #tpu.memory_space<hbm>>
        %dma_wait3A_194 = tpu.memref_squeeze %dma_wait3A_193 : memref<1x1x1x128xi32, #tpu.memory_space<hbm>> -> memref<128xi32, #tpu.memory_space<hbm>>
        tpu.wait_dma2 semaphore(%arg18 : memref<!tpu.dma_semaphore, #tpu.memory_space<semaphore_mem>>) src(%dma_wait3A_194 : memref<128xi32, #tpu.memory_space<hbm>>) dst(%arg11 : memref<128xi32, #tpu.memory_space<vmem>>)
        %dma_start3A_195 = arith.constant 0 : i32
        %dma_start3A_196 = arith.constant 0 : i32
        %dma_start3A_197 = tpu.memref_slice %arg4[%dma_start3A_195, %dma_start3A_196] : memref<20000x128xf32, #tpu.memory_space<hbm>> -> memref<20000x128xf32, #tpu.memory_space<hbm>>
        tpu.enqueue_indirect_dma source(%dma_start3A_197 : memref<20000x128xf32, #tpu.memory_space<hbm>>) target(%arg14 : memref<128x128xf32, #tpu.memory_space<vmem>>) offsets(%arg8 : memref<128xi32, #tpu.memory_space<vmem>>) semaphore(%arg21 : memref<!tpu.dma_semaphore, #tpu.memory_space<semaphore_mem>>)
      } else {
      }
      %dma_wait3A_129 = arith.constant 0 : i32
      %dma_wait3A_130 = arith.constant 0 : i32
      %dma_wait3A_131 = tpu.memref_slice %arg4[%dma_wait3A_129, %dma_wait3A_130] : memref<20000x128xf32, #tpu.memory_space<hbm>> -> memref<20000x128xf32, #tpu.memory_space<hbm>>
      tpu.wait_indirect_dma semaphore(%arg19 : memref<!tpu.dma_semaphore, #tpu.memory_space<semaphore_mem>>) src(%dma_wait3A_131 : memref<20000x128xf32, #tpu.memory_space<hbm>>) dst(%arg12 : memref<128x128xf32, #tpu.memory_space<vmem>>)
      "tpu.region"() ({
        %run_scoped3A = tpu.sem_alloc : memref<!tpu.dma_semaphore, #tpu.memory_space<semaphore_mem>>
        %dma_start3A_181 = arith.constant 0 : i32
        %dma_start3A_182 = arith.constant 0 : i32
        %dma_start3A_183 = tpu.memref_slice %arg15[%dma_start3A_181, %dma_start3A_182] : memref<10112x128xf32, #tpu.memory_space<vmem_shared>> -> memref<10112x128xf32, #tpu.memory_space<vmem_shared>>
        tpu.enqueue_indirect_dma source(%arg12 : memref<128x128xf32, #tpu.memory_space<vmem>>) target(%dma_start3A_183 : memref<10112x128xf32, #tpu.memory_space<vmem_shared>>) offsets(%arg9 : memref<128xi32, #tpu.memory_space<vmem>>) semaphore(%run_scoped3A : memref<!tpu.dma_semaphore, #tpu.memory_space<semaphore_mem>>) {add = true}
        %dma_wait3A_184 = arith.constant 0 : i32
        %dma_wait3A_185 = arith.constant 0 : i32
        %dma_wait3A_186 = tpu.memref_slice %arg15[%dma_wait3A_184, %dma_wait3A_185] : memref<10112x128xf32, #tpu.memory_space<vmem_shared>> -> memref<10112x128xf32, #tpu.memory_space<vmem_shared>>
        tpu.wait_indirect_dma semaphore(%run_scoped3A : memref<!tpu.dma_semaphore, #tpu.memory_space<semaphore_mem>>) src(%arg12 : memref<128x128xf32, #tpu.memory_space<vmem>>) dst(%dma_wait3A_186 : memref<10112x128xf32, #tpu.memory_space<vmem_shared>>)
        tpu.yield
      }) : () -> ()
      %add3A_132 = arith.constant 3 : i32
      %add3A_133 = arith.addi %add3A_124, %add3A_132 : i32
      %lt3A_134 = arith.constant 162 : i32
      %lt3A_135 = arith.cmpi slt, %add3A_133, %lt3A_134 : i32
      %convert_element_type3A_136 = arith.extui %lt3A_135 : i1 to i32
      %cond3A_137 = arith.constant 0 : i32
      %cond3A_138 = arith.cmpi ne, %convert_element_type3A_136, %cond3A_137 : i32
      scf.if %cond3A_138 {
        %add3A_181 = arith.constant 3 : i32
        %add3A_182 = arith.addi %add3A_124, %add3A_181 : i32
        %dma_start3A_183 = arith.constant 0 : i32
        %dma_start3A_184 = tpu.memref_slice %arg2[%arg0, %arg1, %add3A_182, %dma_start3A_183] : memref<2x16x162x128xi32, #tpu.memory_space<hbm>> -> memref<1x1x1x128xi32, #tpu.memory_space<hbm>>
        %dma_start3A_185 = tpu.memref_squeeze %dma_start3A_184 : memref<1x1x1x128xi32, #tpu.memory_space<hbm>> -> memref<128xi32, #tpu.memory_space<hbm>>
        %dma_start3A_186 = arith.constant 0 : i32
        %dma_start3A_187 = tpu.memref_slice %arg2[%arg0, %arg1, %add3A_182, %dma_start3A_186] : memref<2x16x162x128xi32, #tpu.memory_space<hbm>> -> memref<1x1x1x128xi32, #tpu.memory_space<hbm>>
        %dma_start3A_188 = tpu.memref_squeeze %dma_start3A_187 : memref<1x1x1x128xi32, #tpu.memory_space<hbm>> -> memref<128xi32, #tpu.memory_space<hbm>>
        tpu.enqueue_dma source(%dma_start3A_188 : memref<128xi32, #tpu.memory_space<hbm>>) target(%arg6 : memref<128xi32, #tpu.memory_space<vmem>>) target_semaphore(%arg16 : memref<!tpu.dma_semaphore, #tpu.memory_space<semaphore_mem>>)
        %dma_start3A_189 = arith.constant 0 : i32
        %dma_start3A_190 = tpu.memref_slice %arg3[%arg0, %arg1, %add3A_182, %dma_start3A_189] : memref<2x16x162x128xi32, #tpu.memory_space<hbm>> -> memref<1x1x1x128xi32, #tpu.memory_space<hbm>>
        %dma_start3A_191 = tpu.memref_squeeze %dma_start3A_190 : memref<1x1x1x128xi32, #tpu.memory_space<hbm>> -> memref<128xi32, #tpu.memory_space<hbm>>
        %dma_start3A_192 = arith.constant 0 : i32
        %dma_start3A_193 = tpu.memref_slice %arg3[%arg0, %arg1, %add3A_182, %dma_start3A_192] : memref<2x16x162x128xi32, #tpu.memory_space<hbm>> -> memref<1x1x1x128xi32, #tpu.memory_space<hbm>>
        %dma_start3A_194 = tpu.memref_squeeze %dma_start3A_193 : memref<1x1x1x128xi32, #tpu.memory_space<hbm>> -> memref<128xi32, #tpu.memory_space<hbm>>
        tpu.enqueue_dma source(%dma_start3A_194 : memref<128xi32, #tpu.memory_space<hbm>>) target(%arg9 : memref<128xi32, #tpu.memory_space<vmem>>) target_semaphore(%arg16 : memref<!tpu.dma_semaphore, #tpu.memory_space<semaphore_mem>>)
      } else {
      }
      %mul3A_139 = arith.constant 3 : i32
      %mul3A_140 = arith.muli %mul3A_139, %scan3A_120 : i32
      %add3A_141 = arith.constant 1 : i32
      %add3A_142 = arith.addi %mul3A_140, %add3A_141 : i32
      %add3A_143 = arith.constant 2 : i32
      %add3A_144 = arith.addi %add3A_142, %add3A_143 : i32
      %lt3A_145 = arith.constant 162 : i32
      %lt3A_146 = arith.cmpi slt, %add3A_144, %lt3A_145 : i32
      %convert_element_type3A_147 = arith.extui %lt3A_146 : i1 to i32
      %cond3A_148 = arith.constant 0 : i32
      %cond3A_149 = arith.cmpi ne, %convert_element_type3A_147, %cond3A_148 : i32
      scf.if %cond3A_149 {
        %add3A_181 = arith.constant 2 : i32
        %add3A_182 = arith.addi %add3A_142, %add3A_181 : i32
        %dma_wait3A_183 = arith.constant 0 : i32
        %dma_wait3A_184 = tpu.memref_slice %arg2[%arg0, %arg1, %add3A_182, %dma_wait3A_183] : memref<2x16x162x128xi32, #tpu.memory_space<hbm>> -> memref<1x1x1x128xi32, #tpu.memory_space<hbm>>
        %dma_wait3A_185 = tpu.memref_squeeze %dma_wait3A_184 : memref<1x1x1x128xi32, #tpu.memory_space<hbm>> -> memref<128xi32, #tpu.memory_space<hbm>>
        %dma_wait3A_186 = arith.constant 0 : i32
        %dma_wait3A_187 = tpu.memref_slice %arg2[%arg0, %arg1, %add3A_182, %dma_wait3A_186] : memref<2x16x162x128xi32, #tpu.memory_space<hbm>> -> memref<1x1x1x128xi32, #tpu.memory_space<hbm>>
        %dma_wait3A_188 = tpu.memref_squeeze %dma_wait3A_187 : memref<1x1x1x128xi32, #tpu.memory_space<hbm>> -> memref<128xi32, #tpu.memory_space<hbm>>
        tpu.wait_dma2 semaphore(%arg16 : memref<!tpu.dma_semaphore, #tpu.memory_space<semaphore_mem>>) src(%dma_wait3A_188 : memref<128xi32, #tpu.memory_space<hbm>>) dst(%arg6 : memref<128xi32, #tpu.memory_space<vmem>>)
        %dma_wait3A_189 = arith.constant 0 : i32
        %dma_wait3A_190 = tpu.memref_slice %arg3[%arg0, %arg1, %add3A_182, %dma_wait3A_189] : memref<2x16x162x128xi32, #tpu.memory_space<hbm>> -> memref<1x1x1x128xi32, #tpu.memory_space<hbm>>
        %dma_wait3A_191 = tpu.memref_squeeze %dma_wait3A_190 : memref<1x1x1x128xi32, #tpu.memory_space<hbm>> -> memref<128xi32, #tpu.memory_space<hbm>>
        %dma_wait3A_192 = arith.constant 0 : i32
        %dma_wait3A_193 = tpu.memref_slice %arg3[%arg0, %arg1, %add3A_182, %dma_wait3A_192] : memref<2x16x162x128xi32, #tpu.memory_space<hbm>> -> memref<1x1x1x128xi32, #tpu.memory_space<hbm>>
        %dma_wait3A_194 = tpu.memref_squeeze %dma_wait3A_193 : memref<1x1x1x128xi32, #tpu.memory_space<hbm>> -> memref<128xi32, #tpu.memory_space<hbm>>
        tpu.wait_dma2 semaphore(%arg16 : memref<!tpu.dma_semaphore, #tpu.memory_space<semaphore_mem>>) src(%dma_wait3A_194 : memref<128xi32, #tpu.memory_space<hbm>>) dst(%arg9 : memref<128xi32, #tpu.memory_space<vmem>>)
        %dma_start3A_195 = arith.constant 0 : i32
        %dma_start3A_196 = arith.constant 0 : i32
        %dma_start3A_197 = tpu.memref_slice %arg4[%dma_start3A_195, %dma_start3A_196] : memref<20000x128xf32, #tpu.memory_space<hbm>> -> memref<20000x128xf32, #tpu.memory_space<hbm>>
        tpu.enqueue_indirect_dma source(%dma_start3A_197 : memref<20000x128xf32, #tpu.memory_space<hbm>>) target(%arg12 : memref<128x128xf32, #tpu.memory_space<vmem>>) offsets(%arg6 : memref<128xi32, #tpu.memory_space<vmem>>) semaphore(%arg19 : memref<!tpu.dma_semaphore, #tpu.memory_space<semaphore_mem>>)
      } else {
      }
      %dma_wait3A_150 = arith.constant 0 : i32
      %dma_wait3A_151 = arith.constant 0 : i32
      %dma_wait3A_152 = tpu.memref_slice %arg4[%dma_wait3A_150, %dma_wait3A_151] : memref<20000x128xf32, #tpu.memory_space<hbm>> -> memref<20000x128xf32, #tpu.memory_space<hbm>>
      tpu.wait_indirect_dma semaphore(%arg20 : memref<!tpu.dma_semaphore, #tpu.memory_space<semaphore_mem>>) src(%dma_wait3A_152 : memref<20000x128xf32, #tpu.memory_space<hbm>>) dst(%arg13 : memref<128x128xf32, #tpu.memory_space<vmem>>)
      "tpu.region"() ({
        %run_scoped3A = tpu.sem_alloc : memref<!tpu.dma_semaphore, #tpu.memory_space<semaphore_mem>>
        %dma_start3A_181 = arith.constant 0 : i32
        %dma_start3A_182 = arith.constant 0 : i32
        %dma_start3A_183 = tpu.memref_slice %arg15[%dma_start3A_181, %dma_start3A_182] : memref<10112x128xf32, #tpu.memory_space<vmem_shared>> -> memref<10112x128xf32, #tpu.memory_space<vmem_shared>>
        tpu.enqueue_indirect_dma source(%arg13 : memref<128x128xf32, #tpu.memory_space<vmem>>) target(%dma_start3A_183 : memref<10112x128xf32, #tpu.memory_space<vmem_shared>>) offsets(%arg10 : memref<128xi32, #tpu.memory_space<vmem>>) semaphore(%run_scoped3A : memref<!tpu.dma_semaphore, #tpu.memory_space<semaphore_mem>>) {add = true}
        %dma_wait3A_184 = arith.constant 0 : i32
        %dma_wait3A_185 = arith.constant 0 : i32
        %dma_wait3A_186 = tpu.memref_slice %arg15[%dma_wait3A_184, %dma_wait3A_185] : memref<10112x128xf32, #tpu.memory_space<vmem_shared>> -> memref<10112x128xf32, #tpu.memory_space<vmem_shared>>
        tpu.wait_indirect_dma semaphore(%run_scoped3A : memref<!tpu.dma_semaphore, #tpu.memory_space<semaphore_mem>>) src(%arg13 : memref<128x128xf32, #tpu.memory_space<vmem>>) dst(%dma_wait3A_186 : memref<10112x128xf32, #tpu.memory_space<vmem_shared>>)
        tpu.yield
      }) : () -> ()
      %add3A_153 = arith.constant 3 : i32
      %add3A_154 = arith.addi %add3A_142, %add3A_153 : i32
      %lt3A_155 = arith.constant 162 : i32
      %lt3A_156 = arith.cmpi slt, %add3A_154, %lt3A_155 : i32
      %convert_element_type3A_157 = arith.extui %lt3A_156 : i1 to i32
      %cond3A_158 = arith.constant 0 : i32
      %cond3A_159 = arith.cmpi ne, %convert_element_type3A_157, %cond3A_158 : i32
      scf.if %cond3A_159 {
        %add3A_181 = arith.constant 3 : i32
        %add3A_182 = arith.addi %add3A_142, %add3A_181 : i32
        %dma_start3A_183 = arith.constant 0 : i32
        %dma_start3A_184 = tpu.memref_slice %arg2[%arg0, %arg1, %add3A_182, %dma_start3A_183] : memref<2x16x162x128xi32, #tpu.memory_space<hbm>> -> memref<1x1x1x128xi32, #tpu.memory_space<hbm>>
        %dma_start3A_185 = tpu.memref_squeeze %dma_start3A_184 : memref<1x1x1x128xi32, #tpu.memory_space<hbm>> -> memref<128xi32, #tpu.memory_space<hbm>>
        %dma_start3A_186 = arith.constant 0 : i32
        %dma_start3A_187 = tpu.memref_slice %arg2[%arg0, %arg1, %add3A_182, %dma_start3A_186] : memref<2x16x162x128xi32, #tpu.memory_space<hbm>> -> memref<1x1x1x128xi32, #tpu.memory_space<hbm>>
        %dma_start3A_188 = tpu.memref_squeeze %dma_start3A_187 : memref<1x1x1x128xi32, #tpu.memory_space<hbm>> -> memref<128xi32, #tpu.memory_space<hbm>>
        tpu.enqueue_dma source(%dma_start3A_188 : memref<128xi32, #tpu.memory_space<hbm>>) target(%arg7 : memref<128xi32, #tpu.memory_space<vmem>>) target_semaphore(%arg17 : memref<!tpu.dma_semaphore, #tpu.memory_space<semaphore_mem>>)
        %dma_start3A_189 = arith.constant 0 : i32
        %dma_start3A_190 = tpu.memref_slice %arg3[%arg0, %arg1, %add3A_182, %dma_start3A_189] : memref<2x16x162x128xi32, #tpu.memory_space<hbm>> -> memref<1x1x1x128xi32, #tpu.memory_space<hbm>>
        %dma_start3A_191 = tpu.memref_squeeze %dma_start3A_190 : memref<1x1x1x128xi32, #tpu.memory_space<hbm>> -> memref<128xi32, #tpu.memory_space<hbm>>
        %dma_start3A_192 = arith.constant 0 : i32
        %dma_start3A_193 = tpu.memref_slice %arg3[%arg0, %arg1, %add3A_182, %dma_start3A_192] : memref<2x16x162x128xi32, #tpu.memory_space<hbm>> -> memref<1x1x1x128xi32, #tpu.memory_space<hbm>>
        %dma_start3A_194 = tpu.memref_squeeze %dma_start3A_193 : memref<1x1x1x128xi32, #tpu.memory_space<hbm>> -> memref<128xi32, #tpu.memory_space<hbm>>
        tpu.enqueue_dma source(%dma_start3A_194 : memref<128xi32, #tpu.memory_space<hbm>>) target(%arg10 : memref<128xi32, #tpu.memory_space<vmem>>) target_semaphore(%arg17 : memref<!tpu.dma_semaphore, #tpu.memory_space<semaphore_mem>>)
      } else {
      }
      %mul3A_160 = arith.constant 3 : i32
      %mul3A_161 = arith.muli %mul3A_160, %scan3A_120 : i32
      %add3A_162 = arith.constant 2 : i32
      %add3A_163 = arith.addi %mul3A_161, %add3A_162 : i32
      %add3A_164 = arith.constant 2 : i32
      %add3A_165 = arith.addi %add3A_163, %add3A_164 : i32
      %lt3A_166 = arith.constant 162 : i32
      %lt3A_167 = arith.cmpi slt, %add3A_165, %lt3A_166 : i32
      %convert_element_type3A_168 = arith.extui %lt3A_167 : i1 to i32
      %cond3A_169 = arith.constant 0 : i32
      %cond3A_170 = arith.cmpi ne, %convert_element_type3A_168, %cond3A_169 : i32
      scf.if %cond3A_170 {
        %add3A_181 = arith.constant 2 : i32
        %add3A_182 = arith.addi %add3A_163, %add3A_181 : i32
        %dma_wait3A_183 = arith.constant 0 : i32
        %dma_wait3A_184 = tpu.memref_slice %arg2[%arg0, %arg1, %add3A_182, %dma_wait3A_183] : memref<2x16x162x128xi32, #tpu.memory_space<hbm>> -> memref<1x1x1x128xi32, #tpu.memory_space<hbm>>
        %dma_wait3A_185 = tpu.memref_squeeze %dma_wait3A_184 : memref<1x1x1x128xi32, #tpu.memory_space<hbm>> -> memref<128xi32, #tpu.memory_space<hbm>>
        %dma_wait3A_186 = arith.constant 0 : i32
        %dma_wait3A_187 = tpu.memref_slice %arg2[%arg0, %arg1, %add3A_182, %dma_wait3A_186] : memref<2x16x162x128xi32, #tpu.memory_space<hbm>> -> memref<1x1x1x128xi32, #tpu.memory_space<hbm>>
        %dma_wait3A_188 = tpu.memref_squeeze %dma_wait3A_187 : memref<1x1x1x128xi32, #tpu.memory_space<hbm>> -> memref<128xi32, #tpu.memory_space<hbm>>
        tpu.wait_dma2 semaphore(%arg17 : memref<!tpu.dma_semaphore, #tpu.memory_space<semaphore_mem>>) src(%dma_wait3A_188 : memref<128xi32, #tpu.memory_space<hbm>>) dst(%arg7 : memref<128xi32, #tpu.memory_space<vmem>>)
        %dma_wait3A_189 = arith.constant 0 : i32
        %dma_wait3A_190 = tpu.memref_slice %arg3[%arg0, %arg1, %add3A_182, %dma_wait3A_189] : memref<2x16x162x128xi32, #tpu.memory_space<hbm>> -> memref<1x1x1x128xi32, #tpu.memory_space<hbm>>
        %dma_wait3A_191 = tpu.memref_squeeze %dma_wait3A_190 : memref<1x1x1x128xi32, #tpu.memory_space<hbm>> -> memref<128xi32, #tpu.memory_space<hbm>>
        %dma_wait3A_192 = arith.constant 0 : i32
        %dma_wait3A_193 = tpu.memref_slice %arg3[%arg0, %arg1, %add3A_182, %dma_wait3A_192] : memref<2x16x162x128xi32, #tpu.memory_space<hbm>> -> memref<1x1x1x128xi32, #tpu.memory_space<hbm>>
        %dma_wait3A_194 = tpu.memref_squeeze %dma_wait3A_193 : memref<1x1x1x128xi32, #tpu.memory_space<hbm>> -> memref<128xi32, #tpu.memory_space<hbm>>
        tpu.wait_dma2 semaphore(%arg17 : memref<!tpu.dma_semaphore, #tpu.memory_space<semaphore_mem>>) src(%dma_wait3A_194 : memref<128xi32, #tpu.memory_space<hbm>>) dst(%arg10 : memref<128xi32, #tpu.memory_space<vmem>>)
        %dma_start3A_195 = arith.constant 0 : i32
        %dma_start3A_196 = arith.constant 0 : i32
        %dma_start3A_197 = tpu.memref_slice %arg4[%dma_start3A_195, %dma_start3A_196] : memref<20000x128xf32, #tpu.memory_space<hbm>> -> memref<20000x128xf32, #tpu.memory_space<hbm>>
        tpu.enqueue_indirect_dma source(%dma_start3A_197 : memref<20000x128xf32, #tpu.memory_space<hbm>>) target(%arg13 : memref<128x128xf32, #tpu.memory_space<vmem>>) offsets(%arg7 : memref<128xi32, #tpu.memory_space<vmem>>) semaphore(%arg20 : memref<!tpu.dma_semaphore, #tpu.memory_space<semaphore_mem>>)
      } else {
      }
      %dma_wait3A_171 = arith.constant 0 : i32
      %dma_wait3A_172 = arith.constant 0 : i32
      %dma_wait3A_173 = tpu.memref_slice %arg4[%dma_wait3A_171, %dma_wait3A_172] : memref<20000x128xf32, #tpu.memory_space<hbm>> -> memref<20000x128xf32, #tpu.memory_space<hbm>>
      tpu.wait_indirect_dma semaphore(%arg21 : memref<!tpu.dma_semaphore, #tpu.memory_space<semaphore_mem>>) src(%dma_wait3A_173 : memref<20000x128xf32, #tpu.memory_space<hbm>>) dst(%arg14 : memref<128x128xf32, #tpu.memory_space<vmem>>)
      "tpu.region"() ({
        %run_scoped3A = tpu.sem_alloc : memref<!tpu.dma_semaphore, #tpu.memory_space<semaphore_mem>>
        %dma_start3A_181 = arith.constant 0 : i32
        %dma_start3A_182 = arith.constant 0 : i32
        %dma_start3A_183 = tpu.memref_slice %arg15[%dma_start3A_181, %dma_start3A_182] : memref<10112x128xf32, #tpu.memory_space<vmem_shared>> -> memref<10112x128xf32, #tpu.memory_space<vmem_shared>>
        tpu.enqueue_indirect_dma source(%arg14 : memref<128x128xf32, #tpu.memory_space<vmem>>) target(%dma_start3A_183 : memref<10112x128xf32, #tpu.memory_space<vmem_shared>>) offsets(%arg11 : memref<128xi32, #tpu.memory_space<vmem>>) semaphore(%run_scoped3A : memref<!tpu.dma_semaphore, #tpu.memory_space<semaphore_mem>>) {add = true}
        %dma_wait3A_184 = arith.constant 0 : i32
        %dma_wait3A_185 = arith.constant 0 : i32
        %dma_wait3A_186 = tpu.memref_slice %arg15[%dma_wait3A_184, %dma_wait3A_185] : memref<10112x128xf32, #tpu.memory_space<vmem_shared>> -> memref<10112x128xf32, #tpu.memory_space<vmem_shared>>
        tpu.wait_indirect_dma semaphore(%run_scoped3A : memref<!tpu.dma_semaphore, #tpu.memory_space<semaphore_mem>>) src(%arg14 : memref<128x128xf32, #tpu.memory_space<vmem>>) dst(%dma_wait3A_186 : memref<10112x128xf32, #tpu.memory_space<vmem_shared>>)
        tpu.yield
      }) : () -> ()
      %add3A_174 = arith.constant 3 : i32
      %add3A_175 = arith.addi %add3A_163, %add3A_174 : i32
      %lt3A_176 = arith.constant 162 : i32
      %lt3A_177 = arith.cmpi slt, %add3A_175, %lt3A_176 : i32
      %convert_element_type3A_178 = arith.extui %lt3A_177 : i1 to i32
      %cond3A_179 = arith.constant 0 : i32
      %cond3A_180 = arith.cmpi ne, %convert_element_type3A_178, %cond3A_179 : i32
      scf.if %cond3A_180 {
        %add3A_181 = arith.constant 3 : i32
        %add3A_182 = arith.addi %add3A_163, %add3A_181 : i32
        %dma_start3A_183 = arith.constant 0 : i32
        %dma_start3A_184 = tpu.memref_slice %arg2[%arg0, %arg1, %add3A_182, %dma_start3A_183] : memref<2x16x162x128xi32, #tpu.memory_space<hbm>> -> memref<1x1x1x128xi32, #tpu.memory_space<hbm>>
        %dma_start3A_185 = tpu.memref_squeeze %dma_start3A_184 : memref<1x1x1x128xi32, #tpu.memory_space<hbm>> -> memref<128xi32, #tpu.memory_space<hbm>>
        %dma_start3A_186 = arith.constant 0 : i32
        %dma_start3A_187 = tpu.memref_slice %arg2[%arg0, %arg1, %add3A_182, %dma_start3A_186] : memref<2x16x162x128xi32, #tpu.memory_space<hbm>> -> memref<1x1x1x128xi32, #tpu.memory_space<hbm>>
        %dma_start3A_188 = tpu.memref_squeeze %dma_start3A_187 : memref<1x1x1x128xi32, #tpu.memory_space<hbm>> -> memref<128xi32, #tpu.memory_space<hbm>>
        tpu.enqueue_dma source(%dma_start3A_188 : memref<128xi32, #tpu.memory_space<hbm>>) target(%arg8 : memref<128xi32, #tpu.memory_space<vmem>>) target_semaphore(%arg18 : memref<!tpu.dma_semaphore, #tpu.memory_space<semaphore_mem>>)
        %dma_start3A_189 = arith.constant 0 : i32
        %dma_start3A_190 = tpu.memref_slice %arg3[%arg0, %arg1, %add3A_182, %dma_start3A_189] : memref<2x16x162x128xi32, #tpu.memory_space<hbm>> -> memref<1x1x1x128xi32, #tpu.memory_space<hbm>>
        %dma_start3A_191 = tpu.memref_squeeze %dma_start3A_190 : memref<1x1x1x128xi32, #tpu.memory_space<hbm>> -> memref<128xi32, #tpu.memory_space<hbm>>
        %dma_start3A_192 = arith.constant 0 : i32
        %dma_start3A_193 = tpu.memref_slice %arg3[%arg0, %arg1, %add3A_182, %dma_start3A_192] : memref<2x16x162x128xi32, #tpu.memory_space<hbm>> -> memref<1x1x1x128xi32, #tpu.memory_space<hbm>>
        %dma_start3A_194 = tpu.memref_squeeze %dma_start3A_193 : memref<1x1x1x128xi32, #tpu.memory_space<hbm>> -> memref<128xi32, #tpu.memory_space<hbm>>
        tpu.enqueue_dma source(%dma_start3A_194 : memref<128xi32, #tpu.memory_space<hbm>>) target(%arg11 : memref<128xi32, #tpu.memory_space<vmem>>) target_semaphore(%arg18 : memref<!tpu.dma_semaphore, #tpu.memory_space<semaphore_mem>>)
      } else {
      }
    }
    %scan3A_95 = arith.constant 54 : i32
    %barrier3A_96 = arith.constant 0 : index
    tpu.barrier barrier_id(%barrier3A_96)
    %mul3A_97 = arith.constant 10112 : i32
    %mul3A_98 = arith.muli %arg0, %mul3A_97 : i32
    %add3A_99 = arith.addi %mul3A_98, %mul3A_6 : i32
    %add3A_100 = arith.constant 0 : i32
    %add3A_101 = arith.addi %mul3A_6, %add3A_100 : i32
    "tpu.region"() ({
      %run_scoped3A = tpu.sem_alloc : memref<!tpu.dma_semaphore, #tpu.memory_space<semaphore_mem>>
      %dma_start3A_120 = arith.constant 0 : i32
      %dma_start3A_121 = arith.constant 0 : i32
      %dma_start3A_122 = tpu.memref_slice %arg12[%dma_start3A_120, %dma_start3A_121] : memref<128x128xf32, #tpu.memory_space<vmem>> -> memref<128x128xf32, #tpu.memory_space<vmem>>
      %dma_start3A_123 = arith.constant 0 : i32
      %dma_start3A_124 = tpu.memref_slice %arg15[%add3A_101, %dma_start3A_123] : memref<10112x128xf32, #tpu.memory_space<vmem_shared>> -> memref<128x128xf32, #tpu.memory_space<vmem_shared>>
      %dma_start3A_125 = arith.constant 0 : i32
      %dma_start3A_126 = arith.constant 0 : i32
      %dma_start3A_127 = tpu.memref_slice %arg12[%dma_start3A_125, %dma_start3A_126] : memref<128x128xf32, #tpu.memory_space<vmem>> -> memref<128x128xf32, #tpu.memory_space<vmem>>
      %dma_start3A_128 = arith.constant 0 : i32
      %dma_start3A_129 = tpu.memref_slice %arg15[%add3A_101, %dma_start3A_128] : memref<10112x128xf32, #tpu.memory_space<vmem_shared>> -> memref<128x128xf32, #tpu.memory_space<vmem_shared>>
      tpu.enqueue_dma source(%dma_start3A_129 : memref<128x128xf32, #tpu.memory_space<vmem_shared>>) target(%dma_start3A_127 : memref<128x128xf32, #tpu.memory_space<vmem>>) target_semaphore(%run_scoped3A : memref<!tpu.dma_semaphore, #tpu.memory_space<semaphore_mem>>)
      %dma_wait3A_130 = arith.constant 0 : i32
      %dma_wait3A_131 = arith.constant 0 : i32
      %dma_wait3A_132 = tpu.memref_slice %arg12[%dma_wait3A_130, %dma_wait3A_131] : memref<128x128xf32, #tpu.memory_space<vmem>> -> memref<128x128xf32, #tpu.memory_space<vmem>>
      %dma_wait3A_133 = arith.constant 0 : i32
      %dma_wait3A_134 = tpu.memref_slice %arg15[%add3A_101, %dma_wait3A_133] : memref<10112x128xf32, #tpu.memory_space<vmem_shared>> -> memref<128x128xf32, #tpu.memory_space<vmem_shared>>
      %dma_wait3A_135 = arith.constant 0 : i32
      %dma_wait3A_136 = arith.constant 0 : i32
      %dma_wait3A_137 = tpu.memref_slice %arg12[%dma_wait3A_135, %dma_wait3A_136] : memref<128x128xf32, #tpu.memory_space<vmem>> -> memref<128x128xf32, #tpu.memory_space<vmem>>
      %dma_wait3A_138 = arith.constant 0 : i32
      %dma_wait3A_139 = tpu.memref_slice %arg15[%add3A_101, %dma_wait3A_138] : memref<10112x128xf32, #tpu.memory_space<vmem_shared>> -> memref<128x128xf32, #tpu.memory_space<vmem_shared>>
      tpu.wait_dma2 semaphore(%run_scoped3A : memref<!tpu.dma_semaphore, #tpu.memory_space<semaphore_mem>>) src(%dma_wait3A_139 : memref<128x128xf32, #tpu.memory_space<vmem_shared>>) dst(%dma_wait3A_137 : memref<128x128xf32, #tpu.memory_space<vmem>>)
      tpu.yield
    }) : () -> ()
    %add3A_102 = arith.constant 0 : i32
    %add3A_103 = arith.addi %add3A_99, %add3A_102 : i32
    "tpu.region"() ({
      %run_scoped3A = tpu.sem_alloc : memref<!tpu.dma_semaphore, #tpu.memory_space<semaphore_mem>>
      %dma_start3A_120 = arith.constant 0 : i32
      %dma_start3A_121 = arith.constant 0 : i32
      %dma_start3A_122 = tpu.memref_slice %arg12[%dma_start3A_120, %dma_start3A_121] : memref<128x128xf32, #tpu.memory_space<vmem>> -> memref<128x128xf32, #tpu.memory_space<vmem>>
      %dma_start3A_123 = arith.constant 0 : i32
      %dma_start3A_124 = tpu.memref_slice %arg5[%add3A_103, %dma_start3A_123] : memref<20224x128xf32, #tpu.memory_space<hbm>> -> memref<128x128xf32, #tpu.memory_space<hbm>>
      %dma_start3A_125 = arith.constant 0 : i32
      %dma_start3A_126 = tpu.memref_slice %arg5[%add3A_103, %dma_start3A_125] : memref<20224x128xf32, #tpu.memory_space<hbm>> -> memref<128x128xf32, #tpu.memory_space<hbm>>
      %dma_start3A_127 = arith.constant 0 : i32
      %dma_start3A_128 = arith.constant 0 : i32
      %dma_start3A_129 = tpu.memref_slice %arg12[%dma_start3A_127, %dma_start3A_128] : memref<128x128xf32, #tpu.memory_space<vmem>> -> memref<128x128xf32, #tpu.memory_space<vmem>>
      tpu.enqueue_dma source(%dma_start3A_129 : memref<128x128xf32, #tpu.memory_space<vmem>>) target(%dma_start3A_126 : memref<128x128xf32, #tpu.memory_space<hbm>>) target_semaphore(%run_scoped3A : memref<!tpu.dma_semaphore, #tpu.memory_space<semaphore_mem>>)
      %dma_wait3A_130 = arith.constant 0 : i32
      %dma_wait3A_131 = arith.constant 0 : i32
      %dma_wait3A_132 = tpu.memref_slice %arg12[%dma_wait3A_130, %dma_wait3A_131] : memref<128x128xf32, #tpu.memory_space<vmem>> -> memref<128x128xf32, #tpu.memory_space<vmem>>
      %dma_wait3A_133 = arith.constant 0 : i32
      %dma_wait3A_134 = tpu.memref_slice %arg5[%add3A_103, %dma_wait3A_133] : memref<20224x128xf32, #tpu.memory_space<hbm>> -> memref<128x128xf32, #tpu.memory_space<hbm>>
      %dma_wait3A_135 = arith.constant 0 : i32
      %dma_wait3A_136 = tpu.memref_slice %arg5[%add3A_103, %dma_wait3A_135] : memref<20224x128xf32, #tpu.memory_space<hbm>> -> memref<128x128xf32, #tpu.memory_space<hbm>>
      %dma_wait3A_137 = arith.constant 0 : i32
      %dma_wait3A_138 = arith.constant 0 : i32
      %dma_wait3A_139 = tpu.memref_slice %arg12[%dma_wait3A_137, %dma_wait3A_138] : memref<128x128xf32, #tpu.memory_space<vmem>> -> memref<128x128xf32, #tpu.memory_space<vmem>>
      tpu.wait_dma2 semaphore(%run_scoped3A : memref<!tpu.dma_semaphore, #tpu.memory_space<semaphore_mem>>) src(%dma_wait3A_139 : memref<128x128xf32, #tpu.memory_space<vmem>>) dst(%dma_wait3A_136 : memref<128x128xf32, #tpu.memory_space<hbm>>)
      tpu.yield
    }) : () -> ()
    %add3A_104 = arith.constant 128 : i32
    %add3A_105 = arith.addi %mul3A_6, %add3A_104 : i32
    "tpu.region"() ({
      %run_scoped3A = tpu.sem_alloc : memref<!tpu.dma_semaphore, #tpu.memory_space<semaphore_mem>>
      %dma_start3A_120 = arith.constant 0 : i32
      %dma_start3A_121 = arith.constant 0 : i32
      %dma_start3A_122 = tpu.memref_slice %arg12[%dma_start3A_120, %dma_start3A_121] : memref<128x128xf32, #tpu.memory_space<vmem>> -> memref<128x128xf32, #tpu.memory_space<vmem>>
      %dma_start3A_123 = arith.constant 0 : i32
      %dma_start3A_124 = tpu.memref_slice %arg15[%add3A_105, %dma_start3A_123] : memref<10112x128xf32, #tpu.memory_space<vmem_shared>> -> memref<128x128xf32, #tpu.memory_space<vmem_shared>>
      %dma_start3A_125 = arith.constant 0 : i32
      %dma_start3A_126 = arith.constant 0 : i32
      %dma_start3A_127 = tpu.memref_slice %arg12[%dma_start3A_125, %dma_start3A_126] : memref<128x128xf32, #tpu.memory_space<vmem>> -> memref<128x128xf32, #tpu.memory_space<vmem>>
      %dma_start3A_128 = arith.constant 0 : i32
      %dma_start3A_129 = tpu.memref_slice %arg15[%add3A_105, %dma_start3A_128] : memref<10112x128xf32, #tpu.memory_space<vmem_shared>> -> memref<128x128xf32, #tpu.memory_space<vmem_shared>>
      tpu.enqueue_dma source(%dma_start3A_129 : memref<128x128xf32, #tpu.memory_space<vmem_shared>>) target(%dma_start3A_127 : memref<128x128xf32, #tpu.memory_space<vmem>>) target_semaphore(%run_scoped3A : memref<!tpu.dma_semaphore, #tpu.memory_space<semaphore_mem>>)
      %dma_wait3A_130 = arith.constant 0 : i32
      %dma_wait3A_131 = arith.constant 0 : i32
      %dma_wait3A_132 = tpu.memref_slice %arg12[%dma_wait3A_130, %dma_wait3A_131] : memref<128x128xf32, #tpu.memory_space<vmem>> -> memref<128x128xf32, #tpu.memory_space<vmem>>
      %dma_wait3A_133 = arith.constant 0 : i32
      %dma_wait3A_134 = tpu.memref_slice %arg15[%add3A_105, %dma_wait3A_133] : memref<10112x128xf32, #tpu.memory_space<vmem_shared>> -> memref<128x128xf32, #tpu.memory_space<vmem_shared>>
      %dma_wait3A_135 = arith.constant 0 : i32
      %dma_wait3A_136 = arith.constant 0 : i32
      %dma_wait3A_137 = tpu.memref_slice %arg12[%dma_wait3A_135, %dma_wait3A_136] : memref<128x128xf32, #tpu.memory_space<vmem>> -> memref<128x128xf32, #tpu.memory_space<vmem>>
      %dma_wait3A_138 = arith.constant 0 : i32
      %dma_wait3A_139 = tpu.memref_slice %arg15[%add3A_105, %dma_wait3A_138] : memref<10112x128xf32, #tpu.memory_space<vmem_shared>> -> memref<128x128xf32, #tpu.memory_space<vmem_shared>>
      tpu.wait_dma2 semaphore(%run_scoped3A : memref<!tpu.dma_semaphore, #tpu.memory_space<semaphore_mem>>) src(%dma_wait3A_139 : memref<128x128xf32, #tpu.memory_space<vmem_shared>>) dst(%dma_wait3A_137 : memref<128x128xf32, #tpu.memory_space<vmem>>)
      tpu.yield
    }) : () -> ()
    %add3A_106 = arith.constant 128 : i32
    %add3A_107 = arith.addi %add3A_99, %add3A_106 : i32
    "tpu.region"() ({
      %run_scoped3A = tpu.sem_alloc : memref<!tpu.dma_semaphore, #tpu.memory_space<semaphore_mem>>
      %dma_start3A_120 = arith.constant 0 : i32
      %dma_start3A_121 = arith.constant 0 : i32
      %dma_start3A_122 = tpu.memref_slice %arg12[%dma_start3A_120, %dma_start3A_121] : memref<128x128xf32, #tpu.memory_space<vmem>> -> memref<128x128xf32, #tpu.memory_space<vmem>>
      %dma_start3A_123 = arith.constant 0 : i32
      %dma_start3A_124 = tpu.memref_slice %arg5[%add3A_107, %dma_start3A_123] : memref<20224x128xf32, #tpu.memory_space<hbm>> -> memref<128x128xf32, #tpu.memory_space<hbm>>
      %dma_start3A_125 = arith.constant 0 : i32
      %dma_start3A_126 = tpu.memref_slice %arg5[%add3A_107, %dma_start3A_125] : memref<20224x128xf32, #tpu.memory_space<hbm>> -> memref<128x128xf32, #tpu.memory_space<hbm>>
      %dma_start3A_127 = arith.constant 0 : i32
      %dma_start3A_128 = arith.constant 0 : i32
      %dma_start3A_129 = tpu.memref_slice %arg12[%dma_start3A_127, %dma_start3A_128] : memref<128x128xf32, #tpu.memory_space<vmem>> -> memref<128x128xf32, #tpu.memory_space<vmem>>
      tpu.enqueue_dma source(%dma_start3A_129 : memref<128x128xf32, #tpu.memory_space<vmem>>) target(%dma_start3A_126 : memref<128x128xf32, #tpu.memory_space<hbm>>) target_semaphore(%run_scoped3A : memref<!tpu.dma_semaphore, #tpu.memory_space<semaphore_mem>>)
      %dma_wait3A_130 = arith.constant 0 : i32
      %dma_wait3A_131 = arith.constant 0 : i32
      %dma_wait3A_132 = tpu.memref_slice %arg12[%dma_wait3A_130, %dma_wait3A_131] : memref<128x128xf32, #tpu.memory_space<vmem>> -> memref<128x128xf32, #tpu.memory_space<vmem>>
      %dma_wait3A_133 = arith.constant 0 : i32
      %dma_wait3A_134 = tpu.memref_slice %arg5[%add3A_107, %dma_wait3A_133] : memref<20224x128xf32, #tpu.memory_space<hbm>> -> memref<128x128xf32, #tpu.memory_space<hbm>>
      %dma_wait3A_135 = arith.constant 0 : i32
      %dma_wait3A_136 = tpu.memref_slice %arg5[%add3A_107, %dma_wait3A_135] : memref<20224x128xf32, #tpu.memory_space<hbm>> -> memref<128x128xf32, #tpu.memory_space<hbm>>
      %dma_wait3A_137 = arith.constant 0 : i32
      %dma_wait3A_138 = arith.constant 0 : i32
      %dma_wait3A_139 = tpu.memref_slice %arg12[%dma_wait3A_137, %dma_wait3A_138] : memref<128x128xf32, #tpu.memory_space<vmem>> -> memref<128x128xf32, #tpu.memory_space<vmem>>
      tpu.wait_dma2 semaphore(%run_scoped3A : memref<!tpu.dma_semaphore, #tpu.memory_space<semaphore_mem>>) src(%dma_wait3A_139 : memref<128x128xf32, #tpu.memory_space<vmem>>) dst(%dma_wait3A_136 : memref<128x128xf32, #tpu.memory_space<hbm>>)
      tpu.yield
    }) : () -> ()
    %add3A_108 = arith.constant 256 : i32
    %add3A_109 = arith.addi %mul3A_6, %add3A_108 : i32
    "tpu.region"() ({
      %run_scoped3A = tpu.sem_alloc : memref<!tpu.dma_semaphore, #tpu.memory_space<semaphore_mem>>
      %dma_start3A_120 = arith.constant 0 : i32
      %dma_start3A_121 = arith.constant 0 : i32
      %dma_start3A_122 = tpu.memref_slice %arg12[%dma_start3A_120, %dma_start3A_121] : memref<128x128xf32, #tpu.memory_space<vmem>> -> memref<128x128xf32, #tpu.memory_space<vmem>>
      %dma_start3A_123 = arith.constant 0 : i32
      %dma_start3A_124 = tpu.memref_slice %arg15[%add3A_109, %dma_start3A_123] : memref<10112x128xf32, #tpu.memory_space<vmem_shared>> -> memref<128x128xf32, #tpu.memory_space<vmem_shared>>
      %dma_start3A_125 = arith.constant 0 : i32
      %dma_start3A_126 = arith.constant 0 : i32
      %dma_start3A_127 = tpu.memref_slice %arg12[%dma_start3A_125, %dma_start3A_126] : memref<128x128xf32, #tpu.memory_space<vmem>> -> memref<128x128xf32, #tpu.memory_space<vmem>>
      %dma_start3A_128 = arith.constant 0 : i32
      %dma_start3A_129 = tpu.memref_slice %arg15[%add3A_109, %dma_start3A_128] : memref<10112x128xf32, #tpu.memory_space<vmem_shared>> -> memref<128x128xf32, #tpu.memory_space<vmem_shared>>
      tpu.enqueue_dma source(%dma_start3A_129 : memref<128x128xf32, #tpu.memory_space<vmem_shared>>) target(%dma_start3A_127 : memref<128x128xf32, #tpu.memory_space<vmem>>) target_semaphore(%run_scoped3A : memref<!tpu.dma_semaphore, #tpu.memory_space<semaphore_mem>>)
      %dma_wait3A_130 = arith.constant 0 : i32
      %dma_wait3A_131 = arith.constant 0 : i32
      %dma_wait3A_132 = tpu.memref_slice %arg12[%dma_wait3A_130, %dma_wait3A_131] : memref<128x128xf32, #tpu.memory_space<vmem>> -> memref<128x128xf32, #tpu.memory_space<vmem>>
      %dma_wait3A_133 = arith.constant 0 : i32
      %dma_wait3A_134 = tpu.memref_slice %arg15[%add3A_109, %dma_wait3A_133] : memref<10112x128xf32, #tpu.memory_space<vmem_shared>> -> memref<128x128xf32, #tpu.memory_space<vmem_shared>>
      %dma_wait3A_135 = arith.constant 0 : i32
      %dma_wait3A_136 = arith.constant 0 : i32
      %dma_wait3A_137 = tpu.memref_slice %arg12[%dma_wait3A_135, %dma_wait3A_136] : memref<128x128xf32, #tpu.memory_space<vmem>> -> memref<128x128xf32, #tpu.memory_space<vmem>>
      %dma_wait3A_138 = arith.constant 0 : i32
      %dma_wait3A_139 = tpu.memref_slice %arg15[%add3A_109, %dma_wait3A_138] : memref<10112x128xf32, #tpu.memory_space<vmem_shared>> -> memref<128x128xf32, #tpu.memory_space<vmem_shared>>
      tpu.wait_dma2 semaphore(%run_scoped3A : memref<!tpu.dma_semaphore, #tpu.memory_space<semaphore_mem>>) src(%dma_wait3A_139 : memref<128x128xf32, #tpu.memory_space<vmem_shared>>) dst(%dma_wait3A_137 : memref<128x128xf32, #tpu.memory_space<vmem>>)
      tpu.yield
    }) : () -> ()
    %add3A_110 = arith.constant 256 : i32
    %add3A_111 = arith.addi %add3A_99, %add3A_110 : i32
    "tpu.region"() ({
      %run_scoped3A = tpu.sem_alloc : memref<!tpu.dma_semaphore, #tpu.memory_space<semaphore_mem>>
      %dma_start3A_120 = arith.constant 0 : i32
      %dma_start3A_121 = arith.constant 0 : i32
      %dma_start3A_122 = tpu.memref_slice %arg12[%dma_start3A_120, %dma_start3A_121] : memref<128x128xf32, #tpu.memory_space<vmem>> -> memref<128x128xf32, #tpu.memory_space<vmem>>
      %dma_start3A_123 = arith.constant 0 : i32
      %dma_start3A_124 = tpu.memref_slice %arg5[%add3A_111, %dma_start3A_123] : memref<20224x128xf32, #tpu.memory_space<hbm>> -> memref<128x128xf32, #tpu.memory_space<hbm>>
      %dma_start3A_125 = arith.constant 0 : i32
      %dma_start3A_126 = tpu.memref_slice %arg5[%add3A_111, %dma_start3A_125] : memref<20224x128xf32, #tpu.memory_space<hbm>> -> memref<128x128xf32, #tpu.memory_space<hbm>>
      %dma_start3A_127 = arith.constant 0 : i32
      %dma_start3A_128 = arith.constant 0 : i32
      %dma_start3A_129 = tpu.memref_slice %arg12[%dma_start3A_127, %dma_start3A_128] : memref<128x128xf32, #tpu.memory_space<vmem>> -> memref<128x128xf32, #tpu.memory_space<vmem>>
      tpu.enqueue_dma source(%dma_start3A_129 : memref<128x128xf32, #tpu.memory_space<vmem>>) target(%dma_start3A_126 : memref<128x128xf32, #tpu.memory_space<hbm>>) target_semaphore(%run_scoped3A : memref<!tpu.dma_semaphore, #tpu.memory_space<semaphore_mem>>)
      %dma_wait3A_130 = arith.constant 0 : i32
      %dma_wait3A_131 = arith.constant 0 : i32
      %dma_wait3A_132 = tpu.memref_slice %arg12[%dma_wait3A_130, %dma_wait3A_131] : memref<128x128xf32, #tpu.memory_space<vmem>> -> memref<128x128xf32, #tpu.memory_space<vmem>>
      %dma_wait3A_133 = arith.constant 0 : i32
      %dma_wait3A_134 = tpu.memref_slice %arg5[%add3A_111, %dma_wait3A_133] : memref<20224x128xf32, #tpu.memory_space<hbm>> -> memref<128x128xf32, #tpu.memory_space<hbm>>
      %dma_wait3A_135 = arith.constant 0 : i32
      %dma_wait3A_136 = tpu.memref_slice %arg5[%add3A_111, %dma_wait3A_135] : memref<20224x128xf32, #tpu.memory_space<hbm>> -> memref<128x128xf32, #tpu.memory_space<hbm>>
      %dma_wait3A_137 = arith.constant 0 : i32
      %dma_wait3A_138 = arith.constant 0 : i32
      %dma_wait3A_139 = tpu.memref_slice %arg12[%dma_wait3A_137, %dma_wait3A_138] : memref<128x128xf32, #tpu.memory_space<vmem>> -> memref<128x128xf32, #tpu.memory_space<vmem>>
      tpu.wait_dma2 semaphore(%run_scoped3A : memref<!tpu.dma_semaphore, #tpu.memory_space<semaphore_mem>>) src(%dma_wait3A_139 : memref<128x128xf32, #tpu.memory_space<vmem>>) dst(%dma_wait3A_136 : memref<128x128xf32, #tpu.memory_space<hbm>>)
      tpu.yield
    }) : () -> ()
    %add3A_112 = arith.constant 384 : i32
    %add3A_113 = arith.addi %mul3A_6, %add3A_112 : i32
    "tpu.region"() ({
      %run_scoped3A = tpu.sem_alloc : memref<!tpu.dma_semaphore, #tpu.memory_space<semaphore_mem>>
      %dma_start3A_120 = arith.constant 0 : i32
      %dma_start3A_121 = arith.constant 0 : i32
      %dma_start3A_122 = tpu.memref_slice %arg12[%dma_start3A_120, %dma_start3A_121] : memref<128x128xf32, #tpu.memory_space<vmem>> -> memref<128x128xf32, #tpu.memory_space<vmem>>
      %dma_start3A_123 = arith.constant 0 : i32
      %dma_start3A_124 = tpu.memref_slice %arg15[%add3A_113, %dma_start3A_123] : memref<10112x128xf32, #tpu.memory_space<vmem_shared>> -> memref<128x128xf32, #tpu.memory_space<vmem_shared>>
      %dma_start3A_125 = arith.constant 0 : i32
      %dma_start3A_126 = arith.constant 0 : i32
      %dma_start3A_127 = tpu.memref_slice %arg12[%dma_start3A_125, %dma_start3A_126] : memref<128x128xf32, #tpu.memory_space<vmem>> -> memref<128x128xf32, #tpu.memory_space<vmem>>
      %dma_start3A_128 = arith.constant 0 : i32
      %dma_start3A_129 = tpu.memref_slice %arg15[%add3A_113, %dma_start3A_128] : memref<10112x128xf32, #tpu.memory_space<vmem_shared>> -> memref<128x128xf32, #tpu.memory_space<vmem_shared>>
      tpu.enqueue_dma source(%dma_start3A_129 : memref<128x128xf32, #tpu.memory_space<vmem_shared>>) target(%dma_start3A_127 : memref<128x128xf32, #tpu.memory_space<vmem>>) target_semaphore(%run_scoped3A : memref<!tpu.dma_semaphore, #tpu.memory_space<semaphore_mem>>)
      %dma_wait3A_130 = arith.constant 0 : i32
      %dma_wait3A_131 = arith.constant 0 : i32
      %dma_wait3A_132 = tpu.memref_slice %arg12[%dma_wait3A_130, %dma_wait3A_131] : memref<128x128xf32, #tpu.memory_space<vmem>> -> memref<128x128xf32, #tpu.memory_space<vmem>>
      %dma_wait3A_133 = arith.constant 0 : i32
      %dma_wait3A_134 = tpu.memref_slice %arg15[%add3A_113, %dma_wait3A_133] : memref<10112x128xf32, #tpu.memory_space<vmem_shared>> -> memref<128x128xf32, #tpu.memory_space<vmem_shared>>
      %dma_wait3A_135 = arith.constant 0 : i32
      %dma_wait3A_136 = arith.constant 0 : i32
      %dma_wait3A_137 = tpu.memref_slice %arg12[%dma_wait3A_135, %dma_wait3A_136] : memref<128x128xf32, #tpu.memory_space<vmem>> -> memref<128x128xf32, #tpu.memory_space<vmem>>
      %dma_wait3A_138 = arith.constant 0 : i32
      %dma_wait3A_139 = tpu.memref_slice %arg15[%add3A_113, %dma_wait3A_138] : memref<10112x128xf32, #tpu.memory_space<vmem_shared>> -> memref<128x128xf32, #tpu.memory_space<vmem_shared>>
      tpu.wait_dma2 semaphore(%run_scoped3A : memref<!tpu.dma_semaphore, #tpu.memory_space<semaphore_mem>>) src(%dma_wait3A_139 : memref<128x128xf32, #tpu.memory_space<vmem_shared>>) dst(%dma_wait3A_137 : memref<128x128xf32, #tpu.memory_space<vmem>>)
      tpu.yield
    }) : () -> ()
    %add3A_114 = arith.constant 384 : i32
    %add3A_115 = arith.addi %add3A_99, %add3A_114 : i32
    "tpu.region"() ({
      %run_scoped3A = tpu.sem_alloc : memref<!tpu.dma_semaphore, #tpu.memory_space<semaphore_mem>>
      %dma_start3A_120 = arith.constant 0 : i32
      %dma_start3A_121 = arith.constant 0 : i32
      %dma_start3A_122 = tpu.memref_slice %arg12[%dma_start3A_120, %dma_start3A_121] : memref<128x128xf32, #tpu.memory_space<vmem>> -> memref<128x128xf32, #tpu.memory_space<vmem>>
      %dma_start3A_123 = arith.constant 0 : i32
      %dma_start3A_124 = tpu.memref_slice %arg5[%add3A_115, %dma_start3A_123] : memref<20224x128xf32, #tpu.memory_space<hbm>> -> memref<128x128xf32, #tpu.memory_space<hbm>>
      %dma_start3A_125 = arith.constant 0 : i32
      %dma_start3A_126 = tpu.memref_slice %arg5[%add3A_115, %dma_start3A_125] : memref<20224x128xf32, #tpu.memory_space<hbm>> -> memref<128x128xf32, #tpu.memory_space<hbm>>
      %dma_start3A_127 = arith.constant 0 : i32
      %dma_start3A_128 = arith.constant 0 : i32
      %dma_start3A_129 = tpu.memref_slice %arg12[%dma_start3A_127, %dma_start3A_128] : memref<128x128xf32, #tpu.memory_space<vmem>> -> memref<128x128xf32, #tpu.memory_space<vmem>>
      tpu.enqueue_dma source(%dma_start3A_129 : memref<128x128xf32, #tpu.memory_space<vmem>>) target(%dma_start3A_126 : memref<128x128xf32, #tpu.memory_space<hbm>>) target_semaphore(%run_scoped3A : memref<!tpu.dma_semaphore, #tpu.memory_space<semaphore_mem>>)
      %dma_wait3A_130 = arith.constant 0 : i32
      %dma_wait3A_131 = arith.constant 0 : i32
      %dma_wait3A_132 = tpu.memref_slice %arg12[%dma_wait3A_130, %dma_wait3A_131] : memref<128x128xf32, #tpu.memory_space<vmem>> -> memref<128x128xf32, #tpu.memory_space<vmem>>
      %dma_wait3A_133 = arith.constant 0 : i32
      %dma_wait3A_134 = tpu.memref_slice %arg5[%add3A_115, %dma_wait3A_133] : memref<20224x128xf32, #tpu.memory_space<hbm>> -> memref<128x128xf32, #tpu.memory_space<hbm>>
      %dma_wait3A_135 = arith.constant 0 : i32
      %dma_wait3A_136 = tpu.memref_slice %arg5[%add3A_115, %dma_wait3A_135] : memref<20224x128xf32, #tpu.memory_space<hbm>> -> memref<128x128xf32, #tpu.memory_space<hbm>>
      %dma_wait3A_137 = arith.constant 0 : i32
      %dma_wait3A_138 = arith.constant 0 : i32
      %dma_wait3A_139 = tpu.memref_slice %arg12[%dma_wait3A_137, %dma_wait3A_138] : memref<128x128xf32, #tpu.memory_space<vmem>> -> memref<128x128xf32, #tpu.memory_space<vmem>>
      tpu.wait_dma2 semaphore(%run_scoped3A : memref<!tpu.dma_semaphore, #tpu.memory_space<semaphore_mem>>) src(%dma_wait3A_139 : memref<128x128xf32, #tpu.memory_space<vmem>>) dst(%dma_wait3A_136 : memref<128x128xf32, #tpu.memory_space<hbm>>)
      tpu.yield
    }) : () -> ()
    %add3A_116 = arith.constant 512 : i32
    %add3A_117 = arith.addi %mul3A_6, %add3A_116 : i32
    "tpu.region"() ({
      %run_scoped3A = tpu.sem_alloc : memref<!tpu.dma_semaphore, #tpu.memory_space<semaphore_mem>>
      %dma_start3A_120 = arith.constant 0 : i32
      %dma_start3A_121 = arith.constant 0 : i32
      %dma_start3A_122 = tpu.memref_slice %arg12[%dma_start3A_120, %dma_start3A_121] : memref<128x128xf32, #tpu.memory_space<vmem>> -> memref<120x128xf32, #tpu.memory_space<vmem>>
      %dma_start3A_123 = arith.constant 0 : i32
      %dma_start3A_124 = tpu.memref_slice %arg15[%add3A_117, %dma_start3A_123] : memref<10112x128xf32, #tpu.memory_space<vmem_shared>> -> memref<120x128xf32, #tpu.memory_space<vmem_shared>>
      %dma_start3A_125 = arith.constant 0 : i32
      %dma_start3A_126 = arith.constant 0 : i32
      %dma_start3A_127 = tpu.memref_slice %arg12[%dma_start3A_125, %dma_start3A_126] : memref<128x128xf32, #tpu.memory_space<vmem>> -> memref<120x128xf32, #tpu.memory_space<vmem>>
      %dma_start3A_128 = arith.constant 0 : i32
      %dma_start3A_129 = tpu.memref_slice %arg15[%add3A_117, %dma_start3A_128] : memref<10112x128xf32, #tpu.memory_space<vmem_shared>> -> memref<120x128xf32, #tpu.memory_space<vmem_shared>>
      tpu.enqueue_dma source(%dma_start3A_129 : memref<120x128xf32, #tpu.memory_space<vmem_shared>>) target(%dma_start3A_127 : memref<120x128xf32, #tpu.memory_space<vmem>>) target_semaphore(%run_scoped3A : memref<!tpu.dma_semaphore, #tpu.memory_space<semaphore_mem>>)
      %dma_wait3A_130 = arith.constant 0 : i32
      %dma_wait3A_131 = arith.constant 0 : i32
      %dma_wait3A_132 = tpu.memref_slice %arg12[%dma_wait3A_130, %dma_wait3A_131] : memref<128x128xf32, #tpu.memory_space<vmem>> -> memref<120x128xf32, #tpu.memory_space<vmem>>
      %dma_wait3A_133 = arith.constant 0 : i32
      %dma_wait3A_134 = tpu.memref_slice %arg15[%add3A_117, %dma_wait3A_133] : memref<10112x128xf32, #tpu.memory_space<vmem_shared>> -> memref<120x128xf32, #tpu.memory_space<vmem_shared>>
      %dma_wait3A_135 = arith.constant 0 : i32
      %dma_wait3A_136 = arith.constant 0 : i32
      %dma_wait3A_137 = tpu.memref_slice %arg12[%dma_wait3A_135, %dma_wait3A_136] : memref<128x128xf32, #tpu.memory_space<vmem>> -> memref<120x128xf32, #tpu.memory_space<vmem>>
      %dma_wait3A_138 = arith.constant 0 : i32
      %dma_wait3A_139 = tpu.memref_slice %arg15[%add3A_117, %dma_wait3A_138] : memref<10112x128xf32, #tpu.memory_space<vmem_shared>> -> memref<120x128xf32, #tpu.memory_space<vmem_shared>>
      tpu.wait_dma2 semaphore(%run_scoped3A : memref<!tpu.dma_semaphore, #tpu.memory_space<semaphore_mem>>) src(%dma_wait3A_139 : memref<120x128xf32, #tpu.memory_space<vmem_shared>>) dst(%dma_wait3A_137 : memref<120x128xf32, #tpu.memory_space<vmem>>)
      tpu.yield
    }) : () -> ()
    %add3A_118 = arith.constant 512 : i32
    %add3A_119 = arith.addi %add3A_99, %add3A_118 : i32
    "tpu.region"() ({
      %run_scoped3A = tpu.sem_alloc : memref<!tpu.dma_semaphore, #tpu.memory_space<semaphore_mem>>
      %dma_start3A_120 = arith.constant 0 : i32
      %dma_start3A_121 = arith.constant 0 : i32
      %dma_start3A_122 = tpu.memref_slice %arg12[%dma_start3A_120, %dma_start3A_121] : memref<128x128xf32, #tpu.memory_space<vmem>> -> memref<120x128xf32, #tpu.memory_space<vmem>>
      %dma_start3A_123 = arith.constant 0 : i32
      %dma_start3A_124 = tpu.memref_slice %arg5[%add3A_119, %dma_start3A_123] : memref<20224x128xf32, #tpu.memory_space<hbm>> -> memref<120x128xf32, #tpu.memory_space<hbm>>
      %dma_start3A_125 = arith.constant 0 : i32
      %dma_start3A_126 = tpu.memref_slice %arg5[%add3A_119, %dma_start3A_125] : memref<20224x128xf32, #tpu.memory_space<hbm>> -> memref<120x128xf32, #tpu.memory_space<hbm>>
      %dma_start3A_127 = arith.constant 0 : i32
      %dma_start3A_128 = arith.constant 0 : i32
      %dma_start3A_129 = tpu.memref_slice %arg12[%dma_start3A_127, %dma_start3A_128] : memref<128x128xf32, #tpu.memory_space<vmem>> -> memref<120x128xf32, #tpu.memory_space<vmem>>
      tpu.enqueue_dma source(%dma_start3A_129 : memref<120x128xf32, #tpu.memory_space<vmem>>) target(%dma_start3A_126 : memref<120x128xf32, #tpu.memory_space<hbm>>) target_semaphore(%run_scoped3A : memref<!tpu.dma_semaphore, #tpu.memory_space<semaphore_mem>>)
      %dma_wait3A_130 = arith.constant 0 : i32
      %dma_wait3A_131 = arith.constant 0 : i32
      %dma_wait3A_132 = tpu.memref_slice %arg12[%dma_wait3A_130, %dma_wait3A_131] : memref<128x128xf32, #tpu.memory_space<vmem>> -> memref<120x128xf32, #tpu.memory_space<vmem>>
      %dma_wait3A_133 = arith.constant 0 : i32
      %dma_wait3A_134 = tpu.memref_slice %arg5[%add3A_119, %dma_wait3A_133] : memref<20224x128xf32, #tpu.memory_space<hbm>> -> memref<120x128xf32, #tpu.memory_space<hbm>>
      %dma_wait3A_135 = arith.constant 0 : i32
      %dma_wait3A_136 = tpu.memref_slice %arg5[%add3A_119, %dma_wait3A_135] : memref<20224x128xf32, #tpu.memory_space<hbm>> -> memref<120x128xf32, #tpu.memory_space<hbm>>
      %dma_wait3A_137 = arith.constant 0 : i32
      %dma_wait3A_138 = arith.constant 0 : i32
      %dma_wait3A_139 = tpu.memref_slice %arg12[%dma_wait3A_137, %dma_wait3A_138] : memref<128x128xf32, #tpu.memory_space<vmem>> -> memref<120x128xf32, #tpu.memory_space<vmem>>
      tpu.wait_dma2 semaphore(%run_scoped3A : memref<!tpu.dma_semaphore, #tpu.memory_space<semaphore_mem>>) src(%dma_wait3A_139 : memref<120x128xf32, #tpu.memory_space<vmem>>) dst(%dma_wait3A_136 : memref<120x128xf32, #tpu.memory_space<hbm>>)
      tpu.yield
    }) : () -> ()
    return
  }
}

#map = affine_map<(d0, d1) -> (0, 0, 0, 0)>
#map1 = affine_map<(d0, d1) -> (0, 0)>
module attributes {stable_mosaic.version = 14 : i64} {
  func.func @segsum(%arg0: i32, %arg1: i32, %arg2: memref<2x16x162x128xi32, #tpu.memory_space<hbm>>, %arg3: memref<2x16x162x128xi32, #tpu.memory_space<hbm>>, %arg4: memref<20000x128xf32, #tpu.memory_space<hbm>>, %arg5: memref<20224x128xf32, #tpu.memory_space<hbm>>, %arg6: memref<128xi32, #tpu.memory_space<vmem>>, %arg7: memref<128xi32, #tpu.memory_space<vmem>>, %arg8: memref<128xi32, #tpu.memory_space<vmem>>, %arg9: memref<128xi32, #tpu.memory_space<vmem>>, %arg10: memref<128xi32, #tpu.memory_space<vmem>>, %arg11: memref<128xi32, #tpu.memory_space<vmem>>, %arg12: memref<128x128xf32, #tpu.memory_space<vmem>>, %arg13: memref<128x128xf32, #tpu.memory_space<vmem>>, %arg14: memref<128x128xf32, #tpu.memory_space<vmem>>, %arg15: memref<10112x128xf32, #tpu.memory_space<vmem_shared>>, %arg16: memref<!tpu.dma_semaphore, #tpu.memory_space<semaphore_mem>>, %arg17: memref<!tpu.dma_semaphore, #tpu.memory_space<semaphore_mem>>, %arg18: memref<!tpu.dma_semaphore, #tpu.memory_space<semaphore_mem>>, %arg19: memref<!tpu.dma_semaphore, #tpu.memory_space<semaphore_mem>>, %arg20: memref<!tpu.dma_semaphore, #tpu.memory_space<semaphore_mem>>, %arg21: memref<!tpu.dma_semaphore, #tpu.memory_space<semaphore_mem>>) attributes {dimension_semantics = [#tpu.dimension_semantics<core_parallel>, #tpu.dimension_semantics<subcore_parallel>], iteration_bounds = array<i64: 2, 16>, scalar_prefetch = 0 : i64, scratch_operands = 16 : i64, tpu.core_type = #tpu.core_type<sc_vector_subcore>, window_params = [{transform_indices = #map}, {transform_indices = #map}, {transform_indices = #map1}, {transform_indices = #map1}]} {
    %broadcast_in_dim3A = arith.constant 0.000000e+00 : f32
    %broadcast_in_dim3A_0 = vector.broadcast %broadcast_in_dim3A : f32 to vector<16xf32>
    %scan3A = arith.constant 0 : i32
    %scan3A_1 = arith.constant 0 : i32
    %scan3A_2 = arith.constant 128 : i32
    %scan3A_3 = arith.addi %scan3A_1, %scan3A_2 : i32
    %scan3A_4 = arith.constant 1 : i32
    scf.for %scan3A_120 = %scan3A_1 to %scan3A_3 step %scan3A_4  : i32 {
      %swap3A = arith.index_cast %scan3A_120 : i32 to index
      %swap3A_121 = arith.constant 0 : index
      %swap3A_122 = tpu.vector_load %arg12[%swap3A, %swap3A_121] {strides = array<i32>} : memref<128x128xf32, #tpu.memory_space<vmem>>, vector<1x16xf32>,
      %swap3A_123 = vector.shape_cast %swap3A_122 : vector<1x16xf32> to vector<16xf32>
      %swap3A_124 = vector.shape_cast %broadcast_in_dim3A_0 : vector<16xf32> to vector<1x16xf32>
      tpu.vector_store %arg12[%swap3A, %swap3A_121], %swap3A_124 {strides = array<i32>} : memref<128x128xf32, #tpu.memory_space<vmem>>, vector<1x16xf32>,
      %swap3A_125 = arith.index_cast %scan3A_120 : i32 to index
      %swap3A_126 = arith.constant 16 : index
      %swap3A_127 = tpu.vector_load %arg12[%swap3A_125, %swap3A_126] {strides = array<i32>} : memref<128x128xf32, #tpu.memory_space<vmem>>, vector<1x16xf32>,
      %swap3A_128 = vector.shape_cast %swap3A_127 : vector<1x16xf32> to vector<16xf32>
      %swap3A_129 = vector.shape_cast %broadcast_in_dim3A_0 : vector<16xf32> to vector<1x16xf32>
      tpu.vector_store %arg12[%swap3A_125, %swap3A_126], %swap3A_129 {strides = array<i32>} : memref<128x128xf32, #tpu.memory_space<vmem>>, vector<1x16xf32>,
      %swap3A_130 = arith.index_cast %scan3A_120 : i32 to index
      %swap3A_131 = arith.constant 32 : index
      %swap3A_132 = tpu.vector_load %arg12[%swap3A_130, %swap3A_131] {strides = array<i32>} : memref<128x128xf32, #tpu.memory_space<vmem>>, vector<1x16xf32>,
      %swap3A_133 = vector.shape_cast %swap3A_132 : vector<1x16xf32> to vector<16xf32>
      %swap3A_134 = vector.shape_cast %broadcast_in_dim3A_0 : vector<16xf32> to vector<1x16xf32>
      tpu.vector_store %arg12[%swap3A_130, %swap3A_131], %swap3A_134 {strides = array<i32>} : memref<128x128xf32, #tpu.memory_space<vmem>>, vector<1x16xf32>,
      %swap3A_135 = arith.index_cast %scan3A_120 : i32 to index
      %swap3A_136 = arith.constant 48 : index
      %swap3A_137 = tpu.vector_load %arg12[%swap3A_135, %swap3A_136] {strides = array<i32>} : memref<128x128xf32, #tpu.memory_space<vmem>>, vector<1x16xf32>,
      %swap3A_138 = vector.shape_cast %swap3A_137 : vector<1x16xf32> to vector<16xf32>
      %swap3A_139 = vector.shape_cast %broadcast_in_dim3A_0 : vector<16xf32> to vector<1x16xf32>
      tpu.vector_store %arg12[%swap3A_135, %swap3A_136], %swap3A_139 {strides = array<i32>} : memref<128x128xf32, #tpu.memory_space<vmem>>, vector<1x16xf32>,
      %swap3A_140 = arith.index_cast %scan3A_120 : i32 to index
      %swap3A_141 = arith.constant 64 : index
      %swap3A_142 = tpu.vector_load %arg12[%swap3A_140, %swap3A_141] {strides = array<i32>} : memref<128x128xf32, #tpu.memory_space<vmem>>, vector<1x16xf32>,
      %swap3A_143 = vector.shape_cast %swap3A_142 : vector<1x16xf32> to vector<16xf32>
      %swap3A_144 = vector.shape_cast %broadcast_in_dim3A_0 : vector<16xf32> to vector<1x16xf32>
      tpu.vector_store %arg12[%swap3A_140, %swap3A_141], %swap3A_144 {strides = array<i32>} : memref<128x128xf32, #tpu.memory_space<vmem>>, vector<1x16xf32>,
      %swap3A_145 = arith.index_cast %scan3A_120 : i32 to index
      %swap3A_146 = arith.constant 80 : index
      %swap3A_147 = tpu.vector_load %arg12[%swap3A_145, %swap3A_146] {strides = array<i32>} : memref<128x128xf32, #tpu.memory_space<vmem>>, vector<1x16xf32>,
      %swap3A_148 = vector.shape_cast %swap3A_147 : vector<1x16xf32> to vector<16xf32>
      %swap3A_149 = vector.shape_cast %broadcast_in_dim3A_0 : vector<16xf32> to vector<1x16xf32>
      tpu.vector_store %arg12[%swap3A_145, %swap3A_146], %swap3A_149 {strides = array<i32>} : memref<128x128xf32, #tpu.memory_space<vmem>>, vector<1x16xf32>,
      %swap3A_150 = arith.index_cast %scan3A_120 : i32 to index
      %swap3A_151 = arith.constant 96 : index
      %swap3A_152 = tpu.vector_load %arg12[%swap3A_150, %swap3A_151] {strides = array<i32>} : memref<128x128xf32, #tpu.memory_space<vmem>>, vector<1x16xf32>,
      %swap3A_153 = vector.shape_cast %swap3A_152 : vector<1x16xf32> to vector<16xf32>
      %swap3A_154 = vector.shape_cast %broadcast_in_dim3A_0 : vector<16xf32> to vector<1x16xf32>
      tpu.vector_store %arg12[%swap3A_150, %swap3A_151], %swap3A_154 {strides = array<i32>} : memref<128x128xf32, #tpu.memory_space<vmem>>, vector<1x16xf32>,
      %swap3A_155 = arith.index_cast %scan3A_120 : i32 to index
      %swap3A_156 = arith.constant 112 : index
      %swap3A_157 = tpu.vector_load %arg12[%swap3A_155, %swap3A_156] {strides = array<i32>} : memref<128x128xf32, #tpu.memory_space<vmem>>, vector<1x16xf32>,
      %swap3A_158 = vector.shape_cast %swap3A_157 : vector<1x16xf32> to vector<16xf32>
      %swap3A_159 = vector.shape_cast %broadcast_in_dim3A_0 : vector<16xf32> to vector<1x16xf32>
      tpu.vector_store %arg12[%swap3A_155, %swap3A_156], %swap3A_159 {strides = array<i32>} : memref<128x128xf32, #tpu.memory_space<vmem>>, vector<1x16xf32>,
    }
    %scan3A_5 = arith.constant 128 : i32
    %mul3A = arith.constant 632 : i32
    %mul3A_6 = arith.muli %arg1, %mul3A : i32
    %add3A = arith.constant 0 : i32
    %add3A_7 = arith.addi %mul3A_6, %add3A : i32
    "tpu.region"() ({
      %run_scoped3A = tpu.sem_alloc : memref<!tpu.dma_semaphore, #tpu.memory_space<semaphore_mem>>
      %dma_start3A_120 = arith.constant 0 : i32
      %dma_start3A_121 = arith.constant 0 : i32
      %dma_start3A_122 = tpu.memref_slice %arg12[%dma_start3A_120, %dma_start3A_121] : memref<128x128xf32, #tpu.memory_space<vmem>> -> memref<128x128xf32, #tpu.memory_space<vmem>>
      %dma_start3A_123 = arith.constant 0 : i32
      %dma_start3A_124 = tpu.memref_slice %arg15[%add3A_7, %dma_start3A_123] : memref<10112x128xf32, #tpu.memory_space<vmem_shared>> -> memref<128x128xf32, #tpu.memory_space<vmem_shared>>
      %dma_start3A_125 = arith.constant 0 : i32
      %dma_start3A_126 = tpu.memref_slice %arg15[%add3A_7, %dma_start3A_125] : memref<10112x128xf32, #tpu.memory_space<vmem_shared>> -> memref<128x128xf32, #tpu.memory_space<vmem_shared>>
      %dma_start3A_127 = arith.constant 0 : i32
      %dma_start3A_128 = arith.constant 0 : i32
      %dma_start3A_129 = tpu.memref_slice %arg12[%dma_start3A_127, %dma_start3A_128] : memref<128x128xf32, #tpu.memory_space<vmem>> -> memref<128x128xf32, #tpu.memory_space<vmem>>
      tpu.enqueue_dma source(%dma_start3A_129 : memref<128x128xf32, #tpu.memory_space<vmem>>) target(%dma_start3A_126 : memref<128x128xf32, #tpu.memory_space<vmem_shared>>) target_semaphore(%run_scoped3A : memref<!tpu.dma_semaphore, #tpu.memory_space<semaphore_mem>>)
      %dma_wait3A_130 = arith.constant 0 : i32
      %dma_wait3A_131 = arith.constant 0 : i32
      %dma_wait3A_132 = tpu.memref_slice %arg12[%dma_wait3A_130, %dma_wait3A_131] : memref<128x128xf32, #tpu.memory_space<vmem>> -> memref<128x128xf32, #tpu.memory_space<vmem>>
      %dma_wait3A_133 = arith.constant 0 : i32
      %dma_wait3A_134 = tpu.memref_slice %arg15[%add3A_7, %dma_wait3A_133] : memref<10112x128xf32, #tpu.memory_space<vmem_shared>> -> memref<128x128xf32, #tpu.memory_space<vmem_shared>>
      %dma_wait3A_135 = arith.constant 0 : i32
      %dma_wait3A_136 = tpu.memref_slice %arg15[%add3A_7, %dma_wait3A_135] : memref<10112x128xf32, #tpu.memory_space<vmem_shared>> -> memref<128x128xf32, #tpu.memory_space<vmem_shared>>
      %dma_wait3A_137 = arith.constant 0 : i32
      %dma_wait3A_138 = arith.constant 0 : i32
      %dma_wait3A_139 = tpu.memref_slice %arg12[%dma_wait3A_137, %dma_wait3A_138] : memref<128x128xf32, #tpu.memory_space<vmem>> -> memref<128x128xf32, #tpu.memory_space<vmem>>
      tpu.wait_dma2 semaphore(%run_scoped3A : memref<!tpu.dma_semaphore, #tpu.memory_space<semaphore_mem>>) src(%dma_wait3A_139 : memref<128x128xf32, #tpu.memory_space<vmem>>) dst(%dma_wait3A_136 : memref<128x128xf32, #tpu.memory_space<vmem_shared>>)
      tpu.yield
    }) : () -> ()
    %add3A_8 = arith.constant 128 : i32
    %add3A_9 = arith.addi %mul3A_6, %add3A_8 : i32
    "tpu.region"() ({
      %run_scoped3A = tpu.sem_alloc : memref<!tpu.dma_semaphore, #tpu.memory_space<semaphore_mem>>
      %dma_start3A_120 = arith.constant 0 : i32
      %dma_start3A_121 = arith.constant 0 : i32
      %dma_start3A_122 = tpu.memref_slice %arg12[%dma_start3A_120, %dma_start3A_121] : memref<128x128xf32, #tpu.memory_space<vmem>> -> memref<128x128xf32, #tpu.memory_space<vmem>>
      %dma_start3A_123 = arith.constant 0 : i32
      %dma_start3A_124 = tpu.memref_slice %arg15[%add3A_9, %dma_start3A_123] : memref<10112x128xf32, #tpu.memory_space<vmem_shared>> -> memref<128x128xf32, #tpu.memory_space<vmem_shared>>
      %dma_start3A_125 = arith.constant 0 : i32
      %dma_start3A_126 = tpu.memref_slice %arg15[%add3A_9, %dma_start3A_125] : memref<10112x128xf32, #tpu.memory_space<vmem_shared>> -> memref<128x128xf32, #tpu.memory_space<vmem_shared>>
      %dma_start3A_127 = arith.constant 0 : i32
      %dma_start3A_128 = arith.constant 0 : i32
      %dma_start3A_129 = tpu.memref_slice %arg12[%dma_start3A_127, %dma_start3A_128] : memref<128x128xf32, #tpu.memory_space<vmem>> -> memref<128x128xf32, #tpu.memory_space<vmem>>
      tpu.enqueue_dma source(%dma_start3A_129 : memref<128x128xf32, #tpu.memory_space<vmem>>) target(%dma_start3A_126 : memref<128x128xf32, #tpu.memory_space<vmem_shared>>) target_semaphore(%run_scoped3A : memref<!tpu.dma_semaphore, #tpu.memory_space<semaphore_mem>>)
      %dma_wait3A_130 = arith.constant 0 : i32
      %dma_wait3A_131 = arith.constant 0 : i32
      %dma_wait3A_132 = tpu.memref_slice %arg12[%dma_wait3A_130, %dma_wait3A_131] : memref<128x128xf32, #tpu.memory_space<vmem>> -> memref<128x128xf32, #tpu.memory_space<vmem>>
      %dma_wait3A_133 = arith.constant 0 : i32
      %dma_wait3A_134 = tpu.memref_slice %arg15[%add3A_9, %dma_wait3A_133] : memref<10112x128xf32, #tpu.memory_space<vmem_shared>> -> memref<128x128xf32, #tpu.memory_space<vmem_shared>>
      %dma_wait3A_135 = arith.constant 0 : i32
      %dma_wait3A_136 = tpu.memref_slice %arg15[%add3A_9, %dma_wait3A_135] : memref<10112x128xf32, #tpu.memory_space<vmem_shared>> -> memref<128x128xf32, #tpu.memory_space<vmem_shared>>
      %dma_wait3A_137 = arith.constant 0 : i32
      %dma_wait3A_138 = arith.constant 0 : i32
      %dma_wait3A_139 = tpu.memref_slice %arg12[%dma_wait3A_137, %dma_wait3A_138] : memref<128x128xf32, #tpu.memory_space<vmem>> -> memref<128x128xf32, #tpu.memory_space<vmem>>
      tpu.wait_dma2 semaphore(%run_scoped3A : memref<!tpu.dma_semaphore, #tpu.memory_space<semaphore_mem>>) src(%dma_wait3A_139 : memref<128x128xf32, #tpu.memory_space<vmem>>) dst(%dma_wait3A_136 : memref<128x128xf32, #tpu.memory_space<vmem_shared>>)
      tpu.yield
    }) : () -> ()
    %add3A_10 = arith.constant 256 : i32
    %add3A_11 = arith.addi %mul3A_6, %add3A_10 : i32
    "tpu.region"() ({
      %run_scoped3A = tpu.sem_alloc : memref<!tpu.dma_semaphore, #tpu.memory_space<semaphore_mem>>
      %dma_start3A_120 = arith.constant 0 : i32
      %dma_start3A_121 = arith.constant 0 : i32
      %dma_start3A_122 = tpu.memref_slice %arg12[%dma_start3A_120, %dma_start3A_121] : memref<128x128xf32, #tpu.memory_space<vmem>> -> memref<128x128xf32, #tpu.memory_space<vmem>>
      %dma_start3A_123 = arith.constant 0 : i32
      %dma_start3A_124 = tpu.memref_slice %arg15[%add3A_11, %dma_start3A_123] : memref<10112x128xf32, #tpu.memory_space<vmem_shared>> -> memref<128x128xf32, #tpu.memory_space<vmem_shared>>
      %dma_start3A_125 = arith.constant 0 : i32
      %dma_start3A_126 = tpu.memref_slice %arg15[%add3A_11, %dma_start3A_125] : memref<10112x128xf32, #tpu.memory_space<vmem_shared>> -> memref<128x128xf32, #tpu.memory_space<vmem_shared>>
      %dma_start3A_127 = arith.constant 0 : i32
      %dma_start3A_128 = arith.constant 0 : i32
      %dma_start3A_129 = tpu.memref_slice %arg12[%dma_start3A_127, %dma_start3A_128] : memref<128x128xf32, #tpu.memory_space<vmem>> -> memref<128x128xf32, #tpu.memory_space<vmem>>
      tpu.enqueue_dma source(%dma_start3A_129 : memref<128x128xf32, #tpu.memory_space<vmem>>) target(%dma_start3A_126 : memref<128x128xf32, #tpu.memory_space<vmem_shared>>) target_semaphore(%run_scoped3A : memref<!tpu.dma_semaphore, #tpu.memory_space<semaphore_mem>>)
      %dma_wait3A_130 = arith.constant 0 : i32
      %dma_wait3A_131 = arith.constant 0 : i32
      %dma_wait3A_132 = tpu.memref_slice %arg12[%dma_wait3A_130, %dma_wait3A_131] : memref<128x128xf32, #tpu.memory_space<vmem>> -> memref<128x128xf32, #tpu.memory_space<vmem>>
      %dma_wait3A_133 = arith.constant 0 : i32
      %dma_wait3A_134 = tpu.memref_slice %arg15[%add3A_11, %dma_wait3A_133] : memref<10112x128xf32, #tpu.memory_space<vmem_shared>> -> memref<128x128xf32, #tpu.memory_space<vmem_shared>>
      %dma_wait3A_135 = arith.constant 0 : i32
      %dma_wait3A_136 = tpu.memref_slice %arg15[%add3A_11, %dma_wait3A_135] : memref<10112x128xf32, #tpu.memory_space<vmem_shared>> -> memref<128x128xf32, #tpu.memory_space<vmem_shared>>
      %dma_wait3A_137 = arith.constant 0 : i32
      %dma_wait3A_138 = arith.constant 0 : i32
      %dma_wait3A_139 = tpu.memref_slice %arg12[%dma_wait3A_137, %dma_wait3A_138] : memref<128x128xf32, #tpu.memory_space<vmem>> -> memref<128x128xf32, #tpu.memory_space<vmem>>
      tpu.wait_dma2 semaphore(%run_scoped3A : memref<!tpu.dma_semaphore, #tpu.memory_space<semaphore_mem>>) src(%dma_wait3A_139 : memref<128x128xf32, #tpu.memory_space<vmem>>) dst(%dma_wait3A_136 : memref<128x128xf32, #tpu.memory_space<vmem_shared>>)
      tpu.yield
    }) : () -> ()
    %add3A_12 = arith.constant 384 : i32
    %add3A_13 = arith.addi %mul3A_6, %add3A_12 : i32
    "tpu.region"() ({
      %run_scoped3A = tpu.sem_alloc : memref<!tpu.dma_semaphore, #tpu.memory_space<semaphore_mem>>
      %dma_start3A_120 = arith.constant 0 : i32
      %dma_start3A_121 = arith.constant 0 : i32
      %dma_start3A_122 = tpu.memref_slice %arg12[%dma_start3A_120, %dma_start3A_121] : memref<128x128xf32, #tpu.memory_space<vmem>> -> memref<128x128xf32, #tpu.memory_space<vmem>>
      %dma_start3A_123 = arith.constant 0 : i32
      %dma_start3A_124 = tpu.memref_slice %arg15[%add3A_13, %dma_start3A_123] : memref<10112x128xf32, #tpu.memory_space<vmem_shared>> -> memref<128x128xf32, #tpu.memory_space<vmem_shared>>
      %dma_start3A_125 = arith.constant 0 : i32
      %dma_start3A_126 = tpu.memref_slice %arg15[%add3A_13, %dma_start3A_125] : memref<10112x128xf32, #tpu.memory_space<vmem_shared>> -> memref<128x128xf32, #tpu.memory_space<vmem_shared>>
      %dma_start3A_127 = arith.constant 0 : i32
      %dma_start3A_128 = arith.constant 0 : i32
      %dma_start3A_129 = tpu.memref_slice %arg12[%dma_start3A_127, %dma_start3A_128] : memref<128x128xf32, #tpu.memory_space<vmem>> -> memref<128x128xf32, #tpu.memory_space<vmem>>
      tpu.enqueue_dma source(%dma_start3A_129 : memref<128x128xf32, #tpu.memory_space<vmem>>) target(%dma_start3A_126 : memref<128x128xf32, #tpu.memory_space<vmem_shared>>) target_semaphore(%run_scoped3A : memref<!tpu.dma_semaphore, #tpu.memory_space<semaphore_mem>>)
      %dma_wait3A_130 = arith.constant 0 : i32
      %dma_wait3A_131 = arith.constant 0 : i32
      %dma_wait3A_132 = tpu.memref_slice %arg12[%dma_wait3A_130, %dma_wait3A_131] : memref<128x128xf32, #tpu.memory_space<vmem>> -> memref<128x128xf32, #tpu.memory_space<vmem>>
      %dma_wait3A_133 = arith.constant 0 : i32
      %dma_wait3A_134 = tpu.memref_slice %arg15[%add3A_13, %dma_wait3A_133] : memref<10112x128xf32, #tpu.memory_space<vmem_shared>> -> memref<128x128xf32, #tpu.memory_space<vmem_shared>>
      %dma_wait3A_135 = arith.constant 0 : i32
      %dma_wait3A_136 = tpu.memref_slice %arg15[%add3A_13, %dma_wait3A_135] : memref<10112x128xf32, #tpu.memory_space<vmem_shared>> -> memref<128x128xf32, #tpu.memory_space<vmem_shared>>
      %dma_wait3A_137 = arith.constant 0 : i32
      %dma_wait3A_138 = arith.constant 0 : i32
      %dma_wait3A_139 = tpu.memref_slice %arg12[%dma_wait3A_137, %dma_wait3A_138] : memref<128x128xf32, #tpu.memory_space<vmem>> -> memref<128x128xf32, #tpu.memory_space<vmem>>
      tpu.wait_dma2 semaphore(%run_scoped3A : memref<!tpu.dma_semaphore, #tpu.memory_space<semaphore_mem>>) src(%dma_wait3A_139 : memref<128x128xf32, #tpu.memory_space<vmem>>) dst(%dma_wait3A_136 : memref<128x128xf32, #tpu.memory_space<vmem_shared>>)
      tpu.yield
    }) : () -> ()
    %add3A_14 = arith.constant 512 : i32
    %add3A_15 = arith.addi %mul3A_6, %add3A_14 : i32
    "tpu.region"() ({
      %run_scoped3A = tpu.sem_alloc : memref<!tpu.dma_semaphore, #tpu.memory_space<semaphore_mem>>
      %dma_start3A_120 = arith.constant 0 : i32
      %dma_start3A_121 = arith.constant 0 : i32
      %dma_start3A_122 = tpu.memref_slice %arg12[%dma_start3A_120, %dma_start3A_121] : memref<128x128xf32, #tpu.memory_space<vmem>> -> memref<120x128xf32, #tpu.memory_space<vmem>>
      %dma_start3A_123 = arith.constant 0 : i32
      %dma_start3A_124 = tpu.memref_slice %arg15[%add3A_15, %dma_start3A_123] : memref<10112x128xf32, #tpu.memory_space<vmem_shared>> -> memref<120x128xf32, #tpu.memory_space<vmem_shared>>
      %dma_start3A_125 = arith.constant 0 : i32
      %dma_start3A_126 = tpu.memref_slice %arg15[%add3A_15, %dma_start3A_125] : memref<10112x128xf32, #tpu.memory_space<vmem_shared>> -> memref<120x128xf32, #tpu.memory_space<vmem_shared>>
      %dma_start3A_127 = arith.constant 0 : i32
      %dma_start3A_128 = arith.constant 0 : i32
      %dma_start3A_129 = tpu.memref_slice %arg12[%dma_start3A_127, %dma_start3A_128] : memref<128x128xf32, #tpu.memory_space<vmem>> -> memref<120x128xf32, #tpu.memory_space<vmem>>
      tpu.enqueue_dma source(%dma_start3A_129 : memref<120x128xf32, #tpu.memory_space<vmem>>) target(%dma_start3A_126 : memref<120x128xf32, #tpu.memory_space<vmem_shared>>) target_semaphore(%run_scoped3A : memref<!tpu.dma_semaphore, #tpu.memory_space<semaphore_mem>>)
      %dma_wait3A_130 = arith.constant 0 : i32
      %dma_wait3A_131 = arith.constant 0 : i32
      %dma_wait3A_132 = tpu.memref_slice %arg12[%dma_wait3A_130, %dma_wait3A_131] : memref<128x128xf32, #tpu.memory_space<vmem>> -> memref<120x128xf32, #tpu.memory_space<vmem>>
      %dma_wait3A_133 = arith.constant 0 : i32
      %dma_wait3A_134 = tpu.memref_slice %arg15[%add3A_15, %dma_wait3A_133] : memref<10112x128xf32, #tpu.memory_space<vmem_shared>> -> memref<120x128xf32, #tpu.memory_space<vmem_shared>>
      %dma_wait3A_135 = arith.constant 0 : i32
      %dma_wait3A_136 = tpu.memref_slice %arg15[%add3A_15, %dma_wait3A_135] : memref<10112x128xf32, #tpu.memory_space<vmem_shared>> -> memref<120x128xf32, #tpu.memory_space<vmem_shared>>
      %dma_wait3A_137 = arith.constant 0 : i32
      %dma_wait3A_138 = arith.constant 0 : i32
      %dma_wait3A_139 = tpu.memref_slice %arg12[%dma_wait3A_137, %dma_wait3A_138] : memref<128x128xf32, #tpu.memory_space<vmem>> -> memref<120x128xf32, #tpu.memory_space<vmem>>
      tpu.wait_dma2 semaphore(%run_scoped3A : memref<!tpu.dma_semaphore, #tpu.memory_space<semaphore_mem>>) src(%dma_wait3A_139 : memref<120x128xf32, #tpu.memory_space<vmem>>) dst(%dma_wait3A_136 : memref<120x128xf32, #tpu.memory_space<vmem_shared>>)
      tpu.yield
    }) : () -> ()
    %barrier3A = arith.constant 0 : index
    tpu.barrier barrier_id(%barrier3A)
    %dma_start3A = arith.constant 0 : i32
    %dma_start3A_16 = arith.constant 0 : i32
    %dma_start3A_17 = tpu.memref_slice %arg2[%arg0, %arg1, %dma_start3A, %dma_start3A_16] : memref<2x16x162x128xi32, #tpu.memory_space<hbm>> -> memref<1x1x1x128xi32, #tpu.memory_space<hbm>>
    %dma_start3A_18 = tpu.memref_squeeze %dma_start3A_17 : memref<1x1x1x128xi32, #tpu.memory_space<hbm>> -> memref<128xi32, #tpu.memory_space<hbm>>
    %dma_start3A_19 = arith.constant 0 : i32
    %dma_start3A_20 = tpu.memref_slice %arg2[%arg0, %arg1, %dma_start3A, %dma_start3A_19] : memref<2x16x162x128xi32, #tpu.memory_space<hbm>> -> memref<1x1x1x128xi32, #tpu.memory_space<hbm>>
    %dma_start3A_21 = tpu.memref_squeeze %dma_start3A_20 : memref<1x1x1x128xi32, #tpu.memory_space<hbm>> -> memref<128xi32, #tpu.memory_space<hbm>>
    tpu.enqueue_dma source(%dma_start3A_21 : memref<128xi32, #tpu.memory_space<hbm>>) target(%arg6 : memref<128xi32, #tpu.memory_space<vmem>>) target_semaphore(%arg16 : memref<!tpu.dma_semaphore, #tpu.memory_space<semaphore_mem>>)
    %dma_start3A_22 = arith.constant 0 : i32
    %dma_start3A_23 = arith.constant 0 : i32
    %dma_start3A_24 = tpu.memref_slice %arg3[%arg0, %arg1, %dma_start3A_22, %dma_start3A_23] : memref<2x16x162x128xi32, #tpu.memory_space<hbm>> -> memref<1x1x1x128xi32, #tpu.memory_space<hbm>>
    %dma_start3A_25 = tpu.memref_squeeze %dma_start3A_24 : memref<1x1x1x128xi32, #tpu.memory_space<hbm>> -> memref<128xi32, #tpu.memory_space<hbm>>
    %dma_start3A_26 = arith.constant 0 : i32
    %dma_start3A_27 = tpu.memref_slice %arg3[%arg0, %arg1, %dma_start3A_22, %dma_start3A_26] : memref<2x16x162x128xi32, #tpu.memory_space<hbm>> -> memref<1x1x1x128xi32, #tpu.memory_space<hbm>>
    %dma_start3A_28 = tpu.memref_squeeze %dma_start3A_27 : memref<1x1x1x128xi32, #tpu.memory_space<hbm>> -> memref<128xi32, #tpu.memory_space<hbm>>
    tpu.enqueue_dma source(%dma_start3A_28 : memref<128xi32, #tpu.memory_space<hbm>>) target(%arg9 : memref<128xi32, #tpu.memory_space<vmem>>) target_semaphore(%arg16 : memref<!tpu.dma_semaphore, #tpu.memory_space<semaphore_mem>>)
    %dma_start3A_29 = arith.constant 1 : i32
    %dma_start3A_30 = arith.constant 0 : i32
    %dma_start3A_31 = tpu.memref_slice %arg2[%arg0, %arg1, %dma_start3A_29, %dma_start3A_30] : memref<2x16x162x128xi32, #tpu.memory_space<hbm>> -> memref<1x1x1x128xi32, #tpu.memory_space<hbm>>
    %dma_start3A_32 = tpu.memref_squeeze %dma_start3A_31 : memref<1x1x1x128xi32, #tpu.memory_space<hbm>> -> memref<128xi32, #tpu.memory_space<hbm>>
    %dma_start3A_33 = arith.constant 0 : i32
    %dma_start3A_34 = tpu.memref_slice %arg2[%arg0, %arg1, %dma_start3A_29, %dma_start3A_33] : memref<2x16x162x128xi32, #tpu.memory_space<hbm>> -> memref<1x1x1x128xi32, #tpu.memory_space<hbm>>
    %dma_start3A_35 = tpu.memref_squeeze %dma_start3A_34 : memref<1x1x1x128xi32, #tpu.memory_space<hbm>> -> memref<128xi32, #tpu.memory_space<hbm>>
    tpu.enqueue_dma source(%dma_start3A_35 : memref<128xi32, #tpu.memory_space<hbm>>) target(%arg7 : memref<128xi32, #tpu.memory_space<vmem>>) target_semaphore(%arg17 : memref<!tpu.dma_semaphore, #tpu.memory_space<semaphore_mem>>)
    %dma_start3A_36 = arith.constant 1 : i32
    %dma_start3A_37 = arith.constant 0 : i32
    %dma_start3A_38 = tpu.memref_slice %arg3[%arg0, %arg1, %dma_start3A_36, %dma_start3A_37] : memref<2x16x162x128xi32, #tpu.memory_space<hbm>> -> memref<1x1x1x128xi32, #tpu.memory_space<hbm>>
    %dma_start3A_39 = tpu.memref_squeeze %dma_start3A_38 : memref<1x1x1x128xi32, #tpu.memory_space<hbm>> -> memref<128xi32, #tpu.memory_space<hbm>>
    %dma_start3A_40 = arith.constant 0 : i32
    %dma_start3A_41 = tpu.memref_slice %arg3[%arg0, %arg1, %dma_start3A_36, %dma_start3A_40] : memref<2x16x162x128xi32, #tpu.memory_space<hbm>> -> memref<1x1x1x128xi32, #tpu.memory_space<hbm>>
    %dma_start3A_42 = tpu.memref_squeeze %dma_start3A_41 : memref<1x1x1x128xi32, #tpu.memory_space<hbm>> -> memref<128xi32, #tpu.memory_space<hbm>>
    tpu.enqueue_dma source(%dma_start3A_42 : memref<128xi32, #tpu.memory_space<hbm>>) target(%arg10 : memref<128xi32, #tpu.memory_space<vmem>>) target_semaphore(%arg17 : memref<!tpu.dma_semaphore, #tpu.memory_space<semaphore_mem>>)
    %dma_start3A_43 = arith.constant 2 : i32
    %dma_start3A_44 = arith.constant 0 : i32
    %dma_start3A_45 = tpu.memref_slice %arg2[%arg0, %arg1, %dma_start3A_43, %dma_start3A_44] : memref<2x16x162x128xi32, #tpu.memory_space<hbm>> -> memref<1x1x1x128xi32, #tpu.memory_space<hbm>>
    %dma_start3A_46 = tpu.memref_squeeze %dma_start3A_45 : memref<1x1x1x128xi32, #tpu.memory_space<hbm>> -> memref<128xi32, #tpu.memory_space<hbm>>
    %dma_start3A_47 = arith.constant 0 : i32
    %dma_start3A_48 = tpu.memref_slice %arg2[%arg0, %arg1, %dma_start3A_43, %dma_start3A_47] : memref<2x16x162x128xi32, #tpu.memory_space<hbm>> -> memref<1x1x1x128xi32, #tpu.memory_space<hbm>>
    %dma_start3A_49 = tpu.memref_squeeze %dma_start3A_48 : memref<1x1x1x128xi32, #tpu.memory_space<hbm>> -> memref<128xi32, #tpu.memory_space<hbm>>
    tpu.enqueue_dma source(%dma_start3A_49 : memref<128xi32, #tpu.memory_space<hbm>>) target(%arg8 : memref<128xi32, #tpu.memory_space<vmem>>) target_semaphore(%arg18 : memref<!tpu.dma_semaphore, #tpu.memory_space<semaphore_mem>>)
    %dma_start3A_50 = arith.constant 2 : i32
    %dma_start3A_51 = arith.constant 0 : i32
    %dma_start3A_52 = tpu.memref_slice %arg3[%arg0, %arg1, %dma_start3A_50, %dma_start3A_51] : memref<2x16x162x128xi32, #tpu.memory_space<hbm>> -> memref<1x1x1x128xi32, #tpu.memory_space<hbm>>
    %dma_start3A_53 = tpu.memref_squeeze %dma_start3A_52 : memref<1x1x1x128xi32, #tpu.memory_space<hbm>> -> memref<128xi32, #tpu.memory_space<hbm>>
    %dma_start3A_54 = arith.constant 0 : i32
    %dma_start3A_55 = tpu.memref_slice %arg3[%arg0, %arg1, %dma_start3A_50, %dma_start3A_54] : memref<2x16x162x128xi32, #tpu.memory_space<hbm>> -> memref<1x1x1x128xi32, #tpu.memory_space<hbm>>
    %dma_start3A_56 = tpu.memref_squeeze %dma_start3A_55 : memref<1x1x1x128xi32, #tpu.memory_space<hbm>> -> memref<128xi32, #tpu.memory_space<hbm>>
    tpu.enqueue_dma source(%dma_start3A_56 : memref<128xi32, #tpu.memory_space<hbm>>) target(%arg11 : memref<128xi32, #tpu.memory_space<vmem>>) target_semaphore(%arg18 : memref<!tpu.dma_semaphore, #tpu.memory_space<semaphore_mem>>)
    %dma_wait3A = arith.constant 0 : i32
    %dma_wait3A_57 = arith.constant 0 : i32
    %dma_wait3A_58 = tpu.memref_slice %arg2[%arg0, %arg1, %dma_wait3A, %dma_wait3A_57] : memref<2x16x162x128xi32, #tpu.memory_space<hbm>> -> memref<1x1x1x128xi32, #tpu.memory_space<hbm>>
    %dma_wait3A_59 = tpu.memref_squeeze %dma_wait3A_58 : memref<1x1x1x128xi32, #tpu.memory_space<hbm>> -> memref<128xi32, #tpu.memory_space<hbm>>
    %dma_wait3A_60 = arith.constant 0 : i32
    %dma_wait3A_61 = tpu.memref_slice %arg2[%arg0, %arg1, %dma_wait3A, %dma_wait3A_60] : memref<2x16x162x128xi32, #tpu.memory_space<hbm>> -> memref<1x1x1x128xi32, #tpu.memory_space<hbm>>
    %dma_wait3A_62 = tpu.memref_squeeze %dma_wait3A_61 : memref<1x1x1x128xi32, #tpu.memory_space<hbm>> -> memref<128xi32, #tpu.memory_space<hbm>>
    tpu.wait_dma2 semaphore(%arg16 : memref<!tpu.dma_semaphore, #tpu.memory_space<semaphore_mem>>) src(%dma_wait3A_62 : memref<128xi32, #tpu.memory_space<hbm>>) dst(%arg6 : memref<128xi32, #tpu.memory_space<vmem>>)
    %dma_wait3A_63 = arith.constant 0 : i32
    %dma_wait3A_64 = arith.constant 0 : i32
    %dma_wait3A_65 = tpu.memref_slice %arg3[%arg0, %arg1, %dma_wait3A_63, %dma_wait3A_64] : memref<2x16x162x128xi32, #tpu.memory_space<hbm>> -> memref<1x1x1x128xi32, #tpu.memory_space<hbm>>
    %dma_wait3A_66 = tpu.memref_squeeze %dma_wait3A_65 : memref<1x1x1x128xi32, #tpu.memory_space<hbm>> -> memref<128xi32, #tpu.memory_space<hbm>>
    %dma_wait3A_67 = arith.constant 0 : i32
    %dma_wait3A_68 = tpu.memref_slice %arg3[%arg0, %arg1, %dma_wait3A_63, %dma_wait3A_67] : memref<2x16x162x128xi32, #tpu.memory_space<hbm>> -> memref<1x1x1x128xi32, #tpu.memory_space<hbm>>
    %dma_wait3A_69 = tpu.memref_squeeze %dma_wait3A_68 : memref<1x1x1x128xi32, #tpu.memory_space<hbm>> -> memref<128xi32, #tpu.memory_space<hbm>>
    tpu.wait_dma2 semaphore(%arg16 : memref<!tpu.dma_semaphore, #tpu.memory_space<semaphore_mem>>) src(%dma_wait3A_69 : memref<128xi32, #tpu.memory_space<hbm>>) dst(%arg9 : memref<128xi32, #tpu.memory_space<vmem>>)
    %dma_start3A_70 = arith.constant 0 : i32
    %dma_start3A_71 = arith.constant 0 : i32
    %dma_start3A_72 = tpu.memref_slice %arg4[%dma_start3A_70, %dma_start3A_71] : memref<20000x128xf32, #tpu.memory_space<hbm>> -> memref<20000x128xf32, #tpu.memory_space<hbm>>
    tpu.enqueue_indirect_dma source(%dma_start3A_72 : memref<20000x128xf32, #tpu.memory_space<hbm>>) target(%arg12 : memref<128x128xf32, #tpu.memory_space<vmem>>) offsets(%arg6 : memref<128xi32, #tpu.memory_space<vmem>>) semaphore(%arg19 : memref<!tpu.dma_semaphore, #tpu.memory_space<semaphore_mem>>)
    %dma_wait3A_73 = arith.constant 1 : i32
    %dma_wait3A_74 = arith.constant 0 : i32
    %dma_wait3A_75 = tpu.memref_slice %arg2[%arg0, %arg1, %dma_wait3A_73, %dma_wait3A_74] : memref<2x16x162x128xi32, #tpu.memory_space<hbm>> -> memref<1x1x1x128xi32, #tpu.memory_space<hbm>>
    %dma_wait3A_76 = tpu.memref_squeeze %dma_wait3A_75 : memref<1x1x1x128xi32, #tpu.memory_space<hbm>> -> memref<128xi32, #tpu.memory_space<hbm>>
    %dma_wait3A_77 = arith.constant 0 : i32
    %dma_wait3A_78 = tpu.memref_slice %arg2[%arg0, %arg1, %dma_wait3A_73, %dma_wait3A_77] : memref<2x16x162x128xi32, #tpu.memory_space<hbm>> -> memref<1x1x1x128xi32, #tpu.memory_space<hbm>>
    %dma_wait3A_79 = tpu.memref_squeeze %dma_wait3A_78 : memref<1x1x1x128xi32, #tpu.memory_space<hbm>> -> memref<128xi32, #tpu.memory_space<hbm>>
    tpu.wait_dma2 semaphore(%arg17 : memref<!tpu.dma_semaphore, #tpu.memory_space<semaphore_mem>>) src(%dma_wait3A_79 : memref<128xi32, #tpu.memory_space<hbm>>) dst(%arg7 : memref<128xi32, #tpu.memory_space<vmem>>)
    %dma_wait3A_80 = arith.constant 1 : i32
    %dma_wait3A_81 = arith.constant 0 : i32
    %dma_wait3A_82 = tpu.memref_slice %arg3[%arg0, %arg1, %dma_wait3A_80, %dma_wait3A_81] : memref<2x16x162x128xi32, #tpu.memory_space<hbm>> -> memref<1x1x1x128xi32, #tpu.memory_space<hbm>>
    %dma_wait3A_83 = tpu.memref_squeeze %dma_wait3A_82 : memref<1x1x1x128xi32, #tpu.memory_space<hbm>> -> memref<128xi32, #tpu.memory_space<hbm>>
    %dma_wait3A_84 = arith.constant 0 : i32
    %dma_wait3A_85 = tpu.memref_slice %arg3[%arg0, %arg1, %dma_wait3A_80, %dma_wait3A_84] : memref<2x16x162x128xi32, #tpu.memory_space<hbm>> -> memref<1x1x1x128xi32, #tpu.memory_space<hbm>>
    %dma_wait3A_86 = tpu.memref_squeeze %dma_wait3A_85 : memref<1x1x1x128xi32, #tpu.memory_space<hbm>> -> memref<128xi32, #tpu.memory_space<hbm>>
    tpu.wait_dma2 semaphore(%arg17 : memref<!tpu.dma_semaphore, #tpu.memory_space<semaphore_mem>>) src(%dma_wait3A_86 : memref<128xi32, #tpu.memory_space<hbm>>) dst(%arg10 : memref<128xi32, #tpu.memory_space<vmem>>)
    %dma_start3A_87 = arith.constant 0 : i32
    %dma_start3A_88 = arith.constant 0 : i32
    %dma_start3A_89 = tpu.memref_slice %arg4[%dma_start3A_87, %dma_start3A_88] : memref<20000x128xf32, #tpu.memory_space<hbm>> -> memref<20000x128xf32, #tpu.memory_space<hbm>>
    tpu.enqueue_indirect_dma source(%dma_start3A_89 : memref<20000x128xf32, #tpu.memory_space<hbm>>) target(%arg13 : memref<128x128xf32, #tpu.memory_space<vmem>>) offsets(%arg7 : memref<128xi32, #tpu.memory_space<vmem>>) semaphore(%arg20 : memref<!tpu.dma_semaphore, #tpu.memory_space<semaphore_mem>>)
    %scan3A_90 = arith.constant 0 : i32
    %scan3A_91 = arith.constant 0 : i32
    %scan3A_92 = arith.constant 54 : i32
    %scan3A_93 = arith.addi %scan3A_91, %scan3A_92 : i32
    %scan3A_94 = arith.constant 1 : i32
    scf.for %scan3A_120 = %scan3A_91 to %scan3A_93 step %scan3A_94  : i32 {
      %mul3A_121 = arith.constant 3 : i32
      %mul3A_122 = arith.muli %mul3A_121, %scan3A_120 : i32
      %add3A_123 = arith.constant 0 : i32
      %add3A_124 = arith.addi %mul3A_122, %add3A_123 : i32
      %add3A_125 = arith.constant 2 : i32
      %add3A_126 = arith.addi %add3A_124, %add3A_125 : i32
      %lt3A = arith.constant 162 : i32
      %lt3A_127 = arith.cmpi slt, %add3A_126, %lt3A : i32
      %convert_element_type3A = arith.extui %lt3A_127 : i1 to i32
      %cond3A = arith.constant 0 : i32
      %cond3A_128 = arith.cmpi ne, %convert_element_type3A, %cond3A : i32
      scf.if %cond3A_128 {
        %add3A_181 = arith.constant 2 : i32
        %add3A_182 = arith.addi %add3A_124, %add3A_181 : i32
        %dma_wait3A_183 = arith.constant 0 : i32
        %dma_wait3A_184 = tpu.memref_slice %arg2[%arg0, %arg1, %add3A_182, %dma_wait3A_183] : memref<2x16x162x128xi32, #tpu.memory_space<hbm>> -> memref<1x1x1x128xi32, #tpu.memory_space<hbm>>
        %dma_wait3A_185 = tpu.memref_squeeze %dma_wait3A_184 : memref<1x1x1x128xi32, #tpu.memory_space<hbm>> -> memref<128xi32, #tpu.memory_space<hbm>>
        %dma_wait3A_186 = arith.constant 0 : i32
        %dma_wait3A_187 = tpu.memref_slice %arg2[%arg0, %arg1, %add3A_182, %dma_wait3A_186] : memref<2x16x162x128xi32, #tpu.memory_space<hbm>> -> memref<1x1x1x128xi32, #tpu.memory_space<hbm>>
        %dma_wait3A_188 = tpu.memref_squeeze %dma_wait3A_187 : memref<1x1x1x128xi32, #tpu.memory_space<hbm>> -> memref<128xi32, #tpu.memory_space<hbm>>
        tpu.wait_dma2 semaphore(%arg18 : memref<!tpu.dma_semaphore, #tpu.memory_space<semaphore_mem>>) src(%dma_wait3A_188 : memref<128xi32, #tpu.memory_space<hbm>>) dst(%arg8 : memref<128xi32, #tpu.memory_space<vmem>>)
        %dma_wait3A_189 = arith.constant 0 : i32
        %dma_wait3A_190 = tpu.memref_slice %arg3[%arg0, %arg1, %add3A_182, %dma_wait3A_189] : memref<2x16x162x128xi32, #tpu.memory_space<hbm>> -> memref<1x1x1x128xi32, #tpu.memory_space<hbm>>
        %dma_wait3A_191 = tpu.memref_squeeze %dma_wait3A_190 : memref<1x1x1x128xi32, #tpu.memory_space<hbm>> -> memref<128xi32, #tpu.memory_space<hbm>>
        %dma_wait3A_192 = arith.constant 0 : i32
        %dma_wait3A_193 = tpu.memref_slice %arg3[%arg0, %arg1, %add3A_182, %dma_wait3A_192] : memref<2x16x162x128xi32, #tpu.memory_space<hbm>> -> memref<1x1x1x128xi32, #tpu.memory_space<hbm>>
        %dma_wait3A_194 = tpu.memref_squeeze %dma_wait3A_193 : memref<1x1x1x128xi32, #tpu.memory_space<hbm>> -> memref<128xi32, #tpu.memory_space<hbm>>
        tpu.wait_dma2 semaphore(%arg18 : memref<!tpu.dma_semaphore, #tpu.memory_space<semaphore_mem>>) src(%dma_wait3A_194 : memref<128xi32, #tpu.memory_space<hbm>>) dst(%arg11 : memref<128xi32, #tpu.memory_space<vmem>>)
        %dma_start3A_195 = arith.constant 0 : i32
        %dma_start3A_196 = arith.constant 0 : i32
        %dma_start3A_197 = tpu.memref_slice %arg4[%dma_start3A_195, %dma_start3A_196] : memref<20000x128xf32, #tpu.memory_space<hbm>> -> memref<20000x128xf32, #tpu.memory_space<hbm>>
        tpu.enqueue_indirect_dma source(%dma_start3A_197 : memref<20000x128xf32, #tpu.memory_space<hbm>>) target(%arg14 : memref<128x128xf32, #tpu.memory_space<vmem>>) offsets(%arg8 : memref<128xi32, #tpu.memory_space<vmem>>) semaphore(%arg21 : memref<!tpu.dma_semaphore, #tpu.memory_space<semaphore_mem>>)
      } else {
      }
      %dma_wait3A_129 = arith.constant 0 : i32
      %dma_wait3A_130 = arith.constant 0 : i32
      %dma_wait3A_131 = tpu.memref_slice %arg4[%dma_wait3A_129, %dma_wait3A_130] : memref<20000x128xf32, #tpu.memory_space<hbm>> -> memref<20000x128xf32, #tpu.memory_space<hbm>>
      tpu.wait_indirect_dma semaphore(%arg19 : memref<!tpu.dma_semaphore, #tpu.memory_space<semaphore_mem>>) src(%dma_wait3A_131 : memref<20000x128xf32, #tpu.memory_space<hbm>>) dst(%arg12 : memref<128x128xf32, #tpu.memory_space<vmem>>)
      "tpu.region"() ({
        %run_scoped3A = tpu.sem_alloc : memref<!tpu.dma_semaphore, #tpu.memory_space<semaphore_mem>>
        %dma_start3A_181 = arith.constant 0 : i32
        %dma_start3A_182 = arith.constant 0 : i32
        %dma_start3A_183 = tpu.memref_slice %arg15[%dma_start3A_181, %dma_start3A_182] : memref<10112x128xf32, #tpu.memory_space<vmem_shared>> -> memref<10112x128xf32, #tpu.memory_space<vmem_shared>>
        tpu.enqueue_indirect_dma source(%arg12 : memref<128x128xf32, #tpu.memory_space<vmem>>) target(%dma_start3A_183 : memref<10112x128xf32, #tpu.memory_space<vmem_shared>>) offsets(%arg9 : memref<128xi32, #tpu.memory_space<vmem>>) semaphore(%run_scoped3A : memref<!tpu.dma_semaphore, #tpu.memory_space<semaphore_mem>>) {add = true}
        %dma_wait3A_184 = arith.constant 0 : i32
        %dma_wait3A_185 = arith.constant 0 : i32
        %dma_wait3A_186 = tpu.memref_slice %arg15[%dma_wait3A_184, %dma_wait3A_185] : memref<10112x128xf32, #tpu.memory_space<vmem_shared>> -> memref<10112x128xf32, #tpu.memory_space<vmem_shared>>
        tpu.wait_indirect_dma semaphore(%run_scoped3A : memref<!tpu.dma_semaphore, #tpu.memory_space<semaphore_mem>>) src(%arg12 : memref<128x128xf32, #tpu.memory_space<vmem>>) dst(%dma_wait3A_186 : memref<10112x128xf32, #tpu.memory_space<vmem_shared>>)
        tpu.yield
      }) : () -> ()
      %add3A_132 = arith.constant 3 : i32
      %add3A_133 = arith.addi %add3A_124, %add3A_132 : i32
      %lt3A_134 = arith.constant 162 : i32
      %lt3A_135 = arith.cmpi slt, %add3A_133, %lt3A_134 : i32
      %convert_element_type3A_136 = arith.extui %lt3A_135 : i1 to i32
      %cond3A_137 = arith.constant 0 : i32
      %cond3A_138 = arith.cmpi ne, %convert_element_type3A_136, %cond3A_137 : i32
      scf.if %cond3A_138 {
        %add3A_181 = arith.constant 3 : i32
        %add3A_182 = arith.addi %add3A_124, %add3A_181 : i32
        %dma_start3A_183 = arith.constant 0 : i32
        %dma_start3A_184 = tpu.memref_slice %arg2[%arg0, %arg1, %add3A_182, %dma_start3A_183] : memref<2x16x162x128xi32, #tpu.memory_space<hbm>> -> memref<1x1x1x128xi32, #tpu.memory_space<hbm>>
        %dma_start3A_185 = tpu.memref_squeeze %dma_start3A_184 : memref<1x1x1x128xi32, #tpu.memory_space<hbm>> -> memref<128xi32, #tpu.memory_space<hbm>>
        %dma_start3A_186 = arith.constant 0 : i32
        %dma_start3A_187 = tpu.memref_slice %arg2[%arg0, %arg1, %add3A_182, %dma_start3A_186] : memref<2x16x162x128xi32, #tpu.memory_space<hbm>> -> memref<1x1x1x128xi32, #tpu.memory_space<hbm>>
        %dma_start3A_188 = tpu.memref_squeeze %dma_start3A_187 : memref<1x1x1x128xi32, #tpu.memory_space<hbm>> -> memref<128xi32, #tpu.memory_space<hbm>>
        tpu.enqueue_dma source(%dma_start3A_188 : memref<128xi32, #tpu.memory_space<hbm>>) target(%arg6 : memref<128xi32, #tpu.memory_space<vmem>>) target_semaphore(%arg16 : memref<!tpu.dma_semaphore, #tpu.memory_space<semaphore_mem>>)
        %dma_start3A_189 = arith.constant 0 : i32
        %dma_start3A_190 = tpu.memref_slice %arg3[%arg0, %arg1, %add3A_182, %dma_start3A_189] : memref<2x16x162x128xi32, #tpu.memory_space<hbm>> -> memref<1x1x1x128xi32, #tpu.memory_space<hbm>>
        %dma_start3A_191 = tpu.memref_squeeze %dma_start3A_190 : memref<1x1x1x128xi32, #tpu.memory_space<hbm>> -> memref<128xi32, #tpu.memory_space<hbm>>
        %dma_start3A_192 = arith.constant 0 : i32
        %dma_start3A_193 = tpu.memref_slice %arg3[%arg0, %arg1, %add3A_182, %dma_start3A_192] : memref<2x16x162x128xi32, #tpu.memory_space<hbm>> -> memref<1x1x1x128xi32, #tpu.memory_space<hbm>>
        %dma_start3A_194 = tpu.memref_squeeze %dma_start3A_193 : memref<1x1x1x128xi32, #tpu.memory_space<hbm>> -> memref<128xi32, #tpu.memory_space<hbm>>
        tpu.enqueue_dma source(%dma_start3A_194 : memref<128xi32, #tpu.memory_space<hbm>>) target(%arg9 : memref<128xi32, #tpu.memory_space<vmem>>) target_semaphore(%arg16 : memref<!tpu.dma_semaphore, #tpu.memory_space<semaphore_mem>>)
      } else {
      }
      %mul3A_139 = arith.constant 3 : i32
      %mul3A_140 = arith.muli %mul3A_139, %scan3A_120 : i32
      %add3A_141 = arith.constant 1 : i32
      %add3A_142 = arith.addi %mul3A_140, %add3A_141 : i32
      %add3A_143 = arith.constant 2 : i32
      %add3A_144 = arith.addi %add3A_142, %add3A_143 : i32
      %lt3A_145 = arith.constant 162 : i32
      %lt3A_146 = arith.cmpi slt, %add3A_144, %lt3A_145 : i32
      %convert_element_type3A_147 = arith.extui %lt3A_146 : i1 to i32
      %cond3A_148 = arith.constant 0 : i32
      %cond3A_149 = arith.cmpi ne, %convert_element_type3A_147, %cond3A_148 : i32
      scf.if %cond3A_149 {
        %add3A_181 = arith.constant 2 : i32
        %add3A_182 = arith.addi %add3A_142, %add3A_181 : i32
        %dma_wait3A_183 = arith.constant 0 : i32
        %dma_wait3A_184 = tpu.memref_slice %arg2[%arg0, %arg1, %add3A_182, %dma_wait3A_183] : memref<2x16x162x128xi32, #tpu.memory_space<hbm>> -> memref<1x1x1x128xi32, #tpu.memory_space<hbm>>
        %dma_wait3A_185 = tpu.memref_squeeze %dma_wait3A_184 : memref<1x1x1x128xi32, #tpu.memory_space<hbm>> -> memref<128xi32, #tpu.memory_space<hbm>>
        %dma_wait3A_186 = arith.constant 0 : i32
        %dma_wait3A_187 = tpu.memref_slice %arg2[%arg0, %arg1, %add3A_182, %dma_wait3A_186] : memref<2x16x162x128xi32, #tpu.memory_space<hbm>> -> memref<1x1x1x128xi32, #tpu.memory_space<hbm>>
        %dma_wait3A_188 = tpu.memref_squeeze %dma_wait3A_187 : memref<1x1x1x128xi32, #tpu.memory_space<hbm>> -> memref<128xi32, #tpu.memory_space<hbm>>
        tpu.wait_dma2 semaphore(%arg16 : memref<!tpu.dma_semaphore, #tpu.memory_space<semaphore_mem>>) src(%dma_wait3A_188 : memref<128xi32, #tpu.memory_space<hbm>>) dst(%arg6 : memref<128xi32, #tpu.memory_space<vmem>>)
        %dma_wait3A_189 = arith.constant 0 : i32
        %dma_wait3A_190 = tpu.memref_slice %arg3[%arg0, %arg1, %add3A_182, %dma_wait3A_189] : memref<2x16x162x128xi32, #tpu.memory_space<hbm>> -> memref<1x1x1x128xi32, #tpu.memory_space<hbm>>
        %dma_wait3A_191 = tpu.memref_squeeze %dma_wait3A_190 : memref<1x1x1x128xi32, #tpu.memory_space<hbm>> -> memref<128xi32, #tpu.memory_space<hbm>>
        %dma_wait3A_192 = arith.constant 0 : i32
        %dma_wait3A_193 = tpu.memref_slice %arg3[%arg0, %arg1, %add3A_182, %dma_wait3A_192] : memref<2x16x162x128xi32, #tpu.memory_space<hbm>> -> memref<1x1x1x128xi32, #tpu.memory_space<hbm>>
        %dma_wait3A_194 = tpu.memref_squeeze %dma_wait3A_193 : memref<1x1x1x128xi32, #tpu.memory_space<hbm>> -> memref<128xi32, #tpu.memory_space<hbm>>
        tpu.wait_dma2 semaphore(%arg16 : memref<!tpu.dma_semaphore, #tpu.memory_space<semaphore_mem>>) src(%dma_wait3A_194 : memref<128xi32, #tpu.memory_space<hbm>>) dst(%arg9 : memref<128xi32, #tpu.memory_space<vmem>>)
        %dma_start3A_195 = arith.constant 0 : i32
        %dma_start3A_196 = arith.constant 0 : i32
        %dma_start3A_197 = tpu.memref_slice %arg4[%dma_start3A_195, %dma_start3A_196] : memref<20000x128xf32, #tpu.memory_space<hbm>> -> memref<20000x128xf32, #tpu.memory_space<hbm>>
        tpu.enqueue_indirect_dma source(%dma_start3A_197 : memref<20000x128xf32, #tpu.memory_space<hbm>>) target(%arg12 : memref<128x128xf32, #tpu.memory_space<vmem>>) offsets(%arg6 : memref<128xi32, #tpu.memory_space<vmem>>) semaphore(%arg19 : memref<!tpu.dma_semaphore, #tpu.memory_space<semaphore_mem>>)
      } else {
      }
      %dma_wait3A_150 = arith.constant 0 : i32
      %dma_wait3A_151 = arith.constant 0 : i32
      %dma_wait3A_152 = tpu.memref_slice %arg4[%dma_wait3A_150, %dma_wait3A_151] : memref<20000x128xf32, #tpu.memory_space<hbm>> -> memref<20000x128xf32, #tpu.memory_space<hbm>>
      tpu.wait_indirect_dma semaphore(%arg20 : memref<!tpu.dma_semaphore, #tpu.memory_space<semaphore_mem>>) src(%dma_wait3A_152 : memref<20000x128xf32, #tpu.memory_space<hbm>>) dst(%arg13 : memref<128x128xf32, #tpu.memory_space<vmem>>)
      "tpu.region"() ({
        %run_scoped3A = tpu.sem_alloc : memref<!tpu.dma_semaphore, #tpu.memory_space<semaphore_mem>>
        %dma_start3A_181 = arith.constant 0 : i32
        %dma_start3A_182 = arith.constant 0 : i32
        %dma_start3A_183 = tpu.memref_slice %arg15[%dma_start3A_181, %dma_start3A_182] : memref<10112x128xf32, #tpu.memory_space<vmem_shared>> -> memref<10112x128xf32, #tpu.memory_space<vmem_shared>>
        tpu.enqueue_indirect_dma source(%arg13 : memref<128x128xf32, #tpu.memory_space<vmem>>) target(%dma_start3A_183 : memref<10112x128xf32, #tpu.memory_space<vmem_shared>>) offsets(%arg10 : memref<128xi32, #tpu.memory_space<vmem>>) semaphore(%run_scoped3A : memref<!tpu.dma_semaphore, #tpu.memory_space<semaphore_mem>>) {add = true}
        %dma_wait3A_184 = arith.constant 0 : i32
        %dma_wait3A_185 = arith.constant 0 : i32
        %dma_wait3A_186 = tpu.memref_slice %arg15[%dma_wait3A_184, %dma_wait3A_185] : memref<10112x128xf32, #tpu.memory_space<vmem_shared>> -> memref<10112x128xf32, #tpu.memory_space<vmem_shared>>
        tpu.wait_indirect_dma semaphore(%run_scoped3A : memref<!tpu.dma_semaphore, #tpu.memory_space<semaphore_mem>>) src(%arg13 : memref<128x128xf32, #tpu.memory_space<vmem>>) dst(%dma_wait3A_186 : memref<10112x128xf32, #tpu.memory_space<vmem_shared>>)
        tpu.yield
      }) : () -> ()
      %add3A_153 = arith.constant 3 : i32
      %add3A_154 = arith.addi %add3A_142, %add3A_153 : i32
      %lt3A_155 = arith.constant 162 : i32
      %lt3A_156 = arith.cmpi slt, %add3A_154, %lt3A_155 : i32
      %convert_element_type3A_157 = arith.extui %lt3A_156 : i1 to i32
      %cond3A_158 = arith.constant 0 : i32
      %cond3A_159 = arith.cmpi ne, %convert_element_type3A_157, %cond3A_158 : i32
      scf.if %cond3A_159 {
        %add3A_181 = arith.constant 3 : i32
        %add3A_182 = arith.addi %add3A_142, %add3A_181 : i32
        %dma_start3A_183 = arith.constant 0 : i32
        %dma_start3A_184 = tpu.memref_slice %arg2[%arg0, %arg1, %add3A_182, %dma_start3A_183] : memref<2x16x162x128xi32, #tpu.memory_space<hbm>> -> memref<1x1x1x128xi32, #tpu.memory_space<hbm>>
        %dma_start3A_185 = tpu.memref_squeeze %dma_start3A_184 : memref<1x1x1x128xi32, #tpu.memory_space<hbm>> -> memref<128xi32, #tpu.memory_space<hbm>>
        %dma_start3A_186 = arith.constant 0 : i32
        %dma_start3A_187 = tpu.memref_slice %arg2[%arg0, %arg1, %add3A_182, %dma_start3A_186] : memref<2x16x162x128xi32, #tpu.memory_space<hbm>> -> memref<1x1x1x128xi32, #tpu.memory_space<hbm>>
        %dma_start3A_188 = tpu.memref_squeeze %dma_start3A_187 : memref<1x1x1x128xi32, #tpu.memory_space<hbm>> -> memref<128xi32, #tpu.memory_space<hbm>>
        tpu.enqueue_dma source(%dma_start3A_188 : memref<128xi32, #tpu.memory_space<hbm>>) target(%arg7 : memref<128xi32, #tpu.memory_space<vmem>>) target_semaphore(%arg17 : memref<!tpu.dma_semaphore, #tpu.memory_space<semaphore_mem>>)
        %dma_start3A_189 = arith.constant 0 : i32
        %dma_start3A_190 = tpu.memref_slice %arg3[%arg0, %arg1, %add3A_182, %dma_start3A_189] : memref<2x16x162x128xi32, #tpu.memory_space<hbm>> -> memref<1x1x1x128xi32, #tpu.memory_space<hbm>>
        %dma_start3A_191 = tpu.memref_squeeze %dma_start3A_190 : memref<1x1x1x128xi32, #tpu.memory_space<hbm>> -> memref<128xi32, #tpu.memory_space<hbm>>
        %dma_start3A_192 = arith.constant 0 : i32
        %dma_start3A_193 = tpu.memref_slice %arg3[%arg0, %arg1, %add3A_182, %dma_start3A_192] : memref<2x16x162x128xi32, #tpu.memory_space<hbm>> -> memref<1x1x1x128xi32, #tpu.memory_space<hbm>>
        %dma_start3A_194 = tpu.memref_squeeze %dma_start3A_193 : memref<1x1x1x128xi32, #tpu.memory_space<hbm>> -> memref<128xi32, #tpu.memory_space<hbm>>
        tpu.enqueue_dma source(%dma_start3A_194 : memref<128xi32, #tpu.memory_space<hbm>>) target(%arg10 : memref<128xi32, #tpu.memory_space<vmem>>) target_semaphore(%arg17 : memref<!tpu.dma_semaphore, #tpu.memory_space<semaphore_mem>>)
      } else {
      }
      %mul3A_160 = arith.constant 3 : i32
      %mul3A_161 = arith.muli %mul3A_160, %scan3A_120 : i32
      %add3A_162 = arith.constant 2 : i32
      %add3A_163 = arith.addi %mul3A_161, %add3A_162 : i32
      %add3A_164 = arith.constant 2 : i32
      %add3A_165 = arith.addi %add3A_163, %add3A_164 : i32
      %lt3A_166 = arith.constant 162 : i32
      %lt3A_167 = arith.cmpi slt, %add3A_165, %lt3A_166 : i32
      %convert_element_type3A_168 = arith.extui %lt3A_167 : i1 to i32
      %cond3A_169 = arith.constant 0 : i32
      %cond3A_170 = arith.cmpi ne, %convert_element_type3A_168, %cond3A_169 : i32
      scf.if %cond3A_170 {
        %add3A_181 = arith.constant 2 : i32
        %add3A_182 = arith.addi %add3A_163, %add3A_181 : i32
        %dma_wait3A_183 = arith.constant 0 : i32
        %dma_wait3A_184 = tpu.memref_slice %arg2[%arg0, %arg1, %add3A_182, %dma_wait3A_183] : memref<2x16x162x128xi32, #tpu.memory_space<hbm>> -> memref<1x1x1x128xi32, #tpu.memory_space<hbm>>
        %dma_wait3A_185 = tpu.memref_squeeze %dma_wait3A_184 : memref<1x1x1x128xi32, #tpu.memory_space<hbm>> -> memref<128xi32, #tpu.memory_space<hbm>>
        %dma_wait3A_186 = arith.constant 0 : i32
        %dma_wait3A_187 = tpu.memref_slice %arg2[%arg0, %arg1, %add3A_182, %dma_wait3A_186] : memref<2x16x162x128xi32, #tpu.memory_space<hbm>> -> memref<1x1x1x128xi32, #tpu.memory_space<hbm>>
        %dma_wait3A_188 = tpu.memref_squeeze %dma_wait3A_187 : memref<1x1x1x128xi32, #tpu.memory_space<hbm>> -> memref<128xi32, #tpu.memory_space<hbm>>
        tpu.wait_dma2 semaphore(%arg17 : memref<!tpu.dma_semaphore, #tpu.memory_space<semaphore_mem>>) src(%dma_wait3A_188 : memref<128xi32, #tpu.memory_space<hbm>>) dst(%arg7 : memref<128xi32, #tpu.memory_space<vmem>>)
        %dma_wait3A_189 = arith.constant 0 : i32
        %dma_wait3A_190 = tpu.memref_slice %arg3[%arg0, %arg1, %add3A_182, %dma_wait3A_189] : memref<2x16x162x128xi32, #tpu.memory_space<hbm>> -> memref<1x1x1x128xi32, #tpu.memory_space<hbm>>
        %dma_wait3A_191 = tpu.memref_squeeze %dma_wait3A_190 : memref<1x1x1x128xi32, #tpu.memory_space<hbm>> -> memref<128xi32, #tpu.memory_space<hbm>>
        %dma_wait3A_192 = arith.constant 0 : i32
        %dma_wait3A_193 = tpu.memref_slice %arg3[%arg0, %arg1, %add3A_182, %dma_wait3A_192] : memref<2x16x162x128xi32, #tpu.memory_space<hbm>> -> memref<1x1x1x128xi32, #tpu.memory_space<hbm>>
        %dma_wait3A_194 = tpu.memref_squeeze %dma_wait3A_193 : memref<1x1x1x128xi32, #tpu.memory_space<hbm>> -> memref<128xi32, #tpu.memory_space<hbm>>
        tpu.wait_dma2 semaphore(%arg17 : memref<!tpu.dma_semaphore, #tpu.memory_space<semaphore_mem>>) src(%dma_wait3A_194 : memref<128xi32, #tpu.memory_space<hbm>>) dst(%arg10 : memref<128xi32, #tpu.memory_space<vmem>>)
        %dma_start3A_195 = arith.constant 0 : i32
        %dma_start3A_196 = arith.constant 0 : i32
        %dma_start3A_197 = tpu.memref_slice %arg4[%dma_start3A_195, %dma_start3A_196] : memref<20000x128xf32, #tpu.memory_space<hbm>> -> memref<20000x128xf32, #tpu.memory_space<hbm>>
        tpu.enqueue_indirect_dma source(%dma_start3A_197 : memref<20000x128xf32, #tpu.memory_space<hbm>>) target(%arg13 : memref<128x128xf32, #tpu.memory_space<vmem>>) offsets(%arg7 : memref<128xi32, #tpu.memory_space<vmem>>) semaphore(%arg20 : memref<!tpu.dma_semaphore, #tpu.memory_space<semaphore_mem>>)
      } else {
      }
      %dma_wait3A_171 = arith.constant 0 : i32
      %dma_wait3A_172 = arith.constant 0 : i32
      %dma_wait3A_173 = tpu.memref_slice %arg4[%dma_wait3A_171, %dma_wait3A_172] : memref<20000x128xf32, #tpu.memory_space<hbm>> -> memref<20000x128xf32, #tpu.memory_space<hbm>>
      tpu.wait_indirect_dma semaphore(%arg21 : memref<!tpu.dma_semaphore, #tpu.memory_space<semaphore_mem>>) src(%dma_wait3A_173 : memref<20000x128xf32, #tpu.memory_space<hbm>>) dst(%arg14 : memref<128x128xf32, #tpu.memory_space<vmem>>)
      "tpu.region"() ({
        %run_scoped3A = tpu.sem_alloc : memref<!tpu.dma_semaphore, #tpu.memory_space<semaphore_mem>>
        %dma_start3A_181 = arith.constant 0 : i32
        %dma_start3A_182 = arith.constant 0 : i32
        %dma_start3A_183 = tpu.memref_slice %arg15[%dma_start3A_181, %dma_start3A_182] : memref<10112x128xf32, #tpu.memory_space<vmem_shared>> -> memref<10112x128xf32, #tpu.memory_space<vmem_shared>>
        tpu.enqueue_indirect_dma source(%arg14 : memref<128x128xf32, #tpu.memory_space<vmem>>) target(%dma_start3A_183 : memref<10112x128xf32, #tpu.memory_space<vmem_shared>>) offsets(%arg11 : memref<128xi32, #tpu.memory_space<vmem>>) semaphore(%run_scoped3A : memref<!tpu.dma_semaphore, #tpu.memory_space<semaphore_mem>>) {add = true}
        %dma_wait3A_184 = arith.constant 0 : i32
        %dma_wait3A_185 = arith.constant 0 : i32
        %dma_wait3A_186 = tpu.memref_slice %arg15[%dma_wait3A_184, %dma_wait3A_185] : memref<10112x128xf32, #tpu.memory_space<vmem_shared>> -> memref<10112x128xf32, #tpu.memory_space<vmem_shared>>
        tpu.wait_indirect_dma semaphore(%run_scoped3A : memref<!tpu.dma_semaphore, #tpu.memory_space<semaphore_mem>>) src(%arg14 : memref<128x128xf32, #tpu.memory_space<vmem>>) dst(%dma_wait3A_186 : memref<10112x128xf32, #tpu.memory_space<vmem_shared>>)
        tpu.yield
      }) : () -> ()
      %add3A_174 = arith.constant 3 : i32
      %add3A_175 = arith.addi %add3A_163, %add3A_174 : i32
      %lt3A_176 = arith.constant 162 : i32
      %lt3A_177 = arith.cmpi slt, %add3A_175, %lt3A_176 : i32
      %convert_element_type3A_178 = arith.extui %lt3A_177 : i1 to i32
      %cond3A_179 = arith.constant 0 : i32
      %cond3A_180 = arith.cmpi ne, %convert_element_type3A_178, %cond3A_179 : i32
      scf.if %cond3A_180 {
        %add3A_181 = arith.constant 3 : i32
        %add3A_182 = arith.addi %add3A_163, %add3A_181 : i32
        %dma_start3A_183 = arith.constant 0 : i32
        %dma_start3A_184 = tpu.memref_slice %arg2[%arg0, %arg1, %add3A_182, %dma_start3A_183] : memref<2x16x162x128xi32, #tpu.memory_space<hbm>> -> memref<1x1x1x128xi32, #tpu.memory_space<hbm>>
        %dma_start3A_185 = tpu.memref_squeeze %dma_start3A_184 : memref<1x1x1x128xi32, #tpu.memory_space<hbm>> -> memref<128xi32, #tpu.memory_space<hbm>>
        %dma_start3A_186 = arith.constant 0 : i32
        %dma_start3A_187 = tpu.memref_slice %arg2[%arg0, %arg1, %add3A_182, %dma_start3A_186] : memref<2x16x162x128xi32, #tpu.memory_space<hbm>> -> memref<1x1x1x128xi32, #tpu.memory_space<hbm>>
        %dma_start3A_188 = tpu.memref_squeeze %dma_start3A_187 : memref<1x1x1x128xi32, #tpu.memory_space<hbm>> -> memref<128xi32, #tpu.memory_space<hbm>>
        tpu.enqueue_dma source(%dma_start3A_188 : memref<128xi32, #tpu.memory_space<hbm>>) target(%arg8 : memref<128xi32, #tpu.memory_space<vmem>>) target_semaphore(%arg18 : memref<!tpu.dma_semaphore, #tpu.memory_space<semaphore_mem>>)
        %dma_start3A_189 = arith.constant 0 : i32
        %dma_start3A_190 = tpu.memref_slice %arg3[%arg0, %arg1, %add3A_182, %dma_start3A_189] : memref<2x16x162x128xi32, #tpu.memory_space<hbm>> -> memref<1x1x1x128xi32, #tpu.memory_space<hbm>>
        %dma_start3A_191 = tpu.memref_squeeze %dma_start3A_190 : memref<1x1x1x128xi32, #tpu.memory_space<hbm>> -> memref<128xi32, #tpu.memory_space<hbm>>
        %dma_start3A_192 = arith.constant 0 : i32
        %dma_start3A_193 = tpu.memref_slice %arg3[%arg0, %arg1, %add3A_182, %dma_start3A_192] : memref<2x16x162x128xi32, #tpu.memory_space<hbm>> -> memref<1x1x1x128xi32, #tpu.memory_space<hbm>>
        %dma_start3A_194 = tpu.memref_squeeze %dma_start3A_193 : memref<1x1x1x128xi32, #tpu.memory_space<hbm>> -> memref<128xi32, #tpu.memory_space<hbm>>
        tpu.enqueue_dma source(%dma_start3A_194 : memref<128xi32, #tpu.memory_space<hbm>>) target(%arg11 : memref<128xi32, #tpu.memory_space<vmem>>) target_semaphore(%arg18 : memref<!tpu.dma_semaphore, #tpu.memory_space<semaphore_mem>>)
      } else {
      }
    }
    %scan3A_95 = arith.constant 54 : i32
    %barrier3A_96 = arith.constant 0 : index
    tpu.barrier barrier_id(%barrier3A_96)
    %mul3A_97 = arith.constant 10112 : i32
    %mul3A_98 = arith.muli %arg0, %mul3A_97 : i32
    %add3A_99 = arith.addi %mul3A_98, %mul3A_6 : i32
    %add3A_100 = arith.constant 0 : i32
    %add3A_101 = arith.addi %mul3A_6, %add3A_100 : i32
    "tpu.region"() ({
      %run_scoped3A = tpu.sem_alloc : memref<!tpu.dma_semaphore, #tpu.memory_space<semaphore_mem>>
      %dma_start3A_120 = arith.constant 0 : i32
      %dma_start3A_121 = arith.constant 0 : i32
      %dma_start3A_122 = tpu.memref_slice %arg12[%dma_start3A_120, %dma_start3A_121] : memref<128x128xf32, #tpu.memory_space<vmem>> -> memref<128x128xf32, #tpu.memory_space<vmem>>
      %dma_start3A_123 = arith.constant 0 : i32
      %dma_start3A_124 = tpu.memref_slice %arg15[%add3A_101, %dma_start3A_123] : memref<10112x128xf32, #tpu.memory_space<vmem_shared>> -> memref<128x128xf32, #tpu.memory_space<vmem_shared>>
      %dma_start3A_125 = arith.constant 0 : i32
      %dma_start3A_126 = arith.constant 0 : i32
      %dma_start3A_127 = tpu.memref_slice %arg12[%dma_start3A_125, %dma_start3A_126] : memref<128x128xf32, #tpu.memory_space<vmem>> -> memref<128x128xf32, #tpu.memory_space<vmem>>
      %dma_start3A_128 = arith.constant 0 : i32
      %dma_start3A_129 = tpu.memref_slice %arg15[%add3A_101, %dma_start3A_128] : memref<10112x128xf32, #tpu.memory_space<vmem_shared>> -> memref<128x128xf32, #tpu.memory_space<vmem_shared>>
      tpu.enqueue_dma source(%dma_start3A_129 : memref<128x128xf32, #tpu.memory_space<vmem_shared>>) target(%dma_start3A_127 : memref<128x128xf32, #tpu.memory_space<vmem>>) target_semaphore(%run_scoped3A : memref<!tpu.dma_semaphore, #tpu.memory_space<semaphore_mem>>)
      %dma_wait3A_130 = arith.constant 0 : i32
      %dma_wait3A_131 = arith.constant 0 : i32
      %dma_wait3A_132 = tpu.memref_slice %arg12[%dma_wait3A_130, %dma_wait3A_131] : memref<128x128xf32, #tpu.memory_space<vmem>> -> memref<128x128xf32, #tpu.memory_space<vmem>>
      %dma_wait3A_133 = arith.constant 0 : i32
      %dma_wait3A_134 = tpu.memref_slice %arg15[%add3A_101, %dma_wait3A_133] : memref<10112x128xf32, #tpu.memory_space<vmem_shared>> -> memref<128x128xf32, #tpu.memory_space<vmem_shared>>
      %dma_wait3A_135 = arith.constant 0 : i32
      %dma_wait3A_136 = arith.constant 0 : i32
      %dma_wait3A_137 = tpu.memref_slice %arg12[%dma_wait3A_135, %dma_wait3A_136] : memref<128x128xf32, #tpu.memory_space<vmem>> -> memref<128x128xf32, #tpu.memory_space<vmem>>
      %dma_wait3A_138 = arith.constant 0 : i32
      %dma_wait3A_139 = tpu.memref_slice %arg15[%add3A_101, %dma_wait3A_138] : memref<10112x128xf32, #tpu.memory_space<vmem_shared>> -> memref<128x128xf32, #tpu.memory_space<vmem_shared>>
      tpu.wait_dma2 semaphore(%run_scoped3A : memref<!tpu.dma_semaphore, #tpu.memory_space<semaphore_mem>>) src(%dma_wait3A_139 : memref<128x128xf32, #tpu.memory_space<vmem_shared>>) dst(%dma_wait3A_137 : memref<128x128xf32, #tpu.memory_space<vmem>>)
      tpu.yield
    }) : () -> ()
    %add3A_102 = arith.constant 0 : i32
    %add3A_103 = arith.addi %add3A_99, %add3A_102 : i32
    "tpu.region"() ({
      %run_scoped3A = tpu.sem_alloc : memref<!tpu.dma_semaphore, #tpu.memory_space<semaphore_mem>>
      %dma_start3A_120 = arith.constant 0 : i32
      %dma_start3A_121 = arith.constant 0 : i32
      %dma_start3A_122 = tpu.memref_slice %arg12[%dma_start3A_120, %dma_start3A_121] : memref<128x128xf32, #tpu.memory_space<vmem>> -> memref<128x128xf32, #tpu.memory_space<vmem>>
      %dma_start3A_123 = arith.constant 0 : i32
      %dma_start3A_124 = tpu.memref_slice %arg5[%add3A_103, %dma_start3A_123] : memref<20224x128xf32, #tpu.memory_space<hbm>> -> memref<128x128xf32, #tpu.memory_space<hbm>>
      %dma_start3A_125 = arith.constant 0 : i32
      %dma_start3A_126 = tpu.memref_slice %arg5[%add3A_103, %dma_start3A_125] : memref<20224x128xf32, #tpu.memory_space<hbm>> -> memref<128x128xf32, #tpu.memory_space<hbm>>
      %dma_start3A_127 = arith.constant 0 : i32
      %dma_start3A_128 = arith.constant 0 : i32
      %dma_start3A_129 = tpu.memref_slice %arg12[%dma_start3A_127, %dma_start3A_128] : memref<128x128xf32, #tpu.memory_space<vmem>> -> memref<128x128xf32, #tpu.memory_space<vmem>>
      tpu.enqueue_dma source(%dma_start3A_129 : memref<128x128xf32, #tpu.memory_space<vmem>>) target(%dma_start3A_126 : memref<128x128xf32, #tpu.memory_space<hbm>>) target_semaphore(%run_scoped3A : memref<!tpu.dma_semaphore, #tpu.memory_space<semaphore_mem>>)
      %dma_wait3A_130 = arith.constant 0 : i32
      %dma_wait3A_131 = arith.constant 0 : i32
      %dma_wait3A_132 = tpu.memref_slice %arg12[%dma_wait3A_130, %dma_wait3A_131] : memref<128x128xf32, #tpu.memory_space<vmem>> -> memref<128x128xf32, #tpu.memory_space<vmem>>
      %dma_wait3A_133 = arith.constant 0 : i32
      %dma_wait3A_134 = tpu.memref_slice %arg5[%add3A_103, %dma_wait3A_133] : memref<20224x128xf32, #tpu.memory_space<hbm>> -> memref<128x128xf32, #tpu.memory_space<hbm>>
      %dma_wait3A_135 = arith.constant 0 : i32
      %dma_wait3A_136 = tpu.memref_slice %arg5[%add3A_103, %dma_wait3A_135] : memref<20224x128xf32, #tpu.memory_space<hbm>> -> memref<128x128xf32, #tpu.memory_space<hbm>>
      %dma_wait3A_137 = arith.constant 0 : i32
      %dma_wait3A_138 = arith.constant 0 : i32
      %dma_wait3A_139 = tpu.memref_slice %arg12[%dma_wait3A_137, %dma_wait3A_138] : memref<128x128xf32, #tpu.memory_space<vmem>> -> memref<128x128xf32, #tpu.memory_space<vmem>>
      tpu.wait_dma2 semaphore(%run_scoped3A : memref<!tpu.dma_semaphore, #tpu.memory_space<semaphore_mem>>) src(%dma_wait3A_139 : memref<128x128xf32, #tpu.memory_space<vmem>>) dst(%dma_wait3A_136 : memref<128x128xf32, #tpu.memory_space<hbm>>)
      tpu.yield
    }) : () -> ()
    %add3A_104 = arith.constant 128 : i32
    %add3A_105 = arith.addi %mul3A_6, %add3A_104 : i32
    "tpu.region"() ({
      %run_scoped3A = tpu.sem_alloc : memref<!tpu.dma_semaphore, #tpu.memory_space<semaphore_mem>>
      %dma_start3A_120 = arith.constant 0 : i32
      %dma_start3A_121 = arith.constant 0 : i32
      %dma_start3A_122 = tpu.memref_slice %arg12[%dma_start3A_120, %dma_start3A_121] : memref<128x128xf32, #tpu.memory_space<vmem>> -> memref<128x128xf32, #tpu.memory_space<vmem>>
      %dma_start3A_123 = arith.constant 0 : i32
      %dma_start3A_124 = tpu.memref_slice %arg15[%add3A_105, %dma_start3A_123] : memref<10112x128xf32, #tpu.memory_space<vmem_shared>> -> memref<128x128xf32, #tpu.memory_space<vmem_shared>>
      %dma_start3A_125 = arith.constant 0 : i32
      %dma_start3A_126 = arith.constant 0 : i32
      %dma_start3A_127 = tpu.memref_slice %arg12[%dma_start3A_125, %dma_start3A_126] : memref<128x128xf32, #tpu.memory_space<vmem>> -> memref<128x128xf32, #tpu.memory_space<vmem>>
      %dma_start3A_128 = arith.constant 0 : i32
      %dma_start3A_129 = tpu.memref_slice %arg15[%add3A_105, %dma_start3A_128] : memref<10112x128xf32, #tpu.memory_space<vmem_shared>> -> memref<128x128xf32, #tpu.memory_space<vmem_shared>>
      tpu.enqueue_dma source(%dma_start3A_129 : memref<128x128xf32, #tpu.memory_space<vmem_shared>>) target(%dma_start3A_127 : memref<128x128xf32, #tpu.memory_space<vmem>>) target_semaphore(%run_scoped3A : memref<!tpu.dma_semaphore, #tpu.memory_space<semaphore_mem>>)
      %dma_wait3A_130 = arith.constant 0 : i32
      %dma_wait3A_131 = arith.constant 0 : i32
      %dma_wait3A_132 = tpu.memref_slice %arg12[%dma_wait3A_130, %dma_wait3A_131] : memref<128x128xf32, #tpu.memory_space<vmem>> -> memref<128x128xf32, #tpu.memory_space<vmem>>
      %dma_wait3A_133 = arith.constant 0 : i32
      %dma_wait3A_134 = tpu.memref_slice %arg15[%add3A_105, %dma_wait3A_133] : memref<10112x128xf32, #tpu.memory_space<vmem_shared>> -> memref<128x128xf32, #tpu.memory_space<vmem_shared>>
      %dma_wait3A_135 = arith.constant 0 : i32
      %dma_wait3A_136 = arith.constant 0 : i32
      %dma_wait3A_137 = tpu.memref_slice %arg12[%dma_wait3A_135, %dma_wait3A_136] : memref<128x128xf32, #tpu.memory_space<vmem>> -> memref<128x128xf32, #tpu.memory_space<vmem>>
      %dma_wait3A_138 = arith.constant 0 : i32
      %dma_wait3A_139 = tpu.memref_slice %arg15[%add3A_105, %dma_wait3A_138] : memref<10112x128xf32, #tpu.memory_space<vmem_shared>> -> memref<128x128xf32, #tpu.memory_space<vmem_shared>>
      tpu.wait_dma2 semaphore(%run_scoped3A : memref<!tpu.dma_semaphore, #tpu.memory_space<semaphore_mem>>) src(%dma_wait3A_139 : memref<128x128xf32, #tpu.memory_space<vmem_shared>>) dst(%dma_wait3A_137 : memref<128x128xf32, #tpu.memory_space<vmem>>)
      tpu.yield
    }) : () -> ()
    %add3A_106 = arith.constant 128 : i32
    %add3A_107 = arith.addi %add3A_99, %add3A_106 : i32
    "tpu.region"() ({
      %run_scoped3A = tpu.sem_alloc : memref<!tpu.dma_semaphore, #tpu.memory_space<semaphore_mem>>
      %dma_start3A_120 = arith.constant 0 : i32
      %dma_start3A_121 = arith.constant 0 : i32
      %dma_start3A_122 = tpu.memref_slice %arg12[%dma_start3A_120, %dma_start3A_121] : memref<128x128xf32, #tpu.memory_space<vmem>> -> memref<128x128xf32, #tpu.memory_space<vmem>>
      %dma_start3A_123 = arith.constant 0 : i32
      %dma_start3A_124 = tpu.memref_slice %arg5[%add3A_107, %dma_start3A_123] : memref<20224x128xf32, #tpu.memory_space<hbm>> -> memref<128x128xf32, #tpu.memory_space<hbm>>
      %dma_start3A_125 = arith.constant 0 : i32
      %dma_start3A_126 = tpu.memref_slice %arg5[%add3A_107, %dma_start3A_125] : memref<20224x128xf32, #tpu.memory_space<hbm>> -> memref<128x128xf32, #tpu.memory_space<hbm>>
      %dma_start3A_127 = arith.constant 0 : i32
      %dma_start3A_128 = arith.constant 0 : i32
      %dma_start3A_129 = tpu.memref_slice %arg12[%dma_start3A_127, %dma_start3A_128] : memref<128x128xf32, #tpu.memory_space<vmem>> -> memref<128x128xf32, #tpu.memory_space<vmem>>
      tpu.enqueue_dma source(%dma_start3A_129 : memref<128x128xf32, #tpu.memory_space<vmem>>) target(%dma_start3A_126 : memref<128x128xf32, #tpu.memory_space<hbm>>) target_semaphore(%run_scoped3A : memref<!tpu.dma_semaphore, #tpu.memory_space<semaphore_mem>>)
      %dma_wait3A_130 = arith.constant 0 : i32
      %dma_wait3A_131 = arith.constant 0 : i32
      %dma_wait3A_132 = tpu.memref_slice %arg12[%dma_wait3A_130, %dma_wait3A_131] : memref<128x128xf32, #tpu.memory_space<vmem>> -> memref<128x128xf32, #tpu.memory_space<vmem>>
      %dma_wait3A_133 = arith.constant 0 : i32
      %dma_wait3A_134 = tpu.memref_slice %arg5[%add3A_107, %dma_wait3A_133] : memref<20224x128xf32, #tpu.memory_space<hbm>> -> memref<128x128xf32, #tpu.memory_space<hbm>>
      %dma_wait3A_135 = arith.constant 0 : i32
      %dma_wait3A_136 = tpu.memref_slice %arg5[%add3A_107, %dma_wait3A_135] : memref<20224x128xf32, #tpu.memory_space<hbm>> -> memref<128x128xf32, #tpu.memory_space<hbm>>
      %dma_wait3A_137 = arith.constant 0 : i32
      %dma_wait3A_138 = arith.constant 0 : i32
      %dma_wait3A_139 = tpu.memref_slice %arg12[%dma_wait3A_137, %dma_wait3A_138] : memref<128x128xf32, #tpu.memory_space<vmem>> -> memref<128x128xf32, #tpu.memory_space<vmem>>
      tpu.wait_dma2 semaphore(%run_scoped3A : memref<!tpu.dma_semaphore, #tpu.memory_space<semaphore_mem>>) src(%dma_wait3A_139 : memref<128x128xf32, #tpu.memory_space<vmem>>) dst(%dma_wait3A_136 : memref<128x128xf32, #tpu.memory_space<hbm>>)
      tpu.yield
    }) : () -> ()
    %add3A_108 = arith.constant 256 : i32
    %add3A_109 = arith.addi %mul3A_6, %add3A_108 : i32
    "tpu.region"() ({
      %run_scoped3A = tpu.sem_alloc : memref<!tpu.dma_semaphore, #tpu.memory_space<semaphore_mem>>
      %dma_start3A_120 = arith.constant 0 : i32
      %dma_start3A_121 = arith.constant 0 : i32
      %dma_start3A_122 = tpu.memref_slice %arg12[%dma_start3A_120, %dma_start3A_121] : memref<128x128xf32, #tpu.memory_space<vmem>> -> memref<128x128xf32, #tpu.memory_space<vmem>>
      %dma_start3A_123 = arith.constant 0 : i32
      %dma_start3A_124 = tpu.memref_slice %arg15[%add3A_109, %dma_start3A_123] : memref<10112x128xf32, #tpu.memory_space<vmem_shared>> -> memref<128x128xf32, #tpu.memory_space<vmem_shared>>
      %dma_start3A_125 = arith.constant 0 : i32
      %dma_start3A_126 = arith.constant 0 : i32
      %dma_start3A_127 = tpu.memref_slice %arg12[%dma_start3A_125, %dma_start3A_126] : memref<128x128xf32, #tpu.memory_space<vmem>> -> memref<128x128xf32, #tpu.memory_space<vmem>>
      %dma_start3A_128 = arith.constant 0 : i32
      %dma_start3A_129 = tpu.memref_slice %arg15[%add3A_109, %dma_start3A_128] : memref<10112x128xf32, #tpu.memory_space<vmem_shared>> -> memref<128x128xf32, #tpu.memory_space<vmem_shared>>
      tpu.enqueue_dma source(%dma_start3A_129 : memref<128x128xf32, #tpu.memory_space<vmem_shared>>) target(%dma_start3A_127 : memref<128x128xf32, #tpu.memory_space<vmem>>) target_semaphore(%run_scoped3A : memref<!tpu.dma_semaphore, #tpu.memory_space<semaphore_mem>>)
      %dma_wait3A_130 = arith.constant 0 : i32
      %dma_wait3A_131 = arith.constant 0 : i32
      %dma_wait3A_132 = tpu.memref_slice %arg12[%dma_wait3A_130, %dma_wait3A_131] : memref<128x128xf32, #tpu.memory_space<vmem>> -> memref<128x128xf32, #tpu.memory_space<vmem>>
      %dma_wait3A_133 = arith.constant 0 : i32
      %dma_wait3A_134 = tpu.memref_slice %arg15[%add3A_109, %dma_wait3A_133] : memref<10112x128xf32, #tpu.memory_space<vmem_shared>> -> memref<128x128xf32, #tpu.memory_space<vmem_shared>>
      %dma_wait3A_135 = arith.constant 0 : i32
      %dma_wait3A_136 = arith.constant 0 : i32
      %dma_wait3A_137 = tpu.memref_slice %arg12[%dma_wait3A_135, %dma_wait3A_136] : memref<128x128xf32, #tpu.memory_space<vmem>> -> memref<128x128xf32, #tpu.memory_space<vmem>>
      %dma_wait3A_138 = arith.constant 0 : i32
      %dma_wait3A_139 = tpu.memref_slice %arg15[%add3A_109, %dma_wait3A_138] : memref<10112x128xf32, #tpu.memory_space<vmem_shared>> -> memref<128x128xf32, #tpu.memory_space<vmem_shared>>
      tpu.wait_dma2 semaphore(%run_scoped3A : memref<!tpu.dma_semaphore, #tpu.memory_space<semaphore_mem>>) src(%dma_wait3A_139 : memref<128x128xf32, #tpu.memory_space<vmem_shared>>) dst(%dma_wait3A_137 : memref<128x128xf32, #tpu.memory_space<vmem>>)
      tpu.yield
    }) : () -> ()
    %add3A_110 = arith.constant 256 : i32
    %add3A_111 = arith.addi %add3A_99, %add3A_110 : i32
    "tpu.region"() ({
      %run_scoped3A = tpu.sem_alloc : memref<!tpu.dma_semaphore, #tpu.memory_space<semaphore_mem>>
      %dma_start3A_120 = arith.constant 0 : i32
      %dma_start3A_121 = arith.constant 0 : i32
      %dma_start3A_122 = tpu.memref_slice %arg12[%dma_start3A_120, %dma_start3A_121] : memref<128x128xf32, #tpu.memory_space<vmem>> -> memref<128x128xf32, #tpu.memory_space<vmem>>
      %dma_start3A_123 = arith.constant 0 : i32
      %dma_start3A_124 = tpu.memref_slice %arg5[%add3A_111, %dma_start3A_123] : memref<20224x128xf32, #tpu.memory_space<hbm>> -> memref<128x128xf32, #tpu.memory_space<hbm>>
      %dma_start3A_125 = arith.constant 0 : i32
      %dma_start3A_126 = tpu.memref_slice %arg5[%add3A_111, %dma_start3A_125] : memref<20224x128xf32, #tpu.memory_space<hbm>> -> memref<128x128xf32, #tpu.memory_space<hbm>>
      %dma_start3A_127 = arith.constant 0 : i32
      %dma_start3A_128 = arith.constant 0 : i32
      %dma_start3A_129 = tpu.memref_slice %arg12[%dma_start3A_127, %dma_start3A_128] : memref<128x128xf32, #tpu.memory_space<vmem>> -> memref<128x128xf32, #tpu.memory_space<vmem>>
      tpu.enqueue_dma source(%dma_start3A_129 : memref<128x128xf32, #tpu.memory_space<vmem>>) target(%dma_start3A_126 : memref<128x128xf32, #tpu.memory_space<hbm>>) target_semaphore(%run_scoped3A : memref<!tpu.dma_semaphore, #tpu.memory_space<semaphore_mem>>)
      %dma_wait3A_130 = arith.constant 0 : i32
      %dma_wait3A_131 = arith.constant 0 : i32
      %dma_wait3A_132 = tpu.memref_slice %arg12[%dma_wait3A_130, %dma_wait3A_131] : memref<128x128xf32, #tpu.memory_space<vmem>> -> memref<128x128xf32, #tpu.memory_space<vmem>>
      %dma_wait3A_133 = arith.constant 0 : i32
      %dma_wait3A_134 = tpu.memref_slice %arg5[%add3A_111, %dma_wait3A_133] : memref<20224x128xf32, #tpu.memory_space<hbm>> -> memref<128x128xf32, #tpu.memory_space<hbm>>
      %dma_wait3A_135 = arith.constant 0 : i32
      %dma_wait3A_136 = tpu.memref_slice %arg5[%add3A_111, %dma_wait3A_135] : memref<20224x128xf32, #tpu.memory_space<hbm>> -> memref<128x128xf32, #tpu.memory_space<hbm>>
      %dma_wait3A_137 = arith.constant 0 : i32
      %dma_wait3A_138 = arith.constant 0 : i32
      %dma_wait3A_139 = tpu.memref_slice %arg12[%dma_wait3A_137, %dma_wait3A_138] : memref<128x128xf32, #tpu.memory_space<vmem>> -> memref<128x128xf32, #tpu.memory_space<vmem>>
      tpu.wait_dma2 semaphore(%run_scoped3A : memref<!tpu.dma_semaphore, #tpu.memory_space<semaphore_mem>>) src(%dma_wait3A_139 : memref<128x128xf32, #tpu.memory_space<vmem>>) dst(%dma_wait3A_136 : memref<128x128xf32, #tpu.memory_space<hbm>>)
      tpu.yield
    }) : () -> ()
    %add3A_112 = arith.constant 384 : i32
    %add3A_113 = arith.addi %mul3A_6, %add3A_112 : i32
    "tpu.region"() ({
      %run_scoped3A = tpu.sem_alloc : memref<!tpu.dma_semaphore, #tpu.memory_space<semaphore_mem>>
      %dma_start3A_120 = arith.constant 0 : i32
      %dma_start3A_121 = arith.constant 0 : i32
      %dma_start3A_122 = tpu.memref_slice %arg12[%dma_start3A_120, %dma_start3A_121] : memref<128x128xf32, #tpu.memory_space<vmem>> -> memref<128x128xf32, #tpu.memory_space<vmem>>
      %dma_start3A_123 = arith.constant 0 : i32
      %dma_start3A_124 = tpu.memref_slice %arg15[%add3A_113, %dma_start3A_123] : memref<10112x128xf32, #tpu.memory_space<vmem_shared>> -> memref<128x128xf32, #tpu.memory_space<vmem_shared>>
      %dma_start3A_125 = arith.constant 0 : i32
      %dma_start3A_126 = arith.constant 0 : i32
      %dma_start3A_127 = tpu.memref_slice %arg12[%dma_start3A_125, %dma_start3A_126] : memref<128x128xf32, #tpu.memory_space<vmem>> -> memref<128x128xf32, #tpu.memory_space<vmem>>
      %dma_start3A_128 = arith.constant 0 : i32
      %dma_start3A_129 = tpu.memref_slice %arg15[%add3A_113, %dma_start3A_128] : memref<10112x128xf32, #tpu.memory_space<vmem_shared>> -> memref<128x128xf32, #tpu.memory_space<vmem_shared>>
      tpu.enqueue_dma source(%dma_start3A_129 : memref<128x128xf32, #tpu.memory_space<vmem_shared>>) target(%dma_start3A_127 : memref<128x128xf32, #tpu.memory_space<vmem>>) target_semaphore(%run_scoped3A : memref<!tpu.dma_semaphore, #tpu.memory_space<semaphore_mem>>)
      %dma_wait3A_130 = arith.constant 0 : i32
      %dma_wait3A_131 = arith.constant 0 : i32
      %dma_wait3A_132 = tpu.memref_slice %arg12[%dma_wait3A_130, %dma_wait3A_131] : memref<128x128xf32, #tpu.memory_space<vmem>> -> memref<128x128xf32, #tpu.memory_space<vmem>>
      %dma_wait3A_133 = arith.constant 0 : i32
      %dma_wait3A_134 = tpu.memref_slice %arg15[%add3A_113, %dma_wait3A_133] : memref<10112x128xf32, #tpu.memory_space<vmem_shared>> -> memref<128x128xf32, #tpu.memory_space<vmem_shared>>
      %dma_wait3A_135 = arith.constant 0 : i32
      %dma_wait3A_136 = arith.constant 0 : i32
      %dma_wait3A_137 = tpu.memref_slice %arg12[%dma_wait3A_135, %dma_wait3A_136] : memref<128x128xf32, #tpu.memory_space<vmem>> -> memref<128x128xf32, #tpu.memory_space<vmem>>
      %dma_wait3A_138 = arith.constant 0 : i32
      %dma_wait3A_139 = tpu.memref_slice %arg15[%add3A_113, %dma_wait3A_138] : memref<10112x128xf32, #tpu.memory_space<vmem_shared>> -> memref<128x128xf32, #tpu.memory_space<vmem_shared>>
      tpu.wait_dma2 semaphore(%run_scoped3A : memref<!tpu.dma_semaphore, #tpu.memory_space<semaphore_mem>>) src(%dma_wait3A_139 : memref<128x128xf32, #tpu.memory_space<vmem_shared>>) dst(%dma_wait3A_137 : memref<128x128xf32, #tpu.memory_space<vmem>>)
      tpu.yield
    }) : () -> ()
    %add3A_114 = arith.constant 384 : i32
    %add3A_115 = arith.addi %add3A_99, %add3A_114 : i32
    "tpu.region"() ({
      %run_scoped3A = tpu.sem_alloc : memref<!tpu.dma_semaphore, #tpu.memory_space<semaphore_mem>>
      %dma_start3A_120 = arith.constant 0 : i32
      %dma_start3A_121 = arith.constant 0 : i32
      %dma_start3A_122 = tpu.memref_slice %arg12[%dma_start3A_120, %dma_start3A_121] : memref<128x128xf32, #tpu.memory_space<vmem>> -> memref<128x128xf32, #tpu.memory_space<vmem>>
      %dma_start3A_123 = arith.constant 0 : i32
      %dma_start3A_124 = tpu.memref_slice %arg5[%add3A_115, %dma_start3A_123] : memref<20224x128xf32, #tpu.memory_space<hbm>> -> memref<128x128xf32, #tpu.memory_space<hbm>>
      %dma_start3A_125 = arith.constant 0 : i32
      %dma_start3A_126 = tpu.memref_slice %arg5[%add3A_115, %dma_start3A_125] : memref<20224x128xf32, #tpu.memory_space<hbm>> -> memref<128x128xf32, #tpu.memory_space<hbm>>
      %dma_start3A_127 = arith.constant 0 : i32
      %dma_start3A_128 = arith.constant 0 : i32
      %dma_start3A_129 = tpu.memref_slice %arg12[%dma_start3A_127, %dma_start3A_128] : memref<128x128xf32, #tpu.memory_space<vmem>> -> memref<128x128xf32, #tpu.memory_space<vmem>>
      tpu.enqueue_dma source(%dma_start3A_129 : memref<128x128xf32, #tpu.memory_space<vmem>>) target(%dma_start3A_126 : memref<128x128xf32, #tpu.memory_space<hbm>>) target_semaphore(%run_scoped3A : memref<!tpu.dma_semaphore, #tpu.memory_space<semaphore_mem>>)
      %dma_wait3A_130 = arith.constant 0 : i32
      %dma_wait3A_131 = arith.constant 0 : i32
      %dma_wait3A_132 = tpu.memref_slice %arg12[%dma_wait3A_130, %dma_wait3A_131] : memref<128x128xf32, #tpu.memory_space<vmem>> -> memref<128x128xf32, #tpu.memory_space<vmem>>
      %dma_wait3A_133 = arith.constant 0 : i32
      %dma_wait3A_134 = tpu.memref_slice %arg5[%add3A_115, %dma_wait3A_133] : memref<20224x128xf32, #tpu.memory_space<hbm>> -> memref<128x128xf32, #tpu.memory_space<hbm>>
      %dma_wait3A_135 = arith.constant 0 : i32
      %dma_wait3A_136 = tpu.memref_slice %arg5[%add3A_115, %dma_wait3A_135] : memref<20224x128xf32, #tpu.memory_space<hbm>> -> memref<128x128xf32, #tpu.memory_space<hbm>>
      %dma_wait3A_137 = arith.constant 0 : i32
      %dma_wait3A_138 = arith.constant 0 : i32
      %dma_wait3A_139 = tpu.memref_slice %arg12[%dma_wait3A_137, %dma_wait3A_138] : memref<128x128xf32, #tpu.memory_space<vmem>> -> memref<128x128xf32, #tpu.memory_space<vmem>>
      tpu.wait_dma2 semaphore(%run_scoped3A : memref<!tpu.dma_semaphore, #tpu.memory_space<semaphore_mem>>) src(%dma_wait3A_139 : memref<128x128xf32, #tpu.memory_space<vmem>>) dst(%dma_wait3A_136 : memref<128x128xf32, #tpu.memory_space<hbm>>)
      tpu.yield
    }) : () -> ()
    %add3A_116 = arith.constant 512 : i32
    %add3A_117 = arith.addi %mul3A_6, %add3A_116 : i32
    "tpu.region"() ({
      %run_scoped3A = tpu.sem_alloc : memref<!tpu.dma_semaphore, #tpu.memory_space<semaphore_mem>>
      %dma_start3A_120 = arith.constant 0 : i32
      %dma_start3A_121 = arith.constant 0 : i32
      %dma_start3A_122 = tpu.memref_slice %arg12[%dma_start3A_120, %dma_start3A_121] : memref<128x128xf32, #tpu.memory_space<vmem>> -> memref<120x128xf32, #tpu.memory_space<vmem>>
      %dma_start3A_123 = arith.constant 0 : i32
      %dma_start3A_124 = tpu.memref_slice %arg15[%add3A_117, %dma_start3A_123] : memref<10112x128xf32, #tpu.memory_space<vmem_shared>> -> memref<120x128xf32, #tpu.memory_space<vmem_shared>>
      %dma_start3A_125 = arith.constant 0 : i32
      %dma_start3A_126 = arith.constant 0 : i32
      %dma_start3A_127 = tpu.memref_slice %arg12[%dma_start3A_125, %dma_start3A_126] : memref<128x128xf32, #tpu.memory_space<vmem>> -> memref<120x128xf32, #tpu.memory_space<vmem>>
      %dma_start3A_128 = arith.constant 0 : i32
      %dma_start3A_129 = tpu.memref_slice %arg15[%add3A_117, %dma_start3A_128] : memref<10112x128xf32, #tpu.memory_space<vmem_shared>> -> memref<120x128xf32, #tpu.memory_space<vmem_shared>>
      tpu.enqueue_dma source(%dma_start3A_129 : memref<120x128xf32, #tpu.memory_space<vmem_shared>>) target(%dma_start3A_127 : memref<120x128xf32, #tpu.memory_space<vmem>>) target_semaphore(%run_scoped3A : memref<!tpu.dma_semaphore, #tpu.memory_space<semaphore_mem>>)
      %dma_wait3A_130 = arith.constant 0 : i32
      %dma_wait3A_131 = arith.constant 0 : i32
      %dma_wait3A_132 = tpu.memref_slice %arg12[%dma_wait3A_130, %dma_wait3A_131] : memref<128x128xf32, #tpu.memory_space<vmem>> -> memref<120x128xf32, #tpu.memory_space<vmem>>
      %dma_wait3A_133 = arith.constant 0 : i32
      %dma_wait3A_134 = tpu.memref_slice %arg15[%add3A_117, %dma_wait3A_133] : memref<10112x128xf32, #tpu.memory_space<vmem_shared>> -> memref<120x128xf32, #tpu.memory_space<vmem_shared>>
      %dma_wait3A_135 = arith.constant 0 : i32
      %dma_wait3A_136 = arith.constant 0 : i32
      %dma_wait3A_137 = tpu.memref_slice %arg12[%dma_wait3A_135, %dma_wait3A_136] : memref<128x128xf32, #tpu.memory_space<vmem>> -> memref<120x128xf32, #tpu.memory_space<vmem>>
      %dma_wait3A_138 = arith.constant 0 : i32
      %dma_wait3A_139 = tpu.memref_slice %arg15[%add3A_117, %dma_wait3A_138] : memref<10112x128xf32, #tpu.memory_space<vmem_shared>> -> memref<120x128xf32, #tpu.memory_space<vmem_shared>>
      tpu.wait_dma2 semaphore(%run_scoped3A : memref<!tpu.dma_semaphore, #tpu.memory_space<semaphore_mem>>) src(%dma_wait3A_139 : memref<120x128xf32, #tpu.memory_space<vmem_shared>>) dst(%dma_wait3A_137 : memref<120x128xf32, #tpu.memory_space<vmem>>)
      tpu.yield
    }) : () -> ()
    %add3A_118 = arith.constant 512 : i32
    %add3A_119 = arith.addi %add3A_99, %add3A_118 : i32
    "tpu.region"() ({
      %run_scoped3A = tpu.sem_alloc : memref<!tpu.dma_semaphore, #tpu.memory_space<semaphore_mem>>
      %dma_start3A_120 = arith.constant 0 : i32
      %dma_start3A_121 = arith.constant 0 : i32
      %dma_start3A_122 = tpu.memref_slice %arg12[%dma_start3A_120, %dma_start3A_121] : memref<128x128xf32, #tpu.memory_space<vmem>> -> memref<120x128xf32, #tpu.memory_space<vmem>>
      %dma_start3A_123 = arith.constant 0 : i32
      %dma_start3A_124 = tpu.memref_slice %arg5[%add3A_119, %dma_start3A_123] : memref<20224x128xf32, #tpu.memory_space<hbm>> -> memref<120x128xf32, #tpu.memory_space<hbm>>
      %dma_start3A_125 = arith.constant 0 : i32
      %dma_start3A_126 = tpu.memref_slice %arg5[%add3A_119, %dma_start3A_125] : memref<20224x128xf32, #tpu.memory_space<hbm>> -> memref<120x128xf32, #tpu.memory_space<hbm>>
      %dma_start3A_127 = arith.constant 0 : i32
      %dma_start3A_128 = arith.constant 0 : i32
      %dma_start3A_129 = tpu.memref_slice %arg12[%dma_start3A_127, %dma_start3A_128] : memref<128x128xf32, #tpu.memory_space<vmem>> -> memref<120x128xf32, #tpu.memory_space<vmem>>
      tpu.enqueue_dma source(%dma_start3A_129 : memref<120x128xf32, #tpu.memory_space<vmem>>) target(%dma_start3A_126 : memref<120x128xf32, #tpu.memory_space<hbm>>) target_semaphore(%run_scoped3A : memref<!tpu.dma_semaphore, #tpu.memory_space<semaphore_mem>>)
      %dma_wait3A_130 = arith.constant 0 : i32
      %dma_wait3A_131 = arith.constant 0 : i32
      %dma_wait3A_132 = tpu.memref_slice %arg12[%dma_wait3A_130, %dma_wait3A_131] : memref<128x128xf32, #tpu.memory_space<vmem>> -> memref<120x128xf32, #tpu.memory_space<vmem>>
      %dma_wait3A_133 = arith.constant 0 : i32
      %dma_wait3A_134 = tpu.memref_slice %arg5[%add3A_119, %dma_wait3A_133] : memref<20224x128xf32, #tpu.memory_space<hbm>> -> memref<120x128xf32, #tpu.memory_space<hbm>>
      %dma_wait3A_135 = arith.constant 0 : i32
      %dma_wait3A_136 = tpu.memref_slice %arg5[%add3A_119, %dma_wait3A_135] : memref<20224x128xf32, #tpu.memory_space<hbm>> -> memref<120x128xf32, #tpu.memory_space<hbm>>
      %dma_wait3A_137 = arith.constant 0 : i32
      %dma_wait3A_138 = arith.constant 0 : i32
      %dma_wait3A_139 = tpu.memref_slice %arg12[%dma_wait3A_137, %dma_wait3A_138] : memref<128x128xf32, #tpu.memory_space<vmem>> -> memref<120x128xf32, #tpu.memory_space<vmem>>
      tpu.wait_dma2 semaphore(%run_scoped3A : memref<!tpu.dma_semaphore, #tpu.memory_space<semaphore_mem>>) src(%dma_wait3A_139 : memref<120x128xf32, #tpu.memory_space<vmem>>) dst(%dma_wait3A_136 : memref<120x128xf32, #tpu.memory_space<hbm>>)
      tpu.yield
    }) : () -> ()
    return
  }
}

module attributes {stable_mosaic.version = 14 : i64} {
  func.func @body(%arg0: i32, %arg1: memref<2000x128xf32, #tpu.memory_space<vmem>>, %arg2: memref<2000x128xf32, #tpu.memory_space<vmem>>, %arg3: memref<2000x128xf32, #tpu.memory_space<vmem>>, %arg4: memref<128x256xf32, #tpu.memory_space<vmem>>, %arg5: memref<1x256xf32, #tpu.memory_space<vmem>>, %arg6: memref<1x1xf32, #tpu.memory_space<smem>>, %arg7: memref<2000x128xf32, #tpu.memory_space<vmem>>, %arg8: memref<2000x128xf32, #tpu.memory_space<vmem>>, %arg9: memref<1x256xf32, #tpu.memory_space<vmem>>, %arg10: memref<1x256xf32, #tpu.memory_space<vmem>>) attributes {dimension_semantics = [#tpu.dimension_semantics<arbitrary>], iteration_bounds = array<i64: 5>, scalar_prefetch = 0 : i64, scratch_operands = 0 : i64, tpu.core_type = #tpu.core_type<tc>, window_params = [{transform_indices = @transform_0, window_bounds = array<i64: 2000, 128>}, {transform_indices = @transform_1, window_bounds = array<i64: 2000, 128>}, {transform_indices = @transform_2, window_bounds = array<i64: 2000, 128>}, {pipeline_mode = #tpu.pipeline_mode<synchronous>, transform_indices = @transform_3, window_bounds = array<i64: 128, 256>}, {pipeline_mode = #tpu.pipeline_mode<synchronous>, transform_indices = @transform_4, window_bounds = array<i64: 1, 256>}, {transform_indices = @transform_5, window_bounds = array<i64: 1, 1>}, {transform_indices = @transform_6, window_bounds = array<i64: 2000, 128>}, {transform_indices = @transform_7, window_bounds = array<i64: 2000, 128>}, {pipeline_mode = #tpu.pipeline_mode<synchronous>, transform_indices = @transform_8, window_bounds = array<i64: 1, 256>}, {pipeline_mode = #tpu.pipeline_mode<synchronous>, transform_indices = @transform_9, window_bounds = array<i64: 1, 256>}]} {
    %get3A = arith.constant 0 : index
    %get3A_0 = arith.constant 0 : index
    %get3A_1 = vector.load %arg1[%get3A, %get3A_0] : memref<2000x128xf32, #tpu.memory_space<vmem>>, vector<2000x128xf32>
    %get3A_2 = arith.constant 0 : index
    %get3A_3 = arith.constant 0 : index
    %get3A_4 = vector.load %arg2[%get3A_2, %get3A_3] : memref<2000x128xf32, #tpu.memory_space<vmem>>, vector<2000x128xf32>
    %get3A_5 = arith.constant 0 : index
    %get3A_6 = arith.constant 0 : index
    %get3A_7 = vector.load %arg3[%get3A_5, %get3A_6] : memref<2000x128xf32, #tpu.memory_space<vmem>>, vector<2000x128xf32>
    %add3A = arith.addf %get3A_4, %get3A_7 : vector<2000x128xf32>
    %get3A_8 = arith.constant 0 : index
    %get3A_9 = arith.constant 0 : index
    %get3A_10 = memref.load %arg6[%get3A_8, %get3A_9] : memref<1x1xf32, #tpu.memory_space<smem>>
    %mul3A = vector.broadcast %get3A_10 : f32 to vector<2000x128xf32>
    %mul3A_11 = arith.mulf %mul3A, %get3A_1 : vector<2000x128xf32>
    %add3A_12 = arith.addf %mul3A_11, %add3A : vector<2000x128xf32>
    %get3A_13 = arith.constant 0 : index
    %get3A_14 = arith.constant 0 : index
    %get3A_15 = vector.load %arg4[%get3A_13, %get3A_14] : memref<128x256xf32, #tpu.memory_space<vmem>>, vector<128x256xf32>
    %dot_general3A = arith.constant dense<0.000000e+00> : vector<2000x256xf32>
    %dot_general3A_16 = tpu.matmul %add3A_12, %get3A_15, %dot_general3A {dimension_numbers = #tpu.dot_dimension_numbers<[1], [0], [0], [1], [0, 0, 1, 1], [], []>, transpose_lhs_hint = false} : vector<2000x128xf32>, vector<128x256xf32>, vector<2000x256xf32> -> vector<2000x256xf32>
    %get3A_17 = arith.constant 0 : index
    %get3A_18 = arith.constant 0 : index
    %get3A_19 = vector.load %arg5[%get3A_17, %get3A_18] : memref<1x256xf32, #tpu.memory_space<vmem>>, vector<1x256xf32>
    %add3A_20 = vector.broadcast %get3A_19 : vector<1x256xf32> to vector<2000x256xf32>
    %add3A_21 = arith.addf %dot_general3A_16, %add3A_20 : vector<2000x256xf32>
    %ge3A = arith.constant 0.000000e+00 : f32
    %ge3A_22 = vector.broadcast %ge3A : f32 to vector<2000x256xf32>
    %ge3A_23 = arith.cmpf oge, %add3A_21, %ge3A_22 : vector<2000x256xf32>
    %mul3A_24 = arith.constant 0.00999999977 : f32
    %mul3A_25 = vector.broadcast %mul3A_24 : f32 to vector<2000x256xf32>
    %mul3A_26 = arith.mulf %mul3A_25, %add3A_21 : vector<2000x256xf32>
    %select_n3A = arith.select %ge3A_23, %add3A_21, %mul3A_26 : vector<2000x256xi1>, vector<2000x256xf32>
    %slice3A = vector.extract_strided_slice %select_n3A {offsets = [0, 0], sizes = [2000, 128], strides = [1, 1]} : vector<2000x256xf32> to vector<2000x128xf32>
    %swap3A = arith.constant 0 : index
    %swap3A_27 = arith.constant 0 : index
    %swap3A_28 = vector.load %arg7[%swap3A, %swap3A_27] : memref<2000x128xf32, #tpu.memory_space<vmem>>, vector<2000x128xf32>
    tpu.vector_store %arg7[%swap3A, %swap3A_27], %slice3A {strides = array<i32>} : memref<2000x128xf32, #tpu.memory_space<vmem>>, vector<2000x128xf32>,
    %slice3A_29 = vector.extract_strided_slice %select_n3A {offsets = [0, 128], sizes = [2000, 128], strides = [1, 1]} : vector<2000x256xf32> to vector<2000x128xf32>
    %swap3A_30 = arith.constant 0 : index
    %swap3A_31 = arith.constant 0 : index
    %swap3A_32 = vector.load %arg8[%swap3A_30, %swap3A_31] : memref<2000x128xf32, #tpu.memory_space<vmem>>, vector<2000x128xf32>
    tpu.vector_store %arg8[%swap3A_30, %swap3A_31], %slice3A_29 {strides = array<i32>} : memref<2000x128xf32, #tpu.memory_space<vmem>>, vector<2000x128xf32>,
    %reduce_sum3A = arith.constant dense<0.000000e+00> : vector<256xf32>
    %reduce_sum3A_33 = vector.multi_reduction <add>, %select_n3A, %reduce_sum3A [0] : vector<2000x256xf32> to vector<256xf32>
    %broadcast_in_dim3A = vector.shape_cast %reduce_sum3A_33 : vector<256xf32> to vector<1x256xf32>
    %reduce_max3A = arith.constant dense<0xFF800000> : vector<256xf32>
    %reduce_max3A_34 = vector.multi_reduction <maximumf>, %select_n3A, %reduce_max3A [0] : vector<2000x256xf32> to vector<256xf32>
    %broadcast_in_dim3A_35 = vector.shape_cast %reduce_max3A_34 : vector<256xf32> to vector<1x256xf32>
    %eq3A = arith.constant 0 : i32
    %eq3A_36 = arith.cmpi eq, %arg0, %eq3A : i32
    %convert_element_type3A = arith.extui %eq3A_36 : i1 to i32
    %cond3A = arith.constant 0 : i32
    %cond3A_37 = arith.cmpi ne, %convert_element_type3A, %cond3A : i32
    scf.if %cond3A_37 {
      %swap3A_42 = arith.constant 0 : index
      %swap3A_43 = arith.constant 0 : index
      %swap3A_44 = vector.load %arg9[%swap3A_42, %swap3A_43] : memref<1x256xf32, #tpu.memory_space<vmem>>, vector<1x256xf32>
      tpu.vector_store %arg9[%swap3A_42, %swap3A_43], %broadcast_in_dim3A {strides = array<i32>} : memref<1x256xf32, #tpu.memory_space<vmem>>, vector<1x256xf32>,
      %swap3A_45 = arith.constant 0 : index
      %swap3A_46 = arith.constant 0 : index
      %swap3A_47 = vector.load %arg10[%swap3A_45, %swap3A_46] : memref<1x256xf32, #tpu.memory_space<vmem>>, vector<1x256xf32>
      tpu.vector_store %arg10[%swap3A_45, %swap3A_46], %broadcast_in_dim3A_35 {strides = array<i32>} : memref<1x256xf32, #tpu.memory_space<vmem>>, vector<1x256xf32>,
    } else {
    }
    %gt3A = arith.constant 0 : i32
    %gt3A_38 = arith.cmpi sgt, %arg0, %gt3A : i32
    %convert_element_type3A_39 = arith.extui %gt3A_38 : i1 to i32
    %cond3A_40 = arith.constant 0 : i32
    %cond3A_41 = arith.cmpi ne, %convert_element_type3A_39, %cond3A_40 : i32
    scf.if %cond3A_41 {
      %get3A_42 = arith.constant 0 : index
      %get3A_43 = arith.constant 0 : index
      %get3A_44 = vector.load %arg9[%get3A_42, %get3A_43] : memref<1x256xf32, #tpu.memory_space<vmem>>, vector<1x256xf32>
      %add3A_45 = arith.addf %get3A_44, %broadcast_in_dim3A : vector<1x256xf32>
      %swap3A_46 = arith.constant 0 : index
      %swap3A_47 = arith.constant 0 : index
      %swap3A_48 = vector.load %arg9[%swap3A_46, %swap3A_47] : memref<1x256xf32, #tpu.memory_space<vmem>>, vector<1x256xf32>
      tpu.vector_store %arg9[%swap3A_46, %swap3A_47], %add3A_45 {strides = array<i32>} : memref<1x256xf32, #tpu.memory_space<vmem>>, vector<1x256xf32>,
      %get3A_49 = arith.constant 0 : index
      %get3A_50 = arith.constant 0 : index
      %get3A_51 = vector.load %arg10[%get3A_49, %get3A_50] : memref<1x256xf32, #tpu.memory_space<vmem>>, vector<1x256xf32>
      %max3A = arith.maximumf %get3A_51, %broadcast_in_dim3A_35 : vector<1x256xf32>
      %swap3A_52 = arith.constant 0 : index
      %swap3A_53 = arith.constant 0 : index
      %swap3A_54 = vector.load %arg10[%swap3A_52, %swap3A_53] : memref<1x256xf32, #tpu.memory_space<vmem>>, vector<1x256xf32>
      tpu.vector_store %arg10[%swap3A_52, %swap3A_53], %max3A {strides = array<i32>} : memref<1x256xf32, #tpu.memory_space<vmem>>, vector<1x256xf32>,
    } else {
    }
    return
  }
  func.func @transform_0(%arg0: i32) -> (i32, i32) {
    %c0_i32 = arith.constant 0 : i32
    %c0_i32_0 = arith.constant 0 : i32
    return %arg0, %c0_i32 : i32, i32
  }
  func.func @transform_1(%arg0: i32) -> (i32, i32) {
    %c0_i32 = arith.constant 0 : i32
    %c0_i32_0 = arith.constant 0 : i32
    return %arg0, %c0_i32 : i32, i32
  }
  func.func @transform_2(%arg0: i32) -> (i32, i32) {
    %c0_i32 = arith.constant 0 : i32
    %c0_i32_0 = arith.constant 0 : i32
    return %arg0, %c0_i32 : i32, i32
  }
  func.func @transform_3(%arg0: i32) -> (i32, i32) {
    %c0_i32 = arith.constant 0 : i32
    %c0_i32_0 = arith.constant 0 : i32
    %c0_i32_1 = arith.constant 0 : i32
    return %c0_i32, %c0_i32_0 : i32, i32
  }
  func.func @transform_4(%arg0: i32) -> (i32, i32) {
    %c0_i32 = arith.constant 0 : i32
    %c0_i32_0 = arith.constant 0 : i32
    %c0_i32_1 = arith.constant 0 : i32
    return %c0_i32, %c0_i32_0 : i32, i32
  }
  func.func @transform_5(%arg0: i32) -> (i32, i32) {
    %c0_i32 = arith.constant 0 : i32
    %c0_i32_0 = arith.constant 0 : i32
    %c0_i32_1 = arith.constant 0 : i32
    return %c0_i32, %c0_i32_0 : i32, i32
  }
  func.func @transform_6(%arg0: i32) -> (i32, i32) {
    %c0_i32 = arith.constant 0 : i32
    %c0_i32_0 = arith.constant 0 : i32
    return %arg0, %c0_i32 : i32, i32
  }
  func.func @transform_7(%arg0: i32) -> (i32, i32) {
    %c0_i32 = arith.constant 0 : i32
    %c0_i32_0 = arith.constant 0 : i32
    return %arg0, %c0_i32 : i32, i32
  }
  func.func @transform_8(%arg0: i32) -> (i32, i32) {
    %c0_i32 = arith.constant 0 : i32
    %c0_i32_0 = arith.constant 0 : i32
    %c0_i32_1 = arith.constant 0 : i32
    return %c0_i32, %c0_i32_0 : i32, i32
  }
  func.func @transform_9(%arg0: i32) -> (i32, i32) {
    %c0_i32 = arith.constant 0 : i32
    %c0_i32_0 = arith.constant 0 : i32
    %c0_i32_1 = arith.constant 0 : i32
    return %c0_i32, %c0_i32_0 : i32, i32
  }
}

module attributes {stable_mosaic.version = 14 : i64} {
  func.func @body(%arg0: i32, %arg1: memref<2000x128xf32, #tpu.memory_space<vmem>>, %arg2: memref<2000x128xf32, #tpu.memory_space<vmem>>, %arg3: memref<2000x128xf32, #tpu.memory_space<vmem>>, %arg4: memref<2000x128xf32, #tpu.memory_space<vmem>>, %arg5: memref<256x256xf32, #tpu.memory_space<vmem>>, %arg6: memref<1x256xf32, #tpu.memory_space<vmem>>, %arg7: memref<1x1xf32, #tpu.memory_space<smem>>, %arg8: memref<2000x128xf32, #tpu.memory_space<vmem>>, %arg9: memref<2000x128xf32, #tpu.memory_space<vmem>>, %arg10: memref<1x256xf32, #tpu.memory_space<vmem>>, %arg11: memref<1x256xf32, #tpu.memory_space<vmem>>) attributes {dimension_semantics = [#tpu.dimension_semantics<arbitrary>], iteration_bounds = array<i64: 5>, scalar_prefetch = 0 : i64, scratch_operands = 0 : i64, tpu.core_type = #tpu.core_type<tc>, window_params = [{transform_indices = @transform_0, window_bounds = array<i64: 2000, 128>}, {transform_indices = @transform_1, window_bounds = array<i64: 2000, 128>}, {transform_indices = @transform_2, window_bounds = array<i64: 2000, 128>}, {transform_indices = @transform_3, window_bounds = array<i64: 2000, 128>}, {pipeline_mode = #tpu.pipeline_mode<synchronous>, transform_indices = @transform_4, window_bounds = array<i64: 256, 256>}, {pipeline_mode = #tpu.pipeline_mode<synchronous>, transform_indices = @transform_5, window_bounds = array<i64: 1, 256>}, {transform_indices = @transform_6, window_bounds = array<i64: 1, 1>}, {transform_indices = @transform_7, window_bounds = array<i64: 2000, 128>}, {transform_indices = @transform_8, window_bounds = array<i64: 2000, 128>}, {pipeline_mode = #tpu.pipeline_mode<synchronous>, transform_indices = @transform_9, window_bounds = array<i64: 1, 256>}, {pipeline_mode = #tpu.pipeline_mode<synchronous>, transform_indices = @transform_10, window_bounds = array<i64: 1, 256>}]} {
    %get3A = arith.constant 0 : index
    %get3A_0 = arith.constant 0 : index
    %get3A_1 = vector.load %arg1[%get3A, %get3A_0] : memref<2000x128xf32, #tpu.memory_space<vmem>>, vector<2000x128xf32>
    %get3A_2 = arith.constant 0 : index
    %get3A_3 = arith.constant 0 : index
    %get3A_4 = vector.load %arg2[%get3A_2, %get3A_3] : memref<2000x128xf32, #tpu.memory_space<vmem>>, vector<2000x128xf32>
    %get3A_5 = arith.constant 0 : index
    %get3A_6 = arith.constant 0 : index
    %get3A_7 = vector.load %arg3[%get3A_5, %get3A_6] : memref<2000x128xf32, #tpu.memory_space<vmem>>, vector<2000x128xf32>
    %get3A_8 = arith.constant 0 : index
    %get3A_9 = arith.constant 0 : index
    %get3A_10 = vector.load %arg4[%get3A_8, %get3A_9] : memref<2000x128xf32, #tpu.memory_space<vmem>>, vector<2000x128xf32>
    %concatenate3A = tpu.concatenate %get3A_1, %get3A_4 in 1 : vector<2000x128xf32>, vector<2000x128xf32> -> vector<2000x256xf32>
    %concatenate3A_11 = tpu.concatenate %get3A_7, %get3A_10 in 1 : vector<2000x128xf32>, vector<2000x128xf32> -> vector<2000x256xf32>
    %get3A_12 = arith.constant 0 : index
    %get3A_13 = arith.constant 0 : index
    %get3A_14 = memref.load %arg7[%get3A_12, %get3A_13] : memref<1x1xf32, #tpu.memory_space<smem>>
    %mul3A = vector.broadcast %get3A_14 : f32 to vector<2000x256xf32>
    %mul3A_15 = arith.mulf %mul3A, %concatenate3A : vector<2000x256xf32>
    %add3A = arith.addf %mul3A_15, %concatenate3A_11 : vector<2000x256xf32>
    %get3A_16 = arith.constant 0 : index
    %get3A_17 = arith.constant 0 : index
    %get3A_18 = vector.load %arg5[%get3A_16, %get3A_17] : memref<256x256xf32, #tpu.memory_space<vmem>>, vector<256x256xf32>
    %dot_general3A = arith.constant dense<0.000000e+00> : vector<2000x256xf32>
    %dot_general3A_19 = tpu.matmul %add3A, %get3A_18, %dot_general3A {dimension_numbers = #tpu.dot_dimension_numbers<[1], [0], [0], [1], [0, 0, 1, 1], [], []>, transpose_lhs_hint = false} : vector<2000x256xf32>, vector<256x256xf32>, vector<2000x256xf32> -> vector<2000x256xf32>
    %get3A_20 = arith.constant 0 : index
    %get3A_21 = arith.constant 0 : index
    %get3A_22 = vector.load %arg6[%get3A_20, %get3A_21] : memref<1x256xf32, #tpu.memory_space<vmem>>, vector<1x256xf32>
    %add3A_23 = vector.broadcast %get3A_22 : vector<1x256xf32> to vector<2000x256xf32>
    %add3A_24 = arith.addf %dot_general3A_19, %add3A_23 : vector<2000x256xf32>
    %ge3A = arith.constant 0.000000e+00 : f32
    %ge3A_25 = vector.broadcast %ge3A : f32 to vector<2000x256xf32>
    %ge3A_26 = arith.cmpf oge, %add3A_24, %ge3A_25 : vector<2000x256xf32>
    %mul3A_27 = arith.constant 0.00999999977 : f32
    %mul3A_28 = vector.broadcast %mul3A_27 : f32 to vector<2000x256xf32>
    %mul3A_29 = arith.mulf %mul3A_28, %add3A_24 : vector<2000x256xf32>
    %select_n3A = arith.select %ge3A_26, %add3A_24, %mul3A_29 : vector<2000x256xi1>, vector<2000x256xf32>
    %slice3A = vector.extract_strided_slice %select_n3A {offsets = [0, 0], sizes = [2000, 128], strides = [1, 1]} : vector<2000x256xf32> to vector<2000x128xf32>
    %swap3A = arith.constant 0 : index
    %swap3A_30 = arith.constant 0 : index
    %swap3A_31 = vector.load %arg8[%swap3A, %swap3A_30] : memref<2000x128xf32, #tpu.memory_space<vmem>>, vector<2000x128xf32>
    tpu.vector_store %arg8[%swap3A, %swap3A_30], %slice3A {strides = array<i32>} : memref<2000x128xf32, #tpu.memory_space<vmem>>, vector<2000x128xf32>,
    %slice3A_32 = vector.extract_strided_slice %select_n3A {offsets = [0, 128], sizes = [2000, 128], strides = [1, 1]} : vector<2000x256xf32> to vector<2000x128xf32>
    %swap3A_33 = arith.constant 0 : index
    %swap3A_34 = arith.constant 0 : index
    %swap3A_35 = vector.load %arg9[%swap3A_33, %swap3A_34] : memref<2000x128xf32, #tpu.memory_space<vmem>>, vector<2000x128xf32>
    tpu.vector_store %arg9[%swap3A_33, %swap3A_34], %slice3A_32 {strides = array<i32>} : memref<2000x128xf32, #tpu.memory_space<vmem>>, vector<2000x128xf32>,
    %reduce_sum3A = arith.constant dense<0.000000e+00> : vector<256xf32>
    %reduce_sum3A_36 = vector.multi_reduction <add>, %select_n3A, %reduce_sum3A [0] : vector<2000x256xf32> to vector<256xf32>
    %broadcast_in_dim3A = vector.shape_cast %reduce_sum3A_36 : vector<256xf32> to vector<1x256xf32>
    %reduce_max3A = arith.constant dense<0xFF800000> : vector<256xf32>
    %reduce_max3A_37 = vector.multi_reduction <maximumf>, %select_n3A, %reduce_max3A [0] : vector<2000x256xf32> to vector<256xf32>
    %broadcast_in_dim3A_38 = vector.shape_cast %reduce_max3A_37 : vector<256xf32> to vector<1x256xf32>
    %eq3A = arith.constant 0 : i32
    %eq3A_39 = arith.cmpi eq, %arg0, %eq3A : i32
    %convert_element_type3A = arith.extui %eq3A_39 : i1 to i32
    %cond3A = arith.constant 0 : i32
    %cond3A_40 = arith.cmpi ne, %convert_element_type3A, %cond3A : i32
    scf.if %cond3A_40 {
      %swap3A_45 = arith.constant 0 : index
      %swap3A_46 = arith.constant 0 : index
      %swap3A_47 = vector.load %arg10[%swap3A_45, %swap3A_46] : memref<1x256xf32, #tpu.memory_space<vmem>>, vector<1x256xf32>
      tpu.vector_store %arg10[%swap3A_45, %swap3A_46], %broadcast_in_dim3A {strides = array<i32>} : memref<1x256xf32, #tpu.memory_space<vmem>>, vector<1x256xf32>,
      %swap3A_48 = arith.constant 0 : index
      %swap3A_49 = arith.constant 0 : index
      %swap3A_50 = vector.load %arg11[%swap3A_48, %swap3A_49] : memref<1x256xf32, #tpu.memory_space<vmem>>, vector<1x256xf32>
      tpu.vector_store %arg11[%swap3A_48, %swap3A_49], %broadcast_in_dim3A_38 {strides = array<i32>} : memref<1x256xf32, #tpu.memory_space<vmem>>, vector<1x256xf32>,
    } else {
    }
    %gt3A = arith.constant 0 : i32
    %gt3A_41 = arith.cmpi sgt, %arg0, %gt3A : i32
    %convert_element_type3A_42 = arith.extui %gt3A_41 : i1 to i32
    %cond3A_43 = arith.constant 0 : i32
    %cond3A_44 = arith.cmpi ne, %convert_element_type3A_42, %cond3A_43 : i32
    scf.if %cond3A_44 {
      %get3A_45 = arith.constant 0 : index
      %get3A_46 = arith.constant 0 : index
      %get3A_47 = vector.load %arg10[%get3A_45, %get3A_46] : memref<1x256xf32, #tpu.memory_space<vmem>>, vector<1x256xf32>
      %add3A_48 = arith.addf %get3A_47, %broadcast_in_dim3A : vector<1x256xf32>
      %swap3A_49 = arith.constant 0 : index
      %swap3A_50 = arith.constant 0 : index
      %swap3A_51 = vector.load %arg10[%swap3A_49, %swap3A_50] : memref<1x256xf32, #tpu.memory_space<vmem>>, vector<1x256xf32>
      tpu.vector_store %arg10[%swap3A_49, %swap3A_50], %add3A_48 {strides = array<i32>} : memref<1x256xf32, #tpu.memory_space<vmem>>, vector<1x256xf32>,
      %get3A_52 = arith.constant 0 : index
      %get3A_53 = arith.constant 0 : index
      %get3A_54 = vector.load %arg11[%get3A_52, %get3A_53] : memref<1x256xf32, #tpu.memory_space<vmem>>, vector<1x256xf32>
      %max3A = arith.maximumf %get3A_54, %broadcast_in_dim3A_38 : vector<1x256xf32>
      %swap3A_55 = arith.constant 0 : index
      %swap3A_56 = arith.constant 0 : index
      %swap3A_57 = vector.load %arg11[%swap3A_55, %swap3A_56] : memref<1x256xf32, #tpu.memory_space<vmem>>, vector<1x256xf32>
      tpu.vector_store %arg11[%swap3A_55, %swap3A_56], %max3A {strides = array<i32>} : memref<1x256xf32, #tpu.memory_space<vmem>>, vector<1x256xf32>,
    } else {
    }
    return
  }
  func.func @transform_0(%arg0: i32) -> (i32, i32) {
    %c0_i32 = arith.constant 0 : i32
    %c0_i32_0 = arith.constant 0 : i32
    return %arg0, %c0_i32 : i32, i32
  }
  func.func @transform_1(%arg0: i32) -> (i32, i32) {
    %c0_i32 = arith.constant 0 : i32
    %c0_i32_0 = arith.constant 0 : i32
    return %arg0, %c0_i32 : i32, i32
  }
  func.func @transform_2(%arg0: i32) -> (i32, i32) {
    %c0_i32 = arith.constant 0 : i32
    %c0_i32_0 = arith.constant 0 : i32
    return %arg0, %c0_i32 : i32, i32
  }
  func.func @transform_3(%arg0: i32) -> (i32, i32) {
    %c0_i32 = arith.constant 0 : i32
    %c0_i32_0 = arith.constant 0 : i32
    return %arg0, %c0_i32 : i32, i32
  }
  func.func @transform_4(%arg0: i32) -> (i32, i32) {
    %c0_i32 = arith.constant 0 : i32
    %c0_i32_0 = arith.constant 0 : i32
    %c0_i32_1 = arith.constant 0 : i32
    return %c0_i32, %c0_i32_0 : i32, i32
  }
  func.func @transform_5(%arg0: i32) -> (i32, i32) {
    %c0_i32 = arith.constant 0 : i32
    %c0_i32_0 = arith.constant 0 : i32
    %c0_i32_1 = arith.constant 0 : i32
    return %c0_i32, %c0_i32_0 : i32, i32
  }
  func.func @transform_6(%arg0: i32) -> (i32, i32) {
    %c0_i32 = arith.constant 0 : i32
    %c0_i32_0 = arith.constant 0 : i32
    %c0_i32_1 = arith.constant 0 : i32
    return %c0_i32, %c0_i32_0 : i32, i32
  }
  func.func @transform_7(%arg0: i32) -> (i32, i32) {
    %c0_i32 = arith.constant 0 : i32
    %c0_i32_0 = arith.constant 0 : i32
    return %arg0, %c0_i32 : i32, i32
  }
  func.func @transform_8(%arg0: i32) -> (i32, i32) {
    %c0_i32 = arith.constant 0 : i32
    %c0_i32_0 = arith.constant 0 : i32
    return %arg0, %c0_i32 : i32, i32
  }
  func.func @transform_9(%arg0: i32) -> (i32, i32) {
    %c0_i32 = arith.constant 0 : i32
    %c0_i32_0 = arith.constant 0 : i32
    %c0_i32_1 = arith.constant 0 : i32
    return %c0_i32, %c0_i32_0 : i32, i32
  }
  func.func @transform_10(%arg0: i32) -> (i32, i32) {
    %c0_i32 = arith.constant 0 : i32
    %c0_i32_0 = arith.constant 0 : i32
    %c0_i32_1 = arith.constant 0 : i32
    return %c0_i32, %c0_i32_0 : i32, i32
  }
}

module attributes {stable_mosaic.version = 14 : i64} {
  func.func @body(%arg0: i32, %arg1: memref<2000x128xf32, #tpu.memory_space<vmem>>, %arg2: memref<2000x128xf32, #tpu.memory_space<vmem>>, %arg3: memref<2000x128xf32, #tpu.memory_space<vmem>>, %arg4: memref<2000x128xf32, #tpu.memory_space<vmem>>, %arg5: memref<256x256xf32, #tpu.memory_space<vmem>>, %arg6: memref<1x256xf32, #tpu.memory_space<vmem>>, %arg7: memref<1x1xf32, #tpu.memory_space<smem>>, %arg8: memref<2000x128xf32, #tpu.memory_space<vmem>>, %arg9: memref<2000x128xf32, #tpu.memory_space<vmem>>, %arg10: memref<1x256xf32, #tpu.memory_space<vmem>>, %arg11: memref<1x256xf32, #tpu.memory_space<vmem>>) attributes {dimension_semantics = [#tpu.dimension_semantics<arbitrary>], iteration_bounds = array<i64: 5>, scalar_prefetch = 0 : i64, scratch_operands = 0 : i64, tpu.core_type = #tpu.core_type<tc>, window_params = [{transform_indices = @transform_0, window_bounds = array<i64: 2000, 128>}, {transform_indices = @transform_1, window_bounds = array<i64: 2000, 128>}, {transform_indices = @transform_2, window_bounds = array<i64: 2000, 128>}, {transform_indices = @transform_3, window_bounds = array<i64: 2000, 128>}, {pipeline_mode = #tpu.pipeline_mode<synchronous>, transform_indices = @transform_4, window_bounds = array<i64: 256, 256>}, {pipeline_mode = #tpu.pipeline_mode<synchronous>, transform_indices = @transform_5, window_bounds = array<i64: 1, 256>}, {transform_indices = @transform_6, window_bounds = array<i64: 1, 1>}, {transform_indices = @transform_7, window_bounds = array<i64: 2000, 128>}, {transform_indices = @transform_8, window_bounds = array<i64: 2000, 128>}, {pipeline_mode = #tpu.pipeline_mode<synchronous>, transform_indices = @transform_9, window_bounds = array<i64: 1, 256>}, {pipeline_mode = #tpu.pipeline_mode<synchronous>, transform_indices = @transform_10, window_bounds = array<i64: 1, 256>}]} {
    %get3A = arith.constant 0 : index
    %get3A_0 = arith.constant 0 : index
    %get3A_1 = vector.load %arg1[%get3A, %get3A_0] : memref<2000x128xf32, #tpu.memory_space<vmem>>, vector<2000x128xf32>
    %get3A_2 = arith.constant 0 : index
    %get3A_3 = arith.constant 0 : index
    %get3A_4 = vector.load %arg2[%get3A_2, %get3A_3] : memref<2000x128xf32, #tpu.memory_space<vmem>>, vector<2000x128xf32>
    %get3A_5 = arith.constant 0 : index
    %get3A_6 = arith.constant 0 : index
    %get3A_7 = vector.load %arg3[%get3A_5, %get3A_6] : memref<2000x128xf32, #tpu.memory_space<vmem>>, vector<2000x128xf32>
    %get3A_8 = arith.constant 0 : index
    %get3A_9 = arith.constant 0 : index
    %get3A_10 = vector.load %arg4[%get3A_8, %get3A_9] : memref<2000x128xf32, #tpu.memory_space<vmem>>, vector<2000x128xf32>
    %concatenate3A = tpu.concatenate %get3A_1, %get3A_4 in 1 : vector<2000x128xf32>, vector<2000x128xf32> -> vector<2000x256xf32>
    %concatenate3A_11 = tpu.concatenate %get3A_7, %get3A_10 in 1 : vector<2000x128xf32>, vector<2000x128xf32> -> vector<2000x256xf32>
    %get3A_12 = arith.constant 0 : index
    %get3A_13 = arith.constant 0 : index
    %get3A_14 = memref.load %arg7[%get3A_12, %get3A_13] : memref<1x1xf32, #tpu.memory_space<smem>>
    %mul3A = vector.broadcast %get3A_14 : f32 to vector<2000x256xf32>
    %mul3A_15 = arith.mulf %mul3A, %concatenate3A : vector<2000x256xf32>
    %add3A = arith.addf %mul3A_15, %concatenate3A_11 : vector<2000x256xf32>
    %get3A_16 = arith.constant 0 : index
    %get3A_17 = arith.constant 0 : index
    %get3A_18 = vector.load %arg5[%get3A_16, %get3A_17] : memref<256x256xf32, #tpu.memory_space<vmem>>, vector<256x256xf32>
    %dot_general3A = arith.constant dense<0.000000e+00> : vector<2000x256xf32>
    %dot_general3A_19 = tpu.matmul %add3A, %get3A_18, %dot_general3A {dimension_numbers = #tpu.dot_dimension_numbers<[1], [0], [0], [1], [0, 0, 1, 1], [], []>, transpose_lhs_hint = false} : vector<2000x256xf32>, vector<256x256xf32>, vector<2000x256xf32> -> vector<2000x256xf32>
    %get3A_20 = arith.constant 0 : index
    %get3A_21 = arith.constant 0 : index
    %get3A_22 = vector.load %arg6[%get3A_20, %get3A_21] : memref<1x256xf32, #tpu.memory_space<vmem>>, vector<1x256xf32>
    %add3A_23 = vector.broadcast %get3A_22 : vector<1x256xf32> to vector<2000x256xf32>
    %add3A_24 = arith.addf %dot_general3A_19, %add3A_23 : vector<2000x256xf32>
    %ge3A = arith.constant 0.000000e+00 : f32
    %ge3A_25 = vector.broadcast %ge3A : f32 to vector<2000x256xf32>
    %ge3A_26 = arith.cmpf oge, %add3A_24, %ge3A_25 : vector<2000x256xf32>
    %mul3A_27 = arith.constant 0.00999999977 : f32
    %mul3A_28 = vector.broadcast %mul3A_27 : f32 to vector<2000x256xf32>
    %mul3A_29 = arith.mulf %mul3A_28, %add3A_24 : vector<2000x256xf32>
    %select_n3A = arith.select %ge3A_26, %add3A_24, %mul3A_29 : vector<2000x256xi1>, vector<2000x256xf32>
    %slice3A = vector.extract_strided_slice %select_n3A {offsets = [0, 0], sizes = [2000, 128], strides = [1, 1]} : vector<2000x256xf32> to vector<2000x128xf32>
    %swap3A = arith.constant 0 : index
    %swap3A_30 = arith.constant 0 : index
    %swap3A_31 = vector.load %arg8[%swap3A, %swap3A_30] : memref<2000x128xf32, #tpu.memory_space<vmem>>, vector<2000x128xf32>
    tpu.vector_store %arg8[%swap3A, %swap3A_30], %slice3A {strides = array<i32>} : memref<2000x128xf32, #tpu.memory_space<vmem>>, vector<2000x128xf32>,
    %slice3A_32 = vector.extract_strided_slice %select_n3A {offsets = [0, 128], sizes = [2000, 128], strides = [1, 1]} : vector<2000x256xf32> to vector<2000x128xf32>
    %swap3A_33 = arith.constant 0 : index
    %swap3A_34 = arith.constant 0 : index
    %swap3A_35 = vector.load %arg9[%swap3A_33, %swap3A_34] : memref<2000x128xf32, #tpu.memory_space<vmem>>, vector<2000x128xf32>
    tpu.vector_store %arg9[%swap3A_33, %swap3A_34], %slice3A_32 {strides = array<i32>} : memref<2000x128xf32, #tpu.memory_space<vmem>>, vector<2000x128xf32>,
    %reduce_sum3A = arith.constant dense<0.000000e+00> : vector<256xf32>
    %reduce_sum3A_36 = vector.multi_reduction <add>, %select_n3A, %reduce_sum3A [0] : vector<2000x256xf32> to vector<256xf32>
    %broadcast_in_dim3A = vector.shape_cast %reduce_sum3A_36 : vector<256xf32> to vector<1x256xf32>
    %reduce_max3A = arith.constant dense<0xFF800000> : vector<256xf32>
    %reduce_max3A_37 = vector.multi_reduction <maximumf>, %select_n3A, %reduce_max3A [0] : vector<2000x256xf32> to vector<256xf32>
    %broadcast_in_dim3A_38 = vector.shape_cast %reduce_max3A_37 : vector<256xf32> to vector<1x256xf32>
    %eq3A = arith.constant 0 : i32
    %eq3A_39 = arith.cmpi eq, %arg0, %eq3A : i32
    %convert_element_type3A = arith.extui %eq3A_39 : i1 to i32
    %cond3A = arith.constant 0 : i32
    %cond3A_40 = arith.cmpi ne, %convert_element_type3A, %cond3A : i32
    scf.if %cond3A_40 {
      %swap3A_45 = arith.constant 0 : index
      %swap3A_46 = arith.constant 0 : index
      %swap3A_47 = vector.load %arg10[%swap3A_45, %swap3A_46] : memref<1x256xf32, #tpu.memory_space<vmem>>, vector<1x256xf32>
      tpu.vector_store %arg10[%swap3A_45, %swap3A_46], %broadcast_in_dim3A {strides = array<i32>} : memref<1x256xf32, #tpu.memory_space<vmem>>, vector<1x256xf32>,
      %swap3A_48 = arith.constant 0 : index
      %swap3A_49 = arith.constant 0 : index
      %swap3A_50 = vector.load %arg11[%swap3A_48, %swap3A_49] : memref<1x256xf32, #tpu.memory_space<vmem>>, vector<1x256xf32>
      tpu.vector_store %arg11[%swap3A_48, %swap3A_49], %broadcast_in_dim3A_38 {strides = array<i32>} : memref<1x256xf32, #tpu.memory_space<vmem>>, vector<1x256xf32>,
    } else {
    }
    %gt3A = arith.constant 0 : i32
    %gt3A_41 = arith.cmpi sgt, %arg0, %gt3A : i32
    %convert_element_type3A_42 = arith.extui %gt3A_41 : i1 to i32
    %cond3A_43 = arith.constant 0 : i32
    %cond3A_44 = arith.cmpi ne, %convert_element_type3A_42, %cond3A_43 : i32
    scf.if %cond3A_44 {
      %get3A_45 = arith.constant 0 : index
      %get3A_46 = arith.constant 0 : index
      %get3A_47 = vector.load %arg10[%get3A_45, %get3A_46] : memref<1x256xf32, #tpu.memory_space<vmem>>, vector<1x256xf32>
      %add3A_48 = arith.addf %get3A_47, %broadcast_in_dim3A : vector<1x256xf32>
      %swap3A_49 = arith.constant 0 : index
      %swap3A_50 = arith.constant 0 : index
      %swap3A_51 = vector.load %arg10[%swap3A_49, %swap3A_50] : memref<1x256xf32, #tpu.memory_space<vmem>>, vector<1x256xf32>
      tpu.vector_store %arg10[%swap3A_49, %swap3A_50], %add3A_48 {strides = array<i32>} : memref<1x256xf32, #tpu.memory_space<vmem>>, vector<1x256xf32>,
      %get3A_52 = arith.constant 0 : index
      %get3A_53 = arith.constant 0 : index
      %get3A_54 = vector.load %arg11[%get3A_52, %get3A_53] : memref<1x256xf32, #tpu.memory_space<vmem>>, vector<1x256xf32>
      %max3A = arith.maximumf %get3A_54, %broadcast_in_dim3A_38 : vector<1x256xf32>
      %swap3A_55 = arith.constant 0 : index
      %swap3A_56 = arith.constant 0 : index
      %swap3A_57 = vector.load %arg11[%swap3A_55, %swap3A_56] : memref<1x256xf32, #tpu.memory_space<vmem>>, vector<1x256xf32>
      tpu.vector_store %arg11[%swap3A_55, %swap3A_56], %max3A {strides = array<i32>} : memref<1x256xf32, #tpu.memory_space<vmem>>, vector<1x256xf32>,
    } else {
    }
    return
  }
  func.func @transform_0(%arg0: i32) -> (i32, i32) {
    %c0_i32 = arith.constant 0 : i32
    %c0_i32_0 = arith.constant 0 : i32
    return %arg0, %c0_i32 : i32, i32
  }
  func.func @transform_1(%arg0: i32) -> (i32, i32) {
    %c0_i32 = arith.constant 0 : i32
    %c0_i32_0 = arith.constant 0 : i32
    return %arg0, %c0_i32 : i32, i32
  }
  func.func @transform_2(%arg0: i32) -> (i32, i32) {
    %c0_i32 = arith.constant 0 : i32
    %c0_i32_0 = arith.constant 0 : i32
    return %arg0, %c0_i32 : i32, i32
  }
  func.func @transform_3(%arg0: i32) -> (i32, i32) {
    %c0_i32 = arith.constant 0 : i32
    %c0_i32_0 = arith.constant 0 : i32
    return %arg0, %c0_i32 : i32, i32
  }
  func.func @transform_4(%arg0: i32) -> (i32, i32) {
    %c0_i32 = arith.constant 0 : i32
    %c0_i32_0 = arith.constant 0 : i32
    %c0_i32_1 = arith.constant 0 : i32
    return %c0_i32, %c0_i32_0 : i32, i32
  }
  func.func @transform_5(%arg0: i32) -> (i32, i32) {
    %c0_i32 = arith.constant 0 : i32
    %c0_i32_0 = arith.constant 0 : i32
    %c0_i32_1 = arith.constant 0 : i32
    return %c0_i32, %c0_i32_0 : i32, i32
  }
  func.func @transform_6(%arg0: i32) -> (i32, i32) {
    %c0_i32 = arith.constant 0 : i32
    %c0_i32_0 = arith.constant 0 : i32
    %c0_i32_1 = arith.constant 0 : i32
    return %c0_i32, %c0_i32_0 : i32, i32
  }
  func.func @transform_7(%arg0: i32) -> (i32, i32) {
    %c0_i32 = arith.constant 0 : i32
    %c0_i32_0 = arith.constant 0 : i32
    return %arg0, %c0_i32 : i32, i32
  }
  func.func @transform_8(%arg0: i32) -> (i32, i32) {
    %c0_i32 = arith.constant 0 : i32
    %c0_i32_0 = arith.constant 0 : i32
    return %arg0, %c0_i32 : i32, i32
  }
  func.func @transform_9(%arg0: i32) -> (i32, i32) {
    %c0_i32 = arith.constant 0 : i32
    %c0_i32_0 = arith.constant 0 : i32
    %c0_i32_1 = arith.constant 0 : i32
    return %c0_i32, %c0_i32_0 : i32, i32
  }
  func.func @transform_10(%arg0: i32) -> (i32, i32) {
    %c0_i32 = arith.constant 0 : i32
    %c0_i32_0 = arith.constant 0 : i32
    %c0_i32_1 = arith.constant 0 : i32
    return %c0_i32, %c0_i32_0 : i32, i32
  }
}

module attributes {stable_mosaic.version = 14 : i64} {
  func.func @_head_body(%arg0: memref<1x1536xf32, #tpu.memory_space<vmem>>, %arg1: memref<1536x128xf32, #tpu.memory_space<vmem>>, %arg2: memref<1x128xf32, #tpu.memory_space<vmem>>, %arg3: memref<128x2xf32, #tpu.memory_space<vmem>>, %arg4: memref<1x2xf32, #tpu.memory_space<vmem>>, %arg5: memref<1x2xf32, #tpu.memory_space<vmem>>) attributes {dimension_semantics = [], scalar_prefetch = 0 : i64, scratch_operands = 0 : i64, tpu.core_type = #tpu.core_type<tc>} {
    %get3A = arith.constant 0 : index
    %get3A_0 = arith.constant 0 : index
    %get3A_1 = vector.load %arg0[%get3A, %get3A_0] : memref<1x1536xf32, #tpu.memory_space<vmem>>, vector<1x1536xf32>
    %get3A_2 = arith.constant 0 : index
    %get3A_3 = arith.constant 0 : index
    %get3A_4 = vector.load %arg1[%get3A_2, %get3A_3] : memref<1536x128xf32, #tpu.memory_space<vmem>>, vector<1536x128xf32>
    %dot_general3A = arith.constant dense<0.000000e+00> : vector<1x128xf32>
    %dot_general3A_5 = tpu.matmul %get3A_1, %get3A_4, %dot_general3A {dimension_numbers = #tpu.dot_dimension_numbers<[1], [0], [0], [1], [0, 0, 1, 1], [], []>, transpose_lhs_hint = false} : vector<1x1536xf32>, vector<1536x128xf32>, vector<1x128xf32> -> vector<1x128xf32>
    %get3A_6 = arith.constant 0 : index
    %get3A_7 = arith.constant 0 : index
    %get3A_8 = vector.load %arg2[%get3A_6, %get3A_7] : memref<1x128xf32, #tpu.memory_space<vmem>>, vector<1x128xf32>
    %add3A = arith.addf %dot_general3A_5, %get3A_8 : vector<1x128xf32>
    %ge3A = arith.constant 0.000000e+00 : f32
    %ge3A_9 = vector.broadcast %ge3A : f32 to vector<1x128xf32>
    %ge3A_10 = arith.cmpf oge, %add3A, %ge3A_9 : vector<1x128xf32>
    %mul3A = arith.constant 0.00999999977 : f32
    %mul3A_11 = vector.broadcast %mul3A : f32 to vector<1x128xf32>
    %mul3A_12 = arith.mulf %mul3A_11, %add3A : vector<1x128xf32>
    %select_n3A = arith.select %ge3A_10, %add3A, %mul3A_12 : vector<1x128xi1>, vector<1x128xf32>
    %get3A_13 = arith.constant 0 : index
    %get3A_14 = arith.constant 0 : index
    %get3A_15 = vector.load %arg3[%get3A_13, %get3A_14] : memref<128x2xf32, #tpu.memory_space<vmem>>, vector<128x2xf32>
    %dot_general3A_16 = arith.constant dense<0.000000e+00> : vector<1x2xf32>
    %dot_general3A_17 = tpu.matmul %select_n3A, %get3A_15, %dot_general3A_16 {dimension_numbers = #tpu.dot_dimension_numbers<[1], [0], [0], [1], [0, 0, 1, 1], [], []>, transpose_lhs_hint = false} : vector<1x128xf32>, vector<128x2xf32>, vector<1x2xf32> -> vector<1x2xf32>
    %get3A_18 = arith.constant 0 : index
    %get3A_19 = arith.constant 0 : index
    %get3A_20 = vector.load %arg4[%get3A_18, %get3A_19] : memref<1x2xf32, #tpu.memory_space<vmem>>, vector<1x2xf32>
    %add3A_21 = arith.addf %dot_general3A_17, %get3A_20 : vector<1x2xf32>
    %logistic3A = arith.negf %add3A_21 : vector<1x2xf32>
    %logistic3A_22 = math.exp %logistic3A : vector<1x2xf32>
    %logistic3A_23 = arith.constant 1.000000e+00 : f32
    %logistic3A_24 = vector.broadcast %logistic3A_23 : f32 to vector<1x2xf32>
    %logistic3A_25 = arith.addf %logistic3A_24, %logistic3A_22 : vector<1x2xf32>
    %logistic3A_26 = arith.divf %logistic3A_24, %logistic3A_25 : vector<1x2xf32>
    %swap3A = arith.constant 0 : index
    %swap3A_27 = arith.constant 0 : index
    %swap3A_28 = vector.load %arg5[%swap3A, %swap3A_27] : memref<1x2xf32, #tpu.memory_space<vmem>>, vector<1x2xf32>
    tpu.vector_store %arg5[%swap3A, %swap3A_27], %logistic3A_26 {strides = array<i32>} : memref<1x2xf32, #tpu.memory_space<vmem>>, vector<1x2xf32>,
    return
  }
}

</mosaic_0001>

<sc_bundles>
// kernel: kernel.12.cloned.1.call-start
scs
__scs_entry_jumppad:
0x0: {  	(pc) =	sbr.rel $0x88, $3  }
0x1: {  	(tag) =	ssettag $0x0;
	lr =	simm.s32 $0x1  }
0x2: {  	[smem:$0x3F92] =	sst lr;
	_ =	strace $0xD0000000  }
0x3: {  	_ = 	snop  }
0x4: {  	_ = 	snop  }
0x5: {  	_ = 	snop  }
0x6: {  	_ = 	snop  }
0x7: {  	_ = 	snop  }
__scs_overlays_trampoline_lowered:
0x8: {  	[smem:$0x3FA1] =	sst s0  }
0x9: {  	[smem:$0x3FA2] =	sst s1  }
0xa: {  	[smem:$0x3FA3] =	sst s2  }
0xb: {  	[smem:$0x3FA4] =	sst s3  }
0xc: {  	[smem:$0x3FA5] =	sst s4  }
0xd: {  	[smem:$0x3FA6] =	sst s5  }
0xe: {  	[smem:$0x3FA7] =	sst s6  }
0xf: {  	[smem:$0x3FA8] =	sst s7  }
0x10: {  	[smem:$0x3FA9] =	sst s8  }
0x11: {  	[smem:$0x3FAA] =	sst s9;
	s0 =	simm.s32 @!p0 $0x0  }
0x12: {  	s1 =	sld [smem:$0x3F90];
	s0 =	simm.s32 @p0 $0x1  }
0x13: {  	[smem:$0x3FAB] =	sst s0;
	s0 =	simm.s32 @!p1 $0x0  }
0x14: {  	s2 =	sld [smem:$0x3F8F];
	s0 =	simm.s32 @p1 $0x1  }
0x15: {  	[smem:$0x3FAC] =	sst s0;
	s0 =	simm.s32 @!p2 $0x0  }
0x16: {  	s3 =	sld [smem:$0x3FDB];
	s0 =	simm.s32 @p2 $0x1  }
0x17: {  	s4 =	simm.s32 $0x1BF5;
	[smem:$0x3FAE] =	sst s0  }
0x18: {  	s0 =	sld [smem:$0x3F91];
	_ =	swait.ge [sflag:s4], $0x0  }
0x19: {  	s7 =	sld [smem:$0x3F92]  }
0x1a: {  	s8 =	sadd.s32 $0xFFFFE003, lr  }
0x1b: {  	s9 =	sadd.s32 $0xFFFFFEF7, lr;
	s5 =	simm.s32 $0xFFFFFFFF;
	p2 =	slt.u32 s8, $0xFFFFF086  }
0x1c: {  	p1 =	slt.u32 s9, $0xF7A;
	s5 =	simm.s32 @!p2 $0x0  }
0x1d: {  	s5 =	simm.s32 @p1 $0x1;
	p0 =	seq.s32 s7, s2  }
0x1e: {  	s7 =	smul.u32 @!p0 $0xF7A, s2;
	p2 =	seq.s32 @!p0 s5, $0x0  }
0x1f: {  	s9 =	smul.u32 $0xF7A, s1;
	s8 =	simm.s32 @!p0 $0x1BF5;
	p2 =	por !p2, p0  }
0x20: {  	[sflag:s8] =	ssyncset.s32 @!p0 $0xFFFFF086;
	s6 =	sadd.s32 @!p0 s3, s7;
	s7 =	simm.s32 @!p0 $0x108  }
0x21: {  	s3 =	sadd.s32 s3, s9;
	s6 =	sadd.s32 @!p0 $0x88, s6;
	s7 =	simm.s32 @p2 $0x1082  }
0x22: {  	[simem:s7], [sflag:s8] =	dma.local @!p0 [hbm:s6], $0xF7A  }
0x23: {  	s9 =	sor.u32 $0xD0000000, s2;
	s6 =	simm.s32 $0x108;
	_ =	swait.ge @!p0 [sflag:s8], $0x0  }
0x24: {  	s3 =	sadd.s32 $0x88, s3;
	s6 =	simm.s32 @!p1 $0x1082;
	[sflag:s4] =	ssyncset.s32 $0xFFFFF086  }
0x25: {  	[simem:s6], [sflag:s4] =	dma.local [hbm:s3], $0xF7A  }
0x26: {  	[smem:$0x3F92] =	sst s1;
	(tag) =	ssettag s2;
	_ =	strace s9  }
0x27: {  	s1 =	sld [smem:$0x3FA2]  }
0x28: {  	s2 =	sld [smem:$0x3FA3]  }
0x29: {  	s4 =	sld [smem:$0x3FA5]  }
0x2a: {  	p0 =	seq.s32 s5, $0x0;
	s5 =	sld [smem:$0x3FA6]  }
0x2b: {  	s6 =	sld [smem:$0x3FA7]  }
0x2c: {  	s7 =	sld [smem:$0x3FA8]  }
0x2d: {  	s3 =	simm.s32 $0x108;
	s8 =	sld [smem:$0x3FA9]  }
0x2e: {  	s3 =	simm.s32 @!p0 $0x1082;
	s9 =	sld [smem:$0x3FAA]  }
0x2f: {  	lr =	sadd.s32 s0, s3;
	s0 =	sld [smem:$0x3FA1]  }
0x30: {  	s3 =	sld [smem:$0x3FA4]  }
0x31: {  	[smem:$0x3FAD] =	sst s10  }
0x32: {  	s10 =	sld [smem:$0x3FAB];
	_ =	sdelay $0x3  }
0x33: {  	p0 =	seq.s32 s10, $0x1;
	s10 =	sld [smem:$0x3FAD];
	_ =	sdelay $0x3  }
0x34: {  	[smem:$0x3FAD] =	sst s10  }
0x35: {  	s10 =	sld [smem:$0x3FAC];
	_ =	sdelay $0x3  }
0x36: {  	p1 =	seq.s32 s10, $0x1;
	s10 =	sld [smem:$0x3FAD];
	_ =	sdelay $0x3  }
0x37: {  	[smem:$0x3FAD] =	sst s10  }
0x38: {  	s10 =	sld [smem:$0x3FAE]  }
0x39: {  	_ = 	snop;
	(pc) =	sbr.ind lr, $3  }
0x3a: {  	_ = 	snop  }
0x3b: {  	_ = 	snop  }
0x3c: {  	p2 =	seq.s32 s10, $0x1;
	s10 =	sld [smem:$0x3FAD]  }
0x3d: {  	_ =	shalt  }
0x3e: {  	_ =	shalt  }
0x3f: {  	_ =	shalt  }
0x40: {  	_ =	shalt  }
0x41: {  	_ =	shalt  }
0x42: {  	_ =	shalt  }
0x43: {  	_ =	shalt  }
0x44: {  	_ =	shalt  }
0x45: {  	_ =	shalt  }
0x46: {  	_ =	shalt  }
0x47: {  	_ =	shalt  }
0x48: {  	_ =	shalt  }
0x49: {  	_ =	shalt  }
0x4a: {  	_ =	shalt  }
0x4b: {  	_ =	shalt  }
0x4c: {  	_ =	shalt  }
0x4d: {  	_ =	shalt  }
0x4e: {  	_ =	shalt  }
0x4f: {  	_ =	shalt  }
0x50: {  	_ =	shalt  }
0x51: {  	_ =	shalt  }
0x52: {  	_ =	shalt  }
0x53: {  	_ =	shalt  }
0x54: {  	_ =	shalt  }
0x55: {  	_ =	shalt  }
0x56: {  	_ =	shalt  }
0x57: {  	_ =	shalt  }
0x58: {  	_ =	shalt  }
0x59: {  	_ =	shalt  }
0x5a: {  	_ =	shalt  }
0x5b: {  	_ =	shalt  }
0x5c: {  	_ =	shalt  }
0x5d: {  	_ =	shalt  }
0x5e: {  	_ =	shalt  }
0x5f: {  	_ =	shalt  }
0x60: {  	_ =	shalt  }
0x61: {  	_ =	shalt  }
0x62: {  	_ =	shalt  }
0x63: {  	_ =	shalt  }
0x64: {  	_ =	shalt  }
0x65: {  	_ =	shalt  }
0x66: {  	_ =	shalt  }
0x67: {  	_ =	shalt  }
0x68: {  	_ =	shalt  }
0x69: {  	_ =	shalt  }
0x6a: {  	_ =	shalt  }
0x6b: {  	_ =	shalt  }
0x6c: {  	_ =	shalt  }
0x6d: {  	_ =	shalt  }
0x6e: {  	_ =	shalt  }
0x6f: {  	_ =	shalt  }
0x70: {  	_ =	shalt  }
0x71: {  	_ =	shalt  }
0x72: {  	_ =	shalt  }
0x73: {  	_ =	shalt  }
0x74: {  	_ =	shalt  }
0x75: {  	_ =	shalt  }
0x76: {  	_ =	shalt  }
0x77: {  	_ =	shalt  }
0x78: {  	_ =	shalt  }
0x79: {  	_ =	shalt  }
0x7a: {  	_ =	shalt  }
0x7b: {  	_ =	shalt  }
0x7c: {  	_ =	shalt  }
0x7d: {  	_ =	shalt  }
0x7e: {  	_ =	shalt  }
0x7f: {  	_ =	shalt  }
0x80: {  	_ =	shalt  }
0x81: {  	_ =	shalt  }
0x82: {  	_ =	shalt  }
0x83: {  	_ =	shalt  }
0x84: {  	_ =	shalt  }
0x85: {  	_ =	shalt  }
0x86: {  	_ =	shalt  }
0x87: {  	_ =	shalt  }
.Lfunc_end0:
.L_simem_size_0:
called_computation.1_lowered:
.L_overlay_start_0:
0x88: {  	s2 =	sld [smem:$0x3FD9]  }
0x89: {  	s3 =	sld [smem:$0x3FFE];
	_ =	sdelay $0x1  }
0x8a: {  	s1 =	srdreg.scid  }
0x8b: {  	s0 =	sand.u32 $0x1, s1  }
0x8c: {  	s16 =	sshll.u32 s0, $0xA;
	s2 =	sadd.s32 s3, s2  }
0x8d: {  	s2 =	sadd.s32 s2, s16  }
0x8e: {  	[smem:$0x3FB9] =	sst s2  }
0x8f: {  	_ = 	snop  }
0x90: {  	(tm) =	ssettm $0x1  }
0x91: {  	s17 =	sld [smem:$0x3FFB];
	_ =	sdelay $0x3  }
0x92: {  	_ =	strace s17  }
0x93: {  	s2 =	sld [smem:$0x3FFC];
	_ =	sdelay $0x3  }
0x94: {  	_ =	strace s2  }
0x95: {  	s2 =	sld [smem:$0x3FFD];
	_ =	sdelay $0x3  }
0x96: {  	_ =	strace s2  }
0x97: {  	_ =	strace $0x8FFFFFFF  }
0x98: {  	s18 =	sld [smem:$0x3FDB];
	_ =	sdelay $0x1  }
0x99: {  	s19 =	simm.s32 $_scs_section_size  }
0x9a: {  	s4 =	simm.s32 $_size__tile_overlayer_lowered;
	s5 =	simm.s32 $_tile_overlayer_lowered  }
0x9b: {  	s22 =	simm.s32 $0x1BFF;
	s21 =	sshll.u32 s5, $0x1;
	s2 =	sadd.s32 s19, s18  }
0x9c: {  	s6 =	simm.s32 $0x0;
	s20 =	sshll.u32 s4, $0x1;
	s4 =	sadd.s32 s21, s2  }
0x9d: {  	[timem:s6], [sflag:s22] =	dma.local [hbm:s4], s20  }
0x9e: {  	_ =	swait.ge [sflag:s22], s20  }
0x9f: {  	s3 =	ssub.s32 $0x0, s20;
	[sflag:s22] =	ssyncset.done $0x0  }
0xa0: {  	[sflag:s22] =	ssyncadd.s32 s3;
	_ =	sdelay $0x1  }
0xa1: {  	s23 =	simm.s32 $0x1B8B  }
0xa2: {  	_ =	swait.ge [sflag:s23], $0x1  }
0xa3: {  	[sflag:s23] =	ssyncset.done $0x0  }
0xa4: {  	s25 =	simm.s32 $0x1B8E;
	s24 =	sld [smem:$0x3FFE];
	[sflag:s23] =	ssyncadd.s32 $0xFFFFFFFF  }
0xa5: {  	s26 =	simm.s32 $execute0_lowered;
	[smem:$0x3FD2] =	sst s25  }
0xa6: {  	s4 =	sshll.u32 s26, $0x1;
	_ =	strace $0x80000049;
	[dreg:$0x1] =	wrdreg $0xFFFFFFFF  }
0xa7: {  	s28 =	simm.s32 $_size_execute0_lowered;
	s2 =	sadd.s32 s2, s4;
	[dreg:$0x0] =	wrdreg $0x0  }
0xa8: {  	s4 =	sshll.u32 s28, $0x1;
	[dreg:$0x2] =	wrdreg s2  }
0xa9: {  	[dreg:$0x3] =	wrdreg s4  }
0xaa: {  	[dreg:$0x4] =	wrdreg $0xC0  }
0xab: {  	_ =	task [dreg:s6], $0x5FFFF  }
0xac: {  	[dreg:$0x1] =	wrdreg $0xFFFFFFFF  }
0xad: {  	[dreg:$0x0] =	wrdreg $0x60  }
0xae: {  	[dreg:$0x2] =	wrdreg s24  }
0xaf: {  	[dreg:$0x3] =	wrdreg $0xC3000  }
0xb0: {  	[dreg:$0x4] =	wrdreg $0x9  }
0xb1: {  	_ =	task.clear_ibuf [dreg:s6], $0x5FFFF;
	_ =	strace $0x90000049  }
0xb2: {  	s29 =	simm.s32 $0x9;
	_ =	strace $0x8000004B  }
0xb3: {  	_ =	swait.ge [sflag:s29], $0x1  }
0xb4: {  	[sflag:s29] =	ssyncadd.s32 $0xFFFFFFFF  }
0xb5: {  	_ =	strace $0x9000004B  }
0xb6: {  	_ =	sfence  }
0xb7: {  	s30 =	sld [smem:$0x0];
	_ =	sdelay $0x2  }
0xb8: {  	s31 =	sshll.u32 s1, $0xD;
	s1 =	sshrl.u32 s1, $0x2  }
0xb9: {  	s3 =	sand.u32 $0x4000, s31;
	s1 =	sadd.s32 s1, s30  }
0xba: {  	s0 =	sor.u32 s3, s0;
	s1 =	sshll.u32 s1, $0x11  }
0xbb: {  	s0 =	sor.u32 s1, s0  }
0xbc: {  	s0 =	sadd.s32 $0x8F2B, s0  }
0xbd: {  	[sflag:s0] =	ssyncadd.remote.s32 $0x1  }
0xbe: {  	_ =	sfence.sel $0xFFFF  }
0xbf: {  	[dreg:$0x0] =	wrdreg $0xFFFFFFFF;
	(pc) =	sbr.abs _section_cstart, $3  }
0xc0: {  	[dreg:$0x1] =	wrdreg $0xFFFFFFFF  }
0xc1: {  	_ =	task.clear_ibuf [dreg:s6], $0x2FFFF;
	_ =	strace $0x9FFFFFFF  }
0xc2: {  	(tm) =	ssettm $0x7FFFFFFF  }
0xc3: {  	_ =	shalt  }
tec
execute0_lowered:
.L_overlay_start_1:
0x0: {  	(tag) =	ssettag $0x1  }
0x1: {  	s0 =	rddreg [dreg:$0x0]  }
0x2: {  	s2 =	rddreg [dreg:$0x1]  }
0x3: {  	s1 =	srdreg.scid;
	s10 =	stileid.u32;
	s3 =	simm.s32 $0x0  }
0x4: {  	s28 =	simm.s32 $0x180;
	s29 =	simm.s32 $0x80;
	s6 =	smul.u32 $0x278, s10  }
0x5: {  	s31 =	simm.s32 $0x100;
	s30 =	simm.s32 $0x3;
	s8 =	smul.u32 $0x4F000, s10  }
0x6: {  	s1 =	sand.u32 $0x1, s1;
	[smem:$0x7FF] =	sst s3;
	s10 =	smul.u32 $0x5400, s10  }
0x7: {  	s4 =	sadd.s32 $0x7DA00, s0;
	s5 =	sadd.s32 $0x68A00, s0;
	s7 =	smul.u32 $0x2780, s1  }
0x8: {  	_ =	strace $0x8000004A;
	s9 =	smul.u32 $0x54000, s1;
	s1 =	ssub.s32 $0x2, s1  }
0x9: {  	s8 =	sshrl.u32 s8, $0x2;
	s11 =	sshrl.u32 s1, $0x1;
	s7 =	sadd.s32 s6, s7  }
0xa: {  	s6 =	sadd.s32 $0x92A00, s0;
	s23 =	sadd.s32 s8, s2;
	s1 =	ssub.s32 s1, s11  }
0xb: {  	s9 =	sadd.s32 s10, s9;
	s7 =	sshll.u32 s7, $0x4;
	s26 =	smax.u32 s1, $0x1  }
0xc: {  	s13 =	sshrl.u32 s9, $0x3;
	s22 =	sadd.s32 $0x10000, s23;
	[dreg:$0xf] =	wrdreg s26  }
0xd: {  	s8 =	sadd.s32 $0x4000, s23;
	s10 =	sadd.s32 s4, s13;
	[dreg:$0x3] =	wrdreg s22  }
0xe: {  	s14 =	sor.u32 $0x10, s13;
	s11 =	sadd.s32 s5, s13;
	[dreg:$0x4] =	wrdreg s10  }
0xf: {  	s20 =	sadd.s32 $0x8000, s23;
	[dreg:$0x5] =	wrdreg s11;
	s12 =	sadd.s32 s4, s14  }
0x10: {  	s13 =	sor.u32 $0x20, s13;
	s15 =	sadd.s32 s5, s14;
	[dreg:$0x6] =	wrdreg s12  }
0x11: {  	s21 =	sadd.s32 $0xC000, s23;
	s16 =	sadd.s32 s4, s13;
	[dreg:$0x7] =	wrdreg s15  }
0x12: {  	s0 =	sadd.s32 s7, s0;
	s17 =	sadd.s32 s5, s13;
	[dreg:$0x8] =	wrdreg s16  }
0x13: {  	s1 =	simm.s32 $0x2;
	s18 =	sadd.s32 $0xE0C00, s0;
	[dreg:$0x9] =	wrdreg s17  }
0x14: {  	s26 =	simm.s32 $0x7;
	s19 =	sadd.s32 $0xE1400, s0;
	[dreg:$0xa] =	wrdreg s18  }
.Ltmp0:
0x15: {  	s24 =	sadd.s32 $0xE1C00, s0;
	[dreg:$0xb] =	wrdreg s19;
	(pc) =	sbr.rel .LBB2_1-.Ltmp0, $4  }
0x16: {  	s25 =	sadd.s32 $0xE2400, s0;
	s0 =	sadd.s32 $0xE2C00, s0;
	[dreg:$0xc] =	wrdreg s24  }
0x17: {  	s13 =	simm.s32 $0x8300;
	s14 =	simm.s32 $0x4;
	[dreg:$0xd] =	wrdreg s25  }
0x18: {  	[dreg:$0xe] =	wrdreg s0;
	s25 =	simm.s32 $0x300;
	s0 =	simm.s32 $0x1  }
0x19: {  	v0 =	vimm.f32 $0.0e+00;
	s15 =	simm.s32 $0x6;
	s16 =	simm.s32 $0x280;
	s17 =	simm.s32 $0x0  }
.LBB2_6:
0x1a: {  	[bflag:$0x0] =	sbarrier.arrive $0xFFFF  }
0x1b: {  	[tilespmem:s25], [sflag:$0x7] =	stream.linear.gather [spmem:s7], $0x4000, $0x38;
	[tilespmem:$0x1FF00] =	vst v63  }
0x1c: {  	_ =	swait.ge [sflag:s26], $0x4000  }
0x1d: {  	[sflag:s26] =	ssyncset.done $0x0  }
0x1e: {  	s8 =	rddreg [dreg:$0xa];
	[sflag:s26] =	ssyncadd.s32 $0xFFFFC000  }
0x1f: {  	[hbm4b:s8+s3] =	stream.linear.scatter [tilespmem:s25], [sflag:$0x7], $0x4000, $0x38;
	[tilespmem:$0x1FF00] =	vst v63  }
0x20: {  	_ =	swait.ge [sflag:s26], $0x4000  }
0x21: {  	[sflag:s26] =	ssyncset.done $0x0  }
0x22: {  	[sflag:s26] =	ssyncadd.s32 $0xFFFFC000  }
0x23: {  	[tilespmem:s25], [sflag:$0x7] =	stream.linear.gather [spmem:s10], $0x4000, $0x38;
	[tilespmem:$0x1FF00] =	vst v63  }
0x24: {  	_ =	swait.ge [sflag:s26], $0x4000  }
0x25: {  	[sflag:s26] =	ssyncset.done $0x0  }
0x26: {  	s8 =	smov.u32 s10;
	s10 =	rddreg [dreg:$0xb];
	[sflag:s26] =	ssyncadd.s32 $0xFFFFC000  }
0x27: {  	[hbm4b:s10+s3] =	stream.linear.scatter [tilespmem:s25], [sflag:$0x7], $0x4000, $0x38;
	[tilespmem:$0x1FF00] =	vst v63  }
0x28: {  	_ =	swait.ge [sflag:s26], $0x4000  }
0x29: {  	[sflag:s26] =	ssyncset.done $0x0  }
0x2a: {  	[sflag:s26] =	ssyncadd.s32 $0xFFFFC000  }
0x2b: {  	[tilespmem:s25], [sflag:$0x7] =	stream.linear.gather [spmem:s11], $0x4000, $0x38;
	[tilespmem:$0x1FF00] =	vst v63  }
0x2c: {  	_ =	swait.ge [sflag:s26], $0x4000  }
0x2d: {  	[sflag:s26] =	ssyncset.done $0x0  }
0x2e: {  	s20 =	smov.u32 s11;
	s11 =	rddreg [dreg:$0xc];
	[sflag:s26] =	ssyncadd.s32 $0xFFFFC000  }
0x2f: {  	[hbm4b:s11+s3] =	stream.linear.scatter [tilespmem:s25], [sflag:$0x7], $0x4000, $0x38;
	[tilespmem:$0x1FF00] =	vst v63  }
0x30: {  	_ =	swait.ge [sflag:s26], $0x4000  }
0x31: {  	[sflag:s26] =	ssyncset.done $0x0  }
0x32: {  	[sflag:s26] =	ssyncadd.s32 $0xFFFFC000  }
0x33: {  	[tilespmem:s25], [sflag:$0x7] =	stream.linear.gather [spmem:s12], $0x4000, $0x38;
	[tilespmem:$0x1FF00] =	vst v63  }
0x34: {  	_ =	swait.ge [sflag:s26], $0x4000  }
0x35: {  	[sflag:s26] =	ssyncset.done $0x0  }
0x36: {  	s18 =	rddreg [dreg:$0xd];
	[sflag:s26] =	ssyncadd.s32 $0xFFFFC000  }
0x37: {  	[hbm4b:s18+s3] =	stream.linear.scatter [tilespmem:s25], [sflag:$0x7], $0x4000, $0x38;
	[tilespmem:$0x1FF00] =	vst v63  }
0x38: {  	_ =	swait.ge [sflag:s26], $0x4000  }
0x39: {  	[sflag:s26] =	ssyncset.done $0x0  }
0x3a: {  	s22 =	rddreg [dreg:$0x3];
	[sflag:s26] =	ssyncadd.s32 $0xFFFFC000  }
0x3b: {  	[tilespmem:s25], [sflag:$0x7] =	stream.linear.gather [spmem:s22], $0x3C00, $0x38;
	[tilespmem:$0x1FF00] =	vst v63  }
0x3c: {  	_ =	swait.ge [sflag:s26], $0x3C00  }
0x3d: {  	[sflag:s26] =	ssyncset.done $0x0  }
0x3e: {  	s19 =	rddreg [dreg:$0xe];
	[sflag:s26] =	ssyncadd.s32 $0xFFFFC400  }
0x3f: {  	[hbm4b:s19+s3] =	stream.linear.scatter [tilespmem:s25], [sflag:$0x7], $0x3C00, $0x38;
	[tilespmem:$0x1FF00] =	vst v63  }
0x40: {  	_ =	swait.ge [sflag:s26], $0x3C00  }
0x41: {  	s17 =	sadd.s32 $0x1, s17;
	s24 =	rddreg [dreg:$0xf]  }
0x42: {  	p0 =	sne.s32 s17, s24  }
.Ltmp1:
0x43: {  	_ = 	snop;
	(pc) =	sbr.rel @!p0 .LBB2_7-.Ltmp1, $3  }
0x44: {  	_ =	sdelay $0x1  }
0x45: {  	[sflag:s26] =	ssyncset.done $0x0  }
0x46: {  	s23 =	smov.u32 s7;
	s21 =	smov.u32 s12;
	[sflag:s26] =	ssyncadd.s32 $0xFFFFC400  }
.LBB2_1:
0x47: {  	s18 =	simm.s32 $0x0;
	s19 =	simm.s32 $0x200  }
.LBB2_2:
0x48: {  	p0 =	sne.s32 s19, $0xFE00;
	[tilespmem:s18+$0x370] =	vst v0  }
0x49: {  	[tilespmem:s18+$0x300] =	vst v0  }
0x4a: {  	[tilespmem:s18+$0x310] =	vst v0  }
.Ltmp2:
0x4b: {  	[tilespmem:s18+$0x320] =	vst v0;
	(pc) =	sbr.rel @p0 .LBB2_2-.Ltmp2, $4  }
0x4c: {  	[tilespmem:s18+$0x330] =	vst v0  }
0x4d: {  	[tilespmem:s18+$0x340] =	vst v0  }
0x4e: {  	[tilespmem:s18+$0x350] =	vst v0  }
0x4f: {  	[tilespmem:s18+$0x360] =	vst v0;
	s18 =	sshra.s32 s19, $0x2;
	s19 =	sadd.s32 $0x200, s19  }
0x50: {  	[tilespmem:s18+$0x370] =	vst v0  }
0x51: {  	[tilespmem:s18+$0x300] =	vst v0  }
0x52: {  	[tilespmem:s18+$0x310] =	vst v0  }
0x53: {  	[tilespmem:s18+$0x320] =	vst v0  }
0x54: {  	[tilespmem:s18+$0x330] =	vst v0  }
0x55: {  	[tilespmem:s18+$0x340] =	vst v0  }
0x56: {  	[tilespmem:s18+$0x350] =	vst v0  }
0x57: {  	[tilespmem:s18+$0x360] =	vst v0  }
0x58: {  	[spmem:s23] =	stream.linear.scatter [tilespmem:s25], [sflag:$0x7], $0x4000, $0x38;
	[tilespmem:$0x1FF00] =	vst v63  }
0x59: {  	_ =	swait.ge [sflag:s26], $0x4000  }
0x5a: {  	[sflag:s26] =	ssyncset.done $0x0  }
0x5b: {  	[sflag:s26] =	ssyncadd.s32 $0xFFFFC000  }
0x5c: {  	[spmem:s8] =	stream.linear.scatter [tilespmem:s25], [sflag:$0x7], $0x4000, $0x38;
	[tilespmem:$0x1FF00] =	vst v63  }
0x5d: {  	_ =	swait.ge [sflag:s26], $0x4000  }
0x5e: {  	[sflag:s26] =	ssyncset.done $0x0  }
0x5f: {  	[sflag:s26] =	ssyncadd.s32 $0xFFFFC000  }
0x60: {  	[spmem:s20] =	stream.linear.scatter [tilespmem:s25], [sflag:$0x7], $0x4000, $0x38;
	[tilespmem:$0x1FF00] =	vst v63  }
0x61: {  	_ =	swait.ge [sflag:s26], $0x4000  }
0x62: {  	[sflag:s26] =	ssyncset.done $0x0  }
0x63: {  	[sflag:s26] =	ssyncadd.s32 $0xFFFFC000  }
0x64: {  	[spmem:s21] =	stream.linear.scatter [tilespmem:s25], [sflag:$0x7], $0x4000, $0x38;
	[tilespmem:$0x1FF00] =	vst v63  }
0x65: {  	_ =	swait.ge [sflag:s26], $0x4000  }
0x66: {  	[sflag:s26] =	ssyncset.done $0x0  }
0x67: {  	[sflag:s26] =	ssyncadd.s32 $0xFFFFC000  }
0x68: {  	[spmem:s22] =	stream.linear.scatter [tilespmem:s25], [sflag:$0x7], $0x3C00, $0x38;
	[tilespmem:$0x1FF00] =	vst v63  }
0x69: {  	_ =	swait.ge [sflag:s26], $0x3C00  }
0x6a: {  	[sflag:s26] =	ssyncset.done $0x0  }
0x6b: {  	[sflag:s26] =	ssyncadd.s32 $0xFFFFC400  }
0x6c: {  	[bflag:$0x0] =	sbarrier.arrive $0xFFFF  }
0x6d: {  	s24 =	rddreg [dreg:$0x4]  }
0x6e: {  	[tilespmem:s3], [sflag:$0x1] =	stream.linear.gather [hbm4b:s24+s3], $0x80, $0x38;
	[tilespmem:$0x1FF00] =	vst v63  }
0x6f: {  	s18 =	rddreg [dreg:$0x5]  }
0x70: {  	[tilespmem:s28], [sflag:$0x1] =	stream.linear.gather [hbm4b:s18+s3], $0x80, $0x38;
	[tilespmem:$0x1FF00] =	vst v63  }
0x71: {  	s11 =	smov.u32 s20;
	s19 =	rddreg [dreg:$0x6]  }
0x72: {  	[tilespmem:s29], [sflag:$0x2] =	stream.linear.gather [hbm4b:s19+s3], $0x80, $0x38;
	[tilespmem:$0x1FF00] =	vst v63  }
0x73: {  	s12 =	smov.u32 s21;
	s21 =	simm.s32 $0x200;
	s20 =	rddreg [dreg:$0x7]  }
0x74: {  	[tilespmem:s21], [sflag:$0x2] =	stream.linear.gather [hbm4b:s20+s3], $0x80, $0x38;
	[tilespmem:$0x1FF00] =	vst v63  }
0x75: {  	s22 =	rddreg [dreg:$0x8]  }
0x76: {  	[tilespmem:s31], [sflag:$0x3] =	stream.linear.gather [hbm4b:s22+s3], $0x80, $0x38;
	[tilespmem:$0x1FF00] =	vst v63  }
0x77: {  	s7 =	smov.u32 s23;
	s23 =	rddreg [dreg:$0x9];
	s18 =	simm.s32 $0x280  }
0x78: {  	[tilespmem:s18], [sflag:$0x3] =	stream.linear.gather [hbm4b:s23+s3], $0x80, $0x38;
	[tilespmem:$0x1FF00] =	vst v63  }
0x79: {  	_ =	swait.ge [sflag:s0], $0x80  }
0x7a: {  	[sflag:s0] =	ssyncset.done $0x0  }
0x7b: {  	[sflag:s0] =	ssyncadd.s32 $0xFFFFFF80  }
0x7c: {  	_ =	swait.ge [sflag:s0], $0x80  }
0x7d: {  	[sflag:s0] =	ssyncset.done $0x0  }
0x7e: {  	[sflag:s0] =	ssyncadd.s32 $0xFFFFFF80  }
0x7f: {  	[tilespmem:s25], [sflag:$0x4] =	stream.indirect.gather [hbm4b:s6+s29], $0x80, s3, s29, $0xb8;
	[tilespmem:$0x1FF00] =	vst v63  }
0x80: {  	_ =	swait.ge [sflag:s1], $0x80  }
0x81: {  	[sflag:s1] =	ssyncset.done $0x0  }
0x82: {  	[sflag:s1] =	ssyncadd.s32 $0xFFFFFF80  }
0x83: {  	_ =	swait.ge [sflag:s1], $0x80  }
0x84: {  	[sflag:s1] =	ssyncset.done $0x0  }
0x85: {  	s10 =	smov.u32 s8;
	s24 =	simm.s32 $0x4300;
	[sflag:s1] =	ssyncadd.s32 $0xFFFFFF80  }
0x86: {  	[tilespmem:s24], [sflag:$0x5] =	stream.indirect.gather [hbm4b:s6+s29], $0x80, s29, s29, $0xb8;
	[tilespmem:$0x1FF00] =	vst v63  }
.LBB2_4:
0x87: {  	_ =	swait.ge [sflag:s30], $0x80  }
0x88: {  	[sflag:s30] =	ssyncset.done $0x0  }
0x89: {  	[sflag:s30] =	ssyncadd.s32 $0xFFFFFF80  }
0x8a: {  	_ =	swait.ge [sflag:s30], $0x80  }
0x8b: {  	[sflag:s30] =	ssyncset.done $0x0  }
0x8c: {  	[sflag:s30] =	ssyncadd.s32 $0xFFFFFF80  }
0x8d: {  	[tilespmem:s13], [sflag:$0x6] =	stream.indirect.gather [hbm4b:s6+s29], $0x80, s31, s29, $0xb8;
	[tilespmem:$0x1FF00] =	vst v63  }
0x8e: {  	_ =	swait.ge [sflag:s14], $0x4000  }
0x8f: {  	[sflag:s14] =	ssyncset.done $0x0  }
0x90: {  	[sflag:s14] =	ssyncadd.s32 $0xFFFFC000  }
0x91: {  	[spmem:s2] =	stream.indirect.scatter.add.f32 [tilespmem:s25], [sflag:$0x7], $0x80, s28, s29, $0xb8;
	[tilespmem:$0x1FF00] =	vst v63  }
0x92: {  	_ =	swait.ge [sflag:s26], $0x4000  }
0x93: {  	p0 =	seq.s32 s18, $0x5200;
	[sflag:s26] =	ssyncset.done $0x0  }
0x94: {  	s19 =	simm.s32 @p0 $0x5;
	[sflag:s26] =	ssyncadd.s32 $0xFFFFC000  }
0x95: {  	_ =	swait.ge @p0 [sflag:s19], $0x4000  }
0x96: {  	s20 =	simm.s32 @p0 $0x200;
	[sflag:s19] =	ssyncset.done @p0 $0x0  }
0x97: {  	s21 =	simm.s32 @p0 $0x4300;
	[sflag:s19] =	ssyncadd.s32 @p0 $0xFFFFC000;
	s19 =	simm.s32 @p0 $0x80  }
0x98: {  	[spmem:s2] =	stream.indirect.scatter.add.f32 @p0 [tilespmem:s21], [sflag:$0x7], $0x80, s20, s19, $0xb8;
	[tilespmem:$0x1FF00] =	vst v63  }
0x99: {  	s19 =	sadd.s32 @!p0 $0xFFFFFF00, s18  }
0x9a: {  	s20 =	sand.u32 @!p0 $0xFC00, s19  }
0x9b: {  	s21 =	simm.s32 @p0 $0x7;
	s19 =	sand.u32 @!p0 $0x380, s19;
	s20 =	sadd.s32 @!p0 s9, s20  }
0x9c: {  	_ =	swait.ge @p0 [sflag:s21], $0x4000;
	s19 =	sor.u32 @!p0 s19, s20  }
0x9d: {  	[sflag:s21] =	ssyncset.done @p0 $0x0;
	s19 =	sshrl.u32 @!p0 s19, $0x3  }
0x9e: {  	[sflag:s21] =	ssyncadd.s32 @p0 $0xFFFFC000;
	s21 =	simm.s32 @!p0 $0x0;
	s20 =	sadd.s32 @!p0 s4, s19  }
0x9f: {  	[tilespmem:s21], [sflag:$0x1] =	stream.linear.gather @!p0 [hbm4b:s20+s21], $0x80, $0x38;
	[tilespmem:$0x1FF00] =	vst v63  }
0xa0: {  	s19 =	sadd.s32 @!p0 s5, s19;
	s20 =	simm.s32 @!p0 $0x180  }
0xa1: {  	[tilespmem:s20], [sflag:$0x1] =	stream.linear.gather @!p0 [hbm4b:s19+s21], $0x80, $0x38;
	[tilespmem:$0x1FF00] =	vst v63  }
0xa2: {  	s19 =	simm.s32 @!p0 $0x1  }
0xa3: {  	_ =	swait.ge @!p0 [sflag:s19], $0x80  }
0xa4: {  	[sflag:s19] =	ssyncset.done @!p0 $0x0  }
0xa5: {  	[sflag:s19] =	ssyncadd.s32 @!p0 $0xFFFFFF80  }
0xa6: {  	_ =	swait.ge @!p0 [sflag:s19], $0x80  }
0xa7: {  	[sflag:s19] =	ssyncset.done @!p0 $0x0  }
0xa8: {  	s20 =	simm.s32 @!p0 $0x300;
	[sflag:s19] =	ssyncadd.s32 @!p0 $0xFFFFFF80;
	s19 =	simm.s32 @!p0 $0x80  }
0xa9: {  	[tilespmem:s20], [sflag:$0x4] =	stream.indirect.gather @!p0 [hbm4b:s6+s19], $0x80, s21, s19, $0xb8;
	[tilespmem:$0x1FF00] =	vst v63  }
0xaa: {  	s22 =	simm.s32 @!p0 $0x4300;
	s20 =	simm.s32 @!p0 $0x5  }
0xab: {  	s23 =	sadd.s32 @!p0 $0xFFFFFF80, s18;
	s8 =	simm.s32 @!p0 $0x7;
	_ =	swait.ge @!p0 [sflag:s20], $0x4000  }
0xac: {  	s24 =	sand.u32 @!p0 $0xFC00, s23;
	s23 =	sand.u32 @!p0 $0x380, s23;
	[sflag:s20] =	ssyncset.done @!p0 $0x0  }
0xad: {  	s24 =	sadd.s32 @!p0 s9, s24;
	[sflag:s20] =	ssyncadd.s32 @!p0 $0xFFFFC000;
	s20 =	simm.s32 @!p0 $0x200  }
0xae: {  	[spmem:s2] =	stream.indirect.scatter.add.f32 @!p0 [tilespmem:s22], [sflag:$0x7], $0x80, s20, s19, $0xb8;
	[tilespmem:$0x1FF00] =	vst v63  }
0xaf: {  	s23 =	sor.u32 @!p0 s23, s24;
	_ =	swait.ge @!p0 [sflag:s8], $0x4000  }
0xb0: {  	s23 =	sshrl.u32 @!p0 s23, $0x3;
	[sflag:s8] =	ssyncset.done @!p0 $0x0  }
0xb1: {  	[sflag:s8] =	ssyncadd.s32 @!p0 $0xFFFFC000;
	s8 =	sadd.s32 @!p0 s4, s23  }
0xb2: {  	[tilespmem:s19], [sflag:$0x2] =	stream.linear.gather @!p0 [hbm4b:s8+s21], $0x80, $0x38;
	[tilespmem:$0x1FF00] =	vst v63  }
0xb3: {  	s8 =	sadd.s32 @!p0 s5, s23  }
0xb4: {  	[tilespmem:s20], [sflag:$0x2] =	stream.linear.gather @!p0 [hbm4b:s8+s21], $0x80, $0x38;
	[tilespmem:$0x1FF00] =	vst v63  }
0xb5: {  	s8 =	simm.s32 @!p0 $0x2  }
0xb6: {  	_ =	swait.ge @!p0 [sflag:s8], $0x80  }
0xb7: {  	[sflag:s8] =	ssyncset.done @!p0 $0x0  }
0xb8: {  	[sflag:s8] =	ssyncadd.s32 @!p0 $0xFFFFFF80  }
0xb9: {  	_ =	swait.ge @!p0 [sflag:s8], $0x80  }
0xba: {  	[sflag:s8] =	ssyncset.done @!p0 $0x0  }
0xbb: {  	[sflag:s8] =	ssyncadd.s32 @!p0 $0xFFFFFF80  }
0xbc: {  	[tilespmem:s22], [sflag:$0x5] =	stream.indirect.gather @!p0 [hbm4b:s6+s19], $0x80, s19, s19, $0xb8;
	[tilespmem:$0x1FF00] =	vst v63  }
0xbd: {  	_ =	swait.ge [sflag:s15], $0x4000  }
0xbe: {  	[sflag:s15] =	ssyncset.done $0x0  }
.Ltmp3:
0xbf: {  	[sflag:s15] =	ssyncadd.s32 $0xFFFFC000;
	(pc) =	sbr.rel @p0 .LBB2_6-.Ltmp3, $4  }
0xc0: {  	[spmem:s2] =	stream.indirect.scatter.add.f32 [tilespmem:s13], [sflag:$0x7], $0x80, s16, s29, $0xb8;
	[tilespmem:$0x1FF00] =	vst v63  }
0xc1: {  	_ =	swait.ge [sflag:s26], $0x4000  }
0xc2: {  	[sflag:s26] =	ssyncset.done $0x0  }
0xc3: {  	[sflag:s26] =	ssyncadd.s32 $0xFFFFC000  }
0xc4: {  	s8 =	sand.u32 $0xFC00, s18  }
0xc5: {  	s19 =	sand.u32 $0x380, s18;
	s8 =	sadd.s32 s9, s8  }
0xc6: {  	s8 =	sor.u32 s19, s8  }
.Ltmp4:
0xc7: {  	s8 =	sshrl.u32 s8, $0x3;
	(pc) =	sbr.rel .LBB2_4-.Ltmp4, $4  }
0xc8: {  	s24 =	sadd.s32 s4, s8  }
0xc9: {  	[tilespmem:s31], [sflag:$0x3] =	stream.linear.gather [hbm4b:s24+s3], $0x80, $0x38;
	[tilespmem:$0x1FF00] =	vst v63  }
0xca: {  	s18 =	sadd.s32 $0x180, s18;
	s8 =	sadd.s32 s5, s8  }
0xcb: {  	[tilespmem:s16], [sflag:$0x3] =	stream.linear.gather [hbm4b:s8+s3], $0x80, $0x38;
	[tilespmem:$0x1FF00] =	vst v63  }
.LBB2_7:
0xcc: {  	_ =	sfence.sel $0x180000  }
0xcd: {  	[bflag:$0x0] =	sbarrier.arrive $0xFFFF  }
0xce: {  	_ =	strace $0x9000004A  }
0xcf: {  	s0 =	stileid.u32;
	[bflag:$0x2] =	sbarrier.arrive $0xFFFF  }
0xd0: {  	p0 =	sne.s32 s0, $0x0;
	s0 =	rddreg [dreg:$0x2]  }
0xd1: {  	s0 =	sadd.s32 @!p0 $0x100000, s0  }
0xd2: {  	[sflag:s0] =	ssyncadd.tile.s32 @!p0 $0x1;
	_ =	shalt  }
.Lfunc_end2:
_tile_overlayer_lowered:
.L_overlay_start_2:
0xd3: {  	(tag) =	ssettag $0x2  }
0xd4: {  	s0 =	rddreg [dreg:$0x0];
	s2 =	stileid.u32  }
0xd5: {  	s1 =	rddreg [dreg:$0x1];
	p0 =	sne.s32 s2, $0x0  }
0xd6: {  	s3 =	rddreg [dreg:$0x2];
	[bflag:$0x3] =	sbarrier.arrive $0xFFFF;
	s2 =	simm.s32 @!p0 $0x1C07  }
0xd7: {  	[timem:s3], [sflag:s2] =	dma.local @!p0 [hbm:s0], s1  }
0xd8: {  	s0 =	simm.s32 @!p0 $0x7  }
0xd9: {  	_ =	swait.ge @!p0 [sflag:s0], s1  }
0xda: {  	s1 =	ssub.s32 @!p0 $0x0, s1;
	[sflag:s0] =	ssyncset.done @!p0 $0x0  }
0xdb: {  	[sflag:s0] =	ssyncadd.s32 @!p0 s1  }
0xdc: {  	[bflag:$0x3] =	sbarrier.arrive $0xFFFF  }
0xdd: {  	_ =	shalt  }

// kernel: kernel.15.cloned.1.call-start
scs
__scs_entry_jumppad:
0x0: {  	(pc) =	sbr.rel $0x88, $3  }
0x1: {  	(tag) =	ssettag $0x0;
	lr =	simm.s32 $0x1  }
0x2: {  	[smem:$0x3F92] =	sst lr;
	_ =	strace $0xD0000000  }
0x3: {  	_ = 	snop  }
0x4: {  	_ = 	snop  }
0x5: {  	_ = 	snop  }
0x6: {  	_ = 	snop  }
0x7: {  	_ = 	snop  }
__scs_overlays_trampoline_lowered:
0x8: {  	[smem:$0x3FA1] =	sst s0  }
0x9: {  	[smem:$0x3FA2] =	sst s1  }
0xa: {  	[smem:$0x3FA3] =	sst s2  }
0xb: {  	[smem:$0x3FA4] =	sst s3  }
0xc: {  	[smem:$0x3FA5] =	sst s4  }
0xd: {  	[smem:$0x3FA6] =	sst s5  }
0xe: {  	[smem:$0x3FA7] =	sst s6  }
0xf: {  	[smem:$0x3FA8] =	sst s7  }
0x10: {  	[smem:$0x3FA9] =	sst s8  }
0x11: {  	[smem:$0x3FAA] =	sst s9;
	s0 =	simm.s32 @!p0 $0x0  }
0x12: {  	s1 =	sld [smem:$0x3F90];
	s0 =	simm.s32 @p0 $0x1  }
0x13: {  	[smem:$0x3FAB] =	sst s0;
	s0 =	simm.s32 @!p1 $0x0  }
0x14: {  	s2 =	sld [smem:$0x3F8F];
	s0 =	simm.s32 @p1 $0x1  }
0x15: {  	[smem:$0x3FAC] =	sst s0;
	s0 =	simm.s32 @!p2 $0x0  }
0x16: {  	s3 =	sld [smem:$0x3FDB];
	s0 =	simm.s32 @p2 $0x1  }
0x17: {  	s4 =	simm.s32 $0x1BF5;
	[smem:$0x3FAE] =	sst s0  }
0x18: {  	s0 =	sld [smem:$0x3F91];
	_ =	swait.ge [sflag:s4], $0x0  }
0x19: {  	s7 =	sld [smem:$0x3F92]  }
0x1a: {  	s8 =	sadd.s32 $0xFFFFE003, lr  }
0x1b: {  	s9 =	sadd.s32 $0xFFFFFEF7, lr;
	s5 =	simm.s32 $0xFFFFFFFF;
	p2 =	slt.u32 s8, $0xFFFFF086  }
0x1c: {  	p1 =	slt.u32 s9, $0xF7A;
	s5 =	simm.s32 @!p2 $0x0  }
0x1d: {  	s5 =	simm.s32 @p1 $0x1;
	p0 =	seq.s32 s7, s2  }
0x1e: {  	s7 =	smul.u32 @!p0 $0xF7A, s2;
	p2 =	seq.s32 @!p0 s5, $0x0  }
0x1f: {  	s9 =	smul.u32 $0xF7A, s1;
	s8 =	simm.s32 @!p0 $0x1BF5;
	p2 =	por !p2, p0  }
0x20: {  	[sflag:s8] =	ssyncset.s32 @!p0 $0xFFFFF086;
	s6 =	sadd.s32 @!p0 s3, s7;
	s7 =	simm.s32 @!p0 $0x108  }
0x21: {  	s3 =	sadd.s32 s3, s9;
	s6 =	sadd.s32 @!p0 $0x88, s6;
	s7 =	simm.s32 @p2 $0x1082  }
0x22: {  	[simem:s7], [sflag:s8] =	dma.local @!p0 [hbm:s6], $0xF7A  }
0x23: {  	s9 =	sor.u32 $0xD0000000, s2;
	s6 =	simm.s32 $0x108;
	_ =	swait.ge @!p0 [sflag:s8], $0x0  }
0x24: {  	s3 =	sadd.s32 $0x88, s3;
	s6 =	simm.s32 @!p1 $0x1082;
	[sflag:s4] =	ssyncset.s32 $0xFFFFF086  }
0x25: {  	[simem:s6], [sflag:s4] =	dma.local [hbm:s3], $0xF7A  }
0x26: {  	[smem:$0x3F92] =	sst s1;
	(tag) =	ssettag s2;
	_ =	strace s9  }
0x27: {  	s1 =	sld [smem:$0x3FA2]  }
0x28: {  	s2 =	sld [smem:$0x3FA3]  }
0x29: {  	s4 =	sld [smem:$0x3FA5]  }
0x2a: {  	p0 =	seq.s32 s5, $0x0;
	s5 =	sld [smem:$0x3FA6]  }
0x2b: {  	s6 =	sld [smem:$0x3FA7]  }
0x2c: {  	s7 =	sld [smem:$0x3FA8]  }
0x2d: {  	s3 =	simm.s32 $0x108;
	s8 =	sld [smem:$0x3FA9]  }
0x2e: {  	s3 =	simm.s32 @!p0 $0x1082;
	s9 =	sld [smem:$0x3FAA]  }
0x2f: {  	lr =	sadd.s32 s0, s3;
	s0 =	sld [smem:$0x3FA1]  }
0x30: {  	s3 =	sld [smem:$0x3FA4]  }
0x31: {  	[smem:$0x3FAD] =	sst s10  }
0x32: {  	s10 =	sld [smem:$0x3FAB];
	_ =	sdelay $0x3  }
0x33: {  	p0 =	seq.s32 s10, $0x1;
	s10 =	sld [smem:$0x3FAD];
	_ =	sdelay $0x3  }
0x34: {  	[smem:$0x3FAD] =	sst s10  }
0x35: {  	s10 =	sld [smem:$0x3FAC];
	_ =	sdelay $0x3  }
0x36: {  	p1 =	seq.s32 s10, $0x1;
	s10 =	sld [smem:$0x3FAD];
	_ =	sdelay $0x3  }
0x37: {  	[smem:$0x3FAD] =	sst s10  }
0x38: {  	s10 =	sld [smem:$0x3FAE]  }
0x39: {  	_ = 	snop;
	(pc) =	sbr.ind lr, $3  }
0x3a: {  	_ = 	snop  }
0x3b: {  	_ = 	snop  }
0x3c: {  	p2 =	seq.s32 s10, $0x1;
	s10 =	sld [smem:$0x3FAD]  }
0x3d: {  	_ =	shalt  }
0x3e: {  	_ =	shalt  }
0x3f: {  	_ =	shalt  }
0x40: {  	_ =	shalt  }
0x41: {  	_ =	shalt  }
0x42: {  	_ =	shalt  }
0x43: {  	_ =	shalt  }
0x44: {  	_ =	shalt  }
0x45: {  	_ =	shalt  }
0x46: {  	_ =	shalt  }
0x47: {  	_ =	shalt  }
0x48: {  	_ =	shalt  }
0x49: {  	_ =	shalt  }
0x4a: {  	_ =	shalt  }
0x4b: {  	_ =	shalt  }
0x4c: {  	_ =	shalt  }
0x4d: {  	_ =	shalt  }
0x4e: {  	_ =	shalt  }
0x4f: {  	_ =	shalt  }
0x50: {  	_ =	shalt  }
0x51: {  	_ =	shalt  }
0x52: {  	_ =	shalt  }
0x53: {  	_ =	shalt  }
0x54: {  	_ =	shalt  }
0x55: {  	_ =	shalt  }
0x56: {  	_ =	shalt  }
0x57: {  	_ =	shalt  }
0x58: {  	_ =	shalt  }
0x59: {  	_ =	shalt  }
0x5a: {  	_ =	shalt  }
0x5b: {  	_ =	shalt  }
0x5c: {  	_ =	shalt  }
0x5d: {  	_ =	shalt  }
0x5e: {  	_ =	shalt  }
0x5f: {  	_ =	shalt  }
0x60: {  	_ =	shalt  }
0x61: {  	_ =	shalt  }
0x62: {  	_ =	shalt  }
0x63: {  	_ =	shalt  }
0x64: {  	_ =	shalt  }
0x65: {  	_ =	shalt  }
0x66: {  	_ =	shalt  }
0x67: {  	_ =	shalt  }
0x68: {  	_ =	shalt  }
0x69: {  	_ =	shalt  }
0x6a: {  	_ =	shalt  }
0x6b: {  	_ =	shalt  }
0x6c: {  	_ =	shalt  }
0x6d: {  	_ =	shalt  }
0x6e: {  	_ =	shalt  }
0x6f: {  	_ =	shalt  }
0x70: {  	_ =	shalt  }
0x71: {  	_ =	shalt  }
0x72: {  	_ =	shalt  }
0x73: {  	_ =	shalt  }
0x74: {  	_ =	shalt  }
0x75: {  	_ =	shalt  }
0x76: {  	_ =	shalt  }
0x77: {  	_ =	shalt  }
0x78: {  	_ =	shalt  }
0x79: {  	_ =	shalt  }
0x7a: {  	_ =	shalt  }
0x7b: {  	_ =	shalt  }
0x7c: {  	_ =	shalt  }
0x7d: {  	_ =	shalt  }
0x7e: {  	_ =	shalt  }
0x7f: {  	_ =	shalt  }
0x80: {  	_ =	shalt  }
0x81: {  	_ =	shalt  }
0x82: {  	_ =	shalt  }
0x83: {  	_ =	shalt  }
0x84: {  	_ =	shalt  }
0x85: {  	_ =	shalt  }
0x86: {  	_ =	shalt  }
0x87: {  	_ =	shalt  }
.Lfunc_end0:
.L_simem_size_0:
called_computation.2_lowered:
.L_overlay_start_0:
0x88: {  	s2 =	sld [smem:$0x3FD9]  }
0x89: {  	s3 =	sld [smem:$0x3FFE];
	_ =	sdelay $0x1  }
0x8a: {  	s1 =	srdreg.scid  }
0x8b: {  	s0 =	sand.u32 $0x1, s1  }
0x8c: {  	s16 =	sshll.u32 s0, $0xA;
	s2 =	sadd.s32 s3, s2  }
0x8d: {  	s2 =	sadd.s32 s2, s16  }
0x8e: {  	[smem:$0x3FB9] =	sst s2  }
0x8f: {  	_ = 	snop  }
0x90: {  	(tm) =	ssettm $0x1  }
0x91: {  	s17 =	sld [smem:$0x3FFB];
	_ =	sdelay $0x3  }
0x92: {  	_ =	strace s17  }
0x93: {  	s2 =	sld [smem:$0x3FFC];
	_ =	sdelay $0x3  }
0x94: {  	_ =	strace s2  }
0x95: {  	s2 =	sld [smem:$0x3FFD];
	_ =	sdelay $0x3  }
0x96: {  	_ =	strace s2  }
0x97: {  	_ =	strace $0x8FFFFFFF  }
0x98: {  	s18 =	sld [smem:$0x3FDB];
	_ =	sdelay $0x1  }
0x99: {  	s19 =	simm.s32 $_scs_section_size  }
0x9a: {  	s4 =	simm.s32 $_size__tile_overlayer_lowered;
	s5 =	simm.s32 $_tile_overlayer_lowered  }
0x9b: {  	s22 =	simm.s32 $0x1BFF;
	s21 =	sshll.u32 s5, $0x1;
	s2 =	sadd.s32 s19, s18  }
0x9c: {  	s6 =	simm.s32 $0x0;
	s20 =	sshll.u32 s4, $0x1;
	s4 =	sadd.s32 s21, s2  }
0x9d: {  	[timem:s6], [sflag:s22] =	dma.local [hbm:s4], s20  }
0x9e: {  	_ =	swait.ge [sflag:s22], s20  }
0x9f: {  	s3 =	ssub.s32 $0x0, s20;
	[sflag:s22] =	ssyncset.done $0x0  }
0xa0: {  	[sflag:s22] =	ssyncadd.s32 s3;
	_ =	sdelay $0x1  }
0xa1: {  	s23 =	simm.s32 $0x1B8B  }
0xa2: {  	_ =	swait.ge [sflag:s23], $0x1  }
0xa3: {  	[sflag:s23] =	ssyncset.done $0x0  }
0xa4: {  	s25 =	simm.s32 $0x1B8E;
	s24 =	sld [smem:$0x3FFE];
	[sflag:s23] =	ssyncadd.s32 $0xFFFFFFFF  }
0xa5: {  	s26 =	simm.s32 $execute0_lowered;
	[smem:$0x3FD2] =	sst s25  }
0xa6: {  	s4 =	sshll.u32 s26, $0x1;
	_ =	strace $0x8000004C;
	[dreg:$0x1] =	wrdreg $0xFFFFFFFF  }
0xa7: {  	s28 =	simm.s32 $_size_execute0_lowered;
	s2 =	sadd.s32 s2, s4;
	[dreg:$0x0] =	wrdreg $0x0  }
0xa8: {  	s4 =	sshll.u32 s28, $0x1;
	[dreg:$0x2] =	wrdreg s2  }
0xa9: {  	[dreg:$0x3] =	wrdreg s4  }
0xaa: {  	[dreg:$0x4] =	wrdreg $0xC0  }
0xab: {  	_ =	task [dreg:s6], $0x5FFFF  }
0xac: {  	[dreg:$0x1] =	wrdreg $0xFFFFFFFF  }
0xad: {  	[dreg:$0x0] =	wrdreg $0x60  }
0xae: {  	[dreg:$0x2] =	wrdreg s24  }
0xaf: {  	[dreg:$0x3] =	wrdreg $0xC3000  }
0xb0: {  	[dreg:$0x4] =	wrdreg $0x9  }
0xb1: {  	_ =	task.clear_ibuf [dreg:s6], $0x5FFFF;
	_ =	strace $0x9000004C  }
0xb2: {  	s29 =	simm.s32 $0x9;
	_ =	strace $0x8000004E  }
0xb3: {  	_ =	swait.ge [sflag:s29], $0x1  }
0xb4: {  	[sflag:s29] =	ssyncadd.s32 $0xFFFFFFFF  }
0xb5: {  	_ =	strace $0x9000004E  }
0xb6: {  	_ =	sfence  }
0xb7: {  	s30 =	sld [smem:$0x0];
	_ =	sdelay $0x2  }
0xb8: {  	s31 =	sshll.u32 s1, $0xD;
	s1 =	sshrl.u32 s1, $0x2  }
0xb9: {  	s3 =	sand.u32 $0x4000, s31;
	s1 =	sadd.s32 s1, s30  }
0xba: {  	s0 =	sor.u32 s3, s0;
	s1 =	sshll.u32 s1, $0x11  }
0xbb: {  	s0 =	sor.u32 s1, s0  }
0xbc: {  	s0 =	sadd.s32 $0x8F2B, s0  }
0xbd: {  	[sflag:s0] =	ssyncadd.remote.s32 $0x1  }
0xbe: {  	_ =	sfence.sel $0xFFFF  }
0xbf: {  	[dreg:$0x0] =	wrdreg $0xFFFFFFFF;
	(pc) =	sbr.abs _section_cstart, $3  }
0xc0: {  	[dreg:$0x1] =	wrdreg $0xFFFFFFFF  }
0xc1: {  	_ =	task.clear_ibuf [dreg:s6], $0x2FFFF;
	_ =	strace $0x9FFFFFFF  }
0xc2: {  	(tm) =	ssettm $0x7FFFFFFF  }
0xc3: {  	_ =	shalt  }
tec
execute0_lowered:
.L_overlay_start_1:
0x0: {  	(tag) =	ssettag $0x1  }
0x1: {  	s0 =	rddreg [dreg:$0x0]  }
0x2: {  	s2 =	rddreg [dreg:$0x1]  }
0x3: {  	s1 =	srdreg.scid;
	s10 =	stileid.u32;
	s3 =	simm.s32 $0x0  }
0x4: {  	s28 =	simm.s32 $0x180;
	s29 =	simm.s32 $0x80;
	s6 =	smul.u32 $0x278, s10  }
0x5: {  	s31 =	simm.s32 $0x100;
	s30 =	simm.s32 $0x3;
	s8 =	smul.u32 $0x4F000, s10  }
0x6: {  	s1 =	sand.u32 $0x1, s1;
	[smem:$0x7FF] =	sst s3;
	s10 =	smul.u32 $0x5400, s10  }
0x7: {  	s4 =	sadd.s32 $0x7DA00, s0;
	s5 =	sadd.s32 $0x68A00, s0;
	s7 =	smul.u32 $0x2780, s1  }
0x8: {  	_ =	strace $0x8000004D;
	s9 =	smul.u32 $0x54000, s1;
	s1 =	ssub.s32 $0x2, s1  }
0x9: {  	s8 =	sshrl.u32 s8, $0x2;
	s11 =	sshrl.u32 s1, $0x1;
	s7 =	sadd.s32 s6, s7  }
0xa: {  	s6 =	sadd.s32 $0x3A00, s0;
	s23 =	sadd.s32 s8, s2;
	s1 =	ssub.s32 s1, s11  }
0xb: {  	s9 =	sadd.s32 s10, s9;
	s7 =	sshll.u32 s7, $0x4;
	s26 =	smax.u32 s1, $0x1  }
0xc: {  	s13 =	sshrl.u32 s9, $0x3;
	s22 =	sadd.s32 $0x10000, s23;
	[dreg:$0xf] =	wrdreg s26  }
0xd: {  	s8 =	sadd.s32 $0x4000, s23;
	s10 =	sadd.s32 s4, s13;
	[dreg:$0x3] =	wrdreg s22  }
0xe: {  	s14 =	sor.u32 $0x10, s13;
	s11 =	sadd.s32 s5, s13;
	[dreg:$0x4] =	wrdreg s10  }
0xf: {  	s20 =	sadd.s32 $0x8000, s23;
	[dreg:$0x5] =	wrdreg s11;
	s12 =	sadd.s32 s4, s14  }
0x10: {  	s13 =	sor.u32 $0x20, s13;
	s15 =	sadd.s32 s5, s14;
	[dreg:$0x6] =	wrdreg s12  }
0x11: {  	s21 =	sadd.s32 $0xC000, s23;
	s16 =	sadd.s32 s4, s13;
	[dreg:$0x7] =	wrdreg s15  }
0x12: {  	s0 =	sadd.s32 s7, s0;
	s17 =	sadd.s32 s5, s13;
	[dreg:$0x8] =	wrdreg s16  }
0x13: {  	s1 =	simm.s32 $0x2;
	s18 =	sadd.s32 $0x92A00, s0;
	[dreg:$0x9] =	wrdreg s17  }
0x14: {  	s26 =	simm.s32 $0x7;
	s19 =	sadd.s32 $0x93200, s0;
	[dreg:$0xa] =	wrdreg s18  }
.Ltmp0:
0x15: {  	s24 =	sadd.s32 $0x93A00, s0;
	[dreg:$0xb] =	wrdreg s19;
	(pc) =	sbr.rel .LBB2_1-.Ltmp0, $4  }
0x16: {  	s25 =	sadd.s32 $0x94200, s0;
	s0 =	sadd.s32 $0x94A00, s0;
	[dreg:$0xc] =	wrdreg s24  }
0x17: {  	s13 =	simm.s32 $0x8300;
	s14 =	simm.s32 $0x4;
	[dreg:$0xd] =	wrdreg s25  }
0x18: {  	[dreg:$0xe] =	wrdreg s0;
	s25 =	simm.s32 $0x300;
	s0 =	simm.s32 $0x1  }
0x19: {  	v0 =	vimm.f32 $0.0e+00;
	s15 =	simm.s32 $0x6;
	s16 =	simm.s32 $0x280;
	s17 =	simm.s32 $0x0  }
.LBB2_6:
0x1a: {  	[bflag:$0x0] =	sbarrier.arrive $0xFFFF  }
0x1b: {  	[tilespmem:s25], [sflag:$0x7] =	stream.linear.gather [spmem:s7], $0x4000, $0x38;
	[tilespmem:$0x1FF00] =	vst v63  }
0x1c: {  	_ =	swait.ge [sflag:s26], $0x4000  }
0x1d: {  	[sflag:s26] =	ssyncset.done $0x0  }
0x1e: {  	s8 =	rddreg [dreg:$0xa];
	[sflag:s26] =	ssyncadd.s32 $0xFFFFC000  }
0x1f: {  	[hbm4b:s8+s3] =	stream.linear.scatter [tilespmem:s25], [sflag:$0x7], $0x4000, $0x38;
	[tilespmem:$0x1FF00] =	vst v63  }
0x20: {  	_ =	swait.ge [sflag:s26], $0x4000  }
0x21: {  	[sflag:s26] =	ssyncset.done $0x0  }
0x22: {  	[sflag:s26] =	ssyncadd.s32 $0xFFFFC000  }
0x23: {  	[tilespmem:s25], [sflag:$0x7] =	stream.linear.gather [spmem:s10], $0x4000, $0x38;
	[tilespmem:$0x1FF00] =	vst v63  }
0x24: {  	_ =	swait.ge [sflag:s26], $0x4000  }
0x25: {  	[sflag:s26] =	ssyncset.done $0x0  }
0x26: {  	s8 =	smov.u32 s10;
	s10 =	rddreg [dreg:$0xb];
	[sflag:s26] =	ssyncadd.s32 $0xFFFFC000  }
0x27: {  	[hbm4b:s10+s3] =	stream.linear.scatter [tilespmem:s25], [sflag:$0x7], $0x4000, $0x38;
	[tilespmem:$0x1FF00] =	vst v63  }
0x28: {  	_ =	swait.ge [sflag:s26], $0x4000  }
0x29: {  	[sflag:s26] =	ssyncset.done $0x0  }
0x2a: {  	[sflag:s26] =	ssyncadd.s32 $0xFFFFC000  }
0x2b: {  	[tilespmem:s25], [sflag:$0x7] =	stream.linear.gather [spmem:s11], $0x4000, $0x38;
	[tilespmem:$0x1FF00] =	vst v63  }
0x2c: {  	_ =	swait.ge [sflag:s26], $0x4000  }
0x2d: {  	[sflag:s26] =	ssyncset.done $0x0  }
0x2e: {  	s20 =	smov.u32 s11;
	s11 =	rddreg [dreg:$0xc];
	[sflag:s26] =	ssyncadd.s32 $0xFFFFC000  }
0x2f: {  	[hbm4b:s11+s3] =	stream.linear.scatter [tilespmem:s25], [sflag:$0x7], $0x4000, $0x38;
	[tilespmem:$0x1FF00] =	vst v63  }
0x30: {  	_ =	swait.ge [sflag:s26], $0x4000  }
0x31: {  	[sflag:s26] =	ssyncset.done $0x0  }
0x32: {  	[sflag:s26] =	ssyncadd.s32 $0xFFFFC000  }
0x33: {  	[tilespmem:s25], [sflag:$0x7] =	stream.linear.gather [spmem:s12], $0x4000, $0x38;
	[tilespmem:$0x1FF00] =	vst v63  }
0x34: {  	_ =	swait.ge [sflag:s26], $0x4000  }
0x35: {  	[sflag:s26] =	ssyncset.done $0x0  }
0x36: {  	s18 =	rddreg [dreg:$0xd];
	[sflag:s26] =	ssyncadd.s32 $0xFFFFC000  }
0x37: {  	[hbm4b:s18+s3] =	stream.linear.scatter [tilespmem:s25], [sflag:$0x7], $0x4000, $0x38;
	[tilespmem:$0x1FF00] =	vst v63  }
0x38: {  	_ =	swait.ge [sflag:s26], $0x4000  }
0x39: {  	[sflag:s26] =	ssyncset.done $0x0  }
0x3a: {  	s22 =	rddreg [dreg:$0x3];
	[sflag:s26] =	ssyncadd.s32 $0xFFFFC000  }
0x3b: {  	[tilespmem:s25], [sflag:$0x7] =	stream.linear.gather [spmem:s22], $0x3C00, $0x38;
	[tilespmem:$0x1FF00] =	vst v63  }
0x3c: {  	_ =	swait.ge [sflag:s26], $0x3C00  }
0x3d: {  	[sflag:s26] =	ssyncset.done $0x0  }
0x3e: {  	s19 =	rddreg [dreg:$0xe];
	[sflag:s26] =	ssyncadd.s32 $0xFFFFC400  }
0x3f: {  	[hbm4b:s19+s3] =	stream.linear.scatter [tilespmem:s25], [sflag:$0x7], $0x3C00, $0x38;
	[tilespmem:$0x1FF00] =	vst v63  }
0x40: {  	_ =	swait.ge [sflag:s26], $0x3C00  }
0x41: {  	s17 =	sadd.s32 $0x1, s17;
	s24 =	rddreg [dreg:$0xf]  }
0x42: {  	p0 =	sne.s32 s17, s24  }
.Ltmp1:
0x43: {  	_ = 	snop;
	(pc) =	sbr.rel @!p0 .LBB2_7-.Ltmp1, $3  }
0x44: {  	_ =	sdelay $0x1  }
0x45: {  	[sflag:s26] =	ssyncset.done $0x0  }
0x46: {  	s23 =	smov.u32 s7;
	s21 =	smov.u32 s12;
	[sflag:s26] =	ssyncadd.s32 $0xFFFFC400  }
.LBB2_1:
0x47: {  	s18 =	simm.s32 $0x0;
	s19 =	simm.s32 $0x200  }
.LBB2_2:
0x48: {  	p0 =	sne.s32 s19, $0xFE00;
	[tilespmem:s18+$0x370] =	vst v0  }
0x49: {  	[tilespmem:s18+$0x300] =	vst v0  }
0x4a: {  	[tilespmem:s18+$0x310] =	vst v0  }
.Ltmp2:
0x4b: {  	[tilespmem:s18+$0x320] =	vst v0;
	(pc) =	sbr.rel @p0 .LBB2_2-.Ltmp2, $4  }
0x4c: {  	[tilespmem:s18+$0x330] =	vst v0  }
0x4d: {  	[tilespmem:s18+$0x340] =	vst v0  }
0x4e: {  	[tilespmem:s18+$0x350] =	vst v0  }
0x4f: {  	[tilespmem:s18+$0x360] =	vst v0;
	s18 =	sshra.s32 s19, $0x2;
	s19 =	sadd.s32 $0x200, s19  }
0x50: {  	[tilespmem:s18+$0x370] =	vst v0  }
0x51: {  	[tilespmem:s18+$0x300] =	vst v0  }
0x52: {  	[tilespmem:s18+$0x310] =	vst v0  }
0x53: {  	[tilespmem:s18+$0x320] =	vst v0  }
0x54: {  	[tilespmem:s18+$0x330] =	vst v0  }
0x55: {  	[tilespmem:s18+$0x340] =	vst v0  }
0x56: {  	[tilespmem:s18+$0x350] =	vst v0  }
0x57: {  	[tilespmem:s18+$0x360] =	vst v0  }
0x58: {  	[spmem:s23] =	stream.linear.scatter [tilespmem:s25], [sflag:$0x7], $0x4000, $0x38;
	[tilespmem:$0x1FF00] =	vst v63  }
0x59: {  	_ =	swait.ge [sflag:s26], $0x4000  }
0x5a: {  	[sflag:s26] =	ssyncset.done $0x0  }
0x5b: {  	[sflag:s26] =	ssyncadd.s32 $0xFFFFC000  }
0x5c: {  	[spmem:s8] =	stream.linear.scatter [tilespmem:s25], [sflag:$0x7], $0x4000, $0x38;
	[tilespmem:$0x1FF00] =	vst v63  }
0x5d: {  	_ =	swait.ge [sflag:s26], $0x4000  }
0x5e: {  	[sflag:s26] =	ssyncset.done $0x0  }
0x5f: {  	[sflag:s26] =	ssyncadd.s32 $0xFFFFC000  }
0x60: {  	[spmem:s20] =	stream.linear.scatter [tilespmem:s25], [sflag:$0x7], $0x4000, $0x38;
	[tilespmem:$0x1FF00] =	vst v63  }
0x61: {  	_ =	swait.ge [sflag:s26], $0x4000  }
0x62: {  	[sflag:s26] =	ssyncset.done $0x0  }
0x63: {  	[sflag:s26] =	ssyncadd.s32 $0xFFFFC000  }
0x64: {  	[spmem:s21] =	stream.linear.scatter [tilespmem:s25], [sflag:$0x7], $0x4000, $0x38;
	[tilespmem:$0x1FF00] =	vst v63  }
0x65: {  	_ =	swait.ge [sflag:s26], $0x4000  }
0x66: {  	[sflag:s26] =	ssyncset.done $0x0  }
0x67: {  	[sflag:s26] =	ssyncadd.s32 $0xFFFFC000  }
0x68: {  	[spmem:s22] =	stream.linear.scatter [tilespmem:s25], [sflag:$0x7], $0x3C00, $0x38;
	[tilespmem:$0x1FF00] =	vst v63  }
0x69: {  	_ =	swait.ge [sflag:s26], $0x3C00  }
0x6a: {  	[sflag:s26] =	ssyncset.done $0x0  }
0x6b: {  	[sflag:s26] =	ssyncadd.s32 $0xFFFFC400  }
0x6c: {  	[bflag:$0x0] =	sbarrier.arrive $0xFFFF  }
0x6d: {  	s24 =	rddreg [dreg:$0x4]  }
0x6e: {  	[tilespmem:s3], [sflag:$0x1] =	stream.linear.gather [hbm4b:s24+s3], $0x80, $0x38;
	[tilespmem:$0x1FF00] =	vst v63  }
0x6f: {  	s18 =	rddreg [dreg:$0x5]  }
0x70: {  	[tilespmem:s28], [sflag:$0x1] =	stream.linear.gather [hbm4b:s18+s3], $0x80, $0x38;
	[tilespmem:$0x1FF00] =	vst v63  }
0x71: {  	s11 =	smov.u32 s20;
	s19 =	rddreg [dreg:$0x6]  }
0x72: {  	[tilespmem:s29], [sflag:$0x2] =	stream.linear.gather [hbm4b:s19+s3], $0x80, $0x38;
	[tilespmem:$0x1FF00] =	vst v63  }
0x73: {  	s12 =	smov.u32 s21;
	s21 =	simm.s32 $0x200;
	s20 =	rddreg [dreg:$0x7]  }
0x74: {  	[tilespmem:s21], [sflag:$0x2] =	stream.linear.gather [hbm4b:s20+s3], $0x80, $0x38;
	[tilespmem:$0x1FF00] =	vst v63  }
0x75: {  	s22 =	rddreg [dreg:$0x8]  }
0x76: {  	[tilespmem:s31], [sflag:$0x3] =	stream.linear.gather [hbm4b:s22+s3], $0x80, $0x38;
	[tilespmem:$0x1FF00] =	vst v63  }
0x77: {  	s7 =	smov.u32 s23;
	s23 =	rddreg [dreg:$0x9];
	s18 =	simm.s32 $0x280  }
0x78: {  	[tilespmem:s18], [sflag:$0x3] =	stream.linear.gather [hbm4b:s23+s3], $0x80, $0x38;
	[tilespmem:$0x1FF00] =	vst v63  }
0x79: {  	_ =	swait.ge [sflag:s0], $0x80  }
0x7a: {  	[sflag:s0] =	ssyncset.done $0x0  }
0x7b: {  	[sflag:s0] =	ssyncadd.s32 $0xFFFFFF80  }
0x7c: {  	_ =	swait.ge [sflag:s0], $0x80  }
0x7d: {  	[sflag:s0] =	ssyncset.done $0x0  }
0x7e: {  	[sflag:s0] =	ssyncadd.s32 $0xFFFFFF80  }
0x7f: {  	[tilespmem:s25], [sflag:$0x4] =	stream.indirect.gather [hbm4b:s6+s29], $0x80, s3, s29, $0xb8;
	[tilespmem:$0x1FF00] =	vst v63  }
0x80: {  	_ =	swait.ge [sflag:s1], $0x80  }
0x81: {  	[sflag:s1] =	ssyncset.done $0x0  }
0x82: {  	[sflag:s1] =	ssyncadd.s32 $0xFFFFFF80  }
0x83: {  	_ =	swait.ge [sflag:s1], $0x80  }
0x84: {  	[sflag:s1] =	ssyncset.done $0x0  }
0x85: {  	s10 =	smov.u32 s8;
	s24 =	simm.s32 $0x4300;
	[sflag:s1] =	ssyncadd.s32 $0xFFFFFF80  }
0x86: {  	[tilespmem:s24], [sflag:$0x5] =	stream.indirect.gather [hbm4b:s6+s29], $0x80, s29, s29, $0xb8;
	[tilespmem:$0x1FF00] =	vst v63  }
.LBB2_4:
0x87: {  	_ =	swait.ge [sflag:s30], $0x80  }
0x88: {  	[sflag:s30] =	ssyncset.done $0x0  }
0x89: {  	[sflag:s30] =	ssyncadd.s32 $0xFFFFFF80  }
0x8a: {  	_ =	swait.ge [sflag:s30], $0x80  }
0x8b: {  	[sflag:s30] =	ssyncset.done $0x0  }
0x8c: {  	[sflag:s30] =	ssyncadd.s32 $0xFFFFFF80  }
0x8d: {  	[tilespmem:s13], [sflag:$0x6] =	stream.indirect.gather [hbm4b:s6+s29], $0x80, s31, s29, $0xb8;
	[tilespmem:$0x1FF00] =	vst v63  }
0x8e: {  	_ =	swait.ge [sflag:s14], $0x4000  }
0x8f: {  	[sflag:s14] =	ssyncset.done $0x0  }
0x90: {  	[sflag:s14] =	ssyncadd.s32 $0xFFFFC000  }
0x91: {  	[spmem:s2] =	stream.indirect.scatter.add.f32 [tilespmem:s25], [sflag:$0x7], $0x80, s28, s29, $0xb8;
	[tilespmem:$0x1FF00] =	vst v63  }
0x92: {  	_ =	swait.ge [sflag:s26], $0x4000  }
0x93: {  	p0 =	seq.s32 s18, $0x5200;
	[sflag:s26] =	ssyncset.done $0x0  }
0x94: {  	s19 =	simm.s32 @p0 $0x5;
	[sflag:s26] =	ssyncadd.s32 $0xFFFFC000  }
0x95: {  	_ =	swait.ge @p0 [sflag:s19], $0x4000  }
0x96: {  	s20 =	simm.s32 @p0 $0x200;
	[sflag:s19] =	ssyncset.done @p0 $0x0  }
0x97: {  	s21 =	simm.s32 @p0 $0x4300;
	[sflag:s19] =	ssyncadd.s32 @p0 $0xFFFFC000;
	s19 =	simm.s32 @p0 $0x80  }
0x98: {  	[spmem:s2] =	stream.indirect.scatter.add.f32 @p0 [tilespmem:s21], [sflag:$0x7], $0x80, s20, s19, $0xb8;
	[tilespmem:$0x1FF00] =	vst v63  }
0x99: {  	s19 =	sadd.s32 @!p0 $0xFFFFFF00, s18  }
0x9a: {  	s20 =	sand.u32 @!p0 $0xFC00, s19  }
0x9b: {  	s21 =	simm.s32 @p0 $0x7;
	s19 =	sand.u32 @!p0 $0x380, s19;
	s20 =	sadd.s32 @!p0 s9, s20  }
0x9c: {  	_ =	swait.ge @p0 [sflag:s21], $0x4000;
	s19 =	sor.u32 @!p0 s19, s20  }
0x9d: {  	[sflag:s21] =	ssyncset.done @p0 $0x0;
	s19 =	sshrl.u32 @!p0 s19, $0x3  }
0x9e: {  	[sflag:s21] =	ssyncadd.s32 @p0 $0xFFFFC000;
	s21 =	simm.s32 @!p0 $0x0;
	s20 =	sadd.s32 @!p0 s4, s19  }
0x9f: {  	[tilespmem:s21], [sflag:$0x1] =	stream.linear.gather @!p0 [hbm4b:s20+s21], $0x80, $0x38;
	[tilespmem:$0x1FF00] =	vst v63  }
0xa0: {  	s19 =	sadd.s32 @!p0 s5, s19;
	s20 =	simm.s32 @!p0 $0x180  }
0xa1: {  	[tilespmem:s20], [sflag:$0x1] =	stream.linear.gather @!p0 [hbm4b:s19+s21], $0x80, $0x38;
	[tilespmem:$0x1FF00] =	vst v63  }
0xa2: {  	s19 =	simm.s32 @!p0 $0x1  }
0xa3: {  	_ =	swait.ge @!p0 [sflag:s19], $0x80  }
0xa4: {  	[sflag:s19] =	ssyncset.done @!p0 $0x0  }
0xa5: {  	[sflag:s19] =	ssyncadd.s32 @!p0 $0xFFFFFF80  }
0xa6: {  	_ =	swait.ge @!p0 [sflag:s19], $0x80  }
0xa7: {  	[sflag:s19] =	ssyncset.done @!p0 $0x0  }
0xa8: {  	s20 =	simm.s32 @!p0 $0x300;
	[sflag:s19] =	ssyncadd.s32 @!p0 $0xFFFFFF80;
	s19 =	simm.s32 @!p0 $0x80  }
0xa9: {  	[tilespmem:s20], [sflag:$0x4] =	stream.indirect.gather @!p0 [hbm4b:s6+s19], $0x80, s21, s19, $0xb8;
	[tilespmem:$0x1FF00] =	vst v63  }
0xaa: {  	s22 =	simm.s32 @!p0 $0x4300;
	s20 =	simm.s32 @!p0 $0x5  }
0xab: {  	s23 =	sadd.s32 @!p0 $0xFFFFFF80, s18;
	s8 =	simm.s32 @!p0 $0x7;
	_ =	swait.ge @!p0 [sflag:s20], $0x4000  }
0xac: {  	s24 =	sand.u32 @!p0 $0xFC00, s23;
	s23 =	sand.u32 @!p0 $0x380, s23;
	[sflag:s20] =	ssyncset.done @!p0 $0x0  }
0xad: {  	s24 =	sadd.s32 @!p0 s9, s24;
	[sflag:s20] =	ssyncadd.s32 @!p0 $0xFFFFC000;
	s20 =	simm.s32 @!p0 $0x200  }
0xae: {  	[spmem:s2] =	stream.indirect.scatter.add.f32 @!p0 [tilespmem:s22], [sflag:$0x7], $0x80, s20, s19, $0xb8;
	[tilespmem:$0x1FF00] =	vst v63  }
0xaf: {  	s23 =	sor.u32 @!p0 s23, s24;
	_ =	swait.ge @!p0 [sflag:s8], $0x4000  }
0xb0: {  	s23 =	sshrl.u32 @!p0 s23, $0x3;
	[sflag:s8] =	ssyncset.done @!p0 $0x0  }
0xb1: {  	[sflag:s8] =	ssyncadd.s32 @!p0 $0xFFFFC000;
	s8 =	sadd.s32 @!p0 s4, s23  }
0xb2: {  	[tilespmem:s19], [sflag:$0x2] =	stream.linear.gather @!p0 [hbm4b:s8+s21], $0x80, $0x38;
	[tilespmem:$0x1FF00] =	vst v63  }
0xb3: {  	s8 =	sadd.s32 @!p0 s5, s23  }
0xb4: {  	[tilespmem:s20], [sflag:$0x2] =	stream.linear.gather @!p0 [hbm4b:s8+s21], $0x80, $0x38;
	[tilespmem:$0x1FF00] =	vst v63  }
0xb5: {  	s8 =	simm.s32 @!p0 $0x2  }
0xb6: {  	_ =	swait.ge @!p0 [sflag:s8], $0x80  }
0xb7: {  	[sflag:s8] =	ssyncset.done @!p0 $0x0  }
0xb8: {  	[sflag:s8] =	ssyncadd.s32 @!p0 $0xFFFFFF80  }
0xb9: {  	_ =	swait.ge @!p0 [sflag:s8], $0x80  }
0xba: {  	[sflag:s8] =	ssyncset.done @!p0 $0x0  }
0xbb: {  	[sflag:s8] =	ssyncadd.s32 @!p0 $0xFFFFFF80  }
0xbc: {  	[tilespmem:s22], [sflag:$0x5] =	stream.indirect.gather @!p0 [hbm4b:s6+s19], $0x80, s19, s19, $0xb8;
	[tilespmem:$0x1FF00] =	vst v63  }
0xbd: {  	_ =	swait.ge [sflag:s15], $0x4000  }
0xbe: {  	[sflag:s15] =	ssyncset.done $0x0  }
.Ltmp3:
0xbf: {  	[sflag:s15] =	ssyncadd.s32 $0xFFFFC000;
	(pc) =	sbr.rel @p0 .LBB2_6-.Ltmp3, $4  }
0xc0: {  	[spmem:s2] =	stream.indirect.scatter.add.f32 [tilespmem:s13], [sflag:$0x7], $0x80, s16, s29, $0xb8;
	[tilespmem:$0x1FF00] =	vst v63  }
0xc1: {  	_ =	swait.ge [sflag:s26], $0x4000  }
0xc2: {  	[sflag:s26] =	ssyncset.done $0x0  }
0xc3: {  	[sflag:s26] =	ssyncadd.s32 $0xFFFFC000  }
0xc4: {  	s8 =	sand.u32 $0xFC00, s18  }
0xc5: {  	s19 =	sand.u32 $0x380, s18;
	s8 =	sadd.s32 s9, s8  }
0xc6: {  	s8 =	sor.u32 s19, s8  }
.Ltmp4:
0xc7: {  	s8 =	sshrl.u32 s8, $0x3;
	(pc) =	sbr.rel .LBB2_4-.Ltmp4, $4  }
0xc8: {  	s24 =	sadd.s32 s4, s8  }
0xc9: {  	[tilespmem:s31], [sflag:$0x3] =	stream.linear.gather [hbm4b:s24+s3], $0x80, $0x38;
	[tilespmem:$0x1FF00] =	vst v63  }
0xca: {  	s18 =	sadd.s32 $0x180, s18;
	s8 =	sadd.s32 s5, s8  }
0xcb: {  	[tilespmem:s16], [sflag:$0x3] =	stream.linear.gather [hbm4b:s8+s3], $0x80, $0x38;
	[tilespmem:$0x1FF00] =	vst v63  }
.LBB2_7:
0xcc: {  	_ =	sfence.sel $0x180000  }
0xcd: {  	[bflag:$0x0] =	sbarrier.arrive $0xFFFF  }
0xce: {  	_ =	strace $0x9000004D  }
0xcf: {  	s0 =	stileid.u32;
	[bflag:$0x2] =	sbarrier.arrive $0xFFFF  }
0xd0: {  	p0 =	sne.s32 s0, $0x0;
	s0 =	rddreg [dreg:$0x2]  }
0xd1: {  	s0 =	sadd.s32 @!p0 $0x100000, s0  }
0xd2: {  	[sflag:s0] =	ssyncadd.tile.s32 @!p0 $0x1;
	_ =	shalt  }
.Lfunc_end2:
_tile_overlayer_lowered:
.L_overlay_start_2:
0xd3: {  	(tag) =	ssettag $0x2  }
0xd4: {  	s0 =	rddreg [dreg:$0x0];
	s2 =	stileid.u32  }
0xd5: {  	s1 =	rddreg [dreg:$0x1];
	p0 =	sne.s32 s2, $0x0  }
0xd6: {  	s3 =	rddreg [dreg:$0x2];
	[bflag:$0x3] =	sbarrier.arrive $0xFFFF;
	s2 =	simm.s32 @!p0 $0x1C07  }
0xd7: {  	[timem:s3], [sflag:s2] =	dma.local @!p0 [hbm:s0], s1  }
0xd8: {  	s0 =	simm.s32 @!p0 $0x7  }
0xd9: {  	_ =	swait.ge @!p0 [sflag:s0], s1  }
0xda: {  	s1 =	ssub.s32 @!p0 $0x0, s1;
	[sflag:s0] =	ssyncset.done @!p0 $0x0  }
0xdb: {  	[sflag:s0] =	ssyncadd.s32 @!p0 s1  }
0xdc: {  	[bflag:$0x3] =	sbarrier.arrive $0xFFFF  }
0xdd: {  	_ =	shalt  }

// kernel: kernel.9.cloned.1.call-start
scs
__scs_entry_jumppad:
0x0: {  	(pc) =	sbr.rel $0x88, $3  }
0x1: {  	(tag) =	ssettag $0x0;
	lr =	simm.s32 $0x1  }
0x2: {  	[smem:$0x3F92] =	sst lr;
	_ =	strace $0xD0000000  }
0x3: {  	_ = 	snop  }
0x4: {  	_ = 	snop  }
0x5: {  	_ = 	snop  }
0x6: {  	_ = 	snop  }
0x7: {  	_ = 	snop  }
__scs_overlays_trampoline_lowered:
0x8: {  	[smem:$0x3FA1] =	sst s0  }
0x9: {  	[smem:$0x3FA2] =	sst s1  }
0xa: {  	[smem:$0x3FA3] =	sst s2  }
0xb: {  	[smem:$0x3FA4] =	sst s3  }
0xc: {  	[smem:$0x3FA5] =	sst s4  }
0xd: {  	[smem:$0x3FA6] =	sst s5  }
0xe: {  	[smem:$0x3FA7] =	sst s6  }
0xf: {  	[smem:$0x3FA8] =	sst s7  }
0x10: {  	[smem:$0x3FA9] =	sst s8  }
0x11: {  	[smem:$0x3FAA] =	sst s9;
	s0 =	simm.s32 @!p0 $0x0  }
0x12: {  	s1 =	sld [smem:$0x3F90];
	s0 =	simm.s32 @p0 $0x1  }
0x13: {  	[smem:$0x3FAB] =	sst s0;
	s0 =	simm.s32 @!p1 $0x0  }
0x14: {  	s2 =	sld [smem:$0x3F8F];
	s0 =	simm.s32 @p1 $0x1  }
0x15: {  	[smem:$0x3FAC] =	sst s0;
	s0 =	simm.s32 @!p2 $0x0  }
0x16: {  	s3 =	sld [smem:$0x3FDB];
	s0 =	simm.s32 @p2 $0x1  }
0x17: {  	s4 =	simm.s32 $0x1BF5;
	[smem:$0x3FAE] =	sst s0  }
0x18: {  	s0 =	sld [smem:$0x3F91];
	_ =	swait.ge [sflag:s4], $0x0  }
0x19: {  	s7 =	sld [smem:$0x3F92]  }
0x1a: {  	s8 =	sadd.s32 $0xFFFFE003, lr  }
0x1b: {  	s9 =	sadd.s32 $0xFFFFFEF7, lr;
	s5 =	simm.s32 $0xFFFFFFFF;
	p2 =	slt.u32 s8, $0xFFFFF086  }
0x1c: {  	p1 =	slt.u32 s9, $0xF7A;
	s5 =	simm.s32 @!p2 $0x0  }
0x1d: {  	s5 =	simm.s32 @p1 $0x1;
	p0 =	seq.s32 s7, s2  }
0x1e: {  	s7 =	smul.u32 @!p0 $0xF7A, s2;
	p2 =	seq.s32 @!p0 s5, $0x0  }
0x1f: {  	s9 =	smul.u32 $0xF7A, s1;
	s8 =	simm.s32 @!p0 $0x1BF5;
	p2 =	por !p2, p0  }
0x20: {  	[sflag:s8] =	ssyncset.s32 @!p0 $0xFFFFF086;
	s6 =	sadd.s32 @!p0 s3, s7;
	s7 =	simm.s32 @!p0 $0x108  }
0x21: {  	s3 =	sadd.s32 s3, s9;
	s6 =	sadd.s32 @!p0 $0x88, s6;
	s7 =	simm.s32 @p2 $0x1082  }
0x22: {  	[simem:s7], [sflag:s8] =	dma.local @!p0 [hbm:s6], $0xF7A  }
0x23: {  	s9 =	sor.u32 $0xD0000000, s2;
	s6 =	simm.s32 $0x108;
	_ =	swait.ge @!p0 [sflag:s8], $0x0  }
0x24: {  	s3 =	sadd.s32 $0x88, s3;
	s6 =	simm.s32 @!p1 $0x1082;
	[sflag:s4] =	ssyncset.s32 $0xFFFFF086  }
0x25: {  	[simem:s6], [sflag:s4] =	dma.local [hbm:s3], $0xF7A  }
0x26: {  	[smem:$0x3F92] =	sst s1;
	(tag) =	ssettag s2;
	_ =	strace s9  }
0x27: {  	s1 =	sld [smem:$0x3FA2]  }
0x28: {  	s2 =	sld [smem:$0x3FA3]  }
0x29: {  	s4 =	sld [smem:$0x3FA5]  }
0x2a: {  	p0 =	seq.s32 s5, $0x0;
	s5 =	sld [smem:$0x3FA6]  }
0x2b: {  	s6 =	sld [smem:$0x3FA7]  }
0x2c: {  	s7 =	sld [smem:$0x3FA8]  }
0x2d: {  	s3 =	simm.s32 $0x108;
	s8 =	sld [smem:$0x3FA9]  }
0x2e: {  	s3 =	simm.s32 @!p0 $0x1082;
	s9 =	sld [smem:$0x3FAA]  }
0x2f: {  	lr =	sadd.s32 s0, s3;
	s0 =	sld [smem:$0x3FA1]  }
0x30: {  	s3 =	sld [smem:$0x3FA4]  }
0x31: {  	[smem:$0x3FAD] =	sst s10  }
0x32: {  	s10 =	sld [smem:$0x3FAB];
	_ =	sdelay $0x3  }
0x33: {  	p0 =	seq.s32 s10, $0x1;
	s10 =	sld [smem:$0x3FAD];
	_ =	sdelay $0x3  }
0x34: {  	[smem:$0x3FAD] =	sst s10  }
0x35: {  	s10 =	sld [smem:$0x3FAC];
	_ =	sdelay $0x3  }
0x36: {  	p1 =	seq.s32 s10, $0x1;
	s10 =	sld [smem:$0x3FAD];
	_ =	sdelay $0x3  }
0x37: {  	[smem:$0x3FAD] =	sst s10  }
0x38: {  	s10 =	sld [smem:$0x3FAE]  }
0x39: {  	_ = 	snop;
	(pc) =	sbr.ind lr, $3  }
0x3a: {  	_ = 	snop  }
0x3b: {  	_ = 	snop  }
0x3c: {  	p2 =	seq.s32 s10, $0x1;
	s10 =	sld [smem:$0x3FAD]  }
0x3d: {  	_ =	shalt  }
0x3e: {  	_ =	shalt  }
0x3f: {  	_ =	shalt  }
0x40: {  	_ =	shalt  }
0x41: {  	_ =	shalt  }
0x42: {  	_ =	shalt  }
0x43: {  	_ =	shalt  }
0x44: {  	_ =	shalt  }
0x45: {  	_ =	shalt  }
0x46: {  	_ =	shalt  }
0x47: {  	_ =	shalt  }
0x48: {  	_ =	shalt  }
0x49: {  	_ =	shalt  }
0x4a: {  	_ =	shalt  }
0x4b: {  	_ =	shalt  }
0x4c: {  	_ =	shalt  }
0x4d: {  	_ =	shalt  }
0x4e: {  	_ =	shalt  }
0x4f: {  	_ =	shalt  }
0x50: {  	_ =	shalt  }
0x51: {  	_ =	shalt  }
0x52: {  	_ =	shalt  }
0x53: {  	_ =	shalt  }
0x54: {  	_ =	shalt  }
0x55: {  	_ =	shalt  }
0x56: {  	_ =	shalt  }
0x57: {  	_ =	shalt  }
0x58: {  	_ =	shalt  }
0x59: {  	_ =	shalt  }
0x5a: {  	_ =	shalt  }
0x5b: {  	_ =	shalt  }
0x5c: {  	_ =	shalt  }
0x5d: {  	_ =	shalt  }
0x5e: {  	_ =	shalt  }
0x5f: {  	_ =	shalt  }
0x60: {  	_ =	shalt  }
0x61: {  	_ =	shalt  }
0x62: {  	_ =	shalt  }
0x63: {  	_ =	shalt  }
0x64: {  	_ =	shalt  }
0x65: {  	_ =	shalt  }
0x66: {  	_ =	shalt  }
0x67: {  	_ =	shalt  }
0x68: {  	_ =	shalt  }
0x69: {  	_ =	shalt  }
0x6a: {  	_ =	shalt  }
0x6b: {  	_ =	shalt  }
0x6c: {  	_ =	shalt  }
0x6d: {  	_ =	shalt  }
0x6e: {  	_ =	shalt  }
0x6f: {  	_ =	shalt  }
0x70: {  	_ =	shalt  }
0x71: {  	_ =	shalt  }
0x72: {  	_ =	shalt  }
0x73: {  	_ =	shalt  }
0x74: {  	_ =	shalt  }
0x75: {  	_ =	shalt  }
0x76: {  	_ =	shalt  }
0x77: {  	_ =	shalt  }
0x78: {  	_ =	shalt  }
0x79: {  	_ =	shalt  }
0x7a: {  	_ =	shalt  }
0x7b: {  	_ =	shalt  }
0x7c: {  	_ =	shalt  }
0x7d: {  	_ =	shalt  }
0x7e: {  	_ =	shalt  }
0x7f: {  	_ =	shalt  }
0x80: {  	_ =	shalt  }
0x81: {  	_ =	shalt  }
0x82: {  	_ =	shalt  }
0x83: {  	_ =	shalt  }
0x84: {  	_ =	shalt  }
0x85: {  	_ =	shalt  }
0x86: {  	_ =	shalt  }
0x87: {  	_ =	shalt  }
.Lfunc_end0:
.L_simem_size_0:
called_computation_lowered:
.L_overlay_start_0:
0x88: {  	s2 =	sld [smem:$0x3FD9]  }
0x89: {  	s3 =	sld [smem:$0x3FFE];
	_ =	sdelay $0x1  }
0x8a: {  	s1 =	srdreg.scid  }
0x8b: {  	s0 =	sand.u32 $0x1, s1  }
0x8c: {  	s17 =	sshll.u32 s0, $0xA;
	s2 =	sadd.s32 s3, s2  }
0x8d: {  	s2 =	sadd.s32 s2, s17  }
0x8e: {  	[smem:$0x3FB9] =	sst s2  }
0x8f: {  	_ = 	snop  }
0x90: {  	s2 =	sld [smem:$0x3FC9];
	(tm) =	ssettm $0x1  }
0x91: {  	s18 =	sld [smem:$0x3FFB];
	_ =	sdelay $0x3  }
0x92: {  	_ =	strace s18  }
0x93: {  	s3 =	sld [smem:$0x3FFC];
	_ =	sdelay $0x3  }
0x94: {  	_ =	strace s3  }
0x95: {  	s3 =	sld [smem:$0x3FFD];
	_ =	sdelay $0x3  }
0x96: {  	_ =	strace s3  }
0x97: {  	_ =	strace $0x8FFFFFFF  }
0x98: {  	s19 =	sld [smem:$0x3FDB];
	_ =	sdelay $0x1  }
0x99: {  	s4 =	simm.s32 $_scs_section_size  }
0x9a: {  	s5 =	simm.s32 $_size__tile_overlayer_lowered;
	s6 =	simm.s32 $_tile_overlayer_lowered  }
0x9b: {  	s22 =	simm.s32 $0x1BFF;
	s21 =	sshll.u32 s6, $0x1;
	s3 =	sadd.s32 s4, s19  }
0x9c: {  	s7 =	simm.s32 $0x0;
	s20 =	sshll.u32 s5, $0x1;
	s5 =	sadd.s32 s21, s3  }
0x9d: {  	[timem:s7], [sflag:s22] =	dma.local [hbm:s5], s20  }
0x9e: {  	_ =	swait.ge [sflag:s22], s20  }
0x9f: {  	s4 =	ssub.s32 $0x0, s20;
	[sflag:s22] =	ssyncset.done $0x0  }
0xa0: {  	[sflag:s22] =	ssyncadd.s32 s4;
	_ =	sdelay $0x1  }
0xa1: {  	s23 =	simm.s32 $0x1B8B  }
0xa2: {  	_ =	swait.ge [sflag:s23], $0x1  }
0xa3: {  	[sflag:s23] =	ssyncset.done $0x0  }
0xa4: {  	s25 =	simm.s32 $0x1B8E;
	s24 =	sld [smem:$0x3FFE];
	[sflag:s23] =	ssyncadd.s32 $0xFFFFFFFF  }
0xa5: {  	s26 =	simm.s32 $execute0_lowered;
	[smem:$0x3FD2] =	sst s25  }
0xa6: {  	s5 =	sshll.u32 s26, $0x1;
	_ =	strace $0x80000046;
	[dreg:$0x1] =	wrdreg $0xFFFFFFFF  }
0xa7: {  	s28 =	simm.s32 $_size_execute0_lowered;
	s3 =	sadd.s32 s3, s5;
	[dreg:$0x0] =	wrdreg $0x0  }
0xa8: {  	s5 =	sshll.u32 s28, $0x1;
	[dreg:$0x2] =	wrdreg s3  }
0xa9: {  	[dreg:$0x3] =	wrdreg s5  }
0xaa: {  	[dreg:$0x4] =	wrdreg $0xC0  }
0xab: {  	_ =	task [dreg:s7], $0x5FFFF  }
0xac: {  	[dreg:$0x1] =	wrdreg $0xFFFFFFFF  }
0xad: {  	[dreg:$0x0] =	wrdreg $0x60  }
0xae: {  	[dreg:$0x2] =	wrdreg s24  }
0xaf: {  	[dreg:$0x3] =	wrdreg s2  }
0xb0: {  	[dreg:$0x4] =	wrdreg $0xC3000  }
0xb1: {  	[dreg:$0x5] =	wrdreg $0x9  }
0xb2: {  	_ =	task.clear_ibuf [dreg:s7], $0x6FFFF;
	_ =	strace $0x90000046  }
0xb3: {  	s29 =	simm.s32 $0x9;
	_ =	strace $0x80000048  }
0xb4: {  	_ =	swait.ge [sflag:s29], $0x1  }
0xb5: {  	[sflag:s29] =	ssyncadd.s32 $0xFFFFFFFF  }
0xb6: {  	_ =	strace $0x90000048  }
0xb7: {  	_ =	sfence  }
0xb8: {  	s30 =	sld [smem:$0x0];
	_ =	sdelay $0x2  }
0xb9: {  	s31 =	sshll.u32 s1, $0xD;
	s1 =	sshrl.u32 s1, $0x2  }
0xba: {  	s3 =	sand.u32 $0x4000, s31;
	s1 =	sadd.s32 s1, s30  }
0xbb: {  	s0 =	sor.u32 s3, s0;
	s1 =	sshll.u32 s1, $0x11  }
0xbc: {  	s0 =	sor.u32 s1, s0  }
0xbd: {  	s0 =	sadd.s32 $0x8F2B, s0  }
0xbe: {  	[sflag:s0] =	ssyncadd.remote.s32 $0x1  }
0xbf: {  	_ =	sfence.sel $0xFFFF  }
0xc0: {  	[dreg:$0x0] =	wrdreg $0xFFFFFFFF;
	(pc) =	sbr.abs _section_cstart, $3  }
0xc1: {  	[dreg:$0x1] =	wrdreg $0xFFFFFFFF  }
0xc2: {  	_ =	task.clear_ibuf [dreg:s7], $0x2FFFF;
	_ =	strace $0x9FFFFFFF  }
0xc3: {  	(tm) =	ssettm $0x7FFFFFFF  }
tec
execute0_lowered:
.L_overlay_start_1:
0x0: {  	(tag) =	ssettag $0x1  }
0x1: {  	s0 =	rddreg [dreg:$0x0]  }
0x2: {  	s2 =	rddreg [dreg:$0x1]  }
0x3: {  	s3 =	rddreg [dreg:$0x2]  }
0x4: {  	s1 =	srdreg.scid;
	s10 =	stileid.u32  }
0x5: {  	s4 =	simm.s32 $0x0;
	s28 =	simm.s32 $0x180;
	s6 =	smul.u32 $0x278, s10  }
0x6: {  	s29 =	simm.s32 $0x80;
	s31 =	simm.s32 $0x100;
	s8 =	smul.u32 $0x4F000, s10  }
0x7: {  	s30 =	simm.s32 $0x3;
	s1 =	sand.u32 $0x1, s1;
	s10 =	smul.u32 $0x2C00, s10  }
0x8: {  	[smem:$0x7FF] =	sst s4;
	s5 =	sadd.s32 $0x3A00, s0;
	s7 =	smul.u32 $0x2780, s1  }
0x9: {  	_ =	strace $0x80000047;
	s9 =	smul.u32 $0x2C000, s1;
	s1 =	ssub.s32 $0x2, s1  }
0xa: {  	s8 =	sshrl.u32 s8, $0x2;
	s11 =	sshrl.u32 s1, $0x1;
	s7 =	sadd.s32 s6, s7  }
0xb: {  	s6 =	sadd.s32 $0xEA00, s0;
	s23 =	sadd.s32 s8, s3;
	s1 =	ssub.s32 s1, s11  }
0xc: {  	s9 =	sadd.s32 s10, s9;
	s7 =	sshll.u32 s7, $0x4;
	s26 =	smax.u32 s1, $0x1  }
0xd: {  	s13 =	sshrl.u32 s9, $0x3;
	s22 =	sadd.s32 $0x10000, s23;
	[dreg:$0x10] =	wrdreg s26  }
0xe: {  	s8 =	sadd.s32 $0x4000, s23;
	s10 =	sadd.s32 s5, s13;
	[dreg:$0x4] =	wrdreg s22  }
0xf: {  	s14 =	sor.u32 $0x10, s13;
	s11 =	sadd.s32 s6, s13;
	[dreg:$0x5] =	wrdreg s10  }
0x10: {  	s20 =	sadd.s32 $0x8000, s23;
	[dreg:$0x6] =	wrdreg s11;
	s12 =	sadd.s32 s5, s14  }
0x11: {  	s13 =	sor.u32 $0x20, s13;
	s15 =	sadd.s32 s6, s14;
	[dreg:$0x7] =	wrdreg s12  }
0x12: {  	s21 =	sadd.s32 $0xC000, s23;
	s16 =	sadd.s32 s5, s13;
	[dreg:$0x8] =	wrdreg s15  }
0x13: {  	s0 =	sadd.s32 s7, s0;
	s17 =	sadd.s32 s6, s13;
	[dreg:$0x9] =	wrdreg s16  }
0x14: {  	s1 =	simm.s32 $0x2;
	s18 =	sadd.s32 $0x19A00, s0;
	[dreg:$0xa] =	wrdreg s17  }
0x15: {  	s26 =	simm.s32 $0x7;
	s19 =	sadd.s32 $0x1A200, s0;
	[dreg:$0xb] =	wrdreg s18  }
.Ltmp0:
0x16: {  	s24 =	sadd.s32 $0x1AA00, s0;
	[dreg:$0xc] =	wrdreg s19;
	(pc) =	sbr.rel .LBB2_1-.Ltmp0, $4  }
0x17: {  	s25 =	sadd.s32 $0x1B200, s0;
	s0 =	sadd.s32 $0x1BA00, s0;
	[dreg:$0xd] =	wrdreg s24  }
0x18: {  	s13 =	simm.s32 $0x8300;
	s14 =	simm.s32 $0x4;
	[dreg:$0xe] =	wrdreg s25  }
0x19: {  	[dreg:$0xf] =	wrdreg s0;
	s25 =	simm.s32 $0x300;
	s0 =	simm.s32 $0x1  }
0x1a: {  	v0 =	vimm.f32 $0.0e+00;
	s15 =	simm.s32 $0x6;
	s16 =	simm.s32 $0x280;
	s17 =	simm.s32 $0x0  }
.LBB2_6:
0x1b: {  	[bflag:$0x0] =	sbarrier.arrive $0xFFFF  }
0x1c: {  	[tilespmem:s25], [sflag:$0x7] =	stream.linear.gather [spmem:s7], $0x4000, $0x38;
	[tilespmem:$0x1FF00] =	vst v63  }
0x1d: {  	_ =	swait.ge [sflag:s26], $0x4000  }
0x1e: {  	[sflag:s26] =	ssyncset.done $0x0  }
0x1f: {  	s8 =	rddreg [dreg:$0xb];
	[sflag:s26] =	ssyncadd.s32 $0xFFFFC000  }
0x20: {  	[hbm4b:s8+s4] =	stream.linear.scatter [tilespmem:s25], [sflag:$0x7], $0x4000, $0x38;
	[tilespmem:$0x1FF00] =	vst v63  }
0x21: {  	_ =	swait.ge [sflag:s26], $0x4000  }
0x22: {  	[sflag:s26] =	ssyncset.done $0x0  }
0x23: {  	[sflag:s26] =	ssyncadd.s32 $0xFFFFC000  }
0x24: {  	[tilespmem:s25], [sflag:$0x7] =	stream.linear.gather [spmem:s10], $0x4000, $0x38;
	[tilespmem:$0x1FF00] =	vst v63  }
0x25: {  	_ =	swait.ge [sflag:s26], $0x4000  }
0x26: {  	[sflag:s26] =	ssyncset.done $0x0  }
0x27: {  	s8 =	smov.u32 s10;
	s10 =	rddreg [dreg:$0xc];
	[sflag:s26] =	ssyncadd.s32 $0xFFFFC000  }
0x28: {  	[hbm4b:s10+s4] =	stream.linear.scatter [tilespmem:s25], [sflag:$0x7], $0x4000, $0x38;
	[tilespmem:$0x1FF00] =	vst v63  }
0x29: {  	_ =	swait.ge [sflag:s26], $0x4000  }
0x2a: {  	[sflag:s26] =	ssyncset.done $0x0  }
0x2b: {  	[sflag:s26] =	ssyncadd.s32 $0xFFFFC000  }
0x2c: {  	[tilespmem:s25], [sflag:$0x7] =	stream.linear.gather [spmem:s11], $0x4000, $0x38;
	[tilespmem:$0x1FF00] =	vst v63  }
0x2d: {  	_ =	swait.ge [sflag:s26], $0x4000  }
0x2e: {  	[sflag:s26] =	ssyncset.done $0x0  }
0x2f: {  	s20 =	smov.u32 s11;
	s11 =	rddreg [dreg:$0xd];
	[sflag:s26] =	ssyncadd.s32 $0xFFFFC000  }
0x30: {  	[hbm4b:s11+s4] =	stream.linear.scatter [tilespmem:s25], [sflag:$0x7], $0x4000, $0x38;
	[tilespmem:$0x1FF00] =	vst v63  }
0x31: {  	_ =	swait.ge [sflag:s26], $0x4000  }
0x32: {  	[sflag:s26] =	ssyncset.done $0x0  }
0x33: {  	[sflag:s26] =	ssyncadd.s32 $0xFFFFC000  }
0x34: {  	[tilespmem:s25], [sflag:$0x7] =	stream.linear.gather [spmem:s12], $0x4000, $0x38;
	[tilespmem:$0x1FF00] =	vst v63  }
0x35: {  	_ =	swait.ge [sflag:s26], $0x4000  }
0x36: {  	[sflag:s26] =	ssyncset.done $0x0  }
0x37: {  	s18 =	rddreg [dreg:$0xe];
	[sflag:s26] =	ssyncadd.s32 $0xFFFFC000  }
0x38: {  	[hbm4b:s18+s4] =	stream.linear.scatter [tilespmem:s25], [sflag:$0x7], $0x4000, $0x38;
	[tilespmem:$0x1FF00] =	vst v63  }
0x39: {  	_ =	swait.ge [sflag:s26], $0x4000  }
0x3a: {  	[sflag:s26] =	ssyncset.done $0x0  }
0x3b: {  	s22 =	rddreg [dreg:$0x4];
	[sflag:s26] =	ssyncadd.s32 $0xFFFFC000  }
0x3c: {  	[tilespmem:s25], [sflag:$0x7] =	stream.linear.gather [spmem:s22], $0x3C00, $0x38;
	[tilespmem:$0x1FF00] =	vst v63  }
0x3d: {  	_ =	swait.ge [sflag:s26], $0x3C00  }
0x3e: {  	[sflag:s26] =	ssyncset.done $0x0  }
0x3f: {  	s19 =	rddreg [dreg:$0xf];
	[sflag:s26] =	ssyncadd.s32 $0xFFFFC400  }
0x40: {  	[hbm4b:s19+s4] =	stream.linear.scatter [tilespmem:s25], [sflag:$0x7], $0x3C00, $0x38;
	[tilespmem:$0x1FF00] =	vst v63  }
0x41: {  	_ =	swait.ge [sflag:s26], $0x3C00  }
0x42: {  	s17 =	sadd.s32 $0x1, s17;
	s24 =	rddreg [dreg:$0x10]  }
0x43: {  	p0 =	sne.s32 s17, s24  }
.Ltmp1:
0x44: {  	_ = 	snop;
	(pc) =	sbr.rel @!p0 .LBB2_7-.Ltmp1, $3  }
0x45: {  	_ =	sdelay $0x1  }
0x46: {  	[sflag:s26] =	ssyncset.done $0x0  }
0x47: {  	s23 =	smov.u32 s7;
	s21 =	smov.u32 s12;
	[sflag:s26] =	ssyncadd.s32 $0xFFFFC400  }
.LBB2_1:
0x48: {  	s18 =	simm.s32 $0x0;
	s19 =	simm.s32 $0x200  }
.LBB2_2:
0x49: {  	p0 =	sne.s32 s19, $0xFE00;
	[tilespmem:s18+$0x370] =	vst v0  }
0x4a: {  	[tilespmem:s18+$0x300] =	vst v0  }
0x4b: {  	[tilespmem:s18+$0x310] =	vst v0  }
.Ltmp2:
0x4c: {  	[tilespmem:s18+$0x320] =	vst v0;
	(pc) =	sbr.rel @p0 .LBB2_2-.Ltmp2, $4  }
0x4d: {  	[tilespmem:s18+$0x330] =	vst v0  }
0x4e: {  	[tilespmem:s18+$0x340] =	vst v0  }
0x4f: {  	[tilespmem:s18+$0x350] =	vst v0  }
0x50: {  	[tilespmem:s18+$0x360] =	vst v0;
	s18 =	sshra.s32 s19, $0x2;
	s19 =	sadd.s32 $0x200, s19  }
0x51: {  	[tilespmem:s18+$0x370] =	vst v0  }
0x52: {  	[tilespmem:s18+$0x300] =	vst v0  }
0x53: {  	[tilespmem:s18+$0x310] =	vst v0  }
0x54: {  	[tilespmem:s18+$0x320] =	vst v0  }
0x55: {  	[tilespmem:s18+$0x330] =	vst v0  }
0x56: {  	[tilespmem:s18+$0x340] =	vst v0  }
0x57: {  	[tilespmem:s18+$0x350] =	vst v0  }
0x58: {  	[tilespmem:s18+$0x360] =	vst v0  }
0x59: {  	[spmem:s23] =	stream.linear.scatter [tilespmem:s25], [sflag:$0x7], $0x4000, $0x38;
	[tilespmem:$0x1FF00] =	vst v63  }
0x5a: {  	_ =	swait.ge [sflag:s26], $0x4000  }
0x5b: {  	[sflag:s26] =	ssyncset.done $0x0  }
0x5c: {  	[sflag:s26] =	ssyncadd.s32 $0xFFFFC000  }
0x5d: {  	[spmem:s8] =	stream.linear.scatter [tilespmem:s25], [sflag:$0x7], $0x4000, $0x38;
	[tilespmem:$0x1FF00] =	vst v63  }
0x5e: {  	_ =	swait.ge [sflag:s26], $0x4000  }
0x5f: {  	[sflag:s26] =	ssyncset.done $0x0  }
0x60: {  	[sflag:s26] =	ssyncadd.s32 $0xFFFFC000  }
0x61: {  	[spmem:s20] =	stream.linear.scatter [tilespmem:s25], [sflag:$0x7], $0x4000, $0x38;
	[tilespmem:$0x1FF00] =	vst v63  }
0x62: {  	_ =	swait.ge [sflag:s26], $0x4000  }
0x63: {  	[sflag:s26] =	ssyncset.done $0x0  }
0x64: {  	[sflag:s26] =	ssyncadd.s32 $0xFFFFC000  }
0x65: {  	[spmem:s21] =	stream.linear.scatter [tilespmem:s25], [sflag:$0x7], $0x4000, $0x38;
	[tilespmem:$0x1FF00] =	vst v63  }
0x66: {  	_ =	swait.ge [sflag:s26], $0x4000  }
0x67: {  	[sflag:s26] =	ssyncset.done $0x0  }
0x68: {  	[sflag:s26] =	ssyncadd.s32 $0xFFFFC000  }
0x69: {  	[spmem:s22] =	stream.linear.scatter [tilespmem:s25], [sflag:$0x7], $0x3C00, $0x38;
	[tilespmem:$0x1FF00] =	vst v63  }
0x6a: {  	_ =	swait.ge [sflag:s26], $0x3C00  }
0x6b: {  	[sflag:s26] =	ssyncset.done $0x0  }
0x6c: {  	[sflag:s26] =	ssyncadd.s32 $0xFFFFC400  }
0x6d: {  	[bflag:$0x0] =	sbarrier.arrive $0xFFFF  }
0x6e: {  	s24 =	rddreg [dreg:$0x5]  }
0x6f: {  	[tilespmem:s4], [sflag:$0x1] =	stream.linear.gather [hbm4b:s24+s4], $0x80, $0x38;
	[tilespmem:$0x1FF00] =	vst v63  }
0x70: {  	s18 =	rddreg [dreg:$0x6]  }
0x71: {  	[tilespmem:s28], [sflag:$0x1] =	stream.linear.gather [hbm4b:s18+s4], $0x80, $0x38;
	[tilespmem:$0x1FF00] =	vst v63  }
0x72: {  	s11 =	smov.u32 s20;
	s19 =	rddreg [dreg:$0x7]  }
0x73: {  	[tilespmem:s29], [sflag:$0x2] =	stream.linear.gather [hbm4b:s19+s4], $0x80, $0x38;
	[tilespmem:$0x1FF00] =	vst v63  }
0x74: {  	s12 =	smov.u32 s21;
	s21 =	simm.s32 $0x200;
	s20 =	rddreg [dreg:$0x8]  }
0x75: {  	[tilespmem:s21], [sflag:$0x2] =	stream.linear.gather [hbm4b:s20+s4], $0x80, $0x38;
	[tilespmem:$0x1FF00] =	vst v63  }
0x76: {  	s22 =	rddreg [dreg:$0x9]  }
0x77: {  	[tilespmem:s31], [sflag:$0x3] =	stream.linear.gather [hbm4b:s22+s4], $0x80, $0x38;
	[tilespmem:$0x1FF00] =	vst v63  }
0x78: {  	s7 =	smov.u32 s23;
	s23 =	rddreg [dreg:$0xa];
	s18 =	simm.s32 $0x280  }
0x79: {  	[tilespmem:s18], [sflag:$0x3] =	stream.linear.gather [hbm4b:s23+s4], $0x80, $0x38;
	[tilespmem:$0x1FF00] =	vst v63  }
0x7a: {  	_ =	swait.ge [sflag:s0], $0x80  }
0x7b: {  	[sflag:s0] =	ssyncset.done $0x0  }
0x7c: {  	[sflag:s0] =	ssyncadd.s32 $0xFFFFFF80  }
0x7d: {  	_ =	swait.ge [sflag:s0], $0x80  }
0x7e: {  	[sflag:s0] =	ssyncset.done $0x0  }
0x7f: {  	[sflag:s0] =	ssyncadd.s32 $0xFFFFFF80  }
0x80: {  	[tilespmem:s25], [sflag:$0x4] =	stream.indirect.gather [hbm4b:s2+s29], $0x80, s4, s29, $0xb8;
	[tilespmem:$0x1FF00] =	vst v63  }
0x81: {  	_ =	swait.ge [sflag:s1], $0x80  }
0x82: {  	[sflag:s1] =	ssyncset.done $0x0  }
0x83: {  	[sflag:s1] =	ssyncadd.s32 $0xFFFFFF80  }
0x84: {  	_ =	swait.ge [sflag:s1], $0x80  }
0x85: {  	[sflag:s1] =	ssyncset.done $0x0  }
0x86: {  	s10 =	smov.u32 s8;
	s24 =	simm.s32 $0x4300;
	[sflag:s1] =	ssyncadd.s32 $0xFFFFFF80  }
0x87: {  	[tilespmem:s24], [sflag:$0x5] =	stream.indirect.gather [hbm4b:s2+s29], $0x80, s29, s29, $0xb8;
	[tilespmem:$0x1FF00] =	vst v63  }
.LBB2_4:
0x88: {  	_ =	swait.ge [sflag:s30], $0x80  }
0x89: {  	[sflag:s30] =	ssyncset.done $0x0  }
0x8a: {  	[sflag:s30] =	ssyncadd.s32 $0xFFFFFF80  }
0x8b: {  	_ =	swait.ge [sflag:s30], $0x80  }
0x8c: {  	[sflag:s30] =	ssyncset.done $0x0  }
0x8d: {  	[sflag:s30] =	ssyncadd.s32 $0xFFFFFF80  }
0x8e: {  	[tilespmem:s13], [sflag:$0x6] =	stream.indirect.gather [hbm4b:s2+s29], $0x80, s31, s29, $0xb8;
	[tilespmem:$0x1FF00] =	vst v63  }
0x8f: {  	_ =	swait.ge [sflag:s14], $0x4000  }
0x90: {  	[sflag:s14] =	ssyncset.done $0x0  }
0x91: {  	[sflag:s14] =	ssyncadd.s32 $0xFFFFC000  }
0x92: {  	[spmem:s3] =	stream.indirect.scatter.add.f32 [tilespmem:s25], [sflag:$0x7], $0x80, s28, s29, $0xb8;
	[tilespmem:$0x1FF00] =	vst v63  }
0x93: {  	_ =	swait.ge [sflag:s26], $0x4000  }
0x94: {  	p0 =	seq.s32 s18, $0x2980;
	[sflag:s26] =	ssyncset.done $0x0  }
0x95: {  	s19 =	simm.s32 @p0 $0x5;
	[sflag:s26] =	ssyncadd.s32 $0xFFFFC000  }
0x96: {  	_ =	swait.ge @p0 [sflag:s19], $0x4000  }
0x97: {  	s20 =	simm.s32 @p0 $0x200;
	[sflag:s19] =	ssyncset.done @p0 $0x0  }
0x98: {  	s21 =	simm.s32 @p0 $0x4300;
	[sflag:s19] =	ssyncadd.s32 @p0 $0xFFFFC000;
	s19 =	simm.s32 @p0 $0x80  }
0x99: {  	[spmem:s3] =	stream.indirect.scatter.add.f32 @p0 [tilespmem:s21], [sflag:$0x7], $0x80, s20, s19, $0xb8;
	[tilespmem:$0x1FF00] =	vst v63  }
0x9a: {  	s19 =	sadd.s32 @!p0 $0xFFFFFF00, s18  }
0x9b: {  	s20 =	sand.u32 @!p0 $0x7C00, s19  }
0x9c: {  	s21 =	simm.s32 @p0 $0x7;
	s19 =	sand.u32 @!p0 $0x380, s19;
	s20 =	sadd.s32 @!p0 s9, s20  }
0x9d: {  	_ =	swait.ge @p0 [sflag:s21], $0x4000;
	s19 =	sor.u32 @!p0 s19, s20  }
0x9e: {  	[sflag:s21] =	ssyncset.done @p0 $0x0;
	s19 =	sshrl.u32 @!p0 s19, $0x3  }
0x9f: {  	[sflag:s21] =	ssyncadd.s32 @p0 $0xFFFFC000;
	s21 =	simm.s32 @!p0 $0x0;
	s20 =	sadd.s32 @!p0 s5, s19  }
0xa0: {  	[tilespmem:s21], [sflag:$0x1] =	stream.linear.gather @!p0 [hbm4b:s20+s21], $0x80, $0x38;
	[tilespmem:$0x1FF00] =	vst v63  }
0xa1: {  	s19 =	sadd.s32 @!p0 s6, s19;
	s20 =	simm.s32 @!p0 $0x180  }
0xa2: {  	[tilespmem:s20], [sflag:$0x1] =	stream.linear.gather @!p0 [hbm4b:s19+s21], $0x80, $0x38;
	[tilespmem:$0x1FF00] =	vst v63  }
0xa3: {  	s19 =	simm.s32 @!p0 $0x1  }
0xa4: {  	_ =	swait.ge @!p0 [sflag:s19], $0x80  }
0xa5: {  	[sflag:s19] =	ssyncset.done @!p0 $0x0  }
0xa6: {  	[sflag:s19] =	ssyncadd.s32 @!p0 $0xFFFFFF80  }
0xa7: {  	_ =	swait.ge @!p0 [sflag:s19], $0x80  }
0xa8: {  	[sflag:s19] =	ssyncset.done @!p0 $0x0  }
0xa9: {  	s20 =	simm.s32 @!p0 $0x300;
	[sflag:s19] =	ssyncadd.s32 @!p0 $0xFFFFFF80;
	s19 =	simm.s32 @!p0 $0x80  }
0xaa: {  	[tilespmem:s20], [sflag:$0x4] =	stream.indirect.gather @!p0 [hbm4b:s2+s19], $0x80, s21, s19, $0xb8;
	[tilespmem:$0x1FF00] =	vst v63  }
0xab: {  	s22 =	simm.s32 @!p0 $0x4300;
	s20 =	simm.s32 @!p0 $0x5  }
0xac: {  	s23 =	sadd.s32 @!p0 $0xFFFFFF80, s18;
	s8 =	simm.s32 @!p0 $0x7;
	_ =	swait.ge @!p0 [sflag:s20], $0x4000  }
0xad: {  	s24 =	sand.u32 @!p0 $0x7C00, s23;
	s23 =	sand.u32 @!p0 $0x380, s23;
	[sflag:s20] =	ssyncset.done @!p0 $0x0  }
0xae: {  	s24 =	sadd.s32 @!p0 s9, s24;
	[sflag:s20] =	ssyncadd.s32 @!p0 $0xFFFFC000;
	s20 =	simm.s32 @!p0 $0x200  }
0xaf: {  	[spmem:s3] =	stream.indirect.scatter.add.f32 @!p0 [tilespmem:s22], [sflag:$0x7], $0x80, s20, s19, $0xb8;
	[tilespmem:$0x1FF00] =	vst v63  }
0xb0: {  	s23 =	sor.u32 @!p0 s23, s24;
	_ =	swait.ge @!p0 [sflag:s8], $0x4000  }
0xb1: {  	s23 =	sshrl.u32 @!p0 s23, $0x3;
	[sflag:s8] =	ssyncset.done @!p0 $0x0  }
0xb2: {  	[sflag:s8] =	ssyncadd.s32 @!p0 $0xFFFFC000;
	s8 =	sadd.s32 @!p0 s5, s23  }
0xb3: {  	[tilespmem:s19], [sflag:$0x2] =	stream.linear.gather @!p0 [hbm4b:s8+s21], $0x80, $0x38;
	[tilespmem:$0x1FF00] =	vst v63  }
0xb4: {  	s8 =	sadd.s32 @!p0 s6, s23  }
0xb5: {  	[tilespmem:s20], [sflag:$0x2] =	stream.linear.gather @!p0 [hbm4b:s8+s21], $0x80, $0x38;
	[tilespmem:$0x1FF00] =	vst v63  }
0xb6: {  	s8 =	simm.s32 @!p0 $0x2  }
0xb7: {  	_ =	swait.ge @!p0 [sflag:s8], $0x80  }
0xb8: {  	[sflag:s8] =	ssyncset.done @!p0 $0x0  }
0xb9: {  	[sflag:s8] =	ssyncadd.s32 @!p0 $0xFFFFFF80  }
0xba: {  	_ =	swait.ge @!p0 [sflag:s8], $0x80  }
0xbb: {  	[sflag:s8] =	ssyncset.done @!p0 $0x0  }
0xbc: {  	[sflag:s8] =	ssyncadd.s32 @!p0 $0xFFFFFF80  }
0xbd: {  	[tilespmem:s22], [sflag:$0x5] =	stream.indirect.gather @!p0 [hbm4b:s2+s19], $0x80, s19, s19, $0xb8;
	[tilespmem:$0x1FF00] =	vst v63  }
0xbe: {  	_ =	swait.ge [sflag:s15], $0x4000  }
0xbf: {  	[sflag:s15] =	ssyncset.done $0x0  }
.Ltmp3:
0xc0: {  	[sflag:s15] =	ssyncadd.s32 $0xFFFFC000;
	(pc) =	sbr.rel @p0 .LBB2_6-.Ltmp3, $4  }
0xc1: {  	[spmem:s3] =	stream.indirect.scatter.add.f32 [tilespmem:s13], [sflag:$0x7], $0x80, s16, s29, $0xb8;
	[tilespmem:$0x1FF00] =	vst v63  }
0xc2: {  	_ =	swait.ge [sflag:s26], $0x4000  }
0xc3: {  	[sflag:s26] =	ssyncset.done $0x0  }
0xc4: {  	[sflag:s26] =	ssyncadd.s32 $0xFFFFC000  }
0xc5: {  	s8 =	sand.u32 $0x7C00, s18  }
0xc6: {  	s19 =	sand.u32 $0x380, s18;
	s8 =	sadd.s32 s9, s8  }
0xc7: {  	s8 =	sor.u32 s19, s8  }
.Ltmp4:
0xc8: {  	s8 =	sshrl.u32 s8, $0x3;
	(pc) =	sbr.rel .LBB2_4-.Ltmp4, $4  }
0xc9: {  	s24 =	sadd.s32 s5, s8  }
0xca: {  	[tilespmem:s31], [sflag:$0x3] =	stream.linear.gather [hbm4b:s24+s4], $0x80, $0x38;
	[tilespmem:$0x1FF00] =	vst v63  }
0xcb: {  	s18 =	sadd.s32 $0x180, s18;
	s8 =	sadd.s32 s6, s8  }
0xcc: {  	[tilespmem:s16], [sflag:$0x3] =	stream.linear.gather [hbm4b:s8+s4], $0x80, $0x38;
	[tilespmem:$0x1FF00] =	vst v63  }
.LBB2_7:
0xcd: {  	_ =	sfence.sel $0x180000  }
0xce: {  	[bflag:$0x0] =	sbarrier.arrive $0xFFFF  }
0xcf: {  	_ =	strace $0x90000047  }
0xd0: {  	s0 =	stileid.u32;
	[bflag:$0x2] =	sbarrier.arrive $0xFFFF  }
0xd1: {  	p0 =	sne.s32 s0, $0x0;
	s0 =	rddreg [dreg:$0x3]  }
0xd2: {  	s0 =	sadd.s32 @!p0 $0x100000, s0  }
0xd3: {  	[sflag:s0] =	ssyncadd.tile.s32 @!p0 $0x1;
	_ =	shalt  }
.Lfunc_end2:
_tile_overlayer_lowered:
.L_overlay_start_2:
0xd4: {  	(tag) =	ssettag $0x2  }
0xd5: {  	s0 =	rddreg [dreg:$0x0];
	s2 =	stileid.u32  }
0xd6: {  	s1 =	rddreg [dreg:$0x1];
	p0 =	sne.s32 s2, $0x0  }
0xd7: {  	s3 =	rddreg [dreg:$0x2];
	[bflag:$0x3] =	sbarrier.arrive $0xFFFF;
	s2 =	simm.s32 @!p0 $0x1C07  }
0xd8: {  	[timem:s3], [sflag:s2] =	dma.local @!p0 [hbm:s0], s1  }
0xd9: {  	s0 =	simm.s32 @!p0 $0x7  }
0xda: {  	_ =	swait.ge @!p0 [sflag:s0], s1  }
0xdb: {  	s1 =	ssub.s32 @!p0 $0x0, s1;
	[sflag:s0] =	ssyncset.done @!p0 $0x0  }
0xdc: {  	[sflag:s0] =	ssyncadd.s32 @!p0 s1  }
0xdd: {  	[bflag:$0x3] =	sbarrier.arrive $0xFFFF  }
0xde: {  	_ =	shalt  }

</sc_bundles>
